<compile_context>
chip_gen: v7x
topology: tpu7x:2x2x1
jax: 0.10.2.dev20260603
libtpu: 0.0.44.dev20260713+nightly
codegen_flags: <defaults>
</compile_context>

<pallas_src>
import functools

import jax
import jax.numpy as jnp
from jax import lax
from jax.experimental import pallas as pl
from jax.experimental.pallas import tpu as pltpu
from jax.experimental.pallas import tpu_sc as plsc

D_MODEL = 32
LANES = 16
NBUF = 4
C = 160


@jax.jit
def _gembed(idx_flat, W_mean, W_logstd):
    B = idx_flat.shape[0]
    info = plsc.get_sparse_core_info()
    NC, NS = info.num_cores, info.num_subcores
    NW = NC * NS
    b_per_w = B // NW
    n_chunks = b_per_w // C
    n_grp = n_chunks // NBUF
    CE = C * D_MODEL
    assert b_per_w % (C * NBUF) == 0 and C % 8 == 0

    mesh = plsc.VectorSubcoreMesh(core_axis_name="c", subcore_axis_name="s")

    scratch = (
        [pltpu.VMEM((b_per_w,), jnp.int32)]
        + [pltpu.VMEM((C, D_MODEL), jnp.float32) for _ in range(2 * NBUF)]
        + [pltpu.VMEM((CE,), jnp.float32) for _ in range(2 * NBUF)]
        + [pltpu.SemaphoreType.DMA for _ in range(4 * NBUF)]
    )

    @functools.partial(
        pl.kernel,
        mesh=mesh,
        compiler_params=pltpu.CompilerParams(use_tc_tiling_on_sc=False),
        out_type=[
            jax.ShapeDtypeStruct((B * D_MODEL,), jnp.float32),
            jax.ShapeDtypeStruct((B * D_MODEL,), jnp.float32),
        ],
        scratch_types=scratch,
    )
    def k(idx_hbm, wm_hbm, ws_hbm, mean_hbm, std_hbm, idx_v, *rest):
        gbuf_m = rest[0:NBUF]
        gbuf_s = rest[NBUF:2 * NBUF]
        st_m = rest[2 * NBUF:3 * NBUF]
        st_s = rest[3 * NBUF:4 * NBUF]
        sem_gm = rest[4 * NBUF:5 * NBUF]
        sem_gs = rest[5 * NBUF:6 * NBUF]
        sem_wm = rest[6 * NBUF:7 * NBUF]
        sem_ws = rest[7 * NBUF:8 * NBUF]

        wid = lax.axis_index("s") * NC + lax.axis_index("c")
        base = pl.multiple_of(wid * b_per_w, 8)
        ebase = pl.multiple_of(wid * b_per_w * D_MODEL, 8)
        pltpu.sync_copy(idx_hbm.at[pl.ds(base, b_per_w)], idx_v)

        def start_gathers(kc, b):
            off = pl.multiple_of(kc * C, 8)
            pltpu.async_copy(wm_hbm.at[idx_v.at[pl.ds(off, C)]], gbuf_m[b],
                             sem_gm[b])
            pltpu.async_copy(ws_hbm.at[idx_v.at[pl.ds(off, C)]], gbuf_s[b],
                             sem_gs[b])

        for b in range(NBUF):
            start_gathers(b, b)

        @pl.loop(0, n_grp)
        def grp_loop(grp):
            for b in range(NBUF):
                kc = grp * NBUF + b
                eoff = pl.multiple_of(kc * CE, 8)

                pltpu.make_async_copy(wm_hbm.at[idx_v.at[pl.ds(0, C)]],
                                      gbuf_m[b], sem_gm[b]).wait()

                @pl.when(grp > 0)
                def _():
                    pltpu.make_async_copy(st_m[b],
                                          mean_hbm.at[pl.ds(ebase, CE)],
                                          sem_wm[b]).wait()

                gm, sm = gbuf_m[b], st_m[b]

                @plsc.parallel_loop(0, C, step=4)
                def repack_m(i):
                    for r in range(4):
                        for h in range(D_MODEL // LANES):
                            sm[pl.ds((i + r) * D_MODEL + h * LANES, LANES)] = \
                                gm[i + r, pl.ds(h * LANES, LANES)]

                pltpu.async_copy(st_m[b], mean_hbm.at[pl.ds(ebase + eoff, CE)],
                                 sem_wm[b])

                pltpu.make_async_copy(ws_hbm.at[idx_v.at[pl.ds(0, C)]],
                                      gbuf_s[b], sem_gs[b]).wait()

                @pl.when(grp > 0)
                def _():
                    pltpu.make_async_copy(st_s[b],
                                          std_hbm.at[pl.ds(ebase, CE)],
                                          sem_ws[b]).wait()

                gs, ss = gbuf_s[b], st_s[b]

                @plsc.parallel_loop(0, C, step=4)
                def repack_s(i):
                    for r in range(4):
                        for h in range(D_MODEL // LANES):
                            ss[pl.ds((i + r) * D_MODEL + h * LANES, LANES)] = \
                                jnp.exp(gs[i + r, pl.ds(h * LANES, LANES)])

                pltpu.async_copy(st_s[b], std_hbm.at[pl.ds(ebase + eoff, CE)],
                                 sem_ws[b])

                @pl.when(grp < n_grp - 1)
                def _():
                    start_gathers((grp + 1) * NBUF + b, b)

        for b in range(NBUF):
            pltpu.make_async_copy(st_m[b], mean_hbm.at[pl.ds(ebase, CE)],
                                  sem_wm[b]).wait()
            pltpu.make_async_copy(st_s[b], std_hbm.at[pl.ds(ebase, CE)],
                                  sem_ws[b]).wait()

    return k(idx_flat, W_mean, W_logstd)


def kernel(idx, W_mean, W_logstd):
    B0, H = idx.shape
    idx_flat = idx.reshape(B0 * H).astype(jnp.int32)
    mean_flat, std_flat = _gembed(idx_flat, W_mean, W_logstd)
    return (mean_flat.reshape(B0, H, D_MODEL), std_flat.reshape(B0, H, D_MODEL))

# --- scband reference (transcript-rebuilt; emitter-appended) ---
"""Pipeline reference for scband-native-gembedding-28114855920432 (READ-ONLY COPY).

The authoritative reference and input builder live on the scoring server;
editing this copy changes nothing except your own understanding.
"""

import jax, jax.numpy as jnp
import numpy as np

VOCAB = 1000000
D_MODEL = 32
BATCH = 16384
HIST = 50

def setup_inputs(seed: int = 0) -> dict:
    key = jax.random.key(seed)
    k_idx, k_mean, k_logstd = jax.random.split(key, 3)
    idx = jax.random.randint(k_idx, (BATCH, HIST), 0, VOCAB, dtype=jnp.int64)
    W_mean = jax.random.normal(k_mean, (VOCAB, D_MODEL), dtype=jnp.float32)
    W_logstd = jax.random.normal(k_logstd, (VOCAB, D_MODEL), dtype=jnp.float32) * 0.1
    return {"idx": idx, "W_mean": W_mean, "W_logstd": W_logstd}

def reference(idx, W_mean, W_logstd):
    # NativeGEmbedding.forward: Normal(mean_embed(idx), exp(logstd_embed(idx)))
    # The distribution is parameterized by (loc, scale); return both tensors.
    mean = jnp.take(W_mean, idx, axis=0)
    std = jnp.exp(jnp.take(W_logstd, idx, axis=0))
    return (mean, std)

if __name__ == "__main__":
    import jax
    _d = setup_inputs()
    print(jax.jit(kernel)(*tuple(_d.values())))

</pallas_src>

<mosaic_0001>
#map = affine_map<(d0, d1) -> (0)>
#map1 = affine_map<(d0, d1) -> (0, 0)>
module attributes {stable_mosaic.version = 14 : i64} {
  func.func @k(%arg0: i32, %arg1: i32, %arg2: memref<819200xi32, #tpu.memory_space<hbm>>, %arg3: memref<1000000x32xf32, #tpu.memory_space<hbm>>, %arg4: memref<1000000x32xf32, #tpu.memory_space<hbm>>, %arg5: memref<26214400xf32, #tpu.memory_space<hbm>>, %arg6: memref<26214400xf32, #tpu.memory_space<hbm>>, %arg7: memref<25600xi32, #tpu.memory_space<vmem>>, %arg8: memref<160x32xf32, #tpu.memory_space<vmem>>, %arg9: memref<160x32xf32, #tpu.memory_space<vmem>>, %arg10: memref<160x32xf32, #tpu.memory_space<vmem>>, %arg11: memref<160x32xf32, #tpu.memory_space<vmem>>, %arg12: memref<160x32xf32, #tpu.memory_space<vmem>>, %arg13: memref<160x32xf32, #tpu.memory_space<vmem>>, %arg14: memref<160x32xf32, #tpu.memory_space<vmem>>, %arg15: memref<160x32xf32, #tpu.memory_space<vmem>>, %arg16: memref<5120xf32, #tpu.memory_space<vmem>>, %arg17: memref<5120xf32, #tpu.memory_space<vmem>>, %arg18: memref<5120xf32, #tpu.memory_space<vmem>>, %arg19: memref<5120xf32, #tpu.memory_space<vmem>>, %arg20: memref<5120xf32, #tpu.memory_space<vmem>>, %arg21: memref<5120xf32, #tpu.memory_space<vmem>>, %arg22: memref<5120xf32, #tpu.memory_space<vmem>>, %arg23: memref<5120xf32, #tpu.memory_space<vmem>>, %arg24: memref<!tpu.dma_semaphore, #tpu.memory_space<semaphore_mem>>, %arg25: memref<!tpu.dma_semaphore, #tpu.memory_space<semaphore_mem>>, %arg26: memref<!tpu.dma_semaphore, #tpu.memory_space<semaphore_mem>>, %arg27: memref<!tpu.dma_semaphore, #tpu.memory_space<semaphore_mem>>, %arg28: memref<!tpu.dma_semaphore, #tpu.memory_space<semaphore_mem>>, %arg29: memref<!tpu.dma_semaphore, #tpu.memory_space<semaphore_mem>>, %arg30: memref<!tpu.dma_semaphore, #tpu.memory_space<semaphore_mem>>, %arg31: memref<!tpu.dma_semaphore, #tpu.memory_space<semaphore_mem>>, %arg32: memref<!tpu.dma_semaphore, #tpu.memory_space<semaphore_mem>>, %arg33: memref<!tpu.dma_semaphore, #tpu.memory_space<semaphore_mem>>, %arg34: memref<!tpu.dma_semaphore, #tpu.memory_space<semaphore_mem>>, %arg35: memref<!tpu.dma_semaphore, #tpu.memory_space<semaphore_mem>>, %arg36: memref<!tpu.dma_semaphore, #tpu.memory_space<semaphore_mem>>, %arg37: memref<!tpu.dma_semaphore, #tpu.memory_space<semaphore_mem>>, %arg38: memref<!tpu.dma_semaphore, #tpu.memory_space<semaphore_mem>>, %arg39: memref<!tpu.dma_semaphore, #tpu.memory_space<semaphore_mem>>) attributes {dimension_semantics = [#tpu.dimension_semantics<core_parallel>, #tpu.dimension_semantics<subcore_parallel>], iteration_bounds = array<i64: 2, 16>, scalar_prefetch = 0 : i64, scratch_operands = 33 : i64, tpu.core_type = #tpu.core_type<sc_vector_subcore>, window_params = [{transform_indices = #map}, {transform_indices = #map1}, {transform_indices = #map1}, {transform_indices = #map}, {transform_indices = #map}]} {
    %mul3A = arith.constant 2 : i32
    %mul3A_0 = arith.muli %arg1, %mul3A : i32
    %add3A = arith.addi %mul3A_0, %arg0 : i32
    %mul3A_1 = arith.constant 25600 : i32
    %mul3A_2 = arith.muli %add3A, %mul3A_1 : i32
    %multiple_of3A = tpu.assume_multiple %mul3A_2, 8 : i32
    %mul3A_3 = arith.constant 25600 : i32
    %mul3A_4 = arith.muli %add3A, %mul3A_3 : i32
    %mul3A_5 = arith.constant 32 : i32
    %mul3A_6 = arith.muli %mul3A_4, %mul3A_5 : i32
    %multiple_of3A_7 = tpu.assume_multiple %mul3A_6, 8 : i32
    "tpu.region"() ({
      %run_scoped3A = tpu.sem_alloc : memref<!tpu.dma_semaphore, #tpu.memory_space<semaphore_mem>>
      %dma_start3A_66 = tpu.memref_slice %arg2[%multiple_of3A] : memref<819200xi32, #tpu.memory_space<hbm>> -> memref<25600xi32, #tpu.memory_space<hbm>>
      %dma_start3A_67 = tpu.memref_slice %arg2[%multiple_of3A] : memref<819200xi32, #tpu.memory_space<hbm>> -> memref<25600xi32, #tpu.memory_space<hbm>>
      tpu.enqueue_dma source(%dma_start3A_67 : memref<25600xi32, #tpu.memory_space<hbm>>) target(%arg7 : memref<25600xi32, #tpu.memory_space<vmem>>) target_semaphore(%run_scoped3A : memref<!tpu.dma_semaphore, #tpu.memory_space<semaphore_mem>>)
      %dma_wait3A_68 = tpu.memref_slice %arg2[%multiple_of3A] : memref<819200xi32, #tpu.memory_space<hbm>> -> memref<25600xi32, #tpu.memory_space<hbm>>
      %dma_wait3A_69 = tpu.memref_slice %arg2[%multiple_of3A] : memref<819200xi32, #tpu.memory_space<hbm>> -> memref<25600xi32, #tpu.memory_space<hbm>>
      tpu.wait_dma2 semaphore(%run_scoped3A : memref<!tpu.dma_semaphore, #tpu.memory_space<semaphore_mem>>) src(%dma_wait3A_69 : memref<25600xi32, #tpu.memory_space<hbm>>) dst(%arg7 : memref<25600xi32, #tpu.memory_space<vmem>>)
      tpu.yield
    }) : () -> ()
    %multiple_of3A_8 = arith.constant 0 : i32
    %multiple_of3A_9 = tpu.assume_multiple %multiple_of3A_8, 8 : i32
    %dma_start3A = tpu.memref_slice %arg7[%multiple_of3A_9] : memref<25600xi32, #tpu.memory_space<vmem>> -> memref<160xi32, #tpu.memory_space<vmem>>
    %dma_start3A_10 = arith.constant 0 : i32
    %dma_start3A_11 = arith.constant 0 : i32
    %dma_start3A_12 = tpu.memref_slice %arg3[%dma_start3A_10, %dma_start3A_11] : memref<1000000x32xf32, #tpu.memory_space<hbm>> -> memref<1000000x32xf32, #tpu.memory_space<hbm>>
    tpu.enqueue_indirect_dma source(%dma_start3A_12 : memref<1000000x32xf32, #tpu.memory_space<hbm>>) target(%arg8 : memref<160x32xf32, #tpu.memory_space<vmem>>) offsets(%dma_start3A : memref<160xi32, #tpu.memory_space<vmem>>) semaphore(%arg24 : memref<!tpu.dma_semaphore, #tpu.memory_space<semaphore_mem>>)
    %dma_start3A_13 = tpu.memref_slice %arg7[%multiple_of3A_9] : memref<25600xi32, #tpu.memory_space<vmem>> -> memref<160xi32, #tpu.memory_space<vmem>>
    %dma_start3A_14 = arith.constant 0 : i32
    %dma_start3A_15 = arith.constant 0 : i32
    %dma_start3A_16 = tpu.memref_slice %arg4[%dma_start3A_14, %dma_start3A_15] : memref<1000000x32xf32, #tpu.memory_space<hbm>> -> memref<1000000x32xf32, #tpu.memory_space<hbm>>
    tpu.enqueue_indirect_dma source(%dma_start3A_16 : memref<1000000x32xf32, #tpu.memory_space<hbm>>) target(%arg12 : memref<160x32xf32, #tpu.memory_space<vmem>>) offsets(%dma_start3A_13 : memref<160xi32, #tpu.memory_space<vmem>>) semaphore(%arg28 : memref<!tpu.dma_semaphore, #tpu.memory_space<semaphore_mem>>)
    %multiple_of3A_17 = arith.constant 160 : i32
    %multiple_of3A_18 = tpu.assume_multiple %multiple_of3A_17, 8 : i32
    %dma_start3A_19 = tpu.memref_slice %arg7[%multiple_of3A_18] : memref<25600xi32, #tpu.memory_space<vmem>> -> memref<160xi32, #tpu.memory_space<vmem>>
    %dma_start3A_20 = arith.constant 0 : i32
    %dma_start3A_21 = arith.constant 0 : i32
    %dma_start3A_22 = tpu.memref_slice %arg3[%dma_start3A_20, %dma_start3A_21] : memref<1000000x32xf32, #tpu.memory_space<hbm>> -> memref<1000000x32xf32, #tpu.memory_space<hbm>>
    tpu.enqueue_indirect_dma source(%dma_start3A_22 : memref<1000000x32xf32, #tpu.memory_space<hbm>>) target(%arg9 : memref<160x32xf32, #tpu.memory_space<vmem>>) offsets(%dma_start3A_19 : memref<160xi32, #tpu.memory_space<vmem>>) semaphore(%arg25 : memref<!tpu.dma_semaphore, #tpu.memory_space<semaphore_mem>>)
    %dma_start3A_23 = tpu.memref_slice %arg7[%multiple_of3A_18] : memref<25600xi32, #tpu.memory_space<vmem>> -> memref<160xi32, #tpu.memory_space<vmem>>
    %dma_start3A_24 = arith.constant 0 : i32
    %dma_start3A_25 = arith.constant 0 : i32
    %dma_start3A_26 = tpu.memref_slice %arg4[%dma_start3A_24, %dma_start3A_25] : memref<1000000x32xf32, #tpu.memory_space<hbm>> -> memref<1000000x32xf32, #tpu.memory_space<hbm>>
    tpu.enqueue_indirect_dma source(%dma_start3A_26 : memref<1000000x32xf32, #tpu.memory_space<hbm>>) target(%arg13 : memref<160x32xf32, #tpu.memory_space<vmem>>) offsets(%dma_start3A_23 : memref<160xi32, #tpu.memory_space<vmem>>) semaphore(%arg29 : memref<!tpu.dma_semaphore, #tpu.memory_space<semaphore_mem>>)
    %multiple_of3A_27 = arith.constant 320 : i32
    %multiple_of3A_28 = tpu.assume_multiple %multiple_of3A_27, 8 : i32
    %dma_start3A_29 = tpu.memref_slice %arg7[%multiple_of3A_28] : memref<25600xi32, #tpu.memory_space<vmem>> -> memref<160xi32, #tpu.memory_space<vmem>>
    %dma_start3A_30 = arith.constant 0 : i32
    %dma_start3A_31 = arith.constant 0 : i32
    %dma_start3A_32 = tpu.memref_slice %arg3[%dma_start3A_30, %dma_start3A_31] : memref<1000000x32xf32, #tpu.memory_space<hbm>> -> memref<1000000x32xf32, #tpu.memory_space<hbm>>
    tpu.enqueue_indirect_dma source(%dma_start3A_32 : memref<1000000x32xf32, #tpu.memory_space<hbm>>) target(%arg10 : memref<160x32xf32, #tpu.memory_space<vmem>>) offsets(%dma_start3A_29 : memref<160xi32, #tpu.memory_space<vmem>>) semaphore(%arg26 : memref<!tpu.dma_semaphore, #tpu.memory_space<semaphore_mem>>)
    %dma_start3A_33 = tpu.memref_slice %arg7[%multiple_of3A_28] : memref<25600xi32, #tpu.memory_space<vmem>> -> memref<160xi32, #tpu.memory_space<vmem>>
    %dma_start3A_34 = arith.constant 0 : i32
    %dma_start3A_35 = arith.constant 0 : i32
    %dma_start3A_36 = tpu.memref_slice %arg4[%dma_start3A_34, %dma_start3A_35] : memref<1000000x32xf32, #tpu.memory_space<hbm>> -> memref<1000000x32xf32, #tpu.memory_space<hbm>>
    tpu.enqueue_indirect_dma source(%dma_start3A_36 : memref<1000000x32xf32, #tpu.memory_space<hbm>>) target(%arg14 : memref<160x32xf32, #tpu.memory_space<vmem>>) offsets(%dma_start3A_33 : memref<160xi32, #tpu.memory_space<vmem>>) semaphore(%arg30 : memref<!tpu.dma_semaphore, #tpu.memory_space<semaphore_mem>>)
    %multiple_of3A_37 = arith.constant 480 : i32
    %multiple_of3A_38 = tpu.assume_multiple %multiple_of3A_37, 8 : i32
    %dma_start3A_39 = tpu.memref_slice %arg7[%multiple_of3A_38] : memref<25600xi32, #tpu.memory_space<vmem>> -> memref<160xi32, #tpu.memory_space<vmem>>
    %dma_start3A_40 = arith.constant 0 : i32
    %dma_start3A_41 = arith.constant 0 : i32
    %dma_start3A_42 = tpu.memref_slice %arg3[%dma_start3A_40, %dma_start3A_41] : memref<1000000x32xf32, #tpu.memory_space<hbm>> -> memref<1000000x32xf32, #tpu.memory_space<hbm>>
    tpu.enqueue_indirect_dma source(%dma_start3A_42 : memref<1000000x32xf32, #tpu.memory_space<hbm>>) target(%arg11 : memref<160x32xf32, #tpu.memory_space<vmem>>) offsets(%dma_start3A_39 : memref<160xi32, #tpu.memory_space<vmem>>) semaphore(%arg27 : memref<!tpu.dma_semaphore, #tpu.memory_space<semaphore_mem>>)
    %dma_start3A_43 = tpu.memref_slice %arg7[%multiple_of3A_38] : memref<25600xi32, #tpu.memory_space<vmem>> -> memref<160xi32, #tpu.memory_space<vmem>>
    %dma_start3A_44 = arith.constant 0 : i32
    %dma_start3A_45 = arith.constant 0 : i32
    %dma_start3A_46 = tpu.memref_slice %arg4[%dma_start3A_44, %dma_start3A_45] : memref<1000000x32xf32, #tpu.memory_space<hbm>> -> memref<1000000x32xf32, #tpu.memory_space<hbm>>
    tpu.enqueue_indirect_dma source(%dma_start3A_46 : memref<1000000x32xf32, #tpu.memory_space<hbm>>) target(%arg15 : memref<160x32xf32, #tpu.memory_space<vmem>>) offsets(%dma_start3A_43 : memref<160xi32, #tpu.memory_space<vmem>>) semaphore(%arg31 : memref<!tpu.dma_semaphore, #tpu.memory_space<semaphore_mem>>)
    %scan3A = arith.constant 0 : i32
    %scan3A_47 = arith.constant 40 : i32
    %scan3A_48 = arith.addi %scan3A, %scan3A_47 : i32
    %scan3A_49 = arith.constant 1 : i32
    scf.for %scan3A_66 = %scan3A to %scan3A_48 step %scan3A_49  : i32 {
      %mul3A_67 = arith.constant 1 : i32
      %mul3A_68 = arith.muli %scan3A_66, %mul3A_67 : i32
      %add3A_69 = arith.constant 0 : i32
      %add3A_70 = arith.addi %add3A_69, %mul3A_68 : i32
      %mul3A_71 = arith.constant 4 : i32
      %mul3A_72 = arith.muli %add3A_70, %mul3A_71 : i32
      %add3A_73 = arith.constant 0 : i32
      %add3A_74 = arith.addi %mul3A_72, %add3A_73 : i32
      %mul3A_75 = arith.constant 5120 : i32
      %mul3A_76 = arith.muli %add3A_74, %mul3A_75 : i32
      %multiple_of3A_77 = tpu.assume_multiple %mul3A_76, 8 : i32
      %dma_wait3A_78 = arith.constant 0 : i32
      %dma_wait3A_79 = tpu.memref_slice %arg7[%dma_wait3A_78] : memref<25600xi32, #tpu.memory_space<vmem>> -> memref<160xi32, #tpu.memory_space<vmem>>
      %dma_wait3A_80 = arith.constant 0 : i32
      %dma_wait3A_81 = arith.constant 0 : i32
      %dma_wait3A_82 = tpu.memref_slice %arg3[%dma_wait3A_80, %dma_wait3A_81] : memref<1000000x32xf32, #tpu.memory_space<hbm>> -> memref<1000000x32xf32, #tpu.memory_space<hbm>>
      tpu.wait_indirect_dma semaphore(%arg24 : memref<!tpu.dma_semaphore, #tpu.memory_space<semaphore_mem>>) src(%dma_wait3A_82 : memref<1000000x32xf32, #tpu.memory_space<hbm>>) dst(%arg8 : memref<160x32xf32, #tpu.memory_space<vmem>>)
      %gt3A = arith.constant 0 : i32
      %gt3A_83 = arith.cmpi sgt, %add3A_70, %gt3A : i32
      %convert_element_type3A = arith.extui %gt3A_83 : i1 to i32
      %cond3A = arith.constant 0 : i32
      %cond3A_84 = arith.cmpi ne, %convert_element_type3A, %cond3A : i32
      scf.if %cond3A_84 {
        %dma_wait3A_242 = tpu.memref_slice %arg5[%multiple_of3A_7] : memref<26214400xf32, #tpu.memory_space<hbm>> -> memref<5120xf32, #tpu.memory_space<hbm>>
        %dma_wait3A_243 = tpu.memref_slice %arg5[%multiple_of3A_7] : memref<26214400xf32, #tpu.memory_space<hbm>> -> memref<5120xf32, #tpu.memory_space<hbm>>
        tpu.wait_dma2 semaphore(%arg32 : memref<!tpu.dma_semaphore, #tpu.memory_space<semaphore_mem>>) src(%arg16 : memref<5120xf32, #tpu.memory_space<vmem>>) dst(%dma_wait3A_243 : memref<5120xf32, #tpu.memory_space<hbm>>)
      } else {
      }
      %parallel_loop3A = arith.constant 0 : i32
      %parallel_loop3A_85 = arith.constant 160 : i32
      %parallel_loop3A_86 = arith.constant 4 : i32
      scf.for %parallel_loop3A_242 = %parallel_loop3A to %parallel_loop3A_85 step %parallel_loop3A_86  : i32 {
        %parallel_loop3A_243 = arith.constant 0 : i32
        %parallel_loop3A_244 = arith.addi %parallel_loop3A_242, %parallel_loop3A_243 : i32
        %parallel_loop3A_245 = arith.index_cast %parallel_loop3A_244 : i32 to index
        %parallel_loop3A_246 = arith.constant 0 : index
        %parallel_loop3A_247 = tpu.vector_load %arg8[%parallel_loop3A_245, %parallel_loop3A_246] {strides = array<i32>} : memref<160x32xf32, #tpu.memory_space<vmem>>, vector<1x16xf32>,
        %parallel_loop3A_248 = vector.shape_cast %parallel_loop3A_247 : vector<1x16xf32> to vector<16xf32>
        %parallel_loop3A_249 = arith.constant 0 : i32
        %parallel_loop3A_250 = arith.addi %parallel_loop3A_242, %parallel_loop3A_249 : i32
        %parallel_loop3A_251 = arith.constant 32 : i32
        %parallel_loop3A_252 = arith.muli %parallel_loop3A_250, %parallel_loop3A_251 : i32
        %parallel_loop3A_253 = arith.constant 0 : i32
        %parallel_loop3A_254 = arith.addi %parallel_loop3A_252, %parallel_loop3A_253 : i32
        %parallel_loop3A_255 = arith.index_cast %parallel_loop3A_254 : i32 to index
        %parallel_loop3A_256 = tpu.vector_load %arg16[%parallel_loop3A_255] {strides = array<i32>} : memref<5120xf32, #tpu.memory_space<vmem>>, vector<16xf32>,
        %parallel_loop3A_257 = vector.shape_cast %parallel_loop3A_256 : vector<16xf32> to vector<16xf32>
        %parallel_loop3A_258 = vector.shape_cast %parallel_loop3A_248 : vector<16xf32> to vector<16xf32>
        tpu.vector_store %arg16[%parallel_loop3A_255], %parallel_loop3A_258 {strides = array<i32>} : memref<5120xf32, #tpu.memory_space<vmem>>, vector<16xf32>,
        %parallel_loop3A_259 = arith.constant 0 : i32
        %parallel_loop3A_260 = arith.addi %parallel_loop3A_242, %parallel_loop3A_259 : i32
        %parallel_loop3A_261 = arith.index_cast %parallel_loop3A_260 : i32 to index
        %parallel_loop3A_262 = arith.constant 16 : index
        %parallel_loop3A_263 = tpu.vector_load %arg8[%parallel_loop3A_261, %parallel_loop3A_262] {strides = array<i32>} : memref<160x32xf32, #tpu.memory_space<vmem>>, vector<1x16xf32>,
        %parallel_loop3A_264 = vector.shape_cast %parallel_loop3A_263 : vector<1x16xf32> to vector<16xf32>
        %parallel_loop3A_265 = arith.constant 0 : i32
        %parallel_loop3A_266 = arith.addi %parallel_loop3A_242, %parallel_loop3A_265 : i32
        %parallel_loop3A_267 = arith.constant 32 : i32
        %parallel_loop3A_268 = arith.muli %parallel_loop3A_266, %parallel_loop3A_267 : i32
        %parallel_loop3A_269 = arith.constant 16 : i32
        %parallel_loop3A_270 = arith.addi %parallel_loop3A_268, %parallel_loop3A_269 : i32
        %parallel_loop3A_271 = arith.index_cast %parallel_loop3A_270 : i32 to index
        %parallel_loop3A_272 = tpu.vector_load %arg16[%parallel_loop3A_271] {strides = array<i32>} : memref<5120xf32, #tpu.memory_space<vmem>>, vector<16xf32>,
        %parallel_loop3A_273 = vector.shape_cast %parallel_loop3A_272 : vector<16xf32> to vector<16xf32>
        %parallel_loop3A_274 = vector.shape_cast %parallel_loop3A_264 : vector<16xf32> to vector<16xf32>
        tpu.vector_store %arg16[%parallel_loop3A_271], %parallel_loop3A_274 {strides = array<i32>} : memref<5120xf32, #tpu.memory_space<vmem>>, vector<16xf32>,
        %parallel_loop3A_275 = arith.constant 1 : i32
        %parallel_loop3A_276 = arith.addi %parallel_loop3A_242, %parallel_loop3A_275 : i32
        %parallel_loop3A_277 = arith.index_cast %parallel_loop3A_276 : i32 to index
        %parallel_loop3A_278 = arith.constant 0 : index
        %parallel_loop3A_279 = tpu.vector_load %arg8[%parallel_loop3A_277, %parallel_loop3A_278] {strides = array<i32>} : memref<160x32xf32, #tpu.memory_space<vmem>>, vector<1x16xf32>,
        %parallel_loop3A_280 = vector.shape_cast %parallel_loop3A_279 : vector<1x16xf32> to vector<16xf32>
        %parallel_loop3A_281 = arith.constant 1 : i32
        %parallel_loop3A_282 = arith.addi %parallel_loop3A_242, %parallel_loop3A_281 : i32
        %parallel_loop3A_283 = arith.constant 32 : i32
        %parallel_loop3A_284 = arith.muli %parallel_loop3A_282, %parallel_loop3A_283 : i32
        %parallel_loop3A_285 = arith.constant 0 : i32
        %parallel_loop3A_286 = arith.addi %parallel_loop3A_284, %parallel_loop3A_285 : i32
        %parallel_loop3A_287 = arith.index_cast %parallel_loop3A_286 : i32 to index
        %parallel_loop3A_288 = tpu.vector_load %arg16[%parallel_loop3A_287] {strides = array<i32>} : memref<5120xf32, #tpu.memory_space<vmem>>, vector<16xf32>,
        %parallel_loop3A_289 = vector.shape_cast %parallel_loop3A_288 : vector<16xf32> to vector<16xf32>
        %parallel_loop3A_290 = vector.shape_cast %parallel_loop3A_280 : vector<16xf32> to vector<16xf32>
        tpu.vector_store %arg16[%parallel_loop3A_287], %parallel_loop3A_290 {strides = array<i32>} : memref<5120xf32, #tpu.memory_space<vmem>>, vector<16xf32>,
        %parallel_loop3A_291 = arith.constant 1 : i32
        %parallel_loop3A_292 = arith.addi %parallel_loop3A_242, %parallel_loop3A_291 : i32
        %parallel_loop3A_293 = arith.index_cast %parallel_loop3A_292 : i32 to index
        %parallel_loop3A_294 = arith.constant 16 : index
        %parallel_loop3A_295 = tpu.vector_load %arg8[%parallel_loop3A_293, %parallel_loop3A_294] {strides = array<i32>} : memref<160x32xf32, #tpu.memory_space<vmem>>, vector<1x16xf32>,
        %parallel_loop3A_296 = vector.shape_cast %parallel_loop3A_295 : vector<1x16xf32> to vector<16xf32>
        %parallel_loop3A_297 = arith.constant 1 : i32
        %parallel_loop3A_298 = arith.addi %parallel_loop3A_242, %parallel_loop3A_297 : i32
        %parallel_loop3A_299 = arith.constant 32 : i32
        %parallel_loop3A_300 = arith.muli %parallel_loop3A_298, %parallel_loop3A_299 : i32
        %parallel_loop3A_301 = arith.constant 16 : i32
        %parallel_loop3A_302 = arith.addi %parallel_loop3A_300, %parallel_loop3A_301 : i32
        %parallel_loop3A_303 = arith.index_cast %parallel_loop3A_302 : i32 to index
        %parallel_loop3A_304 = tpu.vector_load %arg16[%parallel_loop3A_303] {strides = array<i32>} : memref<5120xf32, #tpu.memory_space<vmem>>, vector<16xf32>,
        %parallel_loop3A_305 = vector.shape_cast %parallel_loop3A_304 : vector<16xf32> to vector<16xf32>
        %parallel_loop3A_306 = vector.shape_cast %parallel_loop3A_296 : vector<16xf32> to vector<16xf32>
        tpu.vector_store %arg16[%parallel_loop3A_303], %parallel_loop3A_306 {strides = array<i32>} : memref<5120xf32, #tpu.memory_space<vmem>>, vector<16xf32>,
        %parallel_loop3A_307 = arith.constant 2 : i32
        %parallel_loop3A_308 = arith.addi %parallel_loop3A_242, %parallel_loop3A_307 : i32
        %parallel_loop3A_309 = arith.index_cast %parallel_loop3A_308 : i32 to index
        %parallel_loop3A_310 = arith.constant 0 : index
        %parallel_loop3A_311 = tpu.vector_load %arg8[%parallel_loop3A_309, %parallel_loop3A_310] {strides = array<i32>} : memref<160x32xf32, #tpu.memory_space<vmem>>, vector<1x16xf32>,
        %parallel_loop3A_312 = vector.shape_cast %parallel_loop3A_311 : vector<1x16xf32> to vector<16xf32>
        %parallel_loop3A_313 = arith.constant 2 : i32
        %parallel_loop3A_314 = arith.addi %parallel_loop3A_242, %parallel_loop3A_313 : i32
        %parallel_loop3A_315 = arith.constant 32 : i32
        %parallel_loop3A_316 = arith.muli %parallel_loop3A_314, %parallel_loop3A_315 : i32
        %parallel_loop3A_317 = arith.constant 0 : i32
        %parallel_loop3A_318 = arith.addi %parallel_loop3A_316, %parallel_loop3A_317 : i32
        %parallel_loop3A_319 = arith.index_cast %parallel_loop3A_318 : i32 to index
        %parallel_loop3A_320 = tpu.vector_load %arg16[%parallel_loop3A_319] {strides = array<i32>} : memref<5120xf32, #tpu.memory_space<vmem>>, vector<16xf32>,
        %parallel_loop3A_321 = vector.shape_cast %parallel_loop3A_320 : vector<16xf32> to vector<16xf32>
        %parallel_loop3A_322 = vector.shape_cast %parallel_loop3A_312 : vector<16xf32> to vector<16xf32>
        tpu.vector_store %arg16[%parallel_loop3A_319], %parallel_loop3A_322 {strides = array<i32>} : memref<5120xf32, #tpu.memory_space<vmem>>, vector<16xf32>,
        %parallel_loop3A_323 = arith.constant 2 : i32
        %parallel_loop3A_324 = arith.addi %parallel_loop3A_242, %parallel_loop3A_323 : i32
        %parallel_loop3A_325 = arith.index_cast %parallel_loop3A_324 : i32 to index
        %parallel_loop3A_326 = arith.constant 16 : index
        %parallel_loop3A_327 = tpu.vector_load %arg8[%parallel_loop3A_325, %parallel_loop3A_326] {strides = array<i32>} : memref<160x32xf32, #tpu.memory_space<vmem>>, vector<1x16xf32>,
        %parallel_loop3A_328 = vector.shape_cast %parallel_loop3A_327 : vector<1x16xf32> to vector<16xf32>
        %parallel_loop3A_329 = arith.constant 2 : i32
        %parallel_loop3A_330 = arith.addi %parallel_loop3A_242, %parallel_loop3A_329 : i32
        %parallel_loop3A_331 = arith.constant 32 : i32
        %parallel_loop3A_332 = arith.muli %parallel_loop3A_330, %parallel_loop3A_331 : i32
        %parallel_loop3A_333 = arith.constant 16 : i32
        %parallel_loop3A_334 = arith.addi %parallel_loop3A_332, %parallel_loop3A_333 : i32
        %parallel_loop3A_335 = arith.index_cast %parallel_loop3A_334 : i32 to index
        %parallel_loop3A_336 = tpu.vector_load %arg16[%parallel_loop3A_335] {strides = array<i32>} : memref<5120xf32, #tpu.memory_space<vmem>>, vector<16xf32>,
        %parallel_loop3A_337 = vector.shape_cast %parallel_loop3A_336 : vector<16xf32> to vector<16xf32>
        %parallel_loop3A_338 = vector.shape_cast %parallel_loop3A_328 : vector<16xf32> to vector<16xf32>
        tpu.vector_store %arg16[%parallel_loop3A_335], %parallel_loop3A_338 {strides = array<i32>} : memref<5120xf32, #tpu.memory_space<vmem>>, vector<16xf32>,
        %parallel_loop3A_339 = arith.constant 3 : i32
        %parallel_loop3A_340 = arith.addi %parallel_loop3A_242, %parallel_loop3A_339 : i32
        %parallel_loop3A_341 = arith.index_cast %parallel_loop3A_340 : i32 to index
        %parallel_loop3A_342 = arith.constant 0 : index
        %parallel_loop3A_343 = tpu.vector_load %arg8[%parallel_loop3A_341, %parallel_loop3A_342] {strides = array<i32>} : memref<160x32xf32, #tpu.memory_space<vmem>>, vector<1x16xf32>,
        %parallel_loop3A_344 = vector.shape_cast %parallel_loop3A_343 : vector<1x16xf32> to vector<16xf32>
        %parallel_loop3A_345 = arith.constant 3 : i32
        %parallel_loop3A_346 = arith.addi %parallel_loop3A_242, %parallel_loop3A_345 : i32
        %parallel_loop3A_347 = arith.constant 32 : i32
        %parallel_loop3A_348 = arith.muli %parallel_loop3A_346, %parallel_loop3A_347 : i32
        %parallel_loop3A_349 = arith.constant 0 : i32
        %parallel_loop3A_350 = arith.addi %parallel_loop3A_348, %parallel_loop3A_349 : i32
        %parallel_loop3A_351 = arith.index_cast %parallel_loop3A_350 : i32 to index
        %parallel_loop3A_352 = tpu.vector_load %arg16[%parallel_loop3A_351] {strides = array<i32>} : memref<5120xf32, #tpu.memory_space<vmem>>, vector<16xf32>,
        %parallel_loop3A_353 = vector.shape_cast %parallel_loop3A_352 : vector<16xf32> to vector<16xf32>
        %parallel_loop3A_354 = vector.shape_cast %parallel_loop3A_344 : vector<16xf32> to vector<16xf32>
        tpu.vector_store %arg16[%parallel_loop3A_351], %parallel_loop3A_354 {strides = array<i32>} : memref<5120xf32, #tpu.memory_space<vmem>>, vector<16xf32>,
        %parallel_loop3A_355 = arith.constant 3 : i32
        %parallel_loop3A_356 = arith.addi %parallel_loop3A_242, %parallel_loop3A_355 : i32
        %parallel_loop3A_357 = arith.index_cast %parallel_loop3A_356 : i32 to index
        %parallel_loop3A_358 = arith.constant 16 : index
        %parallel_loop3A_359 = tpu.vector_load %arg8[%parallel_loop3A_357, %parallel_loop3A_358] {strides = array<i32>} : memref<160x32xf32, #tpu.memory_space<vmem>>, vector<1x16xf32>,
        %parallel_loop3A_360 = vector.shape_cast %parallel_loop3A_359 : vector<1x16xf32> to vector<16xf32>
        %parallel_loop3A_361 = arith.constant 3 : i32
        %parallel_loop3A_362 = arith.addi %parallel_loop3A_242, %parallel_loop3A_361 : i32
        %parallel_loop3A_363 = arith.constant 32 : i32
        %parallel_loop3A_364 = arith.muli %parallel_loop3A_362, %parallel_loop3A_363 : i32
        %parallel_loop3A_365 = arith.constant 16 : i32
        %parallel_loop3A_366 = arith.addi %parallel_loop3A_364, %parallel_loop3A_365 : i32
        %parallel_loop3A_367 = arith.index_cast %parallel_loop3A_366 : i32 to index
        %parallel_loop3A_368 = tpu.vector_load %arg16[%parallel_loop3A_367] {strides = array<i32>} : memref<5120xf32, #tpu.memory_space<vmem>>, vector<16xf32>,
        %parallel_loop3A_369 = vector.shape_cast %parallel_loop3A_368 : vector<16xf32> to vector<16xf32>
        %parallel_loop3A_370 = vector.shape_cast %parallel_loop3A_360 : vector<16xf32> to vector<16xf32>
        tpu.vector_store %arg16[%parallel_loop3A_367], %parallel_loop3A_370 {strides = array<i32>} : memref<5120xf32, #tpu.memory_space<vmem>>, vector<16xf32>,
      } {sc.loop_unroll_factor = 1 : i64, sc.parallel_access}
      %add3A_87 = arith.addi %multiple_of3A_7, %multiple_of3A_77 : i32
      %dma_start3A_88 = tpu.memref_slice %arg5[%add3A_87] : memref<26214400xf32, #tpu.memory_space<hbm>> -> memref<5120xf32, #tpu.memory_space<hbm>>
      %dma_start3A_89 = tpu.memref_slice %arg5[%add3A_87] : memref<26214400xf32, #tpu.memory_space<hbm>> -> memref<5120xf32, #tpu.memory_space<hbm>>
      tpu.enqueue_dma source(%arg16 : memref<5120xf32, #tpu.memory_space<vmem>>) target(%dma_start3A_89 : memref<5120xf32, #tpu.memory_space<hbm>>) target_semaphore(%arg32 : memref<!tpu.dma_semaphore, #tpu.memory_space<semaphore_mem>>)
      %dma_wait3A_90 = arith.constant 0 : i32
      %dma_wait3A_91 = tpu.memref_slice %arg7[%dma_wait3A_90] : memref<25600xi32, #tpu.memory_space<vmem>> -> memref<160xi32, #tpu.memory_space<vmem>>
      %dma_wait3A_92 = arith.constant 0 : i32
      %dma_wait3A_93 = arith.constant 0 : i32
      %dma_wait3A_94 = tpu.memref_slice %arg4[%dma_wait3A_92, %dma_wait3A_93] : memref<1000000x32xf32, #tpu.memory_space<hbm>> -> memref<1000000x32xf32, #tpu.memory_space<hbm>>
      tpu.wait_indirect_dma semaphore(%arg28 : memref<!tpu.dma_semaphore, #tpu.memory_space<semaphore_mem>>) src(%dma_wait3A_94 : memref<1000000x32xf32, #tpu.memory_space<hbm>>) dst(%arg12 : memref<160x32xf32, #tpu.memory_space<vmem>>)
      %gt3A_95 = arith.constant 0 : i32
      %gt3A_96 = arith.cmpi sgt, %add3A_70, %gt3A_95 : i32
      %convert_element_type3A_97 = arith.extui %gt3A_96 : i1 to i32
      %cond3A_98 = arith.constant 0 : i32
      %cond3A_99 = arith.cmpi ne, %convert_element_type3A_97, %cond3A_98 : i32
      scf.if %cond3A_99 {
        %dma_wait3A_242 = tpu.memref_slice %arg6[%multiple_of3A_7] : memref<26214400xf32, #tpu.memory_space<hbm>> -> memref<5120xf32, #tpu.memory_space<hbm>>
        %dma_wait3A_243 = tpu.memref_slice %arg6[%multiple_of3A_7] : memref<26214400xf32, #tpu.memory_space<hbm>> -> memref<5120xf32, #tpu.memory_space<hbm>>
        tpu.wait_dma2 semaphore(%arg36 : memref<!tpu.dma_semaphore, #tpu.memory_space<semaphore_mem>>) src(%arg20 : memref<5120xf32, #tpu.memory_space<vmem>>) dst(%dma_wait3A_243 : memref<5120xf32, #tpu.memory_space<hbm>>)
      } else {
      }
      %parallel_loop3A_100 = arith.constant 0 : i32
      %parallel_loop3A_101 = arith.constant 160 : i32
      %parallel_loop3A_102 = arith.constant 4 : i32
      scf.for %parallel_loop3A_242 = %parallel_loop3A_100 to %parallel_loop3A_101 step %parallel_loop3A_102  : i32 {
        %parallel_loop3A_243 = arith.constant 0 : i32
        %parallel_loop3A_244 = arith.addi %parallel_loop3A_242, %parallel_loop3A_243 : i32
        %parallel_loop3A_245 = arith.index_cast %parallel_loop3A_244 : i32 to index
        %parallel_loop3A_246 = arith.constant 0 : index
        %parallel_loop3A_247 = tpu.vector_load %arg12[%parallel_loop3A_245, %parallel_loop3A_246] {strides = array<i32>} : memref<160x32xf32, #tpu.memory_space<vmem>>, vector<1x16xf32>,
        %parallel_loop3A_248 = vector.shape_cast %parallel_loop3A_247 : vector<1x16xf32> to vector<16xf32>
        %parallel_loop3A_249 = math.exp %parallel_loop3A_248 : vector<16xf32>
        %parallel_loop3A_250 = arith.constant 0 : i32
        %parallel_loop3A_251 = arith.addi %parallel_loop3A_242, %parallel_loop3A_250 : i32
        %parallel_loop3A_252 = arith.constant 32 : i32
        %parallel_loop3A_253 = arith.muli %parallel_loop3A_251, %parallel_loop3A_252 : i32
        %parallel_loop3A_254 = arith.constant 0 : i32
        %parallel_loop3A_255 = arith.addi %parallel_loop3A_253, %parallel_loop3A_254 : i32
        %parallel_loop3A_256 = arith.index_cast %parallel_loop3A_255 : i32 to index
        %parallel_loop3A_257 = tpu.vector_load %arg20[%parallel_loop3A_256] {strides = array<i32>} : memref<5120xf32, #tpu.memory_space<vmem>>, vector<16xf32>,
        %parallel_loop3A_258 = vector.shape_cast %parallel_loop3A_257 : vector<16xf32> to vector<16xf32>
        %parallel_loop3A_259 = vector.shape_cast %parallel_loop3A_249 : vector<16xf32> to vector<16xf32>
        tpu.vector_store %arg20[%parallel_loop3A_256], %parallel_loop3A_259 {strides = array<i32>} : memref<5120xf32, #tpu.memory_space<vmem>>, vector<16xf32>,
        %parallel_loop3A_260 = arith.constant 0 : i32
        %parallel_loop3A_261 = arith.addi %parallel_loop3A_242, %parallel_loop3A_260 : i32
        %parallel_loop3A_262 = arith.index_cast %parallel_loop3A_261 : i32 to index
        %parallel_loop3A_263 = arith.constant 16 : index
        %parallel_loop3A_264 = tpu.vector_load %arg12[%parallel_loop3A_262, %parallel_loop3A_263] {strides = array<i32>} : memref<160x32xf32, #tpu.memory_space<vmem>>, vector<1x16xf32>,
        %parallel_loop3A_265 = vector.shape_cast %parallel_loop3A_264 : vector<1x16xf32> to vector<16xf32>
        %parallel_loop3A_266 = math.exp %parallel_loop3A_265 : vector<16xf32>
        %parallel_loop3A_267 = arith.constant 0 : i32
        %parallel_loop3A_268 = arith.addi %parallel_loop3A_242, %parallel_loop3A_267 : i32
        %parallel_loop3A_269 = arith.constant 32 : i32
        %parallel_loop3A_270 = arith.muli %parallel_loop3A_268, %parallel_loop3A_269 : i32
        %parallel_loop3A_271 = arith.constant 16 : i32
        %parallel_loop3A_272 = arith.addi %parallel_loop3A_270, %parallel_loop3A_271 : i32
        %parallel_loop3A_273 = arith.index_cast %parallel_loop3A_272 : i32 to index
        %parallel_loop3A_274 = tpu.vector_load %arg20[%parallel_loop3A_273] {strides = array<i32>} : memref<5120xf32, #tpu.memory_space<vmem>>, vector<16xf32>,
        %parallel_loop3A_275 = vector.shape_cast %parallel_loop3A_274 : vector<16xf32> to vector<16xf32>
        %parallel_loop3A_276 = vector.shape_cast %parallel_loop3A_266 : vector<16xf32> to vector<16xf32>
        tpu.vector_store %arg20[%parallel_loop3A_273], %parallel_loop3A_276 {strides = array<i32>} : memref<5120xf32, #tpu.memory_space<vmem>>, vector<16xf32>,
        %parallel_loop3A_277 = arith.constant 1 : i32
        %parallel_loop3A_278 = arith.addi %parallel_loop3A_242, %parallel_loop3A_277 : i32
        %parallel_loop3A_279 = arith.index_cast %parallel_loop3A_278 : i32 to index
        %parallel_loop3A_280 = arith.constant 0 : index
        %parallel_loop3A_281 = tpu.vector_load %arg12[%parallel_loop3A_279, %parallel_loop3A_280] {strides = array<i32>} : memref<160x32xf32, #tpu.memory_space<vmem>>, vector<1x16xf32>,
        %parallel_loop3A_282 = vector.shape_cast %parallel_loop3A_281 : vector<1x16xf32> to vector<16xf32>
        %parallel_loop3A_283 = math.exp %parallel_loop3A_282 : vector<16xf32>
        %parallel_loop3A_284 = arith.constant 1 : i32
        %parallel_loop3A_285 = arith.addi %parallel_loop3A_242, %parallel_loop3A_284 : i32
        %parallel_loop3A_286 = arith.constant 32 : i32
        %parallel_loop3A_287 = arith.muli %parallel_loop3A_285, %parallel_loop3A_286 : i32
        %parallel_loop3A_288 = arith.constant 0 : i32
        %parallel_loop3A_289 = arith.addi %parallel_loop3A_287, %parallel_loop3A_288 : i32
        %parallel_loop3A_290 = arith.index_cast %parallel_loop3A_289 : i32 to index
        %parallel_loop3A_291 = tpu.vector_load %arg20[%parallel_loop3A_290] {strides = array<i32>} : memref<5120xf32, #tpu.memory_space<vmem>>, vector<16xf32>,
        %parallel_loop3A_292 = vector.shape_cast %parallel_loop3A_291 : vector<16xf32> to vector<16xf32>
        %parallel_loop3A_293 = vector.shape_cast %parallel_loop3A_283 : vector<16xf32> to vector<16xf32>
        tpu.vector_store %arg20[%parallel_loop3A_290], %parallel_loop3A_293 {strides = array<i32>} : memref<5120xf32, #tpu.memory_space<vmem>>, vector<16xf32>,
        %parallel_loop3A_294 = arith.constant 1 : i32
        %parallel_loop3A_295 = arith.addi %parallel_loop3A_242, %parallel_loop3A_294 : i32
        %parallel_loop3A_296 = arith.index_cast %parallel_loop3A_295 : i32 to index
        %parallel_loop3A_297 = arith.constant 16 : index
        %parallel_loop3A_298 = tpu.vector_load %arg12[%parallel_loop3A_296, %parallel_loop3A_297] {strides = array<i32>} : memref<160x32xf32, #tpu.memory_space<vmem>>, vector<1x16xf32>,
        %parallel_loop3A_299 = vector.shape_cast %parallel_loop3A_298 : vector<1x16xf32> to vector<16xf32>
        %parallel_loop3A_300 = math.exp %parallel_loop3A_299 : vector<16xf32>
        %parallel_loop3A_301 = arith.constant 1 : i32
        %parallel_loop3A_302 = arith.addi %parallel_loop3A_242, %parallel_loop3A_301 : i32
        %parallel_loop3A_303 = arith.constant 32 : i32
        %parallel_loop3A_304 = arith.muli %parallel_loop3A_302, %parallel_loop3A_303 : i32
        %parallel_loop3A_305 = arith.constant 16 : i32
        %parallel_loop3A_306 = arith.addi %parallel_loop3A_304, %parallel_loop3A_305 : i32
        %parallel_loop3A_307 = arith.index_cast %parallel_loop3A_306 : i32 to index
        %parallel_loop3A_308 = tpu.vector_load %arg20[%parallel_loop3A_307] {strides = array<i32>} : memref<5120xf32, #tpu.memory_space<vmem>>, vector<16xf32>,
        %parallel_loop3A_309 = vector.shape_cast %parallel_loop3A_308 : vector<16xf32> to vector<16xf32>
        %parallel_loop3A_310 = vector.shape_cast %parallel_loop3A_300 : vector<16xf32> to vector<16xf32>
        tpu.vector_store %arg20[%parallel_loop3A_307], %parallel_loop3A_310 {strides = array<i32>} : memref<5120xf32, #tpu.memory_space<vmem>>, vector<16xf32>,
        %parallel_loop3A_311 = arith.constant 2 : i32
        %parallel_loop3A_312 = arith.addi %parallel_loop3A_242, %parallel_loop3A_311 : i32
        %parallel_loop3A_313 = arith.index_cast %parallel_loop3A_312 : i32 to index
        %parallel_loop3A_314 = arith.constant 0 : index
        %parallel_loop3A_315 = tpu.vector_load %arg12[%parallel_loop3A_313, %parallel_loop3A_314] {strides = array<i32>} : memref<160x32xf32, #tpu.memory_space<vmem>>, vector<1x16xf32>,
        %parallel_loop3A_316 = vector.shape_cast %parallel_loop3A_315 : vector<1x16xf32> to vector<16xf32>
        %parallel_loop3A_317 = math.exp %parallel_loop3A_316 : vector<16xf32>
        %parallel_loop3A_318 = arith.constant 2 : i32
        %parallel_loop3A_319 = arith.addi %parallel_loop3A_242, %parallel_loop3A_318 : i32
        %parallel_loop3A_320 = arith.constant 32 : i32
        %parallel_loop3A_321 = arith.muli %parallel_loop3A_319, %parallel_loop3A_320 : i32
        %parallel_loop3A_322 = arith.constant 0 : i32
        %parallel_loop3A_323 = arith.addi %parallel_loop3A_321, %parallel_loop3A_322 : i32
        %parallel_loop3A_324 = arith.index_cast %parallel_loop3A_323 : i32 to index
        %parallel_loop3A_325 = tpu.vector_load %arg20[%parallel_loop3A_324] {strides = array<i32>} : memref<5120xf32, #tpu.memory_space<vmem>>, vector<16xf32>,
        %parallel_loop3A_326 = vector.shape_cast %parallel_loop3A_325 : vector<16xf32> to vector<16xf32>
        %parallel_loop3A_327 = vector.shape_cast %parallel_loop3A_317 : vector<16xf32> to vector<16xf32>
        tpu.vector_store %arg20[%parallel_loop3A_324], %parallel_loop3A_327 {strides = array<i32>} : memref<5120xf32, #tpu.memory_space<vmem>>, vector<16xf32>,
        %parallel_loop3A_328 = arith.constant 2 : i32
        %parallel_loop3A_329 = arith.addi %parallel_loop3A_242, %parallel_loop3A_328 : i32
        %parallel_loop3A_330 = arith.index_cast %parallel_loop3A_329 : i32 to index
        %parallel_loop3A_331 = arith.constant 16 : index
        %parallel_loop3A_332 = tpu.vector_load %arg12[%parallel_loop3A_330, %parallel_loop3A_331] {strides = array<i32>} : memref<160x32xf32, #tpu.memory_space<vmem>>, vector<1x16xf32>,
        %parallel_loop3A_333 = vector.shape_cast %parallel_loop3A_332 : vector<1x16xf32> to vector<16xf32>
        %parallel_loop3A_334 = math.exp %parallel_loop3A_333 : vector<16xf32>
        %parallel_loop3A_335 = arith.constant 2 : i32
        %parallel_loop3A_336 = arith.addi %parallel_loop3A_242, %parallel_loop3A_335 : i32
        %parallel_loop3A_337 = arith.constant 32 : i32
        %parallel_loop3A_338 = arith.muli %parallel_loop3A_336, %parallel_loop3A_337 : i32
        %parallel_loop3A_339 = arith.constant 16 : i32
        %parallel_loop3A_340 = arith.addi %parallel_loop3A_338, %parallel_loop3A_339 : i32
        %parallel_loop3A_341 = arith.index_cast %parallel_loop3A_340 : i32 to index
        %parallel_loop3A_342 = tpu.vector_load %arg20[%parallel_loop3A_341] {strides = array<i32>} : memref<5120xf32, #tpu.memory_space<vmem>>, vector<16xf32>,
        %parallel_loop3A_343 = vector.shape_cast %parallel_loop3A_342 : vector<16xf32> to vector<16xf32>
        %parallel_loop3A_344 = vector.shape_cast %parallel_loop3A_334 : vector<16xf32> to vector<16xf32>
        tpu.vector_store %arg20[%parallel_loop3A_341], %parallel_loop3A_344 {strides = array<i32>} : memref<5120xf32, #tpu.memory_space<vmem>>, vector<16xf32>,
        %parallel_loop3A_345 = arith.constant 3 : i32
        %parallel_loop3A_346 = arith.addi %parallel_loop3A_242, %parallel_loop3A_345 : i32
        %parallel_loop3A_347 = arith.index_cast %parallel_loop3A_346 : i32 to index
        %parallel_loop3A_348 = arith.constant 0 : index
        %parallel_loop3A_349 = tpu.vector_load %arg12[%parallel_loop3A_347, %parallel_loop3A_348] {strides = array<i32>} : memref<160x32xf32, #tpu.memory_space<vmem>>, vector<1x16xf32>,
        %parallel_loop3A_350 = vector.shape_cast %parallel_loop3A_349 : vector<1x16xf32> to vector<16xf32>
        %parallel_loop3A_351 = math.exp %parallel_loop3A_350 : vector<16xf32>
        %parallel_loop3A_352 = arith.constant 3 : i32
        %parallel_loop3A_353 = arith.addi %parallel_loop3A_242, %parallel_loop3A_352 : i32
        %parallel_loop3A_354 = arith.constant 32 : i32
        %parallel_loop3A_355 = arith.muli %parallel_loop3A_353, %parallel_loop3A_354 : i32
        %parallel_loop3A_356 = arith.constant 0 : i32
        %parallel_loop3A_357 = arith.addi %parallel_loop3A_355, %parallel_loop3A_356 : i32
        %parallel_loop3A_358 = arith.index_cast %parallel_loop3A_357 : i32 to index
        %parallel_loop3A_359 = tpu.vector_load %arg20[%parallel_loop3A_358] {strides = array<i32>} : memref<5120xf32, #tpu.memory_space<vmem>>, vector<16xf32>,
        %parallel_loop3A_360 = vector.shape_cast %parallel_loop3A_359 : vector<16xf32> to vector<16xf32>
        %parallel_loop3A_361 = vector.shape_cast %parallel_loop3A_351 : vector<16xf32> to vector<16xf32>
        tpu.vector_store %arg20[%parallel_loop3A_358], %parallel_loop3A_361 {strides = array<i32>} : memref<5120xf32, #tpu.memory_space<vmem>>, vector<16xf32>,
        %parallel_loop3A_362 = arith.constant 3 : i32
        %parallel_loop3A_363 = arith.addi %parallel_loop3A_242, %parallel_loop3A_362 : i32
        %parallel_loop3A_364 = arith.index_cast %parallel_loop3A_363 : i32 to index
        %parallel_loop3A_365 = arith.constant 16 : index
        %parallel_loop3A_366 = tpu.vector_load %arg12[%parallel_loop3A_364, %parallel_loop3A_365] {strides = array<i32>} : memref<160x32xf32, #tpu.memory_space<vmem>>, vector<1x16xf32>,
        %parallel_loop3A_367 = vector.shape_cast %parallel_loop3A_366 : vector<1x16xf32> to vector<16xf32>
        %parallel_loop3A_368 = math.exp %parallel_loop3A_367 : vector<16xf32>
        %parallel_loop3A_369 = arith.constant 3 : i32
        %parallel_loop3A_370 = arith.addi %parallel_loop3A_242, %parallel_loop3A_369 : i32
        %parallel_loop3A_371 = arith.constant 32 : i32
        %parallel_loop3A_372 = arith.muli %parallel_loop3A_370, %parallel_loop3A_371 : i32
        %parallel_loop3A_373 = arith.constant 16 : i32
        %parallel_loop3A_374 = arith.addi %parallel_loop3A_372, %parallel_loop3A_373 : i32
        %parallel_loop3A_375 = arith.index_cast %parallel_loop3A_374 : i32 to index
        %parallel_loop3A_376 = tpu.vector_load %arg20[%parallel_loop3A_375] {strides = array<i32>} : memref<5120xf32, #tpu.memory_space<vmem>>, vector<16xf32>,
        %parallel_loop3A_377 = vector.shape_cast %parallel_loop3A_376 : vector<16xf32> to vector<16xf32>
        %parallel_loop3A_378 = vector.shape_cast %parallel_loop3A_368 : vector<16xf32> to vector<16xf32>
        tpu.vector_store %arg20[%parallel_loop3A_375], %parallel_loop3A_378 {strides = array<i32>} : memref<5120xf32, #tpu.memory_space<vmem>>, vector<16xf32>,
      } {sc.loop_unroll_factor = 1 : i64, sc.parallel_access}
      %add3A_103 = arith.addi %multiple_of3A_7, %multiple_of3A_77 : i32
      %dma_start3A_104 = tpu.memref_slice %arg6[%add3A_103] : memref<26214400xf32, #tpu.memory_space<hbm>> -> memref<5120xf32, #tpu.memory_space<hbm>>
      %dma_start3A_105 = tpu.memref_slice %arg6[%add3A_103] : memref<26214400xf32, #tpu.memory_space<hbm>> -> memref<5120xf32, #tpu.memory_space<hbm>>
      tpu.enqueue_dma source(%arg20 : memref<5120xf32, #tpu.memory_space<vmem>>) target(%dma_start3A_105 : memref<5120xf32, #tpu.memory_space<hbm>>) target_semaphore(%arg36 : memref<!tpu.dma_semaphore, #tpu.memory_space<semaphore_mem>>)
      %lt3A = arith.constant 39 : i32
      %lt3A_106 = arith.cmpi slt, %add3A_70, %lt3A : i32
      %convert_element_type3A_107 = arith.extui %lt3A_106 : i1 to i32
      %cond3A_108 = arith.constant 0 : i32
      %cond3A_109 = arith.cmpi ne, %convert_element_type3A_107, %cond3A_108 : i32
      scf.if %cond3A_109 {
        %add3A_242 = arith.constant 1 : i32
        %add3A_243 = arith.addi %add3A_70, %add3A_242 : i32
        %mul3A_244 = arith.constant 4 : i32
        %mul3A_245 = arith.muli %add3A_243, %mul3A_244 : i32
        %add3A_246 = arith.constant 0 : i32
        %add3A_247 = arith.addi %mul3A_245, %add3A_246 : i32
        %mul3A_248 = arith.constant 160 : i32
        %mul3A_249 = arith.muli %add3A_247, %mul3A_248 : i32
        %multiple_of3A_250 = tpu.assume_multiple %mul3A_249, 8 : i32
        %dma_start3A_251 = tpu.memref_slice %arg7[%multiple_of3A_250] : memref<25600xi32, #tpu.memory_space<vmem>> -> memref<160xi32, #tpu.memory_space<vmem>>
        %dma_start3A_252 = arith.constant 0 : i32
        %dma_start3A_253 = arith.constant 0 : i32
        %dma_start3A_254 = tpu.memref_slice %arg3[%dma_start3A_252, %dma_start3A_253] : memref<1000000x32xf32, #tpu.memory_space<hbm>> -> memref<1000000x32xf32, #tpu.memory_space<hbm>>
        tpu.enqueue_indirect_dma source(%dma_start3A_254 : memref<1000000x32xf32, #tpu.memory_space<hbm>>) target(%arg8 : memref<160x32xf32, #tpu.memory_space<vmem>>) offsets(%dma_start3A_251 : memref<160xi32, #tpu.memory_space<vmem>>) semaphore(%arg24 : memref<!tpu.dma_semaphore, #tpu.memory_space<semaphore_mem>>)
        %dma_start3A_255 = tpu.memref_slice %arg7[%multiple_of3A_250] : memref<25600xi32, #tpu.memory_space<vmem>> -> memref<160xi32, #tpu.memory_space<vmem>>
        %dma_start3A_256 = arith.constant 0 : i32
        %dma_start3A_257 = arith.constant 0 : i32
        %dma_start3A_258 = tpu.memref_slice %arg4[%dma_start3A_256, %dma_start3A_257] : memref<1000000x32xf32, #tpu.memory_space<hbm>> -> memref<1000000x32xf32, #tpu.memory_space<hbm>>
        tpu.enqueue_indirect_dma source(%dma_start3A_258 : memref<1000000x32xf32, #tpu.memory_space<hbm>>) target(%arg12 : memref<160x32xf32, #tpu.memory_space<vmem>>) offsets(%dma_start3A_255 : memref<160xi32, #tpu.memory_space<vmem>>) semaphore(%arg28 : memref<!tpu.dma_semaphore, #tpu.memory_space<semaphore_mem>>)
      } else {
      }
      %mul3A_110 = arith.constant 4 : i32
      %mul3A_111 = arith.muli %add3A_70, %mul3A_110 : i32
      %add3A_112 = arith.constant 1 : i32
      %add3A_113 = arith.addi %mul3A_111, %add3A_112 : i32
      %mul3A_114 = arith.constant 5120 : i32
      %mul3A_115 = arith.muli %add3A_113, %mul3A_114 : i32
      %multiple_of3A_116 = tpu.assume_multiple %mul3A_115, 8 : i32
      %dma_wait3A_117 = arith.constant 0 : i32
      %dma_wait3A_118 = tpu.memref_slice %arg7[%dma_wait3A_117] : memref<25600xi32, #tpu.memory_space<vmem>> -> memref<160xi32, #tpu.memory_space<vmem>>
      %dma_wait3A_119 = arith.constant 0 : i32
      %dma_wait3A_120 = arith.constant 0 : i32
      %dma_wait3A_121 = tpu.memref_slice %arg3[%dma_wait3A_119, %dma_wait3A_120] : memref<1000000x32xf32, #tpu.memory_space<hbm>> -> memref<1000000x32xf32, #tpu.memory_space<hbm>>
      tpu.wait_indirect_dma semaphore(%arg25 : memref<!tpu.dma_semaphore, #tpu.memory_space<semaphore_mem>>) src(%dma_wait3A_121 : memref<1000000x32xf32, #tpu.memory_space<hbm>>) dst(%arg9 : memref<160x32xf32, #tpu.memory_space<vmem>>)
      %gt3A_122 = arith.constant 0 : i32
      %gt3A_123 = arith.cmpi sgt, %add3A_70, %gt3A_122 : i32
      %convert_element_type3A_124 = arith.extui %gt3A_123 : i1 to i32
      %cond3A_125 = arith.constant 0 : i32
      %cond3A_126 = arith.cmpi ne, %convert_element_type3A_124, %cond3A_125 : i32
      scf.if %cond3A_126 {
        %dma_wait3A_242 = tpu.memref_slice %arg5[%multiple_of3A_7] : memref<26214400xf32, #tpu.memory_space<hbm>> -> memref<5120xf32, #tpu.memory_space<hbm>>
        %dma_wait3A_243 = tpu.memref_slice %arg5[%multiple_of3A_7] : memref<26214400xf32, #tpu.memory_space<hbm>> -> memref<5120xf32, #tpu.memory_space<hbm>>
        tpu.wait_dma2 semaphore(%arg33 : memref<!tpu.dma_semaphore, #tpu.memory_space<semaphore_mem>>) src(%arg17 : memref<5120xf32, #tpu.memory_space<vmem>>) dst(%dma_wait3A_243 : memref<5120xf32, #tpu.memory_space<hbm>>)
      } else {
      }
      %parallel_loop3A_127 = arith.constant 0 : i32
      %parallel_loop3A_128 = arith.constant 160 : i32
      %parallel_loop3A_129 = arith.constant 4 : i32
      scf.for %parallel_loop3A_242 = %parallel_loop3A_127 to %parallel_loop3A_128 step %parallel_loop3A_129  : i32 {
        %parallel_loop3A_243 = arith.constant 0 : i32
        %parallel_loop3A_244 = arith.addi %parallel_loop3A_242, %parallel_loop3A_243 : i32
        %parallel_loop3A_245 = arith.index_cast %parallel_loop3A_244 : i32 to index
        %parallel_loop3A_246 = arith.constant 0 : index
        %parallel_loop3A_247 = tpu.vector_load %arg9[%parallel_loop3A_245, %parallel_loop3A_246] {strides = array<i32>} : memref<160x32xf32, #tpu.memory_space<vmem>>, vector<1x16xf32>,
        %parallel_loop3A_248 = vector.shape_cast %parallel_loop3A_247 : vector<1x16xf32> to vector<16xf32>
        %parallel_loop3A_249 = arith.constant 0 : i32
        %parallel_loop3A_250 = arith.addi %parallel_loop3A_242, %parallel_loop3A_249 : i32
        %parallel_loop3A_251 = arith.constant 32 : i32
        %parallel_loop3A_252 = arith.muli %parallel_loop3A_250, %parallel_loop3A_251 : i32
        %parallel_loop3A_253 = arith.constant 0 : i32
        %parallel_loop3A_254 = arith.addi %parallel_loop3A_252, %parallel_loop3A_253 : i32
        %parallel_loop3A_255 = arith.index_cast %parallel_loop3A_254 : i32 to index
        %parallel_loop3A_256 = tpu.vector_load %arg17[%parallel_loop3A_255] {strides = array<i32>} : memref<5120xf32, #tpu.memory_space<vmem>>, vector<16xf32>,
        %parallel_loop3A_257 = vector.shape_cast %parallel_loop3A_256 : vector<16xf32> to vector<16xf32>
        %parallel_loop3A_258 = vector.shape_cast %parallel_loop3A_248 : vector<16xf32> to vector<16xf32>
        tpu.vector_store %arg17[%parallel_loop3A_255], %parallel_loop3A_258 {strides = array<i32>} : memref<5120xf32, #tpu.memory_space<vmem>>, vector<16xf32>,
        %parallel_loop3A_259 = arith.constant 0 : i32
        %parallel_loop3A_260 = arith.addi %parallel_loop3A_242, %parallel_loop3A_259 : i32
        %parallel_loop3A_261 = arith.index_cast %parallel_loop3A_260 : i32 to index
        %parallel_loop3A_262 = arith.constant 16 : index
        %parallel_loop3A_263 = tpu.vector_load %arg9[%parallel_loop3A_261, %parallel_loop3A_262] {strides = array<i32>} : memref<160x32xf32, #tpu.memory_space<vmem>>, vector<1x16xf32>,
        %parallel_loop3A_264 = vector.shape_cast %parallel_loop3A_263 : vector<1x16xf32> to vector<16xf32>
        %parallel_loop3A_265 = arith.constant 0 : i32
        %parallel_loop3A_266 = arith.addi %parallel_loop3A_242, %parallel_loop3A_265 : i32
        %parallel_loop3A_267 = arith.constant 32 : i32
        %parallel_loop3A_268 = arith.muli %parallel_loop3A_266, %parallel_loop3A_267 : i32
        %parallel_loop3A_269 = arith.constant 16 : i32
        %parallel_loop3A_270 = arith.addi %parallel_loop3A_268, %parallel_loop3A_269 : i32
        %parallel_loop3A_271 = arith.index_cast %parallel_loop3A_270 : i32 to index
        %parallel_loop3A_272 = tpu.vector_load %arg17[%parallel_loop3A_271] {strides = array<i32>} : memref<5120xf32, #tpu.memory_space<vmem>>, vector<16xf32>,
        %parallel_loop3A_273 = vector.shape_cast %parallel_loop3A_272 : vector<16xf32> to vector<16xf32>
        %parallel_loop3A_274 = vector.shape_cast %parallel_loop3A_264 : vector<16xf32> to vector<16xf32>
        tpu.vector_store %arg17[%parallel_loop3A_271], %parallel_loop3A_274 {strides = array<i32>} : memref<5120xf32, #tpu.memory_space<vmem>>, vector<16xf32>,
        %parallel_loop3A_275 = arith.constant 1 : i32
        %parallel_loop3A_276 = arith.addi %parallel_loop3A_242, %parallel_loop3A_275 : i32
        %parallel_loop3A_277 = arith.index_cast %parallel_loop3A_276 : i32 to index
        %parallel_loop3A_278 = arith.constant 0 : index
        %parallel_loop3A_279 = tpu.vector_load %arg9[%parallel_loop3A_277, %parallel_loop3A_278] {strides = array<i32>} : memref<160x32xf32, #tpu.memory_space<vmem>>, vector<1x16xf32>,
        %parallel_loop3A_280 = vector.shape_cast %parallel_loop3A_279 : vector<1x16xf32> to vector<16xf32>
        %parallel_loop3A_281 = arith.constant 1 : i32
        %parallel_loop3A_282 = arith.addi %parallel_loop3A_242, %parallel_loop3A_281 : i32
        %parallel_loop3A_283 = arith.constant 32 : i32
        %parallel_loop3A_284 = arith.muli %parallel_loop3A_282, %parallel_loop3A_283 : i32
        %parallel_loop3A_285 = arith.constant 0 : i32
        %parallel_loop3A_286 = arith.addi %parallel_loop3A_284, %parallel_loop3A_285 : i32
        %parallel_loop3A_287 = arith.index_cast %parallel_loop3A_286 : i32 to index
        %parallel_loop3A_288 = tpu.vector_load %arg17[%parallel_loop3A_287] {strides = array<i32>} : memref<5120xf32, #tpu.memory_space<vmem>>, vector<16xf32>,
        %parallel_loop3A_289 = vector.shape_cast %parallel_loop3A_288 : vector<16xf32> to vector<16xf32>
        %parallel_loop3A_290 = vector.shape_cast %parallel_loop3A_280 : vector<16xf32> to vector<16xf32>
        tpu.vector_store %arg17[%parallel_loop3A_287], %parallel_loop3A_290 {strides = array<i32>} : memref<5120xf32, #tpu.memory_space<vmem>>, vector<16xf32>,
        %parallel_loop3A_291 = arith.constant 1 : i32
        %parallel_loop3A_292 = arith.addi %parallel_loop3A_242, %parallel_loop3A_291 : i32
        %parallel_loop3A_293 = arith.index_cast %parallel_loop3A_292 : i32 to index
        %parallel_loop3A_294 = arith.constant 16 : index
        %parallel_loop3A_295 = tpu.vector_load %arg9[%parallel_loop3A_293, %parallel_loop3A_294] {strides = array<i32>} : memref<160x32xf32, #tpu.memory_space<vmem>>, vector<1x16xf32>,
        %parallel_loop3A_296 = vector.shape_cast %parallel_loop3A_295 : vector<1x16xf32> to vector<16xf32>
        %parallel_loop3A_297 = arith.constant 1 : i32
        %parallel_loop3A_298 = arith.addi %parallel_loop3A_242, %parallel_loop3A_297 : i32
        %parallel_loop3A_299 = arith.constant 32 : i32
        %parallel_loop3A_300 = arith.muli %parallel_loop3A_298, %parallel_loop3A_299 : i32
        %parallel_loop3A_301 = arith.constant 16 : i32
        %parallel_loop3A_302 = arith.addi %parallel_loop3A_300, %parallel_loop3A_301 : i32
        %parallel_loop3A_303 = arith.index_cast %parallel_loop3A_302 : i32 to index
        %parallel_loop3A_304 = tpu.vector_load %arg17[%parallel_loop3A_303] {strides = array<i32>} : memref<5120xf32, #tpu.memory_space<vmem>>, vector<16xf32>,
        %parallel_loop3A_305 = vector.shape_cast %parallel_loop3A_304 : vector<16xf32> to vector<16xf32>
        %parallel_loop3A_306 = vector.shape_cast %parallel_loop3A_296 : vector<16xf32> to vector<16xf32>
        tpu.vector_store %arg17[%parallel_loop3A_303], %parallel_loop3A_306 {strides = array<i32>} : memref<5120xf32, #tpu.memory_space<vmem>>, vector<16xf32>,
        %parallel_loop3A_307 = arith.constant 2 : i32
        %parallel_loop3A_308 = arith.addi %parallel_loop3A_242, %parallel_loop3A_307 : i32
        %parallel_loop3A_309 = arith.index_cast %parallel_loop3A_308 : i32 to index
        %parallel_loop3A_310 = arith.constant 0 : index
        %parallel_loop3A_311 = tpu.vector_load %arg9[%parallel_loop3A_309, %parallel_loop3A_310] {strides = array<i32>} : memref<160x32xf32, #tpu.memory_space<vmem>>, vector<1x16xf32>,
        %parallel_loop3A_312 = vector.shape_cast %parallel_loop3A_311 : vector<1x16xf32> to vector<16xf32>
        %parallel_loop3A_313 = arith.constant 2 : i32
        %parallel_loop3A_314 = arith.addi %parallel_loop3A_242, %parallel_loop3A_313 : i32
        %parallel_loop3A_315 = arith.constant 32 : i32
        %parallel_loop3A_316 = arith.muli %parallel_loop3A_314, %parallel_loop3A_315 : i32
        %parallel_loop3A_317 = arith.constant 0 : i32
        %parallel_loop3A_318 = arith.addi %parallel_loop3A_316, %parallel_loop3A_317 : i32
        %parallel_loop3A_319 = arith.index_cast %parallel_loop3A_318 : i32 to index
        %parallel_loop3A_320 = tpu.vector_load %arg17[%parallel_loop3A_319] {strides = array<i32>} : memref<5120xf32, #tpu.memory_space<vmem>>, vector<16xf32>,
        %parallel_loop3A_321 = vector.shape_cast %parallel_loop3A_320 : vector<16xf32> to vector<16xf32>
        %parallel_loop3A_322 = vector.shape_cast %parallel_loop3A_312 : vector<16xf32> to vector<16xf32>
        tpu.vector_store %arg17[%parallel_loop3A_319], %parallel_loop3A_322 {strides = array<i32>} : memref<5120xf32, #tpu.memory_space<vmem>>, vector<16xf32>,
        %parallel_loop3A_323 = arith.constant 2 : i32
        %parallel_loop3A_324 = arith.addi %parallel_loop3A_242, %parallel_loop3A_323 : i32
        %parallel_loop3A_325 = arith.index_cast %parallel_loop3A_324 : i32 to index
        %parallel_loop3A_326 = arith.constant 16 : index
        %parallel_loop3A_327 = tpu.vector_load %arg9[%parallel_loop3A_325, %parallel_loop3A_326] {strides = array<i32>} : memref<160x32xf32, #tpu.memory_space<vmem>>, vector<1x16xf32>,
        %parallel_loop3A_328 = vector.shape_cast %parallel_loop3A_327 : vector<1x16xf32> to vector<16xf32>
        %parallel_loop3A_329 = arith.constant 2 : i32
        %parallel_loop3A_330 = arith.addi %parallel_loop3A_242, %parallel_loop3A_329 : i32
        %parallel_loop3A_331 = arith.constant 32 : i32
        %parallel_loop3A_332 = arith.muli %parallel_loop3A_330, %parallel_loop3A_331 : i32
        %parallel_loop3A_333 = arith.constant 16 : i32
        %parallel_loop3A_334 = arith.addi %parallel_loop3A_332, %parallel_loop3A_333 : i32
        %parallel_loop3A_335 = arith.index_cast %parallel_loop3A_334 : i32 to index
        %parallel_loop3A_336 = tpu.vector_load %arg17[%parallel_loop3A_335] {strides = array<i32>} : memref<5120xf32, #tpu.memory_space<vmem>>, vector<16xf32>,
        %parallel_loop3A_337 = vector.shape_cast %parallel_loop3A_336 : vector<16xf32> to vector<16xf32>
        %parallel_loop3A_338 = vector.shape_cast %parallel_loop3A_328 : vector<16xf32> to vector<16xf32>
        tpu.vector_store %arg17[%parallel_loop3A_335], %parallel_loop3A_338 {strides = array<i32>} : memref<5120xf32, #tpu.memory_space<vmem>>, vector<16xf32>,
        %parallel_loop3A_339 = arith.constant 3 : i32
        %parallel_loop3A_340 = arith.addi %parallel_loop3A_242, %parallel_loop3A_339 : i32
        %parallel_loop3A_341 = arith.index_cast %parallel_loop3A_340 : i32 to index
        %parallel_loop3A_342 = arith.constant 0 : index
        %parallel_loop3A_343 = tpu.vector_load %arg9[%parallel_loop3A_341, %parallel_loop3A_342] {strides = array<i32>} : memref<160x32xf32, #tpu.memory_space<vmem>>, vector<1x16xf32>,
        %parallel_loop3A_344 = vector.shape_cast %parallel_loop3A_343 : vector<1x16xf32> to vector<16xf32>
        %parallel_loop3A_345 = arith.constant 3 : i32
        %parallel_loop3A_346 = arith.addi %parallel_loop3A_242, %parallel_loop3A_345 : i32
        %parallel_loop3A_347 = arith.constant 32 : i32
        %parallel_loop3A_348 = arith.muli %parallel_loop3A_346, %parallel_loop3A_347 : i32
        %parallel_loop3A_349 = arith.constant 0 : i32
        %parallel_loop3A_350 = arith.addi %parallel_loop3A_348, %parallel_loop3A_349 : i32
        %parallel_loop3A_351 = arith.index_cast %parallel_loop3A_350 : i32 to index
        %parallel_loop3A_352 = tpu.vector_load %arg17[%parallel_loop3A_351] {strides = array<i32>} : memref<5120xf32, #tpu.memory_space<vmem>>, vector<16xf32>,
        %parallel_loop3A_353 = vector.shape_cast %parallel_loop3A_352 : vector<16xf32> to vector<16xf32>
        %parallel_loop3A_354 = vector.shape_cast %parallel_loop3A_344 : vector<16xf32> to vector<16xf32>
        tpu.vector_store %arg17[%parallel_loop3A_351], %parallel_loop3A_354 {strides = array<i32>} : memref<5120xf32, #tpu.memory_space<vmem>>, vector<16xf32>,
        %parallel_loop3A_355 = arith.constant 3 : i32
        %parallel_loop3A_356 = arith.addi %parallel_loop3A_242, %parallel_loop3A_355 : i32
        %parallel_loop3A_357 = arith.index_cast %parallel_loop3A_356 : i32 to index
        %parallel_loop3A_358 = arith.constant 16 : index
        %parallel_loop3A_359 = tpu.vector_load %arg9[%parallel_loop3A_357, %parallel_loop3A_358] {strides = array<i32>} : memref<160x32xf32, #tpu.memory_space<vmem>>, vector<1x16xf32>,
        %parallel_loop3A_360 = vector.shape_cast %parallel_loop3A_359 : vector<1x16xf32> to vector<16xf32>
        %parallel_loop3A_361 = arith.constant 3 : i32
        %parallel_loop3A_362 = arith.addi %parallel_loop3A_242, %parallel_loop3A_361 : i32
        %parallel_loop3A_363 = arith.constant 32 : i32
        %parallel_loop3A_364 = arith.muli %parallel_loop3A_362, %parallel_loop3A_363 : i32
        %parallel_loop3A_365 = arith.constant 16 : i32
        %parallel_loop3A_366 = arith.addi %parallel_loop3A_364, %parallel_loop3A_365 : i32
        %parallel_loop3A_367 = arith.index_cast %parallel_loop3A_366 : i32 to index
        %parallel_loop3A_368 = tpu.vector_load %arg17[%parallel_loop3A_367] {strides = array<i32>} : memref<5120xf32, #tpu.memory_space<vmem>>, vector<16xf32>,
        %parallel_loop3A_369 = vector.shape_cast %parallel_loop3A_368 : vector<16xf32> to vector<16xf32>
        %parallel_loop3A_370 = vector.shape_cast %parallel_loop3A_360 : vector<16xf32> to vector<16xf32>
        tpu.vector_store %arg17[%parallel_loop3A_367], %parallel_loop3A_370 {strides = array<i32>} : memref<5120xf32, #tpu.memory_space<vmem>>, vector<16xf32>,
      } {sc.loop_unroll_factor = 1 : i64, sc.parallel_access}
      %add3A_130 = arith.addi %multiple_of3A_7, %multiple_of3A_116 : i32
      %dma_start3A_131 = tpu.memref_slice %arg5[%add3A_130] : memref<26214400xf32, #tpu.memory_space<hbm>> -> memref<5120xf32, #tpu.memory_space<hbm>>
      %dma_start3A_132 = tpu.memref_slice %arg5[%add3A_130] : memref<26214400xf32, #tpu.memory_space<hbm>> -> memref<5120xf32, #tpu.memory_space<hbm>>
      tpu.enqueue_dma source(%arg17 : memref<5120xf32, #tpu.memory_space<vmem>>) target(%dma_start3A_132 : memref<5120xf32, #tpu.memory_space<hbm>>) target_semaphore(%arg33 : memref<!tpu.dma_semaphore, #tpu.memory_space<semaphore_mem>>)
      %dma_wait3A_133 = arith.constant 0 : i32
      %dma_wait3A_134 = tpu.memref_slice %arg7[%dma_wait3A_133] : memref<25600xi32, #tpu.memory_space<vmem>> -> memref<160xi32, #tpu.memory_space<vmem>>
      %dma_wait3A_135 = arith.constant 0 : i32
      %dma_wait3A_136 = arith.constant 0 : i32
      %dma_wait3A_137 = tpu.memref_slice %arg4[%dma_wait3A_135, %dma_wait3A_136] : memref<1000000x32xf32, #tpu.memory_space<hbm>> -> memref<1000000x32xf32, #tpu.memory_space<hbm>>
      tpu.wait_indirect_dma semaphore(%arg29 : memref<!tpu.dma_semaphore, #tpu.memory_space<semaphore_mem>>) src(%dma_wait3A_137 : memref<1000000x32xf32, #tpu.memory_space<hbm>>) dst(%arg13 : memref<160x32xf32, #tpu.memory_space<vmem>>)
      %gt3A_138 = arith.constant 0 : i32
      %gt3A_139 = arith.cmpi sgt, %add3A_70, %gt3A_138 : i32
      %convert_element_type3A_140 = arith.extui %gt3A_139 : i1 to i32
      %cond3A_141 = arith.constant 0 : i32
      %cond3A_142 = arith.cmpi ne, %convert_element_type3A_140, %cond3A_141 : i32
      scf.if %cond3A_142 {
        %dma_wait3A_242 = tpu.memref_slice %arg6[%multiple_of3A_7] : memref<26214400xf32, #tpu.memory_space<hbm>> -> memref<5120xf32, #tpu.memory_space<hbm>>
        %dma_wait3A_243 = tpu.memref_slice %arg6[%multiple_of3A_7] : memref<26214400xf32, #tpu.memory_space<hbm>> -> memref<5120xf32, #tpu.memory_space<hbm>>
        tpu.wait_dma2 semaphore(%arg37 : memref<!tpu.dma_semaphore, #tpu.memory_space<semaphore_mem>>) src(%arg21 : memref<5120xf32, #tpu.memory_space<vmem>>) dst(%dma_wait3A_243 : memref<5120xf32, #tpu.memory_space<hbm>>)
      } else {
      }
      %parallel_loop3A_143 = arith.constant 0 : i32
      %parallel_loop3A_144 = arith.constant 160 : i32
      %parallel_loop3A_145 = arith.constant 4 : i32
      scf.for %parallel_loop3A_242 = %parallel_loop3A_143 to %parallel_loop3A_144 step %parallel_loop3A_145  : i32 {
        %parallel_loop3A_243 = arith.constant 0 : i32
        %parallel_loop3A_244 = arith.addi %parallel_loop3A_242, %parallel_loop3A_243 : i32
        %parallel_loop3A_245 = arith.index_cast %parallel_loop3A_244 : i32 to index
        %parallel_loop3A_246 = arith.constant 0 : index
        %parallel_loop3A_247 = tpu.vector_load %arg13[%parallel_loop3A_245, %parallel_loop3A_246] {strides = array<i32>} : memref<160x32xf32, #tpu.memory_space<vmem>>, vector<1x16xf32>,
        %parallel_loop3A_248 = vector.shape_cast %parallel_loop3A_247 : vector<1x16xf32> to vector<16xf32>
        %parallel_loop3A_249 = math.exp %parallel_loop3A_248 : vector<16xf32>
        %parallel_loop3A_250 = arith.constant 0 : i32
        %parallel_loop3A_251 = arith.addi %parallel_loop3A_242, %parallel_loop3A_250 : i32
        %parallel_loop3A_252 = arith.constant 32 : i32
        %parallel_loop3A_253 = arith.muli %parallel_loop3A_251, %parallel_loop3A_252 : i32
        %parallel_loop3A_254 = arith.constant 0 : i32
        %parallel_loop3A_255 = arith.addi %parallel_loop3A_253, %parallel_loop3A_254 : i32
        %parallel_loop3A_256 = arith.index_cast %parallel_loop3A_255 : i32 to index
        %parallel_loop3A_257 = tpu.vector_load %arg21[%parallel_loop3A_256] {strides = array<i32>} : memref<5120xf32, #tpu.memory_space<vmem>>, vector<16xf32>,
        %parallel_loop3A_258 = vector.shape_cast %parallel_loop3A_257 : vector<16xf32> to vector<16xf32>
        %parallel_loop3A_259 = vector.shape_cast %parallel_loop3A_249 : vector<16xf32> to vector<16xf32>
        tpu.vector_store %arg21[%parallel_loop3A_256], %parallel_loop3A_259 {strides = array<i32>} : memref<5120xf32, #tpu.memory_space<vmem>>, vector<16xf32>,
        %parallel_loop3A_260 = arith.constant 0 : i32
        %parallel_loop3A_261 = arith.addi %parallel_loop3A_242, %parallel_loop3A_260 : i32
        %parallel_loop3A_262 = arith.index_cast %parallel_loop3A_261 : i32 to index
        %parallel_loop3A_263 = arith.constant 16 : index
        %parallel_loop3A_264 = tpu.vector_load %arg13[%parallel_loop3A_262, %parallel_loop3A_263] {strides = array<i32>} : memref<160x32xf32, #tpu.memory_space<vmem>>, vector<1x16xf32>,
        %parallel_loop3A_265 = vector.shape_cast %parallel_loop3A_264 : vector<1x16xf32> to vector<16xf32>
        %parallel_loop3A_266 = math.exp %parallel_loop3A_265 : vector<16xf32>
        %parallel_loop3A_267 = arith.constant 0 : i32
        %parallel_loop3A_268 = arith.addi %parallel_loop3A_242, %parallel_loop3A_267 : i32
        %parallel_loop3A_269 = arith.constant 32 : i32
        %parallel_loop3A_270 = arith.muli %parallel_loop3A_268, %parallel_loop3A_269 : i32
        %parallel_loop3A_271 = arith.constant 16 : i32
        %parallel_loop3A_272 = arith.addi %parallel_loop3A_270, %parallel_loop3A_271 : i32
        %parallel_loop3A_273 = arith.index_cast %parallel_loop3A_272 : i32 to index
        %parallel_loop3A_274 = tpu.vector_load %arg21[%parallel_loop3A_273] {strides = array<i32>} : memref<5120xf32, #tpu.memory_space<vmem>>, vector<16xf32>,
        %parallel_loop3A_275 = vector.shape_cast %parallel_loop3A_274 : vector<16xf32> to vector<16xf32>
        %parallel_loop3A_276 = vector.shape_cast %parallel_loop3A_266 : vector<16xf32> to vector<16xf32>
        tpu.vector_store %arg21[%parallel_loop3A_273], %parallel_loop3A_276 {strides = array<i32>} : memref<5120xf32, #tpu.memory_space<vmem>>, vector<16xf32>,
        %parallel_loop3A_277 = arith.constant 1 : i32
        %parallel_loop3A_278 = arith.addi %parallel_loop3A_242, %parallel_loop3A_277 : i32
        %parallel_loop3A_279 = arith.index_cast %parallel_loop3A_278 : i32 to index
        %parallel_loop3A_280 = arith.constant 0 : index
        %parallel_loop3A_281 = tpu.vector_load %arg13[%parallel_loop3A_279, %parallel_loop3A_280] {strides = array<i32>} : memref<160x32xf32, #tpu.memory_space<vmem>>, vector<1x16xf32>,
        %parallel_loop3A_282 = vector.shape_cast %parallel_loop3A_281 : vector<1x16xf32> to vector<16xf32>
        %parallel_loop3A_283 = math.exp %parallel_loop3A_282 : vector<16xf32>
        %parallel_loop3A_284 = arith.constant 1 : i32
        %parallel_loop3A_285 = arith.addi %parallel_loop3A_242, %parallel_loop3A_284 : i32
        %parallel_loop3A_286 = arith.constant 32 : i32
        %parallel_loop3A_287 = arith.muli %parallel_loop3A_285, %parallel_loop3A_286 : i32
        %parallel_loop3A_288 = arith.constant 0 : i32
        %parallel_loop3A_289 = arith.addi %parallel_loop3A_287, %parallel_loop3A_288 : i32
        %parallel_loop3A_290 = arith.index_cast %parallel_loop3A_289 : i32 to index
        %parallel_loop3A_291 = tpu.vector_load %arg21[%parallel_loop3A_290] {strides = array<i32>} : memref<5120xf32, #tpu.memory_space<vmem>>, vector<16xf32>,
        %parallel_loop3A_292 = vector.shape_cast %parallel_loop3A_291 : vector<16xf32> to vector<16xf32>
        %parallel_loop3A_293 = vector.shape_cast %parallel_loop3A_283 : vector<16xf32> to vector<16xf32>
        tpu.vector_store %arg21[%parallel_loop3A_290], %parallel_loop3A_293 {strides = array<i32>} : memref<5120xf32, #tpu.memory_space<vmem>>, vector<16xf32>,
        %parallel_loop3A_294 = arith.constant 1 : i32
        %parallel_loop3A_295 = arith.addi %parallel_loop3A_242, %parallel_loop3A_294 : i32
        %parallel_loop3A_296 = arith.index_cast %parallel_loop3A_295 : i32 to index
        %parallel_loop3A_297 = arith.constant 16 : index
        %parallel_loop3A_298 = tpu.vector_load %arg13[%parallel_loop3A_296, %parallel_loop3A_297] {strides = array<i32>} : memref<160x32xf32, #tpu.memory_space<vmem>>, vector<1x16xf32>,
        %parallel_loop3A_299 = vector.shape_cast %parallel_loop3A_298 : vector<1x16xf32> to vector<16xf32>
        %parallel_loop3A_300 = math.exp %parallel_loop3A_299 : vector<16xf32>
        %parallel_loop3A_301 = arith.constant 1 : i32
        %parallel_loop3A_302 = arith.addi %parallel_loop3A_242, %parallel_loop3A_301 : i32
        %parallel_loop3A_303 = arith.constant 32 : i32
        %parallel_loop3A_304 = arith.muli %parallel_loop3A_302, %parallel_loop3A_303 : i32
        %parallel_loop3A_305 = arith.constant 16 : i32
        %parallel_loop3A_306 = arith.addi %parallel_loop3A_304, %parallel_loop3A_305 : i32
        %parallel_loop3A_307 = arith.index_cast %parallel_loop3A_306 : i32 to index
        %parallel_loop3A_308 = tpu.vector_load %arg21[%parallel_loop3A_307] {strides = array<i32>} : memref<5120xf32, #tpu.memory_space<vmem>>, vector<16xf32>,
        %parallel_loop3A_309 = vector.shape_cast %parallel_loop3A_308 : vector<16xf32> to vector<16xf32>
        %parallel_loop3A_310 = vector.shape_cast %parallel_loop3A_300 : vector<16xf32> to vector<16xf32>
        tpu.vector_store %arg21[%parallel_loop3A_307], %parallel_loop3A_310 {strides = array<i32>} : memref<5120xf32, #tpu.memory_space<vmem>>, vector<16xf32>,
        %parallel_loop3A_311 = arith.constant 2 : i32
        %parallel_loop3A_312 = arith.addi %parallel_loop3A_242, %parallel_loop3A_311 : i32
        %parallel_loop3A_313 = arith.index_cast %parallel_loop3A_312 : i32 to index
        %parallel_loop3A_314 = arith.constant 0 : index
        %parallel_loop3A_315 = tpu.vector_load %arg13[%parallel_loop3A_313, %parallel_loop3A_314] {strides = array<i32>} : memref<160x32xf32, #tpu.memory_space<vmem>>, vector<1x16xf32>,
        %parallel_loop3A_316 = vector.shape_cast %parallel_loop3A_315 : vector<1x16xf32> to vector<16xf32>
        %parallel_loop3A_317 = math.exp %parallel_loop3A_316 : vector<16xf32>
        %parallel_loop3A_318 = arith.constant 2 : i32
        %parallel_loop3A_319 = arith.addi %parallel_loop3A_242, %parallel_loop3A_318 : i32
        %parallel_loop3A_320 = arith.constant 32 : i32
        %parallel_loop3A_321 = arith.muli %parallel_loop3A_319, %parallel_loop3A_320 : i32
        %parallel_loop3A_322 = arith.constant 0 : i32
        %parallel_loop3A_323 = arith.addi %parallel_loop3A_321, %parallel_loop3A_322 : i32
        %parallel_loop3A_324 = arith.index_cast %parallel_loop3A_323 : i32 to index
        %parallel_loop3A_325 = tpu.vector_load %arg21[%parallel_loop3A_324] {strides = array<i32>} : memref<5120xf32, #tpu.memory_space<vmem>>, vector<16xf32>,
        %parallel_loop3A_326 = vector.shape_cast %parallel_loop3A_325 : vector<16xf32> to vector<16xf32>
        %parallel_loop3A_327 = vector.shape_cast %parallel_loop3A_317 : vector<16xf32> to vector<16xf32>
        tpu.vector_store %arg21[%parallel_loop3A_324], %parallel_loop3A_327 {strides = array<i32>} : memref<5120xf32, #tpu.memory_space<vmem>>, vector<16xf32>,
        %parallel_loop3A_328 = arith.constant 2 : i32
        %parallel_loop3A_329 = arith.addi %parallel_loop3A_242, %parallel_loop3A_328 : i32
        %parallel_loop3A_330 = arith.index_cast %parallel_loop3A_329 : i32 to index
        %parallel_loop3A_331 = arith.constant 16 : index
        %parallel_loop3A_332 = tpu.vector_load %arg13[%parallel_loop3A_330, %parallel_loop3A_331] {strides = array<i32>} : memref<160x32xf32, #tpu.memory_space<vmem>>, vector<1x16xf32>,
        %parallel_loop3A_333 = vector.shape_cast %parallel_loop3A_332 : vector<1x16xf32> to vector<16xf32>
        %parallel_loop3A_334 = math.exp %parallel_loop3A_333 : vector<16xf32>
        %parallel_loop3A_335 = arith.constant 2 : i32
        %parallel_loop3A_336 = arith.addi %parallel_loop3A_242, %parallel_loop3A_335 : i32
        %parallel_loop3A_337 = arith.constant 32 : i32
        %parallel_loop3A_338 = arith.muli %parallel_loop3A_336, %parallel_loop3A_337 : i32
        %parallel_loop3A_339 = arith.constant 16 : i32
        %parallel_loop3A_340 = arith.addi %parallel_loop3A_338, %parallel_loop3A_339 : i32
        %parallel_loop3A_341 = arith.index_cast %parallel_loop3A_340 : i32 to index
        %parallel_loop3A_342 = tpu.vector_load %arg21[%parallel_loop3A_341] {strides = array<i32>} : memref<5120xf32, #tpu.memory_space<vmem>>, vector<16xf32>,
        %parallel_loop3A_343 = vector.shape_cast %parallel_loop3A_342 : vector<16xf32> to vector<16xf32>
        %parallel_loop3A_344 = vector.shape_cast %parallel_loop3A_334 : vector<16xf32> to vector<16xf32>
        tpu.vector_store %arg21[%parallel_loop3A_341], %parallel_loop3A_344 {strides = array<i32>} : memref<5120xf32, #tpu.memory_space<vmem>>, vector<16xf32>,
        %parallel_loop3A_345 = arith.constant 3 : i32
        %parallel_loop3A_346 = arith.addi %parallel_loop3A_242, %parallel_loop3A_345 : i32
        %parallel_loop3A_347 = arith.index_cast %parallel_loop3A_346 : i32 to index
        %parallel_loop3A_348 = arith.constant 0 : index
        %parallel_loop3A_349 = tpu.vector_load %arg13[%parallel_loop3A_347, %parallel_loop3A_348] {strides = array<i32>} : memref<160x32xf32, #tpu.memory_space<vmem>>, vector<1x16xf32>,
        %parallel_loop3A_350 = vector.shape_cast %parallel_loop3A_349 : vector<1x16xf32> to vector<16xf32>
        %parallel_loop3A_351 = math.exp %parallel_loop3A_350 : vector<16xf32>
        %parallel_loop3A_352 = arith.constant 3 : i32
        %parallel_loop3A_353 = arith.addi %parallel_loop3A_242, %parallel_loop3A_352 : i32
        %parallel_loop3A_354 = arith.constant 32 : i32
        %parallel_loop3A_355 = arith.muli %parallel_loop3A_353, %parallel_loop3A_354 : i32
        %parallel_loop3A_356 = arith.constant 0 : i32
        %parallel_loop3A_357 = arith.addi %parallel_loop3A_355, %parallel_loop3A_356 : i32
        %parallel_loop3A_358 = arith.index_cast %parallel_loop3A_357 : i32 to index
        %parallel_loop3A_359 = tpu.vector_load %arg21[%parallel_loop3A_358] {strides = array<i32>} : memref<5120xf32, #tpu.memory_space<vmem>>, vector<16xf32>,
        %parallel_loop3A_360 = vector.shape_cast %parallel_loop3A_359 : vector<16xf32> to vector<16xf32>
        %parallel_loop3A_361 = vector.shape_cast %parallel_loop3A_351 : vector<16xf32> to vector<16xf32>
        tpu.vector_store %arg21[%parallel_loop3A_358], %parallel_loop3A_361 {strides = array<i32>} : memref<5120xf32, #tpu.memory_space<vmem>>, vector<16xf32>,
        %parallel_loop3A_362 = arith.constant 3 : i32
        %parallel_loop3A_363 = arith.addi %parallel_loop3A_242, %parallel_loop3A_362 : i32
        %parallel_loop3A_364 = arith.index_cast %parallel_loop3A_363 : i32 to index
        %parallel_loop3A_365 = arith.constant 16 : index
        %parallel_loop3A_366 = tpu.vector_load %arg13[%parallel_loop3A_364, %parallel_loop3A_365] {strides = array<i32>} : memref<160x32xf32, #tpu.memory_space<vmem>>, vector<1x16xf32>,
        %parallel_loop3A_367 = vector.shape_cast %parallel_loop3A_366 : vector<1x16xf32> to vector<16xf32>
        %parallel_loop3A_368 = math.exp %parallel_loop3A_367 : vector<16xf32>
        %parallel_loop3A_369 = arith.constant 3 : i32
        %parallel_loop3A_370 = arith.addi %parallel_loop3A_242, %parallel_loop3A_369 : i32
        %parallel_loop3A_371 = arith.constant 32 : i32
        %parallel_loop3A_372 = arith.muli %parallel_loop3A_370, %parallel_loop3A_371 : i32
        %parallel_loop3A_373 = arith.constant 16 : i32
        %parallel_loop3A_374 = arith.addi %parallel_loop3A_372, %parallel_loop3A_373 : i32
        %parallel_loop3A_375 = arith.index_cast %parallel_loop3A_374 : i32 to index
        %parallel_loop3A_376 = tpu.vector_load %arg21[%parallel_loop3A_375] {strides = array<i32>} : memref<5120xf32, #tpu.memory_space<vmem>>, vector<16xf32>,
        %parallel_loop3A_377 = vector.shape_cast %parallel_loop3A_376 : vector<16xf32> to vector<16xf32>
        %parallel_loop3A_378 = vector.shape_cast %parallel_loop3A_368 : vector<16xf32> to vector<16xf32>
        tpu.vector_store %arg21[%parallel_loop3A_375], %parallel_loop3A_378 {strides = array<i32>} : memref<5120xf32, #tpu.memory_space<vmem>>, vector<16xf32>,
      } {sc.loop_unroll_factor = 1 : i64, sc.parallel_access}
      %add3A_146 = arith.addi %multiple_of3A_7, %multiple_of3A_116 : i32
      %dma_start3A_147 = tpu.memref_slice %arg6[%add3A_146] : memref<26214400xf32, #tpu.memory_space<hbm>> -> memref<5120xf32, #tpu.memory_space<hbm>>
      %dma_start3A_148 = tpu.memref_slice %arg6[%add3A_146] : memref<26214400xf32, #tpu.memory_space<hbm>> -> memref<5120xf32, #tpu.memory_space<hbm>>
      tpu.enqueue_dma source(%arg21 : memref<5120xf32, #tpu.memory_space<vmem>>) target(%dma_start3A_148 : memref<5120xf32, #tpu.memory_space<hbm>>) target_semaphore(%arg37 : memref<!tpu.dma_semaphore, #tpu.memory_space<semaphore_mem>>)
      %lt3A_149 = arith.constant 39 : i32
      %lt3A_150 = arith.cmpi slt, %add3A_70, %lt3A_149 : i32
      %convert_element_type3A_151 = arith.extui %lt3A_150 : i1 to i32
      %cond3A_152 = arith.constant 0 : i32
      %cond3A_153 = arith.cmpi ne, %convert_element_type3A_151, %cond3A_152 : i32
      scf.if %cond3A_153 {
        %add3A_242 = arith.constant 1 : i32
        %add3A_243 = arith.addi %add3A_70, %add3A_242 : i32
        %mul3A_244 = arith.constant 4 : i32
        %mul3A_245 = arith.muli %add3A_243, %mul3A_244 : i32
        %add3A_246 = arith.constant 1 : i32
        %add3A_247 = arith.addi %mul3A_245, %add3A_246 : i32
        %mul3A_248 = arith.constant 160 : i32
        %mul3A_249 = arith.muli %add3A_247, %mul3A_248 : i32
        %multiple_of3A_250 = tpu.assume_multiple %mul3A_249, 8 : i32
        %dma_start3A_251 = tpu.memref_slice %arg7[%multiple_of3A_250] : memref<25600xi32, #tpu.memory_space<vmem>> -> memref<160xi32, #tpu.memory_space<vmem>>
        %dma_start3A_252 = arith.constant 0 : i32
        %dma_start3A_253 = arith.constant 0 : i32
        %dma_start3A_254 = tpu.memref_slice %arg3[%dma_start3A_252, %dma_start3A_253] : memref<1000000x32xf32, #tpu.memory_space<hbm>> -> memref<1000000x32xf32, #tpu.memory_space<hbm>>
        tpu.enqueue_indirect_dma source(%dma_start3A_254 : memref<1000000x32xf32, #tpu.memory_space<hbm>>) target(%arg9 : memref<160x32xf32, #tpu.memory_space<vmem>>) offsets(%dma_start3A_251 : memref<160xi32, #tpu.memory_space<vmem>>) semaphore(%arg25 : memref<!tpu.dma_semaphore, #tpu.memory_space<semaphore_mem>>)
        %dma_start3A_255 = tpu.memref_slice %arg7[%multiple_of3A_250] : memref<25600xi32, #tpu.memory_space<vmem>> -> memref<160xi32, #tpu.memory_space<vmem>>
        %dma_start3A_256 = arith.constant 0 : i32
        %dma_start3A_257 = arith.constant 0 : i32
        %dma_start3A_258 = tpu.memref_slice %arg4[%dma_start3A_256, %dma_start3A_257] : memref<1000000x32xf32, #tpu.memory_space<hbm>> -> memref<1000000x32xf32, #tpu.memory_space<hbm>>
        tpu.enqueue_indirect_dma source(%dma_start3A_258 : memref<1000000x32xf32, #tpu.memory_space<hbm>>) target(%arg13 : memref<160x32xf32, #tpu.memory_space<vmem>>) offsets(%dma_start3A_255 : memref<160xi32, #tpu.memory_space<vmem>>) semaphore(%arg29 : memref<!tpu.dma_semaphore, #tpu.memory_space<semaphore_mem>>)
      } else {
      }
      %mul3A_154 = arith.constant 4 : i32
      %mul3A_155 = arith.muli %add3A_70, %mul3A_154 : i32
      %add3A_156 = arith.constant 2 : i32
      %add3A_157 = arith.addi %mul3A_155, %add3A_156 : i32
      %mul3A_158 = arith.constant 5120 : i32
      %mul3A_159 = arith.muli %add3A_157, %mul3A_158 : i32
      %multiple_of3A_160 = tpu.assume_multiple %mul3A_159, 8 : i32
      %dma_wait3A_161 = arith.constant 0 : i32
      %dma_wait3A_162 = tpu.memref_slice %arg7[%dma_wait3A_161] : memref<25600xi32, #tpu.memory_space<vmem>> -> memref<160xi32, #tpu.memory_space<vmem>>
      %dma_wait3A_163 = arith.constant 0 : i32
      %dma_wait3A_164 = arith.constant 0 : i32
      %dma_wait3A_165 = tpu.memref_slice %arg3[%dma_wait3A_163, %dma_wait3A_164] : memref<1000000x32xf32, #tpu.memory_space<hbm>> -> memref<1000000x32xf32, #tpu.memory_space<hbm>>
      tpu.wait_indirect_dma semaphore(%arg26 : memref<!tpu.dma_semaphore, #tpu.memory_space<semaphore_mem>>) src(%dma_wait3A_165 : memref<1000000x32xf32, #tpu.memory_space<hbm>>) dst(%arg10 : memref<160x32xf32, #tpu.memory_space<vmem>>)
      %gt3A_166 = arith.constant 0 : i32
      %gt3A_167 = arith.cmpi sgt, %add3A_70, %gt3A_166 : i32
      %convert_element_type3A_168 = arith.extui %gt3A_167 : i1 to i32
      %cond3A_169 = arith.constant 0 : i32
      %cond3A_170 = arith.cmpi ne, %convert_element_type3A_168, %cond3A_169 : i32
      scf.if %cond3A_170 {
        %dma_wait3A_242 = tpu.memref_slice %arg5[%multiple_of3A_7] : memref<26214400xf32, #tpu.memory_space<hbm>> -> memref<5120xf32, #tpu.memory_space<hbm>>
        %dma_wait3A_243 = tpu.memref_slice %arg5[%multiple_of3A_7] : memref<26214400xf32, #tpu.memory_space<hbm>> -> memref<5120xf32, #tpu.memory_space<hbm>>
        tpu.wait_dma2 semaphore(%arg34 : memref<!tpu.dma_semaphore, #tpu.memory_space<semaphore_mem>>) src(%arg18 : memref<5120xf32, #tpu.memory_space<vmem>>) dst(%dma_wait3A_243 : memref<5120xf32, #tpu.memory_space<hbm>>)
      } else {
      }
      %parallel_loop3A_171 = arith.constant 0 : i32
      %parallel_loop3A_172 = arith.constant 160 : i32
      %parallel_loop3A_173 = arith.constant 4 : i32
      scf.for %parallel_loop3A_242 = %parallel_loop3A_171 to %parallel_loop3A_172 step %parallel_loop3A_173  : i32 {
        %parallel_loop3A_243 = arith.constant 0 : i32
        %parallel_loop3A_244 = arith.addi %parallel_loop3A_242, %parallel_loop3A_243 : i32
        %parallel_loop3A_245 = arith.index_cast %parallel_loop3A_244 : i32 to index
        %parallel_loop3A_246 = arith.constant 0 : index
        %parallel_loop3A_247 = tpu.vector_load %arg10[%parallel_loop3A_245, %parallel_loop3A_246] {strides = array<i32>} : memref<160x32xf32, #tpu.memory_space<vmem>>, vector<1x16xf32>,
        %parallel_loop3A_248 = vector.shape_cast %parallel_loop3A_247 : vector<1x16xf32> to vector<16xf32>
        %parallel_loop3A_249 = arith.constant 0 : i32
        %parallel_loop3A_250 = arith.addi %parallel_loop3A_242, %parallel_loop3A_249 : i32
        %parallel_loop3A_251 = arith.constant 32 : i32
        %parallel_loop3A_252 = arith.muli %parallel_loop3A_250, %parallel_loop3A_251 : i32
        %parallel_loop3A_253 = arith.constant 0 : i32
        %parallel_loop3A_254 = arith.addi %parallel_loop3A_252, %parallel_loop3A_253 : i32
        %parallel_loop3A_255 = arith.index_cast %parallel_loop3A_254 : i32 to index
        %parallel_loop3A_256 = tpu.vector_load %arg18[%parallel_loop3A_255] {strides = array<i32>} : memref<5120xf32, #tpu.memory_space<vmem>>, vector<16xf32>,
        %parallel_loop3A_257 = vector.shape_cast %parallel_loop3A_256 : vector<16xf32> to vector<16xf32>
        %parallel_loop3A_258 = vector.shape_cast %parallel_loop3A_248 : vector<16xf32> to vector<16xf32>
        tpu.vector_store %arg18[%parallel_loop3A_255], %parallel_loop3A_258 {strides = array<i32>} : memref<5120xf32, #tpu.memory_space<vmem>>, vector<16xf32>,
        %parallel_loop3A_259 = arith.constant 0 : i32
        %parallel_loop3A_260 = arith.addi %parallel_loop3A_242, %parallel_loop3A_259 : i32
        %parallel_loop3A_261 = arith.index_cast %parallel_loop3A_260 : i32 to index
        %parallel_loop3A_262 = arith.constant 16 : index
        %parallel_loop3A_263 = tpu.vector_load %arg10[%parallel_loop3A_261, %parallel_loop3A_262] {strides = array<i32>} : memref<160x32xf32, #tpu.memory_space<vmem>>, vector<1x16xf32>,
        %parallel_loop3A_264 = vector.shape_cast %parallel_loop3A_263 : vector<1x16xf32> to vector<16xf32>
        %parallel_loop3A_265 = arith.constant 0 : i32
        %parallel_loop3A_266 = arith.addi %parallel_loop3A_242, %parallel_loop3A_265 : i32
        %parallel_loop3A_267 = arith.constant 32 : i32
        %parallel_loop3A_268 = arith.muli %parallel_loop3A_266, %parallel_loop3A_267 : i32
        %parallel_loop3A_269 = arith.constant 16 : i32
        %parallel_loop3A_270 = arith.addi %parallel_loop3A_268, %parallel_loop3A_269 : i32
        %parallel_loop3A_271 = arith.index_cast %parallel_loop3A_270 : i32 to index
        %parallel_loop3A_272 = tpu.vector_load %arg18[%parallel_loop3A_271] {strides = array<i32>} : memref<5120xf32, #tpu.memory_space<vmem>>, vector<16xf32>,
        %parallel_loop3A_273 = vector.shape_cast %parallel_loop3A_272 : vector<16xf32> to vector<16xf32>
        %parallel_loop3A_274 = vector.shape_cast %parallel_loop3A_264 : vector<16xf32> to vector<16xf32>
        tpu.vector_store %arg18[%parallel_loop3A_271], %parallel_loop3A_274 {strides = array<i32>} : memref<5120xf32, #tpu.memory_space<vmem>>, vector<16xf32>,
        %parallel_loop3A_275 = arith.constant 1 : i32
        %parallel_loop3A_276 = arith.addi %parallel_loop3A_242, %parallel_loop3A_275 : i32
        %parallel_loop3A_277 = arith.index_cast %parallel_loop3A_276 : i32 to index
        %parallel_loop3A_278 = arith.constant 0 : index
        %parallel_loop3A_279 = tpu.vector_load %arg10[%parallel_loop3A_277, %parallel_loop3A_278] {strides = array<i32>} : memref<160x32xf32, #tpu.memory_space<vmem>>, vector<1x16xf32>,
        %parallel_loop3A_280 = vector.shape_cast %parallel_loop3A_279 : vector<1x16xf32> to vector<16xf32>
        %parallel_loop3A_281 = arith.constant 1 : i32
        %parallel_loop3A_282 = arith.addi %parallel_loop3A_242, %parallel_loop3A_281 : i32
        %parallel_loop3A_283 = arith.constant 32 : i32
        %parallel_loop3A_284 = arith.muli %parallel_loop3A_282, %parallel_loop3A_283 : i32
        %parallel_loop3A_285 = arith.constant 0 : i32
        %parallel_loop3A_286 = arith.addi %parallel_loop3A_284, %parallel_loop3A_285 : i32
        %parallel_loop3A_287 = arith.index_cast %parallel_loop3A_286 : i32 to index
        %parallel_loop3A_288 = tpu.vector_load %arg18[%parallel_loop3A_287] {strides = array<i32>} : memref<5120xf32, #tpu.memory_space<vmem>>, vector<16xf32>,
        %parallel_loop3A_289 = vector.shape_cast %parallel_loop3A_288 : vector<16xf32> to vector<16xf32>
        %parallel_loop3A_290 = vector.shape_cast %parallel_loop3A_280 : vector<16xf32> to vector<16xf32>
        tpu.vector_store %arg18[%parallel_loop3A_287], %parallel_loop3A_290 {strides = array<i32>} : memref<5120xf32, #tpu.memory_space<vmem>>, vector<16xf32>,
        %parallel_loop3A_291 = arith.constant 1 : i32
        %parallel_loop3A_292 = arith.addi %parallel_loop3A_242, %parallel_loop3A_291 : i32
        %parallel_loop3A_293 = arith.index_cast %parallel_loop3A_292 : i32 to index
        %parallel_loop3A_294 = arith.constant 16 : index
        %parallel_loop3A_295 = tpu.vector_load %arg10[%parallel_loop3A_293, %parallel_loop3A_294] {strides = array<i32>} : memref<160x32xf32, #tpu.memory_space<vmem>>, vector<1x16xf32>,
        %parallel_loop3A_296 = vector.shape_cast %parallel_loop3A_295 : vector<1x16xf32> to vector<16xf32>
        %parallel_loop3A_297 = arith.constant 1 : i32
        %parallel_loop3A_298 = arith.addi %parallel_loop3A_242, %parallel_loop3A_297 : i32
        %parallel_loop3A_299 = arith.constant 32 : i32
        %parallel_loop3A_300 = arith.muli %parallel_loop3A_298, %parallel_loop3A_299 : i32
        %parallel_loop3A_301 = arith.constant 16 : i32
        %parallel_loop3A_302 = arith.addi %parallel_loop3A_300, %parallel_loop3A_301 : i32
        %parallel_loop3A_303 = arith.index_cast %parallel_loop3A_302 : i32 to index
        %parallel_loop3A_304 = tpu.vector_load %arg18[%parallel_loop3A_303] {strides = array<i32>} : memref<5120xf32, #tpu.memory_space<vmem>>, vector<16xf32>,
        %parallel_loop3A_305 = vector.shape_cast %parallel_loop3A_304 : vector<16xf32> to vector<16xf32>
        %parallel_loop3A_306 = vector.shape_cast %parallel_loop3A_296 : vector<16xf32> to vector<16xf32>
        tpu.vector_store %arg18[%parallel_loop3A_303], %parallel_loop3A_306 {strides = array<i32>} : memref<5120xf32, #tpu.memory_space<vmem>>, vector<16xf32>,
        %parallel_loop3A_307 = arith.constant 2 : i32
        %parallel_loop3A_308 = arith.addi %parallel_loop3A_242, %parallel_loop3A_307 : i32
        %parallel_loop3A_309 = arith.index_cast %parallel_loop3A_308 : i32 to index
        %parallel_loop3A_310 = arith.constant 0 : index
        %parallel_loop3A_311 = tpu.vector_load %arg10[%parallel_loop3A_309, %parallel_loop3A_310] {strides = array<i32>} : memref<160x32xf32, #tpu.memory_space<vmem>>, vector<1x16xf32>,
        %parallel_loop3A_312 = vector.shape_cast %parallel_loop3A_311 : vector<1x16xf32> to vector<16xf32>
        %parallel_loop3A_313 = arith.constant 2 : i32
        %parallel_loop3A_314 = arith.addi %parallel_loop3A_242, %parallel_loop3A_313 : i32
        %parallel_loop3A_315 = arith.constant 32 : i32
        %parallel_loop3A_316 = arith.muli %parallel_loop3A_314, %parallel_loop3A_315 : i32
        %parallel_loop3A_317 = arith.constant 0 : i32
        %parallel_loop3A_318 = arith.addi %parallel_loop3A_316, %parallel_loop3A_317 : i32
        %parallel_loop3A_319 = arith.index_cast %parallel_loop3A_318 : i32 to index
        %parallel_loop3A_320 = tpu.vector_load %arg18[%parallel_loop3A_319] {strides = array<i32>} : memref<5120xf32, #tpu.memory_space<vmem>>, vector<16xf32>,
        %parallel_loop3A_321 = vector.shape_cast %parallel_loop3A_320 : vector<16xf32> to vector<16xf32>
        %parallel_loop3A_322 = vector.shape_cast %parallel_loop3A_312 : vector<16xf32> to vector<16xf32>
        tpu.vector_store %arg18[%parallel_loop3A_319], %parallel_loop3A_322 {strides = array<i32>} : memref<5120xf32, #tpu.memory_space<vmem>>, vector<16xf32>,
        %parallel_loop3A_323 = arith.constant 2 : i32
        %parallel_loop3A_324 = arith.addi %parallel_loop3A_242, %parallel_loop3A_323 : i32
        %parallel_loop3A_325 = arith.index_cast %parallel_loop3A_324 : i32 to index
        %parallel_loop3A_326 = arith.constant 16 : index
        %parallel_loop3A_327 = tpu.vector_load %arg10[%parallel_loop3A_325, %parallel_loop3A_326] {strides = array<i32>} : memref<160x32xf32, #tpu.memory_space<vmem>>, vector<1x16xf32>,
        %parallel_loop3A_328 = vector.shape_cast %parallel_loop3A_327 : vector<1x16xf32> to vector<16xf32>
        %parallel_loop3A_329 = arith.constant 2 : i32
        %parallel_loop3A_330 = arith.addi %parallel_loop3A_242, %parallel_loop3A_329 : i32
        %parallel_loop3A_331 = arith.constant 32 : i32
        %parallel_loop3A_332 = arith.muli %parallel_loop3A_330, %parallel_loop3A_331 : i32
        %parallel_loop3A_333 = arith.constant 16 : i32
        %parallel_loop3A_334 = arith.addi %parallel_loop3A_332, %parallel_loop3A_333 : i32
        %parallel_loop3A_335 = arith.index_cast %parallel_loop3A_334 : i32 to index
        %parallel_loop3A_336 = tpu.vector_load %arg18[%parallel_loop3A_335] {strides = array<i32>} : memref<5120xf32, #tpu.memory_space<vmem>>, vector<16xf32>,
        %parallel_loop3A_337 = vector.shape_cast %parallel_loop3A_336 : vector<16xf32> to vector<16xf32>
        %parallel_loop3A_338 = vector.shape_cast %parallel_loop3A_328 : vector<16xf32> to vector<16xf32>
        tpu.vector_store %arg18[%parallel_loop3A_335], %parallel_loop3A_338 {strides = array<i32>} : memref<5120xf32, #tpu.memory_space<vmem>>, vector<16xf32>,
        %parallel_loop3A_339 = arith.constant 3 : i32
        %parallel_loop3A_340 = arith.addi %parallel_loop3A_242, %parallel_loop3A_339 : i32
        %parallel_loop3A_341 = arith.index_cast %parallel_loop3A_340 : i32 to index
        %parallel_loop3A_342 = arith.constant 0 : index
        %parallel_loop3A_343 = tpu.vector_load %arg10[%parallel_loop3A_341, %parallel_loop3A_342] {strides = array<i32>} : memref<160x32xf32, #tpu.memory_space<vmem>>, vector<1x16xf32>,
        %parallel_loop3A_344 = vector.shape_cast %parallel_loop3A_343 : vector<1x16xf32> to vector<16xf32>
        %parallel_loop3A_345 = arith.constant 3 : i32
        %parallel_loop3A_346 = arith.addi %parallel_loop3A_242, %parallel_loop3A_345 : i32
        %parallel_loop3A_347 = arith.constant 32 : i32
        %parallel_loop3A_348 = arith.muli %parallel_loop3A_346, %parallel_loop3A_347 : i32
        %parallel_loop3A_349 = arith.constant 0 : i32
        %parallel_loop3A_350 = arith.addi %parallel_loop3A_348, %parallel_loop3A_349 : i32
        %parallel_loop3A_351 = arith.index_cast %parallel_loop3A_350 : i32 to index
        %parallel_loop3A_352 = tpu.vector_load %arg18[%parallel_loop3A_351] {strides = array<i32>} : memref<5120xf32, #tpu.memory_space<vmem>>, vector<16xf32>,
        %parallel_loop3A_353 = vector.shape_cast %parallel_loop3A_352 : vector<16xf32> to vector<16xf32>
        %parallel_loop3A_354 = vector.shape_cast %parallel_loop3A_344 : vector<16xf32> to vector<16xf32>
        tpu.vector_store %arg18[%parallel_loop3A_351], %parallel_loop3A_354 {strides = array<i32>} : memref<5120xf32, #tpu.memory_space<vmem>>, vector<16xf32>,
        %parallel_loop3A_355 = arith.constant 3 : i32
        %parallel_loop3A_356 = arith.addi %parallel_loop3A_242, %parallel_loop3A_355 : i32
        %parallel_loop3A_357 = arith.index_cast %parallel_loop3A_356 : i32 to index
        %parallel_loop3A_358 = arith.constant 16 : index
        %parallel_loop3A_359 = tpu.vector_load %arg10[%parallel_loop3A_357, %parallel_loop3A_358] {strides = array<i32>} : memref<160x32xf32, #tpu.memory_space<vmem>>, vector<1x16xf32>,
        %parallel_loop3A_360 = vector.shape_cast %parallel_loop3A_359 : vector<1x16xf32> to vector<16xf32>
        %parallel_loop3A_361 = arith.constant 3 : i32
        %parallel_loop3A_362 = arith.addi %parallel_loop3A_242, %parallel_loop3A_361 : i32
        %parallel_loop3A_363 = arith.constant 32 : i32
        %parallel_loop3A_364 = arith.muli %parallel_loop3A_362, %parallel_loop3A_363 : i32
        %parallel_loop3A_365 = arith.constant 16 : i32
        %parallel_loop3A_366 = arith.addi %parallel_loop3A_364, %parallel_loop3A_365 : i32
        %parallel_loop3A_367 = arith.index_cast %parallel_loop3A_366 : i32 to index
        %parallel_loop3A_368 = tpu.vector_load %arg18[%parallel_loop3A_367] {strides = array<i32>} : memref<5120xf32, #tpu.memory_space<vmem>>, vector<16xf32>,
        %parallel_loop3A_369 = vector.shape_cast %parallel_loop3A_368 : vector<16xf32> to vector<16xf32>
        %parallel_loop3A_370 = vector.shape_cast %parallel_loop3A_360 : vector<16xf32> to vector<16xf32>
        tpu.vector_store %arg18[%parallel_loop3A_367], %parallel_loop3A_370 {strides = array<i32>} : memref<5120xf32, #tpu.memory_space<vmem>>, vector<16xf32>,
      } {sc.loop_unroll_factor = 1 : i64, sc.parallel_access}
      %add3A_174 = arith.addi %multiple_of3A_7, %multiple_of3A_160 : i32
      %dma_start3A_175 = tpu.memref_slice %arg5[%add3A_174] : memref<26214400xf32, #tpu.memory_space<hbm>> -> memref<5120xf32, #tpu.memory_space<hbm>>
      %dma_start3A_176 = tpu.memref_slice %arg5[%add3A_174] : memref<26214400xf32, #tpu.memory_space<hbm>> -> memref<5120xf32, #tpu.memory_space<hbm>>
      tpu.enqueue_dma source(%arg18 : memref<5120xf32, #tpu.memory_space<vmem>>) target(%dma_start3A_176 : memref<5120xf32, #tpu.memory_space<hbm>>) target_semaphore(%arg34 : memref<!tpu.dma_semaphore, #tpu.memory_space<semaphore_mem>>)
      %dma_wait3A_177 = arith.constant 0 : i32
      %dma_wait3A_178 = tpu.memref_slice %arg7[%dma_wait3A_177] : memref<25600xi32, #tpu.memory_space<vmem>> -> memref<160xi32, #tpu.memory_space<vmem>>
      %dma_wait3A_179 = arith.constant 0 : i32
      %dma_wait3A_180 = arith.constant 0 : i32
      %dma_wait3A_181 = tpu.memref_slice %arg4[%dma_wait3A_179, %dma_wait3A_180] : memref<1000000x32xf32, #tpu.memory_space<hbm>> -> memref<1000000x32xf32, #tpu.memory_space<hbm>>
      tpu.wait_indirect_dma semaphore(%arg30 : memref<!tpu.dma_semaphore, #tpu.memory_space<semaphore_mem>>) src(%dma_wait3A_181 : memref<1000000x32xf32, #tpu.memory_space<hbm>>) dst(%arg14 : memref<160x32xf32, #tpu.memory_space<vmem>>)
      %gt3A_182 = arith.constant 0 : i32
      %gt3A_183 = arith.cmpi sgt, %add3A_70, %gt3A_182 : i32
      %convert_element_type3A_184 = arith.extui %gt3A_183 : i1 to i32
      %cond3A_185 = arith.constant 0 : i32
      %cond3A_186 = arith.cmpi ne, %convert_element_type3A_184, %cond3A_185 : i32
      scf.if %cond3A_186 {
        %dma_wait3A_242 = tpu.memref_slice %arg6[%multiple_of3A_7] : memref<26214400xf32, #tpu.memory_space<hbm>> -> memref<5120xf32, #tpu.memory_space<hbm>>
        %dma_wait3A_243 = tpu.memref_slice %arg6[%multiple_of3A_7] : memref<26214400xf32, #tpu.memory_space<hbm>> -> memref<5120xf32, #tpu.memory_space<hbm>>
        tpu.wait_dma2 semaphore(%arg38 : memref<!tpu.dma_semaphore, #tpu.memory_space<semaphore_mem>>) src(%arg22 : memref<5120xf32, #tpu.memory_space<vmem>>) dst(%dma_wait3A_243 : memref<5120xf32, #tpu.memory_space<hbm>>)
      } else {
      }
      %parallel_loop3A_187 = arith.constant 0 : i32
      %parallel_loop3A_188 = arith.constant 160 : i32
      %parallel_loop3A_189 = arith.constant 4 : i32
      scf.for %parallel_loop3A_242 = %parallel_loop3A_187 to %parallel_loop3A_188 step %parallel_loop3A_189  : i32 {
        %parallel_loop3A_243 = arith.constant 0 : i32
        %parallel_loop3A_244 = arith.addi %parallel_loop3A_242, %parallel_loop3A_243 : i32
        %parallel_loop3A_245 = arith.index_cast %parallel_loop3A_244 : i32 to index
        %parallel_loop3A_246 = arith.constant 0 : index
        %parallel_loop3A_247 = tpu.vector_load %arg14[%parallel_loop3A_245, %parallel_loop3A_246] {strides = array<i32>} : memref<160x32xf32, #tpu.memory_space<vmem>>, vector<1x16xf32>,
        %parallel_loop3A_248 = vector.shape_cast %parallel_loop3A_247 : vector<1x16xf32> to vector<16xf32>
        %parallel_loop3A_249 = math.exp %parallel_loop3A_248 : vector<16xf32>
        %parallel_loop3A_250 = arith.constant 0 : i32
        %parallel_loop3A_251 = arith.addi %parallel_loop3A_242, %parallel_loop3A_250 : i32
        %parallel_loop3A_252 = arith.constant 32 : i32
        %parallel_loop3A_253 = arith.muli %parallel_loop3A_251, %parallel_loop3A_252 : i32
        %parallel_loop3A_254 = arith.constant 0 : i32
        %parallel_loop3A_255 = arith.addi %parallel_loop3A_253, %parallel_loop3A_254 : i32
        %parallel_loop3A_256 = arith.index_cast %parallel_loop3A_255 : i32 to index
        %parallel_loop3A_257 = tpu.vector_load %arg22[%parallel_loop3A_256] {strides = array<i32>} : memref<5120xf32, #tpu.memory_space<vmem>>, vector<16xf32>,
        %parallel_loop3A_258 = vector.shape_cast %parallel_loop3A_257 : vector<16xf32> to vector<16xf32>
        %parallel_loop3A_259 = vector.shape_cast %parallel_loop3A_249 : vector<16xf32> to vector<16xf32>
        tpu.vector_store %arg22[%parallel_loop3A_256], %parallel_loop3A_259 {strides = array<i32>} : memref<5120xf32, #tpu.memory_space<vmem>>, vector<16xf32>,
        %parallel_loop3A_260 = arith.constant 0 : i32
        %parallel_loop3A_261 = arith.addi %parallel_loop3A_242, %parallel_loop3A_260 : i32
        %parallel_loop3A_262 = arith.index_cast %parallel_loop3A_261 : i32 to index
        %parallel_loop3A_263 = arith.constant 16 : index
        %parallel_loop3A_264 = tpu.vector_load %arg14[%parallel_loop3A_262, %parallel_loop3A_263] {strides = array<i32>} : memref<160x32xf32, #tpu.memory_space<vmem>>, vector<1x16xf32>,
        %parallel_loop3A_265 = vector.shape_cast %parallel_loop3A_264 : vector<1x16xf32> to vector<16xf32>
        %parallel_loop3A_266 = math.exp %parallel_loop3A_265 : vector<16xf32>
        %parallel_loop3A_267 = arith.constant 0 : i32
        %parallel_loop3A_268 = arith.addi %parallel_loop3A_242, %parallel_loop3A_267 : i32
        %parallel_loop3A_269 = arith.constant 32 : i32
        %parallel_loop3A_270 = arith.muli %parallel_loop3A_268, %parallel_loop3A_269 : i32
        %parallel_loop3A_271 = arith.constant 16 : i32
        %parallel_loop3A_272 = arith.addi %parallel_loop3A_270, %parallel_loop3A_271 : i32
        %parallel_loop3A_273 = arith.index_cast %parallel_loop3A_272 : i32 to index
        %parallel_loop3A_274 = tpu.vector_load %arg22[%parallel_loop3A_273] {strides = array<i32>} : memref<5120xf32, #tpu.memory_space<vmem>>, vector<16xf32>,
        %parallel_loop3A_275 = vector.shape_cast %parallel_loop3A_274 : vector<16xf32> to vector<16xf32>
        %parallel_loop3A_276 = vector.shape_cast %parallel_loop3A_266 : vector<16xf32> to vector<16xf32>
        tpu.vector_store %arg22[%parallel_loop3A_273], %parallel_loop3A_276 {strides = array<i32>} : memref<5120xf32, #tpu.memory_space<vmem>>, vector<16xf32>,
        %parallel_loop3A_277 = arith.constant 1 : i32
        %parallel_loop3A_278 = arith.addi %parallel_loop3A_242, %parallel_loop3A_277 : i32
        %parallel_loop3A_279 = arith.index_cast %parallel_loop3A_278 : i32 to index
        %parallel_loop3A_280 = arith.constant 0 : index
        %parallel_loop3A_281 = tpu.vector_load %arg14[%parallel_loop3A_279, %parallel_loop3A_280] {strides = array<i32>} : memref<160x32xf32, #tpu.memory_space<vmem>>, vector<1x16xf32>,
        %parallel_loop3A_282 = vector.shape_cast %parallel_loop3A_281 : vector<1x16xf32> to vector<16xf32>
        %parallel_loop3A_283 = math.exp %parallel_loop3A_282 : vector<16xf32>
        %parallel_loop3A_284 = arith.constant 1 : i32
        %parallel_loop3A_285 = arith.addi %parallel_loop3A_242, %parallel_loop3A_284 : i32
        %parallel_loop3A_286 = arith.constant 32 : i32
        %parallel_loop3A_287 = arith.muli %parallel_loop3A_285, %parallel_loop3A_286 : i32
        %parallel_loop3A_288 = arith.constant 0 : i32
        %parallel_loop3A_289 = arith.addi %parallel_loop3A_287, %parallel_loop3A_288 : i32
        %parallel_loop3A_290 = arith.index_cast %parallel_loop3A_289 : i32 to index
        %parallel_loop3A_291 = tpu.vector_load %arg22[%parallel_loop3A_290] {strides = array<i32>} : memref<5120xf32, #tpu.memory_space<vmem>>, vector<16xf32>,
        %parallel_loop3A_292 = vector.shape_cast %parallel_loop3A_291 : vector<16xf32> to vector<16xf32>
        %parallel_loop3A_293 = vector.shape_cast %parallel_loop3A_283 : vector<16xf32> to vector<16xf32>
        tpu.vector_store %arg22[%parallel_loop3A_290], %parallel_loop3A_293 {strides = array<i32>} : memref<5120xf32, #tpu.memory_space<vmem>>, vector<16xf32>,
        %parallel_loop3A_294 = arith.constant 1 : i32
        %parallel_loop3A_295 = arith.addi %parallel_loop3A_242, %parallel_loop3A_294 : i32
        %parallel_loop3A_296 = arith.index_cast %parallel_loop3A_295 : i32 to index
        %parallel_loop3A_297 = arith.constant 16 : index
        %parallel_loop3A_298 = tpu.vector_load %arg14[%parallel_loop3A_296, %parallel_loop3A_297] {strides = array<i32>} : memref<160x32xf32, #tpu.memory_space<vmem>>, vector<1x16xf32>,
        %parallel_loop3A_299 = vector.shape_cast %parallel_loop3A_298 : vector<1x16xf32> to vector<16xf32>
        %parallel_loop3A_300 = math.exp %parallel_loop3A_299 : vector<16xf32>
        %parallel_loop3A_301 = arith.constant 1 : i32
        %parallel_loop3A_302 = arith.addi %parallel_loop3A_242, %parallel_loop3A_301 : i32
        %parallel_loop3A_303 = arith.constant 32 : i32
        %parallel_loop3A_304 = arith.muli %parallel_loop3A_302, %parallel_loop3A_303 : i32
        %parallel_loop3A_305 = arith.constant 16 : i32
        %parallel_loop3A_306 = arith.addi %parallel_loop3A_304, %parallel_loop3A_305 : i32
        %parallel_loop3A_307 = arith.index_cast %parallel_loop3A_306 : i32 to index
        %parallel_loop3A_308 = tpu.vector_load %arg22[%parallel_loop3A_307] {strides = array<i32>} : memref<5120xf32, #tpu.memory_space<vmem>>, vector<16xf32>,
        %parallel_loop3A_309 = vector.shape_cast %parallel_loop3A_308 : vector<16xf32> to vector<16xf32>
        %parallel_loop3A_310 = vector.shape_cast %parallel_loop3A_300 : vector<16xf32> to vector<16xf32>
        tpu.vector_store %arg22[%parallel_loop3A_307], %parallel_loop3A_310 {strides = array<i32>} : memref<5120xf32, #tpu.memory_space<vmem>>, vector<16xf32>,
        %parallel_loop3A_311 = arith.constant 2 : i32
        %parallel_loop3A_312 = arith.addi %parallel_loop3A_242, %parallel_loop3A_311 : i32
        %parallel_loop3A_313 = arith.index_cast %parallel_loop3A_312 : i32 to index
        %parallel_loop3A_314 = arith.constant 0 : index
        %parallel_loop3A_315 = tpu.vector_load %arg14[%parallel_loop3A_313, %parallel_loop3A_314] {strides = array<i32>} : memref<160x32xf32, #tpu.memory_space<vmem>>, vector<1x16xf32>,
        %parallel_loop3A_316 = vector.shape_cast %parallel_loop3A_315 : vector<1x16xf32> to vector<16xf32>
        %parallel_loop3A_317 = math.exp %parallel_loop3A_316 : vector<16xf32>
        %parallel_loop3A_318 = arith.constant 2 : i32
        %parallel_loop3A_319 = arith.addi %parallel_loop3A_242, %parallel_loop3A_318 : i32
        %parallel_loop3A_320 = arith.constant 32 : i32
        %parallel_loop3A_321 = arith.muli %parallel_loop3A_319, %parallel_loop3A_320 : i32
        %parallel_loop3A_322 = arith.constant 0 : i32
        %parallel_loop3A_323 = arith.addi %parallel_loop3A_321, %parallel_loop3A_322 : i32
        %parallel_loop3A_324 = arith.index_cast %parallel_loop3A_323 : i32 to index
        %parallel_loop3A_325 = tpu.vector_load %arg22[%parallel_loop3A_324] {strides = array<i32>} : memref<5120xf32, #tpu.memory_space<vmem>>, vector<16xf32>,
        %parallel_loop3A_326 = vector.shape_cast %parallel_loop3A_325 : vector<16xf32> to vector<16xf32>
        %parallel_loop3A_327 = vector.shape_cast %parallel_loop3A_317 : vector<16xf32> to vector<16xf32>
        tpu.vector_store %arg22[%parallel_loop3A_324], %parallel_loop3A_327 {strides = array<i32>} : memref<5120xf32, #tpu.memory_space<vmem>>, vector<16xf32>,
        %parallel_loop3A_328 = arith.constant 2 : i32
        %parallel_loop3A_329 = arith.addi %parallel_loop3A_242, %parallel_loop3A_328 : i32
        %parallel_loop3A_330 = arith.index_cast %parallel_loop3A_329 : i32 to index
        %parallel_loop3A_331 = arith.constant 16 : index
        %parallel_loop3A_332 = tpu.vector_load %arg14[%parallel_loop3A_330, %parallel_loop3A_331] {strides = array<i32>} : memref<160x32xf32, #tpu.memory_space<vmem>>, vector<1x16xf32>,
        %parallel_loop3A_333 = vector.shape_cast %parallel_loop3A_332 : vector<1x16xf32> to vector<16xf32>
        %parallel_loop3A_334 = math.exp %parallel_loop3A_333 : vector<16xf32>
        %parallel_loop3A_335 = arith.constant 2 : i32
        %parallel_loop3A_336 = arith.addi %parallel_loop3A_242, %parallel_loop3A_335 : i32
        %parallel_loop3A_337 = arith.constant 32 : i32
        %parallel_loop3A_338 = arith.muli %parallel_loop3A_336, %parallel_loop3A_337 : i32
        %parallel_loop3A_339 = arith.constant 16 : i32
        %parallel_loop3A_340 = arith.addi %parallel_loop3A_338, %parallel_loop3A_339 : i32
        %parallel_loop3A_341 = arith.index_cast %parallel_loop3A_340 : i32 to index
        %parallel_loop3A_342 = tpu.vector_load %arg22[%parallel_loop3A_341] {strides = array<i32>} : memref<5120xf32, #tpu.memory_space<vmem>>, vector<16xf32>,
        %parallel_loop3A_343 = vector.shape_cast %parallel_loop3A_342 : vector<16xf32> to vector<16xf32>
        %parallel_loop3A_344 = vector.shape_cast %parallel_loop3A_334 : vector<16xf32> to vector<16xf32>
        tpu.vector_store %arg22[%parallel_loop3A_341], %parallel_loop3A_344 {strides = array<i32>} : memref<5120xf32, #tpu.memory_space<vmem>>, vector<16xf32>,
        %parallel_loop3A_345 = arith.constant 3 : i32
        %parallel_loop3A_346 = arith.addi %parallel_loop3A_242, %parallel_loop3A_345 : i32
        %parallel_loop3A_347 = arith.index_cast %parallel_loop3A_346 : i32 to index
        %parallel_loop3A_348 = arith.constant 0 : index
        %parallel_loop3A_349 = tpu.vector_load %arg14[%parallel_loop3A_347, %parallel_loop3A_348] {strides = array<i32>} : memref<160x32xf32, #tpu.memory_space<vmem>>, vector<1x16xf32>,
        %parallel_loop3A_350 = vector.shape_cast %parallel_loop3A_349 : vector<1x16xf32> to vector<16xf32>
        %parallel_loop3A_351 = math.exp %parallel_loop3A_350 : vector<16xf32>
        %parallel_loop3A_352 = arith.constant 3 : i32
        %parallel_loop3A_353 = arith.addi %parallel_loop3A_242, %parallel_loop3A_352 : i32
        %parallel_loop3A_354 = arith.constant 32 : i32
        %parallel_loop3A_355 = arith.muli %parallel_loop3A_353, %parallel_loop3A_354 : i32
        %parallel_loop3A_356 = arith.constant 0 : i32
        %parallel_loop3A_357 = arith.addi %parallel_loop3A_355, %parallel_loop3A_356 : i32
        %parallel_loop3A_358 = arith.index_cast %parallel_loop3A_357 : i32 to index
        %parallel_loop3A_359 = tpu.vector_load %arg22[%parallel_loop3A_358] {strides = array<i32>} : memref<5120xf32, #tpu.memory_space<vmem>>, vector<16xf32>,
        %parallel_loop3A_360 = vector.shape_cast %parallel_loop3A_359 : vector<16xf32> to vector<16xf32>
        %parallel_loop3A_361 = vector.shape_cast %parallel_loop3A_351 : vector<16xf32> to vector<16xf32>
        tpu.vector_store %arg22[%parallel_loop3A_358], %parallel_loop3A_361 {strides = array<i32>} : memref<5120xf32, #tpu.memory_space<vmem>>, vector<16xf32>,
        %parallel_loop3A_362 = arith.constant 3 : i32
        %parallel_loop3A_363 = arith.addi %parallel_loop3A_242, %parallel_loop3A_362 : i32
        %parallel_loop3A_364 = arith.index_cast %parallel_loop3A_363 : i32 to index
        %parallel_loop3A_365 = arith.constant 16 : index
        %parallel_loop3A_366 = tpu.vector_load %arg14[%parallel_loop3A_364, %parallel_loop3A_365] {strides = array<i32>} : memref<160x32xf32, #tpu.memory_space<vmem>>, vector<1x16xf32>,
        %parallel_loop3A_367 = vector.shape_cast %parallel_loop3A_366 : vector<1x16xf32> to vector<16xf32>
        %parallel_loop3A_368 = math.exp %parallel_loop3A_367 : vector<16xf32>
        %parallel_loop3A_369 = arith.constant 3 : i32
        %parallel_loop3A_370 = arith.addi %parallel_loop3A_242, %parallel_loop3A_369 : i32
        %parallel_loop3A_371 = arith.constant 32 : i32
        %parallel_loop3A_372 = arith.muli %parallel_loop3A_370, %parallel_loop3A_371 : i32
        %parallel_loop3A_373 = arith.constant 16 : i32
        %parallel_loop3A_374 = arith.addi %parallel_loop3A_372, %parallel_loop3A_373 : i32
        %parallel_loop3A_375 = arith.index_cast %parallel_loop3A_374 : i32 to index
        %parallel_loop3A_376 = tpu.vector_load %arg22[%parallel_loop3A_375] {strides = array<i32>} : memref<5120xf32, #tpu.memory_space<vmem>>, vector<16xf32>,
        %parallel_loop3A_377 = vector.shape_cast %parallel_loop3A_376 : vector<16xf32> to vector<16xf32>
        %parallel_loop3A_378 = vector.shape_cast %parallel_loop3A_368 : vector<16xf32> to vector<16xf32>
        tpu.vector_store %arg22[%parallel_loop3A_375], %parallel_loop3A_378 {strides = array<i32>} : memref<5120xf32, #tpu.memory_space<vmem>>, vector<16xf32>,
      } {sc.loop_unroll_factor = 1 : i64, sc.parallel_access}
      %add3A_190 = arith.addi %multiple_of3A_7, %multiple_of3A_160 : i32
      %dma_start3A_191 = tpu.memref_slice %arg6[%add3A_190] : memref<26214400xf32, #tpu.memory_space<hbm>> -> memref<5120xf32, #tpu.memory_space<hbm>>
      %dma_start3A_192 = tpu.memref_slice %arg6[%add3A_190] : memref<26214400xf32, #tpu.memory_space<hbm>> -> memref<5120xf32, #tpu.memory_space<hbm>>
      tpu.enqueue_dma source(%arg22 : memref<5120xf32, #tpu.memory_space<vmem>>) target(%dma_start3A_192 : memref<5120xf32, #tpu.memory_space<hbm>>) target_semaphore(%arg38 : memref<!tpu.dma_semaphore, #tpu.memory_space<semaphore_mem>>)
      %lt3A_193 = arith.constant 39 : i32
      %lt3A_194 = arith.cmpi slt, %add3A_70, %lt3A_193 : i32
      %convert_element_type3A_195 = arith.extui %lt3A_194 : i1 to i32
      %cond3A_196 = arith.constant 0 : i32
      %cond3A_197 = arith.cmpi ne, %convert_element_type3A_195, %cond3A_196 : i32
      scf.if %cond3A_197 {
        %add3A_242 = arith.constant 1 : i32
        %add3A_243 = arith.addi %add3A_70, %add3A_242 : i32
        %mul3A_244 = arith.constant 4 : i32
        %mul3A_245 = arith.muli %add3A_243, %mul3A_244 : i32
        %add3A_246 = arith.constant 2 : i32
        %add3A_247 = arith.addi %mul3A_245, %add3A_246 : i32
        %mul3A_248 = arith.constant 160 : i32
        %mul3A_249 = arith.muli %add3A_247, %mul3A_248 : i32
        %multiple_of3A_250 = tpu.assume_multiple %mul3A_249, 8 : i32
        %dma_start3A_251 = tpu.memref_slice %arg7[%multiple_of3A_250] : memref<25600xi32, #tpu.memory_space<vmem>> -> memref<160xi32, #tpu.memory_space<vmem>>
        %dma_start3A_252 = arith.constant 0 : i32
        %dma_start3A_253 = arith.constant 0 : i32
        %dma_start3A_254 = tpu.memref_slice %arg3[%dma_start3A_252, %dma_start3A_253] : memref<1000000x32xf32, #tpu.memory_space<hbm>> -> memref<1000000x32xf32, #tpu.memory_space<hbm>>
        tpu.enqueue_indirect_dma source(%dma_start3A_254 : memref<1000000x32xf32, #tpu.memory_space<hbm>>) target(%arg10 : memref<160x32xf32, #tpu.memory_space<vmem>>) offsets(%dma_start3A_251 : memref<160xi32, #tpu.memory_space<vmem>>) semaphore(%arg26 : memref<!tpu.dma_semaphore, #tpu.memory_space<semaphore_mem>>)
        %dma_start3A_255 = tpu.memref_slice %arg7[%multiple_of3A_250] : memref<25600xi32, #tpu.memory_space<vmem>> -> memref<160xi32, #tpu.memory_space<vmem>>
        %dma_start3A_256 = arith.constant 0 : i32
        %dma_start3A_257 = arith.constant 0 : i32
        %dma_start3A_258 = tpu.memref_slice %arg4[%dma_start3A_256, %dma_start3A_257] : memref<1000000x32xf32, #tpu.memory_space<hbm>> -> memref<1000000x32xf32, #tpu.memory_space<hbm>>
        tpu.enqueue_indirect_dma source(%dma_start3A_258 : memref<1000000x32xf32, #tpu.memory_space<hbm>>) target(%arg14 : memref<160x32xf32, #tpu.memory_space<vmem>>) offsets(%dma_start3A_255 : memref<160xi32, #tpu.memory_space<vmem>>) semaphore(%arg30 : memref<!tpu.dma_semaphore, #tpu.memory_space<semaphore_mem>>)
      } else {
      }
      %mul3A_198 = arith.constant 4 : i32
      %mul3A_199 = arith.muli %add3A_70, %mul3A_198 : i32
      %add3A_200 = arith.constant 3 : i32
      %add3A_201 = arith.addi %mul3A_199, %add3A_200 : i32
      %mul3A_202 = arith.constant 5120 : i32
      %mul3A_203 = arith.muli %add3A_201, %mul3A_202 : i32
      %multiple_of3A_204 = tpu.assume_multiple %mul3A_203, 8 : i32
      %dma_wait3A_205 = arith.constant 0 : i32
      %dma_wait3A_206 = tpu.memref_slice %arg7[%dma_wait3A_205] : memref<25600xi32, #tpu.memory_space<vmem>> -> memref<160xi32, #tpu.memory_space<vmem>>
      %dma_wait3A_207 = arith.constant 0 : i32
      %dma_wait3A_208 = arith.constant 0 : i32
      %dma_wait3A_209 = tpu.memref_slice %arg3[%dma_wait3A_207, %dma_wait3A_208] : memref<1000000x32xf32, #tpu.memory_space<hbm>> -> memref<1000000x32xf32, #tpu.memory_space<hbm>>
      tpu.wait_indirect_dma semaphore(%arg27 : memref<!tpu.dma_semaphore, #tpu.memory_space<semaphore_mem>>) src(%dma_wait3A_209 : memref<1000000x32xf32, #tpu.memory_space<hbm>>) dst(%arg11 : memref<160x32xf32, #tpu.memory_space<vmem>>)
      %gt3A_210 = arith.constant 0 : i32
      %gt3A_211 = arith.cmpi sgt, %add3A_70, %gt3A_210 : i32
      %convert_element_type3A_212 = arith.extui %gt3A_211 : i1 to i32
      %cond3A_213 = arith.constant 0 : i32
      %cond3A_214 = arith.cmpi ne, %convert_element_type3A_212, %cond3A_213 : i32
      scf.if %cond3A_214 {
        %dma_wait3A_242 = tpu.memref_slice %arg5[%multiple_of3A_7] : memref<26214400xf32, #tpu.memory_space<hbm>> -> memref<5120xf32, #tpu.memory_space<hbm>>
        %dma_wait3A_243 = tpu.memref_slice %arg5[%multiple_of3A_7] : memref<26214400xf32, #tpu.memory_space<hbm>> -> memref<5120xf32, #tpu.memory_space<hbm>>
        tpu.wait_dma2 semaphore(%arg35 : memref<!tpu.dma_semaphore, #tpu.memory_space<semaphore_mem>>) src(%arg19 : memref<5120xf32, #tpu.memory_space<vmem>>) dst(%dma_wait3A_243 : memref<5120xf32, #tpu.memory_space<hbm>>)
      } else {
      }
      %parallel_loop3A_215 = arith.constant 0 : i32
      %parallel_loop3A_216 = arith.constant 160 : i32
      %parallel_loop3A_217 = arith.constant 4 : i32
      scf.for %parallel_loop3A_242 = %parallel_loop3A_215 to %parallel_loop3A_216 step %parallel_loop3A_217  : i32 {
        %parallel_loop3A_243 = arith.constant 0 : i32
        %parallel_loop3A_244 = arith.addi %parallel_loop3A_242, %parallel_loop3A_243 : i32
        %parallel_loop3A_245 = arith.index_cast %parallel_loop3A_244 : i32 to index
        %parallel_loop3A_246 = arith.constant 0 : index
        %parallel_loop3A_247 = tpu.vector_load %arg11[%parallel_loop3A_245, %parallel_loop3A_246] {strides = array<i32>} : memref<160x32xf32, #tpu.memory_space<vmem>>, vector<1x16xf32>,
        %parallel_loop3A_248 = vector.shape_cast %parallel_loop3A_247 : vector<1x16xf32> to vector<16xf32>
        %parallel_loop3A_249 = arith.constant 0 : i32
        %parallel_loop3A_250 = arith.addi %parallel_loop3A_242, %parallel_loop3A_249 : i32
        %parallel_loop3A_251 = arith.constant 32 : i32
        %parallel_loop3A_252 = arith.muli %parallel_loop3A_250, %parallel_loop3A_251 : i32
        %parallel_loop3A_253 = arith.constant 0 : i32
        %parallel_loop3A_254 = arith.addi %parallel_loop3A_252, %parallel_loop3A_253 : i32
        %parallel_loop3A_255 = arith.index_cast %parallel_loop3A_254 : i32 to index
        %parallel_loop3A_256 = tpu.vector_load %arg19[%parallel_loop3A_255] {strides = array<i32>} : memref<5120xf32, #tpu.memory_space<vmem>>, vector<16xf32>,
        %parallel_loop3A_257 = vector.shape_cast %parallel_loop3A_256 : vector<16xf32> to vector<16xf32>
        %parallel_loop3A_258 = vector.shape_cast %parallel_loop3A_248 : vector<16xf32> to vector<16xf32>
        tpu.vector_store %arg19[%parallel_loop3A_255], %parallel_loop3A_258 {strides = array<i32>} : memref<5120xf32, #tpu.memory_space<vmem>>, vector<16xf32>,
        %parallel_loop3A_259 = arith.constant 0 : i32
        %parallel_loop3A_260 = arith.addi %parallel_loop3A_242, %parallel_loop3A_259 : i32
        %parallel_loop3A_261 = arith.index_cast %parallel_loop3A_260 : i32 to index
        %parallel_loop3A_262 = arith.constant 16 : index
        %parallel_loop3A_263 = tpu.vector_load %arg11[%parallel_loop3A_261, %parallel_loop3A_262] {strides = array<i32>} : memref<160x32xf32, #tpu.memory_space<vmem>>, vector<1x16xf32>,
        %parallel_loop3A_264 = vector.shape_cast %parallel_loop3A_263 : vector<1x16xf32> to vector<16xf32>
        %parallel_loop3A_265 = arith.constant 0 : i32
        %parallel_loop3A_266 = arith.addi %parallel_loop3A_242, %parallel_loop3A_265 : i32
        %parallel_loop3A_267 = arith.constant 32 : i32
        %parallel_loop3A_268 = arith.muli %parallel_loop3A_266, %parallel_loop3A_267 : i32
        %parallel_loop3A_269 = arith.constant 16 : i32
        %parallel_loop3A_270 = arith.addi %parallel_loop3A_268, %parallel_loop3A_269 : i32
        %parallel_loop3A_271 = arith.index_cast %parallel_loop3A_270 : i32 to index
        %parallel_loop3A_272 = tpu.vector_load %arg19[%parallel_loop3A_271] {strides = array<i32>} : memref<5120xf32, #tpu.memory_space<vmem>>, vector<16xf32>,
        %parallel_loop3A_273 = vector.shape_cast %parallel_loop3A_272 : vector<16xf32> to vector<16xf32>
        %parallel_loop3A_274 = vector.shape_cast %parallel_loop3A_264 : vector<16xf32> to vector<16xf32>
        tpu.vector_store %arg19[%parallel_loop3A_271], %parallel_loop3A_274 {strides = array<i32>} : memref<5120xf32, #tpu.memory_space<vmem>>, vector<16xf32>,
        %parallel_loop3A_275 = arith.constant 1 : i32
        %parallel_loop3A_276 = arith.addi %parallel_loop3A_242, %parallel_loop3A_275 : i32
        %parallel_loop3A_277 = arith.index_cast %parallel_loop3A_276 : i32 to index
        %parallel_loop3A_278 = arith.constant 0 : index
        %parallel_loop3A_279 = tpu.vector_load %arg11[%parallel_loop3A_277, %parallel_loop3A_278] {strides = array<i32>} : memref<160x32xf32, #tpu.memory_space<vmem>>, vector<1x16xf32>,
        %parallel_loop3A_280 = vector.shape_cast %parallel_loop3A_279 : vector<1x16xf32> to vector<16xf32>
        %parallel_loop3A_281 = arith.constant 1 : i32
        %parallel_loop3A_282 = arith.addi %parallel_loop3A_242, %parallel_loop3A_281 : i32
        %parallel_loop3A_283 = arith.constant 32 : i32
        %parallel_loop3A_284 = arith.muli %parallel_loop3A_282, %parallel_loop3A_283 : i32
        %parallel_loop3A_285 = arith.constant 0 : i32
        %parallel_loop3A_286 = arith.addi %parallel_loop3A_284, %parallel_loop3A_285 : i32
        %parallel_loop3A_287 = arith.index_cast %parallel_loop3A_286 : i32 to index
        %parallel_loop3A_288 = tpu.vector_load %arg19[%parallel_loop3A_287] {strides = array<i32>} : memref<5120xf32, #tpu.memory_space<vmem>>, vector<16xf32>,
        %parallel_loop3A_289 = vector.shape_cast %parallel_loop3A_288 : vector<16xf32> to vector<16xf32>
        %parallel_loop3A_290 = vector.shape_cast %parallel_loop3A_280 : vector<16xf32> to vector<16xf32>
        tpu.vector_store %arg19[%parallel_loop3A_287], %parallel_loop3A_290 {strides = array<i32>} : memref<5120xf32, #tpu.memory_space<vmem>>, vector<16xf32>,
        %parallel_loop3A_291 = arith.constant 1 : i32
        %parallel_loop3A_292 = arith.addi %parallel_loop3A_242, %parallel_loop3A_291 : i32
        %parallel_loop3A_293 = arith.index_cast %parallel_loop3A_292 : i32 to index
        %parallel_loop3A_294 = arith.constant 16 : index
        %parallel_loop3A_295 = tpu.vector_load %arg11[%parallel_loop3A_293, %parallel_loop3A_294] {strides = array<i32>} : memref<160x32xf32, #tpu.memory_space<vmem>>, vector<1x16xf32>,
        %parallel_loop3A_296 = vector.shape_cast %parallel_loop3A_295 : vector<1x16xf32> to vector<16xf32>
        %parallel_loop3A_297 = arith.constant 1 : i32
        %parallel_loop3A_298 = arith.addi %parallel_loop3A_242, %parallel_loop3A_297 : i32
        %parallel_loop3A_299 = arith.constant 32 : i32
        %parallel_loop3A_300 = arith.muli %parallel_loop3A_298, %parallel_loop3A_299 : i32
        %parallel_loop3A_301 = arith.constant 16 : i32
        %parallel_loop3A_302 = arith.addi %parallel_loop3A_300, %parallel_loop3A_301 : i32
        %parallel_loop3A_303 = arith.index_cast %parallel_loop3A_302 : i32 to index
        %parallel_loop3A_304 = tpu.vector_load %arg19[%parallel_loop3A_303] {strides = array<i32>} : memref<5120xf32, #tpu.memory_space<vmem>>, vector<16xf32>,
        %parallel_loop3A_305 = vector.shape_cast %parallel_loop3A_304 : vector<16xf32> to vector<16xf32>
        %parallel_loop3A_306 = vector.shape_cast %parallel_loop3A_296 : vector<16xf32> to vector<16xf32>
        tpu.vector_store %arg19[%parallel_loop3A_303], %parallel_loop3A_306 {strides = array<i32>} : memref<5120xf32, #tpu.memory_space<vmem>>, vector<16xf32>,
        %parallel_loop3A_307 = arith.constant 2 : i32
        %parallel_loop3A_308 = arith.addi %parallel_loop3A_242, %parallel_loop3A_307 : i32
        %parallel_loop3A_309 = arith.index_cast %parallel_loop3A_308 : i32 to index
        %parallel_loop3A_310 = arith.constant 0 : index
        %parallel_loop3A_311 = tpu.vector_load %arg11[%parallel_loop3A_309, %parallel_loop3A_310] {strides = array<i32>} : memref<160x32xf32, #tpu.memory_space<vmem>>, vector<1x16xf32>,
        %parallel_loop3A_312 = vector.shape_cast %parallel_loop3A_311 : vector<1x16xf32> to vector<16xf32>
        %parallel_loop3A_313 = arith.constant 2 : i32
        %parallel_loop3A_314 = arith.addi %parallel_loop3A_242, %parallel_loop3A_313 : i32
        %parallel_loop3A_315 = arith.constant 32 : i32
        %parallel_loop3A_316 = arith.muli %parallel_loop3A_314, %parallel_loop3A_315 : i32
        %parallel_loop3A_317 = arith.constant 0 : i32
        %parallel_loop3A_318 = arith.addi %parallel_loop3A_316, %parallel_loop3A_317 : i32
        %parallel_loop3A_319 = arith.index_cast %parallel_loop3A_318 : i32 to index
        %parallel_loop3A_320 = tpu.vector_load %arg19[%parallel_loop3A_319] {strides = array<i32>} : memref<5120xf32, #tpu.memory_space<vmem>>, vector<16xf32>,
        %parallel_loop3A_321 = vector.shape_cast %parallel_loop3A_320 : vector<16xf32> to vector<16xf32>
        %parallel_loop3A_322 = vector.shape_cast %parallel_loop3A_312 : vector<16xf32> to vector<16xf32>
        tpu.vector_store %arg19[%parallel_loop3A_319], %parallel_loop3A_322 {strides = array<i32>} : memref<5120xf32, #tpu.memory_space<vmem>>, vector<16xf32>,
        %parallel_loop3A_323 = arith.constant 2 : i32
        %parallel_loop3A_324 = arith.addi %parallel_loop3A_242, %parallel_loop3A_323 : i32
        %parallel_loop3A_325 = arith.index_cast %parallel_loop3A_324 : i32 to index
        %parallel_loop3A_326 = arith.constant 16 : index
        %parallel_loop3A_327 = tpu.vector_load %arg11[%parallel_loop3A_325, %parallel_loop3A_326] {strides = array<i32>} : memref<160x32xf32, #tpu.memory_space<vmem>>, vector<1x16xf32>,
        %parallel_loop3A_328 = vector.shape_cast %parallel_loop3A_327 : vector<1x16xf32> to vector<16xf32>
        %parallel_loop3A_329 = arith.constant 2 : i32
        %parallel_loop3A_330 = arith.addi %parallel_loop3A_242, %parallel_loop3A_329 : i32
        %parallel_loop3A_331 = arith.constant 32 : i32
        %parallel_loop3A_332 = arith.muli %parallel_loop3A_330, %parallel_loop3A_331 : i32
        %parallel_loop3A_333 = arith.constant 16 : i32
        %parallel_loop3A_334 = arith.addi %parallel_loop3A_332, %parallel_loop3A_333 : i32
        %parallel_loop3A_335 = arith.index_cast %parallel_loop3A_334 : i32 to index
        %parallel_loop3A_336 = tpu.vector_load %arg19[%parallel_loop3A_335] {strides = array<i32>} : memref<5120xf32, #tpu.memory_space<vmem>>, vector<16xf32>,
        %parallel_loop3A_337 = vector.shape_cast %parallel_loop3A_336 : vector<16xf32> to vector<16xf32>
        %parallel_loop3A_338 = vector.shape_cast %parallel_loop3A_328 : vector<16xf32> to vector<16xf32>
        tpu.vector_store %arg19[%parallel_loop3A_335], %parallel_loop3A_338 {strides = array<i32>} : memref<5120xf32, #tpu.memory_space<vmem>>, vector<16xf32>,
        %parallel_loop3A_339 = arith.constant 3 : i32
        %parallel_loop3A_340 = arith.addi %parallel_loop3A_242, %parallel_loop3A_339 : i32
        %parallel_loop3A_341 = arith.index_cast %parallel_loop3A_340 : i32 to index
        %parallel_loop3A_342 = arith.constant 0 : index
        %parallel_loop3A_343 = tpu.vector_load %arg11[%parallel_loop3A_341, %parallel_loop3A_342] {strides = array<i32>} : memref<160x32xf32, #tpu.memory_space<vmem>>, vector<1x16xf32>,
        %parallel_loop3A_344 = vector.shape_cast %parallel_loop3A_343 : vector<1x16xf32> to vector<16xf32>
        %parallel_loop3A_345 = arith.constant 3 : i32
        %parallel_loop3A_346 = arith.addi %parallel_loop3A_242, %parallel_loop3A_345 : i32
        %parallel_loop3A_347 = arith.constant 32 : i32
        %parallel_loop3A_348 = arith.muli %parallel_loop3A_346, %parallel_loop3A_347 : i32
        %parallel_loop3A_349 = arith.constant 0 : i32
        %parallel_loop3A_350 = arith.addi %parallel_loop3A_348, %parallel_loop3A_349 : i32
        %parallel_loop3A_351 = arith.index_cast %parallel_loop3A_350 : i32 to index
        %parallel_loop3A_352 = tpu.vector_load %arg19[%parallel_loop3A_351] {strides = array<i32>} : memref<5120xf32, #tpu.memory_space<vmem>>, vector<16xf32>,
        %parallel_loop3A_353 = vector.shape_cast %parallel_loop3A_352 : vector<16xf32> to vector<16xf32>
        %parallel_loop3A_354 = vector.shape_cast %parallel_loop3A_344 : vector<16xf32> to vector<16xf32>
        tpu.vector_store %arg19[%parallel_loop3A_351], %parallel_loop3A_354 {strides = array<i32>} : memref<5120xf32, #tpu.memory_space<vmem>>, vector<16xf32>,
        %parallel_loop3A_355 = arith.constant 3 : i32
        %parallel_loop3A_356 = arith.addi %parallel_loop3A_242, %parallel_loop3A_355 : i32
        %parallel_loop3A_357 = arith.index_cast %parallel_loop3A_356 : i32 to index
        %parallel_loop3A_358 = arith.constant 16 : index
        %parallel_loop3A_359 = tpu.vector_load %arg11[%parallel_loop3A_357, %parallel_loop3A_358] {strides = array<i32>} : memref<160x32xf32, #tpu.memory_space<vmem>>, vector<1x16xf32>,
        %parallel_loop3A_360 = vector.shape_cast %parallel_loop3A_359 : vector<1x16xf32> to vector<16xf32>
        %parallel_loop3A_361 = arith.constant 3 : i32
        %parallel_loop3A_362 = arith.addi %parallel_loop3A_242, %parallel_loop3A_361 : i32
        %parallel_loop3A_363 = arith.constant 32 : i32
        %parallel_loop3A_364 = arith.muli %parallel_loop3A_362, %parallel_loop3A_363 : i32
        %parallel_loop3A_365 = arith.constant 16 : i32
        %parallel_loop3A_366 = arith.addi %parallel_loop3A_364, %parallel_loop3A_365 : i32
        %parallel_loop3A_367 = arith.index_cast %parallel_loop3A_366 : i32 to index
        %parallel_loop3A_368 = tpu.vector_load %arg19[%parallel_loop3A_367] {strides = array<i32>} : memref<5120xf32, #tpu.memory_space<vmem>>, vector<16xf32>,
        %parallel_loop3A_369 = vector.shape_cast %parallel_loop3A_368 : vector<16xf32> to vector<16xf32>
        %parallel_loop3A_370 = vector.shape_cast %parallel_loop3A_360 : vector<16xf32> to vector<16xf32>
        tpu.vector_store %arg19[%parallel_loop3A_367], %parallel_loop3A_370 {strides = array<i32>} : memref<5120xf32, #tpu.memory_space<vmem>>, vector<16xf32>,
      } {sc.loop_unroll_factor = 1 : i64, sc.parallel_access}
      %add3A_218 = arith.addi %multiple_of3A_7, %multiple_of3A_204 : i32
      %dma_start3A_219 = tpu.memref_slice %arg5[%add3A_218] : memref<26214400xf32, #tpu.memory_space<hbm>> -> memref<5120xf32, #tpu.memory_space<hbm>>
      %dma_start3A_220 = tpu.memref_slice %arg5[%add3A_218] : memref<26214400xf32, #tpu.memory_space<hbm>> -> memref<5120xf32, #tpu.memory_space<hbm>>
      tpu.enqueue_dma source(%arg19 : memref<5120xf32, #tpu.memory_space<vmem>>) target(%dma_start3A_220 : memref<5120xf32, #tpu.memory_space<hbm>>) target_semaphore(%arg35 : memref<!tpu.dma_semaphore, #tpu.memory_space<semaphore_mem>>)
      %dma_wait3A_221 = arith.constant 0 : i32
      %dma_wait3A_222 = tpu.memref_slice %arg7[%dma_wait3A_221] : memref<25600xi32, #tpu.memory_space<vmem>> -> memref<160xi32, #tpu.memory_space<vmem>>
      %dma_wait3A_223 = arith.constant 0 : i32
      %dma_wait3A_224 = arith.constant 0 : i32
      %dma_wait3A_225 = tpu.memref_slice %arg4[%dma_wait3A_223, %dma_wait3A_224] : memref<1000000x32xf32, #tpu.memory_space<hbm>> -> memref<1000000x32xf32, #tpu.memory_space<hbm>>
      tpu.wait_indirect_dma semaphore(%arg31 : memref<!tpu.dma_semaphore, #tpu.memory_space<semaphore_mem>>) src(%dma_wait3A_225 : memref<1000000x32xf32, #tpu.memory_space<hbm>>) dst(%arg15 : memref<160x32xf32, #tpu.memory_space<vmem>>)
      %gt3A_226 = arith.constant 0 : i32
      %gt3A_227 = arith.cmpi sgt, %add3A_70, %gt3A_226 : i32
      %convert_element_type3A_228 = arith.extui %gt3A_227 : i1 to i32
      %cond3A_229 = arith.constant 0 : i32
      %cond3A_230 = arith.cmpi ne, %convert_element_type3A_228, %cond3A_229 : i32
      scf.if %cond3A_230 {
        %dma_wait3A_242 = tpu.memref_slice %arg6[%multiple_of3A_7] : memref<26214400xf32, #tpu.memory_space<hbm>> -> memref<5120xf32, #tpu.memory_space<hbm>>
        %dma_wait3A_243 = tpu.memref_slice %arg6[%multiple_of3A_7] : memref<26214400xf32, #tpu.memory_space<hbm>> -> memref<5120xf32, #tpu.memory_space<hbm>>
        tpu.wait_dma2 semaphore(%arg39 : memref<!tpu.dma_semaphore, #tpu.memory_space<semaphore_mem>>) src(%arg23 : memref<5120xf32, #tpu.memory_space<vmem>>) dst(%dma_wait3A_243 : memref<5120xf32, #tpu.memory_space<hbm>>)
      } else {
      }
      %parallel_loop3A_231 = arith.constant 0 : i32
      %parallel_loop3A_232 = arith.constant 160 : i32
      %parallel_loop3A_233 = arith.constant 4 : i32
      scf.for %parallel_loop3A_242 = %parallel_loop3A_231 to %parallel_loop3A_232 step %parallel_loop3A_233  : i32 {
        %parallel_loop3A_243 = arith.constant 0 : i32
        %parallel_loop3A_244 = arith.addi %parallel_loop3A_242, %parallel_loop3A_243 : i32
        %parallel_loop3A_245 = arith.index_cast %parallel_loop3A_244 : i32 to index
        %parallel_loop3A_246 = arith.constant 0 : index
        %parallel_loop3A_247 = tpu.vector_load %arg15[%parallel_loop3A_245, %parallel_loop3A_246] {strides = array<i32>} : memref<160x32xf32, #tpu.memory_space<vmem>>, vector<1x16xf32>,
        %parallel_loop3A_248 = vector.shape_cast %parallel_loop3A_247 : vector<1x16xf32> to vector<16xf32>
        %parallel_loop3A_249 = math.exp %parallel_loop3A_248 : vector<16xf32>
        %parallel_loop3A_250 = arith.constant 0 : i32
        %parallel_loop3A_251 = arith.addi %parallel_loop3A_242, %parallel_loop3A_250 : i32
        %parallel_loop3A_252 = arith.constant 32 : i32
        %parallel_loop3A_253 = arith.muli %parallel_loop3A_251, %parallel_loop3A_252 : i32
        %parallel_loop3A_254 = arith.constant 0 : i32
        %parallel_loop3A_255 = arith.addi %parallel_loop3A_253, %parallel_loop3A_254 : i32
        %parallel_loop3A_256 = arith.index_cast %parallel_loop3A_255 : i32 to index
        %parallel_loop3A_257 = tpu.vector_load %arg23[%parallel_loop3A_256] {strides = array<i32>} : memref<5120xf32, #tpu.memory_space<vmem>>, vector<16xf32>,
        %parallel_loop3A_258 = vector.shape_cast %parallel_loop3A_257 : vector<16xf32> to vector<16xf32>
        %parallel_loop3A_259 = vector.shape_cast %parallel_loop3A_249 : vector<16xf32> to vector<16xf32>
        tpu.vector_store %arg23[%parallel_loop3A_256], %parallel_loop3A_259 {strides = array<i32>} : memref<5120xf32, #tpu.memory_space<vmem>>, vector<16xf32>,
        %parallel_loop3A_260 = arith.constant 0 : i32
        %parallel_loop3A_261 = arith.addi %parallel_loop3A_242, %parallel_loop3A_260 : i32
        %parallel_loop3A_262 = arith.index_cast %parallel_loop3A_261 : i32 to index
        %parallel_loop3A_263 = arith.constant 16 : index
        %parallel_loop3A_264 = tpu.vector_load %arg15[%parallel_loop3A_262, %parallel_loop3A_263] {strides = array<i32>} : memref<160x32xf32, #tpu.memory_space<vmem>>, vector<1x16xf32>,
        %parallel_loop3A_265 = vector.shape_cast %parallel_loop3A_264 : vector<1x16xf32> to vector<16xf32>
        %parallel_loop3A_266 = math.exp %parallel_loop3A_265 : vector<16xf32>
        %parallel_loop3A_267 = arith.constant 0 : i32
        %parallel_loop3A_268 = arith.addi %parallel_loop3A_242, %parallel_loop3A_267 : i32
        %parallel_loop3A_269 = arith.constant 32 : i32
        %parallel_loop3A_270 = arith.muli %parallel_loop3A_268, %parallel_loop3A_269 : i32
        %parallel_loop3A_271 = arith.constant 16 : i32
        %parallel_loop3A_272 = arith.addi %parallel_loop3A_270, %parallel_loop3A_271 : i32
        %parallel_loop3A_273 = arith.index_cast %parallel_loop3A_272 : i32 to index
        %parallel_loop3A_274 = tpu.vector_load %arg23[%parallel_loop3A_273] {strides = array<i32>} : memref<5120xf32, #tpu.memory_space<vmem>>, vector<16xf32>,
        %parallel_loop3A_275 = vector.shape_cast %parallel_loop3A_274 : vector<16xf32> to vector<16xf32>
        %parallel_loop3A_276 = vector.shape_cast %parallel_loop3A_266 : vector<16xf32> to vector<16xf32>
        tpu.vector_store %arg23[%parallel_loop3A_273], %parallel_loop3A_276 {strides = array<i32>} : memref<5120xf32, #tpu.memory_space<vmem>>, vector<16xf32>,
        %parallel_loop3A_277 = arith.constant 1 : i32
        %parallel_loop3A_278 = arith.addi %parallel_loop3A_242, %parallel_loop3A_277 : i32
        %parallel_loop3A_279 = arith.index_cast %parallel_loop3A_278 : i32 to index
        %parallel_loop3A_280 = arith.constant 0 : index
        %parallel_loop3A_281 = tpu.vector_load %arg15[%parallel_loop3A_279, %parallel_loop3A_280] {strides = array<i32>} : memref<160x32xf32, #tpu.memory_space<vmem>>, vector<1x16xf32>,
        %parallel_loop3A_282 = vector.shape_cast %parallel_loop3A_281 : vector<1x16xf32> to vector<16xf32>
        %parallel_loop3A_283 = math.exp %parallel_loop3A_282 : vector<16xf32>
        %parallel_loop3A_284 = arith.constant 1 : i32
        %parallel_loop3A_285 = arith.addi %parallel_loop3A_242, %parallel_loop3A_284 : i32
        %parallel_loop3A_286 = arith.constant 32 : i32
        %parallel_loop3A_287 = arith.muli %parallel_loop3A_285, %parallel_loop3A_286 : i32
        %parallel_loop3A_288 = arith.constant 0 : i32
        %parallel_loop3A_289 = arith.addi %parallel_loop3A_287, %parallel_loop3A_288 : i32
        %parallel_loop3A_290 = arith.index_cast %parallel_loop3A_289 : i32 to index
        %parallel_loop3A_291 = tpu.vector_load %arg23[%parallel_loop3A_290] {strides = array<i32>} : memref<5120xf32, #tpu.memory_space<vmem>>, vector<16xf32>,
        %parallel_loop3A_292 = vector.shape_cast %parallel_loop3A_291 : vector<16xf32> to vector<16xf32>
        %parallel_loop3A_293 = vector.shape_cast %parallel_loop3A_283 : vector<16xf32> to vector<16xf32>
        tpu.vector_store %arg23[%parallel_loop3A_290], %parallel_loop3A_293 {strides = array<i32>} : memref<5120xf32, #tpu.memory_space<vmem>>, vector<16xf32>,
        %parallel_loop3A_294 = arith.constant 1 : i32
        %parallel_loop3A_295 = arith.addi %parallel_loop3A_242, %parallel_loop3A_294 : i32
        %parallel_loop3A_296 = arith.index_cast %parallel_loop3A_295 : i32 to index
        %parallel_loop3A_297 = arith.constant 16 : index
        %parallel_loop3A_298 = tpu.vector_load %arg15[%parallel_loop3A_296, %parallel_loop3A_297] {strides = array<i32>} : memref<160x32xf32, #tpu.memory_space<vmem>>, vector<1x16xf32>,
        %parallel_loop3A_299 = vector.shape_cast %parallel_loop3A_298 : vector<1x16xf32> to vector<16xf32>
        %parallel_loop3A_300 = math.exp %parallel_loop3A_299 : vector<16xf32>
        %parallel_loop3A_301 = arith.constant 1 : i32
        %parallel_loop3A_302 = arith.addi %parallel_loop3A_242, %parallel_loop3A_301 : i32
        %parallel_loop3A_303 = arith.constant 32 : i32
        %parallel_loop3A_304 = arith.muli %parallel_loop3A_302, %parallel_loop3A_303 : i32
        %parallel_loop3A_305 = arith.constant 16 : i32
        %parallel_loop3A_306 = arith.addi %parallel_loop3A_304, %parallel_loop3A_305 : i32
        %parallel_loop3A_307 = arith.index_cast %parallel_loop3A_306 : i32 to index
        %parallel_loop3A_308 = tpu.vector_load %arg23[%parallel_loop3A_307] {strides = array<i32>} : memref<5120xf32, #tpu.memory_space<vmem>>, vector<16xf32>,
        %parallel_loop3A_309 = vector.shape_cast %parallel_loop3A_308 : vector<16xf32> to vector<16xf32>
        %parallel_loop3A_310 = vector.shape_cast %parallel_loop3A_300 : vector<16xf32> to vector<16xf32>
        tpu.vector_store %arg23[%parallel_loop3A_307], %parallel_loop3A_310 {strides = array<i32>} : memref<5120xf32, #tpu.memory_space<vmem>>, vector<16xf32>,
        %parallel_loop3A_311 = arith.constant 2 : i32
        %parallel_loop3A_312 = arith.addi %parallel_loop3A_242, %parallel_loop3A_311 : i32
        %parallel_loop3A_313 = arith.index_cast %parallel_loop3A_312 : i32 to index
        %parallel_loop3A_314 = arith.constant 0 : index
        %parallel_loop3A_315 = tpu.vector_load %arg15[%parallel_loop3A_313, %parallel_loop3A_314] {strides = array<i32>} : memref<160x32xf32, #tpu.memory_space<vmem>>, vector<1x16xf32>,
        %parallel_loop3A_316 = vector.shape_cast %parallel_loop3A_315 : vector<1x16xf32> to vector<16xf32>
        %parallel_loop3A_317 = math.exp %parallel_loop3A_316 : vector<16xf32>
        %parallel_loop3A_318 = arith.constant 2 : i32
        %parallel_loop3A_319 = arith.addi %parallel_loop3A_242, %parallel_loop3A_318 : i32
        %parallel_loop3A_320 = arith.constant 32 : i32
        %parallel_loop3A_321 = arith.muli %parallel_loop3A_319, %parallel_loop3A_320 : i32
        %parallel_loop3A_322 = arith.constant 0 : i32
        %parallel_loop3A_323 = arith.addi %parallel_loop3A_321, %parallel_loop3A_322 : i32
        %parallel_loop3A_324 = arith.index_cast %parallel_loop3A_323 : i32 to index
        %parallel_loop3A_325 = tpu.vector_load %arg23[%parallel_loop3A_324] {strides = array<i32>} : memref<5120xf32, #tpu.memory_space<vmem>>, vector<16xf32>,
        %parallel_loop3A_326 = vector.shape_cast %parallel_loop3A_325 : vector<16xf32> to vector<16xf32>
        %parallel_loop3A_327 = vector.shape_cast %parallel_loop3A_317 : vector<16xf32> to vector<16xf32>
        tpu.vector_store %arg23[%parallel_loop3A_324], %parallel_loop3A_327 {strides = array<i32>} : memref<5120xf32, #tpu.memory_space<vmem>>, vector<16xf32>,
        %parallel_loop3A_328 = arith.constant 2 : i32
        %parallel_loop3A_329 = arith.addi %parallel_loop3A_242, %parallel_loop3A_328 : i32
        %parallel_loop3A_330 = arith.index_cast %parallel_loop3A_329 : i32 to index
        %parallel_loop3A_331 = arith.constant 16 : index
        %parallel_loop3A_332 = tpu.vector_load %arg15[%parallel_loop3A_330, %parallel_loop3A_331] {strides = array<i32>} : memref<160x32xf32, #tpu.memory_space<vmem>>, vector<1x16xf32>,
        %parallel_loop3A_333 = vector.shape_cast %parallel_loop3A_332 : vector<1x16xf32> to vector<16xf32>
        %parallel_loop3A_334 = math.exp %parallel_loop3A_333 : vector<16xf32>
        %parallel_loop3A_335 = arith.constant 2 : i32
        %parallel_loop3A_336 = arith.addi %parallel_loop3A_242, %parallel_loop3A_335 : i32
        %parallel_loop3A_337 = arith.constant 32 : i32
        %parallel_loop3A_338 = arith.muli %parallel_loop3A_336, %parallel_loop3A_337 : i32
        %parallel_loop3A_339 = arith.constant 16 : i32
        %parallel_loop3A_340 = arith.addi %parallel_loop3A_338, %parallel_loop3A_339 : i32
        %parallel_loop3A_341 = arith.index_cast %parallel_loop3A_340 : i32 to index
        %parallel_loop3A_342 = tpu.vector_load %arg23[%parallel_loop3A_341] {strides = array<i32>} : memref<5120xf32, #tpu.memory_space<vmem>>, vector<16xf32>,
        %parallel_loop3A_343 = vector.shape_cast %parallel_loop3A_342 : vector<16xf32> to vector<16xf32>
        %parallel_loop3A_344 = vector.shape_cast %parallel_loop3A_334 : vector<16xf32> to vector<16xf32>
        tpu.vector_store %arg23[%parallel_loop3A_341], %parallel_loop3A_344 {strides = array<i32>} : memref<5120xf32, #tpu.memory_space<vmem>>, vector<16xf32>,
        %parallel_loop3A_345 = arith.constant 3 : i32
        %parallel_loop3A_346 = arith.addi %parallel_loop3A_242, %parallel_loop3A_345 : i32
        %parallel_loop3A_347 = arith.index_cast %parallel_loop3A_346 : i32 to index
        %parallel_loop3A_348 = arith.constant 0 : index
        %parallel_loop3A_349 = tpu.vector_load %arg15[%parallel_loop3A_347, %parallel_loop3A_348] {strides = array<i32>} : memref<160x32xf32, #tpu.memory_space<vmem>>, vector<1x16xf32>,
        %parallel_loop3A_350 = vector.shape_cast %parallel_loop3A_349 : vector<1x16xf32> to vector<16xf32>
        %parallel_loop3A_351 = math.exp %parallel_loop3A_350 : vector<16xf32>
        %parallel_loop3A_352 = arith.constant 3 : i32
        %parallel_loop3A_353 = arith.addi %parallel_loop3A_242, %parallel_loop3A_352 : i32
        %parallel_loop3A_354 = arith.constant 32 : i32
        %parallel_loop3A_355 = arith.muli %parallel_loop3A_353, %parallel_loop3A_354 : i32
        %parallel_loop3A_356 = arith.constant 0 : i32
        %parallel_loop3A_357 = arith.addi %parallel_loop3A_355, %parallel_loop3A_356 : i32
        %parallel_loop3A_358 = arith.index_cast %parallel_loop3A_357 : i32 to index
        %parallel_loop3A_359 = tpu.vector_load %arg23[%parallel_loop3A_358] {strides = array<i32>} : memref<5120xf32, #tpu.memory_space<vmem>>, vector<16xf32>,
        %parallel_loop3A_360 = vector.shape_cast %parallel_loop3A_359 : vector<16xf32> to vector<16xf32>
        %parallel_loop3A_361 = vector.shape_cast %parallel_loop3A_351 : vector<16xf32> to vector<16xf32>
        tpu.vector_store %arg23[%parallel_loop3A_358], %parallel_loop3A_361 {strides = array<i32>} : memref<5120xf32, #tpu.memory_space<vmem>>, vector<16xf32>,
        %parallel_loop3A_362 = arith.constant 3 : i32
        %parallel_loop3A_363 = arith.addi %parallel_loop3A_242, %parallel_loop3A_362 : i32
        %parallel_loop3A_364 = arith.index_cast %parallel_loop3A_363 : i32 to index
        %parallel_loop3A_365 = arith.constant 16 : index
        %parallel_loop3A_366 = tpu.vector_load %arg15[%parallel_loop3A_364, %parallel_loop3A_365] {strides = array<i32>} : memref<160x32xf32, #tpu.memory_space<vmem>>, vector<1x16xf32>,
        %parallel_loop3A_367 = vector.shape_cast %parallel_loop3A_366 : vector<1x16xf32> to vector<16xf32>
        %parallel_loop3A_368 = math.exp %parallel_loop3A_367 : vector<16xf32>
        %parallel_loop3A_369 = arith.constant 3 : i32
        %parallel_loop3A_370 = arith.addi %parallel_loop3A_242, %parallel_loop3A_369 : i32
        %parallel_loop3A_371 = arith.constant 32 : i32
        %parallel_loop3A_372 = arith.muli %parallel_loop3A_370, %parallel_loop3A_371 : i32
        %parallel_loop3A_373 = arith.constant 16 : i32
        %parallel_loop3A_374 = arith.addi %parallel_loop3A_372, %parallel_loop3A_373 : i32
        %parallel_loop3A_375 = arith.index_cast %parallel_loop3A_374 : i32 to index
        %parallel_loop3A_376 = tpu.vector_load %arg23[%parallel_loop3A_375] {strides = array<i32>} : memref<5120xf32, #tpu.memory_space<vmem>>, vector<16xf32>,
        %parallel_loop3A_377 = vector.shape_cast %parallel_loop3A_376 : vector<16xf32> to vector<16xf32>
        %parallel_loop3A_378 = vector.shape_cast %parallel_loop3A_368 : vector<16xf32> to vector<16xf32>
        tpu.vector_store %arg23[%parallel_loop3A_375], %parallel_loop3A_378 {strides = array<i32>} : memref<5120xf32, #tpu.memory_space<vmem>>, vector<16xf32>,
      } {sc.loop_unroll_factor = 1 : i64, sc.parallel_access}
      %add3A_234 = arith.addi %multiple_of3A_7, %multiple_of3A_204 : i32
      %dma_start3A_235 = tpu.memref_slice %arg6[%add3A_234] : memref<26214400xf32, #tpu.memory_space<hbm>> -> memref<5120xf32, #tpu.memory_space<hbm>>
      %dma_start3A_236 = tpu.memref_slice %arg6[%add3A_234] : memref<26214400xf32, #tpu.memory_space<hbm>> -> memref<5120xf32, #tpu.memory_space<hbm>>
      tpu.enqueue_dma source(%arg23 : memref<5120xf32, #tpu.memory_space<vmem>>) target(%dma_start3A_236 : memref<5120xf32, #tpu.memory_space<hbm>>) target_semaphore(%arg39 : memref<!tpu.dma_semaphore, #tpu.memory_space<semaphore_mem>>)
      %lt3A_237 = arith.constant 39 : i32
      %lt3A_238 = arith.cmpi slt, %add3A_70, %lt3A_237 : i32
      %convert_element_type3A_239 = arith.extui %lt3A_238 : i1 to i32
      %cond3A_240 = arith.constant 0 : i32
      %cond3A_241 = arith.cmpi ne, %convert_element_type3A_239, %cond3A_240 : i32
      scf.if %cond3A_241 {
        %add3A_242 = arith.constant 1 : i32
        %add3A_243 = arith.addi %add3A_70, %add3A_242 : i32
        %mul3A_244 = arith.constant 4 : i32
        %mul3A_245 = arith.muli %add3A_243, %mul3A_244 : i32
        %add3A_246 = arith.constant 3 : i32
        %add3A_247 = arith.addi %mul3A_245, %add3A_246 : i32
        %mul3A_248 = arith.constant 160 : i32
        %mul3A_249 = arith.muli %add3A_247, %mul3A_248 : i32
        %multiple_of3A_250 = tpu.assume_multiple %mul3A_249, 8 : i32
        %dma_start3A_251 = tpu.memref_slice %arg7[%multiple_of3A_250] : memref<25600xi32, #tpu.memory_space<vmem>> -> memref<160xi32, #tpu.memory_space<vmem>>
        %dma_start3A_252 = arith.constant 0 : i32
        %dma_start3A_253 = arith.constant 0 : i32
        %dma_start3A_254 = tpu.memref_slice %arg3[%dma_start3A_252, %dma_start3A_253] : memref<1000000x32xf32, #tpu.memory_space<hbm>> -> memref<1000000x32xf32, #tpu.memory_space<hbm>>
        tpu.enqueue_indirect_dma source(%dma_start3A_254 : memref<1000000x32xf32, #tpu.memory_space<hbm>>) target(%arg11 : memref<160x32xf32, #tpu.memory_space<vmem>>) offsets(%dma_start3A_251 : memref<160xi32, #tpu.memory_space<vmem>>) semaphore(%arg27 : memref<!tpu.dma_semaphore, #tpu.memory_space<semaphore_mem>>)
        %dma_start3A_255 = tpu.memref_slice %arg7[%multiple_of3A_250] : memref<25600xi32, #tpu.memory_space<vmem>> -> memref<160xi32, #tpu.memory_space<vmem>>
        %dma_start3A_256 = arith.constant 0 : i32
        %dma_start3A_257 = arith.constant 0 : i32
        %dma_start3A_258 = tpu.memref_slice %arg4[%dma_start3A_256, %dma_start3A_257] : memref<1000000x32xf32, #tpu.memory_space<hbm>> -> memref<1000000x32xf32, #tpu.memory_space<hbm>>
        tpu.enqueue_indirect_dma source(%dma_start3A_258 : memref<1000000x32xf32, #tpu.memory_space<hbm>>) target(%arg15 : memref<160x32xf32, #tpu.memory_space<vmem>>) offsets(%dma_start3A_255 : memref<160xi32, #tpu.memory_space<vmem>>) semaphore(%arg31 : memref<!tpu.dma_semaphore, #tpu.memory_space<semaphore_mem>>)
      } else {
      }
    }
    %scan3A_50 = arith.constant 40 : i32
    %dma_wait3A = tpu.memref_slice %arg5[%multiple_of3A_7] : memref<26214400xf32, #tpu.memory_space<hbm>> -> memref<5120xf32, #tpu.memory_space<hbm>>
    %dma_wait3A_51 = tpu.memref_slice %arg5[%multiple_of3A_7] : memref<26214400xf32, #tpu.memory_space<hbm>> -> memref<5120xf32, #tpu.memory_space<hbm>>
    tpu.wait_dma2 semaphore(%arg32 : memref<!tpu.dma_semaphore, #tpu.memory_space<semaphore_mem>>) src(%arg16 : memref<5120xf32, #tpu.memory_space<vmem>>) dst(%dma_wait3A_51 : memref<5120xf32, #tpu.memory_space<hbm>>)
    %dma_wait3A_52 = tpu.memref_slice %arg6[%multiple_of3A_7] : memref<26214400xf32, #tpu.memory_space<hbm>> -> memref<5120xf32, #tpu.memory_space<hbm>>
    %dma_wait3A_53 = tpu.memref_slice %arg6[%multiple_of3A_7] : memref<26214400xf32, #tpu.memory_space<hbm>> -> memref<5120xf32, #tpu.memory_space<hbm>>
    tpu.wait_dma2 semaphore(%arg36 : memref<!tpu.dma_semaphore, #tpu.memory_space<semaphore_mem>>) src(%arg20 : memref<5120xf32, #tpu.memory_space<vmem>>) dst(%dma_wait3A_53 : memref<5120xf32, #tpu.memory_space<hbm>>)
    %dma_wait3A_54 = tpu.memref_slice %arg5[%multiple_of3A_7] : memref<26214400xf32, #tpu.memory_space<hbm>> -> memref<5120xf32, #tpu.memory_space<hbm>>
    %dma_wait3A_55 = tpu.memref_slice %arg5[%multiple_of3A_7] : memref<26214400xf32, #tpu.memory_space<hbm>> -> memref<5120xf32, #tpu.memory_space<hbm>>
    tpu.wait_dma2 semaphore(%arg33 : memref<!tpu.dma_semaphore, #tpu.memory_space<semaphore_mem>>) src(%arg17 : memref<5120xf32, #tpu.memory_space<vmem>>) dst(%dma_wait3A_55 : memref<5120xf32, #tpu.memory_space<hbm>>)
    %dma_wait3A_56 = tpu.memref_slice %arg6[%multiple_of3A_7] : memref<26214400xf32, #tpu.memory_space<hbm>> -> memref<5120xf32, #tpu.memory_space<hbm>>
    %dma_wait3A_57 = tpu.memref_slice %arg6[%multiple_of3A_7] : memref<26214400xf32, #tpu.memory_space<hbm>> -> memref<5120xf32, #tpu.memory_space<hbm>>
    tpu.wait_dma2 semaphore(%arg37 : memref<!tpu.dma_semaphore, #tpu.memory_space<semaphore_mem>>) src(%arg21 : memref<5120xf32, #tpu.memory_space<vmem>>) dst(%dma_wait3A_57 : memref<5120xf32, #tpu.memory_space<hbm>>)
    %dma_wait3A_58 = tpu.memref_slice %arg5[%multiple_of3A_7] : memref<26214400xf32, #tpu.memory_space<hbm>> -> memref<5120xf32, #tpu.memory_space<hbm>>
    %dma_wait3A_59 = tpu.memref_slice %arg5[%multiple_of3A_7] : memref<26214400xf32, #tpu.memory_space<hbm>> -> memref<5120xf32, #tpu.memory_space<hbm>>
    tpu.wait_dma2 semaphore(%arg34 : memref<!tpu.dma_semaphore, #tpu.memory_space<semaphore_mem>>) src(%arg18 : memref<5120xf32, #tpu.memory_space<vmem>>) dst(%dma_wait3A_59 : memref<5120xf32, #tpu.memory_space<hbm>>)
    %dma_wait3A_60 = tpu.memref_slice %arg6[%multiple_of3A_7] : memref<26214400xf32, #tpu.memory_space<hbm>> -> memref<5120xf32, #tpu.memory_space<hbm>>
    %dma_wait3A_61 = tpu.memref_slice %arg6[%multiple_of3A_7] : memref<26214400xf32, #tpu.memory_space<hbm>> -> memref<5120xf32, #tpu.memory_space<hbm>>
    tpu.wait_dma2 semaphore(%arg38 : memref<!tpu.dma_semaphore, #tpu.memory_space<semaphore_mem>>) src(%arg22 : memref<5120xf32, #tpu.memory_space<vmem>>) dst(%dma_wait3A_61 : memref<5120xf32, #tpu.memory_space<hbm>>)
    %dma_wait3A_62 = tpu.memref_slice %arg5[%multiple_of3A_7] : memref<26214400xf32, #tpu.memory_space<hbm>> -> memref<5120xf32, #tpu.memory_space<hbm>>
    %dma_wait3A_63 = tpu.memref_slice %arg5[%multiple_of3A_7] : memref<26214400xf32, #tpu.memory_space<hbm>> -> memref<5120xf32, #tpu.memory_space<hbm>>
    tpu.wait_dma2 semaphore(%arg35 : memref<!tpu.dma_semaphore, #tpu.memory_space<semaphore_mem>>) src(%arg19 : memref<5120xf32, #tpu.memory_space<vmem>>) dst(%dma_wait3A_63 : memref<5120xf32, #tpu.memory_space<hbm>>)
    %dma_wait3A_64 = tpu.memref_slice %arg6[%multiple_of3A_7] : memref<26214400xf32, #tpu.memory_space<hbm>> -> memref<5120xf32, #tpu.memory_space<hbm>>
    %dma_wait3A_65 = tpu.memref_slice %arg6[%multiple_of3A_7] : memref<26214400xf32, #tpu.memory_space<hbm>> -> memref<5120xf32, #tpu.memory_space<hbm>>
    tpu.wait_dma2 semaphore(%arg39 : memref<!tpu.dma_semaphore, #tpu.memory_space<semaphore_mem>>) src(%arg23 : memref<5120xf32, #tpu.memory_space<vmem>>) dst(%dma_wait3A_65 : memref<5120xf32, #tpu.memory_space<hbm>>)
    return
  }
}

</mosaic_0001>

<sc_bundles>
// kernel: _gembed.3.cloned.1.call-start
scs
__scs_entry_jumppad:
0x0: {  	(pc) =	sbr.rel $0x88, $3  }
0x1: {  	(tag) =	ssettag $0x0;
	lr =	simm.s32 $0x1  }
0x2: {  	[smem:$0x3F9E] =	sst lr;
	_ =	strace $0xD0000000  }
0x3: {  	_ = 	snop  }
0x4: {  	_ = 	snop  }
0x5: {  	_ = 	snop  }
0x6: {  	_ = 	snop  }
0x7: {  	_ = 	snop  }
__scs_overlays_trampoline_lowered:
0x8: {  	[smem:$0x3FAD] =	sst s0  }
0x9: {  	[smem:$0x3FAE] =	sst s1  }
0xa: {  	[smem:$0x3FAF] =	sst s2  }
0xb: {  	[smem:$0x3FB0] =	sst s3  }
0xc: {  	[smem:$0x3FB1] =	sst s4  }
0xd: {  	[smem:$0x3FB2] =	sst s5  }
0xe: {  	[smem:$0x3FB3] =	sst s6  }
0xf: {  	[smem:$0x3FB4] =	sst s7  }
0x10: {  	[smem:$0x3FB5] =	sst s8  }
0x11: {  	[smem:$0x3FB6] =	sst s9;
	s0 =	simm.s32 @!p0 $0x0  }
0x12: {  	s1 =	sld [smem:$0x3F9C];
	s0 =	simm.s32 @p0 $0x1  }
0x13: {  	[smem:$0x3FB7] =	sst s0;
	s0 =	simm.s32 @!p1 $0x0  }
0x14: {  	s2 =	sld [smem:$0x3F9B];
	s0 =	simm.s32 @p1 $0x1  }
0x15: {  	[smem:$0x3FB8] =	sst s0;
	s0 =	simm.s32 @!p2 $0x0  }
0x16: {  	s3 =	sld [smem:$0x3FDB];
	s0 =	simm.s32 @p2 $0x1  }
0x17: {  	s4 =	simm.s32 $0x1BF5;
	[smem:$0x3FBA] =	sst s0  }
0x18: {  	s0 =	sld [smem:$0x3F9D];
	_ =	swait.ge [sflag:s4], $0x0  }
0x19: {  	s7 =	sld [smem:$0x3F9E]  }
0x1a: {  	s8 =	sadd.s32 $0xFFFFE003, lr  }
0x1b: {  	s9 =	sadd.s32 $0xFFFFFEF7, lr;
	s5 =	simm.s32 $0xFFFFFFFF;
	p2 =	slt.u32 s8, $0xFFFFF086  }
0x1c: {  	p1 =	slt.u32 s9, $0xF7A;
	s5 =	simm.s32 @!p2 $0x0  }
0x1d: {  	s5 =	simm.s32 @p1 $0x1;
	p0 =	seq.s32 s7, s2  }
0x1e: {  	s7 =	smul.u32 @!p0 $0xF7A, s2;
	p2 =	seq.s32 @!p0 s5, $0x0  }
0x1f: {  	s9 =	smul.u32 $0xF7A, s1;
	s8 =	simm.s32 @!p0 $0x1BF5;
	p2 =	por !p2, p0  }
0x20: {  	[sflag:s8] =	ssyncset.s32 @!p0 $0xFFFFF086;
	s6 =	sadd.s32 @!p0 s3, s7;
	s7 =	simm.s32 @!p0 $0x108  }
0x21: {  	s3 =	sadd.s32 s3, s9;
	s6 =	sadd.s32 @!p0 $0x88, s6;
	s7 =	simm.s32 @p2 $0x1082  }
0x22: {  	[simem:s7], [sflag:s8] =	dma.local @!p0 [hbm:s6], $0xF7A  }
0x23: {  	s9 =	sor.u32 $0xD0000000, s2;
	s6 =	simm.s32 $0x108;
	_ =	swait.ge @!p0 [sflag:s8], $0x0  }
0x24: {  	s3 =	sadd.s32 $0x88, s3;
	s6 =	simm.s32 @!p1 $0x1082;
	[sflag:s4] =	ssyncset.s32 $0xFFFFF086  }
0x25: {  	[simem:s6], [sflag:s4] =	dma.local [hbm:s3], $0xF7A  }
0x26: {  	[smem:$0x3F9E] =	sst s1;
	(tag) =	ssettag s2;
	_ =	strace s9  }
0x27: {  	s1 =	sld [smem:$0x3FAE]  }
0x28: {  	s2 =	sld [smem:$0x3FAF]  }
0x29: {  	s4 =	sld [smem:$0x3FB1]  }
0x2a: {  	p0 =	seq.s32 s5, $0x0;
	s5 =	sld [smem:$0x3FB2]  }
0x2b: {  	s6 =	sld [smem:$0x3FB3]  }
0x2c: {  	s7 =	sld [smem:$0x3FB4]  }
0x2d: {  	s3 =	simm.s32 $0x108;
	s8 =	sld [smem:$0x3FB5]  }
0x2e: {  	s3 =	simm.s32 @!p0 $0x1082;
	s9 =	sld [smem:$0x3FB6]  }
0x2f: {  	lr =	sadd.s32 s0, s3;
	s0 =	sld [smem:$0x3FAD]  }
0x30: {  	s3 =	sld [smem:$0x3FB0]  }
0x31: {  	[smem:$0x3FB9] =	sst s10  }
0x32: {  	s10 =	sld [smem:$0x3FB7];
	_ =	sdelay $0x3  }
0x33: {  	p0 =	seq.s32 s10, $0x1;
	s10 =	sld [smem:$0x3FB9];
	_ =	sdelay $0x3  }
0x34: {  	[smem:$0x3FB9] =	sst s10  }
0x35: {  	s10 =	sld [smem:$0x3FB8];
	_ =	sdelay $0x3  }
0x36: {  	p1 =	seq.s32 s10, $0x1;
	s10 =	sld [smem:$0x3FB9];
	_ =	sdelay $0x3  }
0x37: {  	[smem:$0x3FB9] =	sst s10  }
0x38: {  	s10 =	sld [smem:$0x3FBA]  }
0x39: {  	_ = 	snop;
	(pc) =	sbr.ind lr, $3  }
0x3a: {  	_ = 	snop  }
0x3b: {  	_ = 	snop  }
0x3c: {  	p2 =	seq.s32 s10, $0x1;
	s10 =	sld [smem:$0x3FB9]  }
0x3d: {  	_ =	shalt  }
0x3e: {  	_ =	shalt  }
0x3f: {  	_ =	shalt  }
0x40: {  	_ =	shalt  }
0x41: {  	_ =	shalt  }
0x42: {  	_ =	shalt  }
0x43: {  	_ =	shalt  }
0x44: {  	_ =	shalt  }
0x45: {  	_ =	shalt  }
0x46: {  	_ =	shalt  }
0x47: {  	_ =	shalt  }
0x48: {  	_ =	shalt  }
0x49: {  	_ =	shalt  }
0x4a: {  	_ =	shalt  }
0x4b: {  	_ =	shalt  }
0x4c: {  	_ =	shalt  }
0x4d: {  	_ =	shalt  }
0x4e: {  	_ =	shalt  }
0x4f: {  	_ =	shalt  }
0x50: {  	_ =	shalt  }
0x51: {  	_ =	shalt  }
0x52: {  	_ =	shalt  }
0x53: {  	_ =	shalt  }
0x54: {  	_ =	shalt  }
0x55: {  	_ =	shalt  }
0x56: {  	_ =	shalt  }
0x57: {  	_ =	shalt  }
0x58: {  	_ =	shalt  }
0x59: {  	_ =	shalt  }
0x5a: {  	_ =	shalt  }
0x5b: {  	_ =	shalt  }
0x5c: {  	_ =	shalt  }
0x5d: {  	_ =	shalt  }
0x5e: {  	_ =	shalt  }
0x5f: {  	_ =	shalt  }
0x60: {  	_ =	shalt  }
0x61: {  	_ =	shalt  }
0x62: {  	_ =	shalt  }
0x63: {  	_ =	shalt  }
0x64: {  	_ =	shalt  }
0x65: {  	_ =	shalt  }
0x66: {  	_ =	shalt  }
0x67: {  	_ =	shalt  }
0x68: {  	_ =	shalt  }
0x69: {  	_ =	shalt  }
0x6a: {  	_ =	shalt  }
0x6b: {  	_ =	shalt  }
0x6c: {  	_ =	shalt  }
0x6d: {  	_ =	shalt  }
0x6e: {  	_ =	shalt  }
0x6f: {  	_ =	shalt  }
0x70: {  	_ =	shalt  }
0x71: {  	_ =	shalt  }
0x72: {  	_ =	shalt  }
0x73: {  	_ =	shalt  }
0x74: {  	_ =	shalt  }
0x75: {  	_ =	shalt  }
0x76: {  	_ =	shalt  }
0x77: {  	_ =	shalt  }
0x78: {  	_ =	shalt  }
0x79: {  	_ =	shalt  }
0x7a: {  	_ =	shalt  }
0x7b: {  	_ =	shalt  }
0x7c: {  	_ =	shalt  }
0x7d: {  	_ =	shalt  }
0x7e: {  	_ =	shalt  }
0x7f: {  	_ =	shalt  }
0x80: {  	_ =	shalt  }
0x81: {  	_ =	shalt  }
0x82: {  	_ =	shalt  }
0x83: {  	_ =	shalt  }
0x84: {  	_ =	shalt  }
0x85: {  	_ =	shalt  }
0x86: {  	_ =	shalt  }
0x87: {  	_ =	shalt  }
.Lfunc_end0:
.L_simem_size_0:
called_computation_lowered:
.L_overlay_start_0:
0x88: {  	s2 =	sld [smem:$0x3FD9]  }
0x89: {  	s3 =	sld [smem:$0x3FFE];
	_ =	sdelay $0x1  }
0x8a: {  	s1 =	srdreg.scid  }
0x8b: {  	s0 =	sand.u32 $0x1, s1  }
0x8c: {  	s14 =	sshll.u32 s0, $0xA;
	s2 =	sadd.s32 s3, s2  }
0x8d: {  	s2 =	sadd.s32 s2, s14  }
0x8e: {  	[smem:$0x3FC5] =	sst s2  }
0x8f: {  	_ = 	snop  }
0x90: {  	s2 =	sld [smem:$0x3FD0];
	_ =	sdelay $0x2  }
0x91: {  	s4 =	simm.s32 $0xA;
	s5 =	simm.s32 $0x10;
	s15 =	sld [smem:$0x3FC9]  }
0x92: {  	[smem:s5], [sflag:s4] =	dma.local [hbm:s2], $0x1  }
0x93: {  	_ =	swait.eq [sflag:s4], $0x1  }
0x94: {  	[sflag:s4] =	ssyncset.done $0x0  }
0x95: {  	s16 =	sld [smem:$0x10];
	[sflag:s4] =	ssyncadd.s32 $0xFFFFFFFF  }
0x96: {  	s17 =	sld [smem:$0x11];
	(tm) =	ssettm $0x1  }
0x97: {  	s18 =	sld [smem:$0x3FFB];
	_ =	sdelay $0x3  }
0x98: {  	_ =	strace s18  }
0x99: {  	s5 =	sld [smem:$0x3FFC];
	_ =	sdelay $0x3  }
0x9a: {  	_ =	strace s5  }
0x9b: {  	s5 =	sld [smem:$0x3FFD];
	_ =	sdelay $0x3  }
0x9c: {  	_ =	strace s5  }
0x9d: {  	_ =	strace $0x8FFFFFFF  }
0x9e: {  	s19 =	sld [smem:$0x3FDB];
	_ =	sdelay $0x1  }
0x9f: {  	s6 =	simm.s32 $_scs_section_size  }
0xa0: {  	s7 =	simm.s32 $_size__tile_overlayer_lowered;
	s8 =	simm.s32 $_tile_overlayer_lowered  }
0xa1: {  	s22 =	simm.s32 $0x1BFF;
	s21 =	sshll.u32 s8, $0x1;
	s5 =	sadd.s32 s6, s19  }
0xa2: {  	s9 =	simm.s32 $0x0;
	s20 =	sshll.u32 s7, $0x1;
	s7 =	sadd.s32 s21, s5  }
0xa3: {  	[timem:s9], [sflag:s22] =	dma.local [hbm:s7], s20  }
0xa4: {  	_ =	swait.ge [sflag:s22], s20  }
0xa5: {  	s6 =	ssub.s32 $0x0, s20;
	[sflag:s22] =	ssyncset.done $0x0  }
0xa6: {  	[sflag:s22] =	ssyncadd.s32 s6;
	_ =	sdelay $0x1  }
0xa7: {  	s23 =	simm.s32 $0x1B8B  }
0xa8: {  	_ =	swait.ge [sflag:s23], $0x1  }
0xa9: {  	[sflag:s23] =	ssyncset.done $0x0  }
0xaa: {  	s25 =	simm.s32 $0x1B8E;
	s24 =	sld [smem:$0x3FFE];
	[sflag:s23] =	ssyncadd.s32 $0xFFFFFFFF  }
0xab: {  	s26 =	simm.s32 $execute0_lowered;
	[smem:$0x3FD2] =	sst s25  }
0xac: {  	s7 =	sshll.u32 s26, $0x1;
	_ =	strace $0x80000046;
	[dreg:$0x1] =	wrdreg $0xFFFFFFFF  }
0xad: {  	s28 =	simm.s32 $_size_execute0_lowered;
	s5 =	sadd.s32 s5, s7;
	[dreg:$0x0] =	wrdreg $0x0  }
0xae: {  	s7 =	sshll.u32 s28, $0x1;
	[dreg:$0x2] =	wrdreg s5  }
0xaf: {  	[dreg:$0x3] =	wrdreg s7  }
0xb0: {  	[dreg:$0x4] =	wrdreg $0xC0  }
0xb1: {  	_ =	task [dreg:s9], $0x5FFFF  }
0xb2: {  	[dreg:$0x1] =	wrdreg $0xFFFFFFFF  }
0xb3: {  	[dreg:$0x0] =	wrdreg $0x60  }
0xb4: {  	[dreg:$0x2] =	wrdreg s15  }
0xb5: {  	[dreg:$0x3] =	wrdreg s24  }
0xb6: {  	[dreg:$0x4] =	wrdreg s16  }
0xb7: {  	[dreg:$0x5] =	wrdreg s17  }
0xb8: {  	[dreg:$0x6] =	wrdreg $0x9  }
0xb9: {  	_ =	task.clear_ibuf [dreg:s9], $0x7FFFF;
	_ =	strace $0x90000046  }
0xba: {  	s29 =	simm.s32 $0x9;
	_ =	strace $0x80000048  }
0xbb: {  	_ =	swait.ge [sflag:s29], $0x1  }
0xbc: {  	[sflag:s29] =	ssyncadd.s32 $0xFFFFFFFF  }
0xbd: {  	_ =	strace $0x90000048  }
0xbe: {  	_ =	sfence  }
0xbf: {  	s30 =	sld [smem:$0x0];
	_ =	sdelay $0x2  }
0xc0: {  	s31 =	sshll.u32 s1, $0xD;
	s1 =	sshrl.u32 s1, $0x2  }
0xc1: {  	s3 =	sand.u32 $0x4000, s31;
	s1 =	sadd.s32 s1, s30  }
0xc2: {  	s0 =	sor.u32 s3, s0;
	s1 =	sshll.u32 s1, $0x11  }
0xc3: {  	s0 =	sor.u32 s1, s0  }
0xc4: {  	s0 =	sadd.s32 $0x8F2B, s0  }
0xc5: {  	[sflag:s0] =	ssyncadd.remote.s32 $0x1  }
0xc6: {  	_ =	sfence.sel $0xFFFF  }
0xc7: {  	[dreg:$0x0] =	wrdreg $0xFFFFFFFF;
	(pc) =	sbr.abs _section_cstart, $3  }
0xc8: {  	[dreg:$0x1] =	wrdreg $0xFFFFFFFF  }
0xc9: {  	_ =	task.clear_ibuf [dreg:s9], $0x2FFFF;
	_ =	strace $0x9FFFFFFF  }
0xca: {  	(tm) =	ssettm $0x7FFFFFFF  }
0xcb: {  	_ =	shalt  }
tec
execute0_lowered:
.L_overlay_start_1:
0x0: {  	(tag) =	ssettag $0x1  }
0x1: {  	s0 =	rddreg [dreg:$0x0]  }
0x2: {  	s2 =	srdreg.scid;
	s3 =	stileid.u32  }
0x3: {  	s1 =	rddreg [dreg:$0x1];
	s2 =	sand.u32 $0x1, s2;
	s3 =	sshll.u32 s3, $0x1  }
0x4: {  	s13 =	simm.s32 $0x0;
	s6 =	sadd.s32 $0xF42C00, s1;
	s3 =	sor.u32 s2, s3  }
0x5: {  	[smem:$0x7FF] =	sst s13;
	s1 =	sadd.s32 $0x1313600, s1;
	s5 =	smul.u32 $0xC8000, s3  }
0x6: {  	_ =	strace $0x80000047;
	[dreg:$0x6] =	wrdreg s6;
	s3 =	smul.u32 $0xC80, s3  }
0x7: {  	[dreg:$0x7] =	wrdreg s1  }
0x8: {  	s2 =	ssub.s32 $0x2, s2;
	s0 =	sadd.s32 s0, s3;
	[dreg:$0x5] =	wrdreg s5  }
.Ltmp0:
0x9: {  	s28 =	sor.u32 $0x1400, s5;
	[dreg:$0x8] =	wrdreg s0;
	(pc) =	sbr.rel .LBB2_1-.Ltmp0, $4  }
0xa: {  	s4 =	sshrl.u32 s2, $0x1;
	s29 =	sor.u32 $0x2800, s5;
	[dreg:$0x9] =	wrdreg s28  }
0xb: {  	s26 =	ssub.s32 s2, s4;
	s30 =	sor.u32 $0x3C00, s5;
	[dreg:$0xa] =	wrdreg s29  }
0xc: {  	s31 =	smax.u32 s26, $0x1;
	[dreg:$0xb] =	wrdreg s30  }
0xd: {  	s2 =	simm.s32 $0x0;
	[dreg:$0xc] =	wrdreg s31  }
.LBB2_32:
0xe: {  	s0 =	simm.s32 $0x9  }
0xf: {  	_ =	swait.ge [sflag:s0], $0x1400  }
0x10: {  	[sflag:s0] =	ssyncset.done $0x0  }
0x11: {  	s24 =	simm.s32 $0xD;
	[sflag:s0] =	ssyncadd.s32 $0xFFFFEC00  }
0x12: {  	_ =	swait.ge [sflag:s24], $0x1400  }
0x13: {  	[sflag:s24] =	ssyncset.done $0x0  }
0x14: {  	s25 =	simm.s32 $0xA;
	[sflag:s24] =	ssyncadd.s32 $0xFFFFEC00  }
0x15: {  	_ =	swait.ge [sflag:s25], $0x1400  }
0x16: {  	[sflag:s25] =	ssyncset.done $0x0  }
0x17: {  	s26 =	simm.s32 $0xE;
	[sflag:s25] =	ssyncadd.s32 $0xFFFFEC00  }
0x18: {  	_ =	swait.ge [sflag:s26], $0x1400  }
0x19: {  	[sflag:s26] =	ssyncset.done $0x0  }
0x1a: {  	s28 =	simm.s32 $0xB;
	[sflag:s26] =	ssyncadd.s32 $0xFFFFEC00  }
0x1b: {  	_ =	swait.ge [sflag:s28], $0x1400  }
0x1c: {  	[sflag:s28] =	ssyncset.done $0x0  }
0x1d: {  	s29 =	simm.s32 $0xF;
	[sflag:s28] =	ssyncadd.s32 $0xFFFFEC00  }
0x1e: {  	_ =	swait.ge [sflag:s29], $0x1400  }
0x1f: {  	[sflag:s29] =	ssyncset.done $0x0  }
0x20: {  	s30 =	simm.s32 $0xC;
	[sflag:s29] =	ssyncadd.s32 $0xFFFFEC00  }
0x21: {  	_ =	swait.ge [sflag:s30], $0x1400  }
0x22: {  	[sflag:s30] =	ssyncset.done $0x0  }
0x23: {  	s1 =	simm.s32 $0x10;
	[sflag:s30] =	ssyncadd.s32 $0xFFFFEC00  }
0x24: {  	_ =	swait.ge [sflag:s1], $0x1400  }
0x25: {  	s2 =	rddreg [dreg:$0xd]  }
0x26: {  	s31 =	rddreg [dreg:$0xc];
	s2 =	sadd.s32 $0x1, s2  }
0x27: {  	p0 =	sne.s32 s2, s31  }
.Ltmp1:
0x28: {  	_ = 	snop;
	(pc) =	sbr.rel @!p0 .LBB2_33-.Ltmp1, $3  }
0x29: {  	_ =	sdelay $0x1  }
0x2a: {  	[sflag:s1] =	ssyncset.done $0x0  }
0x2b: {  	[sflag:s1] =	ssyncadd.s32 $0xFFFFEC00  }
.LBB2_1:
0x2c: {  	[dreg:$0xd] =	wrdreg s2  }
0x2d: {  	s0 =	rddreg [dreg:$0x8];
	s20 =	simm.s32 $0x11  }
0x2e: {  	[tilespmem:s13], [sflag:$0x11] =	stream.linear.gather [hbm4b:s0+s13], $0x6400, $0x38;
	[tilespmem:$0x1A400] =	vst v63  }
0x2f: {  	_ =	swait.ge [sflag:s20], $0x6400  }
0x30: {  	s22 =	simm.s32 $0xA0;
	[sflag:s20] =	ssyncset.done $0x0  }
0x31: {  	s1 =	simm.s32 $0x6400;
	s21 =	rddreg [dreg:$0x6];
	[sflag:s20] =	ssyncadd.s32 $0xFFFF9C00  }
0x32: {  	[tilespmem:s1], [sflag:$0x1] =	stream.indirect.gather [hbm4b:s21+s22], $0x20, s13, s22, $0xb8;
	[tilespmem:$0x1A400] =	vst v63  }
0x33: {  	s3 =	simm.s32 $0xB400;
	s23 =	rddreg [dreg:$0x7]  }
0x34: {  	[tilespmem:s3], [sflag:$0x5] =	stream.indirect.gather [hbm4b:s23+s22], $0x20, s13, s22, $0xb8;
	[tilespmem:$0x1A400] =	vst v63  }
0x35: {  	s24 =	simm.s32 $0x7800  }
0x36: {  	[tilespmem:s24], [sflag:$0x2] =	stream.indirect.gather [hbm4b:s21+s22], $0x20, s22, s22, $0xb8;
	[tilespmem:$0x1A400] =	vst v63  }
0x37: {  	s25 =	simm.s32 $0xC800  }
0x38: {  	[tilespmem:s25], [sflag:$0x6] =	stream.indirect.gather [hbm4b:s23+s22], $0x20, s22, s22, $0xb8;
	[tilespmem:$0x1A400] =	vst v63  }
0x39: {  	s26 =	simm.s32 $0x140;
	s4 =	simm.s32 $0x8C00  }
0x3a: {  	[tilespmem:s4], [sflag:$0x3] =	stream.indirect.gather [hbm4b:s21+s22], $0x20, s26, s22, $0xb8;
	[tilespmem:$0x1A400] =	vst v63  }
0x3b: {  	s28 =	simm.s32 $0xDC00  }
0x3c: {  	[tilespmem:s28], [sflag:$0x7] =	stream.indirect.gather [hbm4b:s23+s22], $0x20, s26, s22, $0xb8;
	[tilespmem:$0x1A400] =	vst v63  }
0x3d: {  	s29 =	simm.s32 $0x1E0;
	s30 =	simm.s32 $0xA000  }
0x3e: {  	[tilespmem:s30], [sflag:$0x4] =	stream.indirect.gather [hbm4b:s21+s22], $0x20, s29, s22, $0xb8;
	[tilespmem:$0x1A400] =	vst v63  }
0x3f: {  	s31 =	simm.s32 $0xF000  }
0x40: {  	[tilespmem:s31], [sflag:$0x8] =	stream.indirect.gather [hbm4b:s23+s22], $0x20, s29, s22, $0xb8;
	[tilespmem:$0x1A400] =	vst v63  }
0x41: {  	s23 =	simm.s32 $0x0  }
.LBB2_2:
0x42: {  	s0 =	simm.s32 $0x1  }
0x43: {  	_ =	swait.ge [sflag:s0], $0x1400  }
0x44: {  	p0 =	seq.s32 s23, $0x0;
	[sflag:s0] =	ssyncset.done $0x0  }
0x45: {  	[sflag:s0] =	ssyncadd.s32 $0xFFFFEC00;
	s0 =	simm.s32 @!p0 $0x9  }
0x46: {  	_ =	swait.ge @!p0 [sflag:s0], $0x1400  }
0x47: {  	[sflag:s0] =	ssyncset.done @!p0 $0x0  }
0x48: {  	s4 =	simm.s32 $0x6440;
	[sflag:s0] =	ssyncadd.s32 @!p0 $0xFFFFEC00  }
0x49: {  	v0 =	vld [tilespmem:s4+$0xFFFFFFC0];
	_ =	sdelay $0x3  }
0x4a: {  	s0 =	simm.s32 $0x10440  }
0x4b: {  	[tilespmem:s0+$0xFFFFFFC0] =	vst v0  }
0x4c: {  	v0 =	vld [tilespmem:s4+$0xFFFFFFD0]  }
0x4d: {  	s2 =	simm.s32 $0x64C0  }
0x4e: {  	v1 =	vld [tilespmem:s2+$0xFFFFFFC0]  }
0x4f: {  	s5 =	simm.s32 $0x6540  }
0x50: {  	v2 =	vld [tilespmem:s5+$0xFFFFFFC0]  }
0x51: {  	[tilespmem:s0+$0xFFFFFFD0] =	vst v0  }
0x52: {  	s1 =	simm.s32 $0x104C0;
	v0 =	vld [tilespmem:s4+$0xFFFFFFE0]  }
0x53: {  	[tilespmem:s1+$0xFFFFFFC0] =	vst v1  }
0x54: {  	s3 =	simm.s32 $0x10540;
	v1 =	vld [tilespmem:s2+$0xFFFFFFD0]  }
0x55: {  	[tilespmem:s3+$0xFFFFFFC0] =	vst v2  }
0x56: {  	v2 =	vld [tilespmem:s5+$0xFFFFFFD0]  }
0x57: {  	[tilespmem:s0+$0xFFFFFFE0] =	vst v0  }
0x58: {  	v0 =	vld [tilespmem:s4+$0xFFFFFFF0]  }
0x59: {  	[tilespmem:s1+$0xFFFFFFD0] =	vst v1  }
0x5a: {  	v1 =	vld [tilespmem:s2+$0xFFFFFFE0]  }
0x5b: {  	[tilespmem:s3+$0xFFFFFFD0] =	vst v2  }
0x5c: {  	s7 =	simm.s32 $0x65C0;
	v2 =	vld [tilespmem:s5+$0xFFFFFFE0]  }
0x5d: {  	[tilespmem:s0+$0xFFFFFFF0] =	vst v0;
	v0 =	vld [tilespmem:s7+$0xFFFFFFC0]  }
0x5e: {  	v3 =	vld [tilespmem:s4+$0x0]  }
0x5f: {  	[tilespmem:s1+$0xFFFFFFE0] =	vst v1  }
0x60: {  	v1 =	vld [tilespmem:s2+$0xFFFFFFF0]  }
0x61: {  	s6 =	simm.s32 $0x105C0;
	[tilespmem:s3+$0xFFFFFFE0] =	vst v2  }
0x62: {  	v2 =	vld [tilespmem:s5+$0xFFFFFFF0];
	[tilespmem:s6+$0xFFFFFFC0] =	vst v0  }
0x63: {  	v0 =	vld [tilespmem:s7+$0xFFFFFFD0];
	[tilespmem:s0+$0x0] =	vst v3  }
0x64: {  	s8 =	simm.s32 $0x6640;
	v3 =	vld [tilespmem:s4+$0x10]  }
0x65: {  	[tilespmem:s1+$0xFFFFFFF0] =	vst v1;
	v1 =	vld [tilespmem:s8+$0xFFFFFFC0]  }
0x66: {  	v4 =	vld [tilespmem:s2+$0x0]  }
0x67: {  	s10 =	simm.s32 $0x66C0;
	[tilespmem:s3+$0xFFFFFFF0] =	vst v2  }
0x68: {  	v2 =	vld [tilespmem:s10+$0xFFFFFFC0];
	[tilespmem:s6+$0xFFFFFFD0] =	vst v0  }
0x69: {  	s9 =	simm.s32 $0x10640;
	v0 =	vld [tilespmem:s7+$0xFFFFFFE0];
	[tilespmem:s0+$0x10] =	vst v3  }
0x6a: {  	[tilespmem:s9+$0xFFFFFFC0] =	vst v1;
	v1 =	vld [tilespmem:s4+$0x20]  }
0x6b: {  	[tilespmem:s1+$0x0] =	vst v4;
	v3 =	vld [tilespmem:s8+$0xFFFFFFD0]  }
0x6c: {  	s11 =	simm.s32 $0x106C0;
	v4 =	vld [tilespmem:s2+$0x10]  }
0x6d: {  	v5 =	vld [tilespmem:s5+$0x0];
	[tilespmem:s11+$0xFFFFFFC0] =	vst v2  }
0x6e: {  	[tilespmem:s6+$0xFFFFFFE0] =	vst v0  }
0x6f: {  	v6 =	vld [tilespmem:s7+$0xFFFFFFF0];
	[tilespmem:s0+$0x20] =	vst v1  }
0x70: {  	[tilespmem:s9+$0xFFFFFFD0] =	vst v3;
	v0 =	vld [tilespmem:s4+$0x30]  }
0x71: {  	s31 =	smul.u32 $0x5000, s23;
	[tilespmem:s1+$0x10] =	vst v4;
	v3 =	vld [tilespmem:s8+$0xFFFFFFE0]  }
0x72: {  	[tilespmem:s3+$0x0] =	vst v5;
	v1 =	vld [tilespmem:s2+$0x20]  }
0x73: {  	v4 =	vld [tilespmem:s10+$0xFFFFFFD0];
	[dreg:$0xe] =	wrdreg s31  }
0x74: {  	s12 =	simm.s32 $0x6740;
	s4 =	simm.s32 $0x14;
	v2 =	vld [tilespmem:s5+$0x10];
	[tilespmem:s6+$0xFFFFFFF0] =	vst v6  }
.LBB2_3:
0x75: {  	v5 =	vld [tilespmem:s12+$0xFFFFFFC0];
	[tilespmem:s0+$0x30] =	vst v0;
	s0 =	smov.u32 s1;
	s1 =	smov.u32 s3;
	s3 =	smov.u32 s6  }
0x76: {  	s4 =	sadd.s32 $0x4, s4;
	s6 =	smov.u32 s9;
	[tilespmem:s9+$0xFFFFFFE0] =	vst v3;
	v6 =	vld [tilespmem:s7+$0x0];
	s9 =	smov.u32 s11  }
0x77: {  	p1 =	slt.u32 s4, $0x9C;
	v7 =	vld [tilespmem:s8+$0xFFFFFFF0];
	[tilespmem:s0+$0x20] =	vst v1  }
.Ltmp2:
0x78: {  	[tilespmem:s11+$0xFFFFFFD0] =	vst v4;
	v0 =	vld [tilespmem:s2+$0x30];
	s2 =	smov.u32 s5;
	s5 =	smov.u32 s7;
	(pc) =	sbr.rel @p1 .LBB2_3-.Ltmp2, $4  }
0x79: {  	s11 =	sadd.s32 $0x80, s11;
	s7 =	smov.u32 s8;
	s8 =	smov.u32 s10;
	v3 =	vld [tilespmem:s10+$0xFFFFFFE0];
	[tilespmem:s1+$0x10] =	vst v2  }
0x7a: {  	s10 =	smov.u32 s12;
	[tilespmem:s11+$0xFFFFFFC0] =	vst v5;
	v1 =	vld [tilespmem:s2+$0x20]  }
0x7b: {  	v4 =	vld [tilespmem:s12+$0xFFFFFFD0];
	[tilespmem:s3+$0x0] =	vst v6  }
0x7c: {  	s12 =	sadd.s32 $0x80, s12;
	[tilespmem:s6+$0xFFFFFFF0] =	vst v7;
	v2 =	vld [tilespmem:s5+$0x10]  }
0x7d: {  	_ =	sdelay $0x2  }
0x7e: {  	[tilespmem:s11+$0xFFFFFFD0] =	vst v4  }
0x7f: {  	v4 =	vld [tilespmem:s10+$0xFFFFFFE0];
	_ =	sdelay $0x4  }
0x80: {  	[tilespmem:s11+$0xFFFFFFE0] =	vst v4  }
0x81: {  	[tilespmem:s9+$0xFFFFFFE0] =	vst v3;
	v4 =	vld [tilespmem:s10+$0xFFFFFFF0]  }
0x82: {  	v3 =	vld [tilespmem:s8+$0xFFFFFFF0]  }
0x83: {  	v5 =	vld [tilespmem:s7+$0x0];
	_ =	sdelay $0x2  }
0x84: {  	[tilespmem:s11+$0xFFFFFFF0] =	vst v4  }
0x85: {  	[tilespmem:s9+$0xFFFFFFF0] =	vst v3;
	v4 =	vld [tilespmem:s10+$0x0]  }
0x86: {  	[tilespmem:s6+$0x0] =	vst v5;
	v3 =	vld [tilespmem:s8+$0x0]  }
0x87: {  	v5 =	vld [tilespmem:s7+$0x10];
	_ =	sdelay $0x1  }
0x88: {  	[tilespmem:s3+$0x10] =	vst v2  }
0x89: {  	v2 =	vld [tilespmem:s5+$0x20];
	[tilespmem:s11+$0x0] =	vst v4  }
0x8a: {  	[tilespmem:s9+$0x0] =	vst v3;
	v4 =	vld [tilespmem:s10+$0x10]  }
0x8b: {  	[tilespmem:s6+$0x10] =	vst v5;
	v3 =	vld [tilespmem:s8+$0x10]  }
0x8c: {  	v5 =	vld [tilespmem:s7+$0x20]  }
0x8d: {  	[tilespmem:s1+$0x20] =	vst v1  }
0x8e: {  	v1 =	vld [tilespmem:s2+$0x30];
	[tilespmem:s3+$0x20] =	vst v2  }
0x8f: {  	v2 =	vld [tilespmem:s5+$0x30];
	[tilespmem:s11+$0x10] =	vst v4  }
0x90: {  	[tilespmem:s9+$0x10] =	vst v3;
	v4 =	vld [tilespmem:s10+$0x20]  }
0x91: {  	[tilespmem:s6+$0x20] =	vst v5;
	v3 =	vld [tilespmem:s8+$0x20]  }
0x92: {  	[tilespmem:s0+$0x30] =	vst v0;
	v5 =	vld [tilespmem:s7+$0x30]  }
0x93: {  	[tilespmem:s1+$0x30] =	vst v1  }
0x94: {  	[tilespmem:s3+$0x30] =	vst v2  }
0x95: {  	[tilespmem:s11+$0x20] =	vst v4  }
0x96: {  	[tilespmem:s9+$0x20] =	vst v3;
	v0 =	vld [tilespmem:s10+$0x30]  }
0x97: {  	[tilespmem:s6+$0x30] =	vst v5;
	v3 =	vld [tilespmem:s8+$0x30]  }
0x98: {  	s0 =	rddreg [dreg:$0x5]  }
0x99: {  	s1 =	rddreg [dreg:$0xe]  }
0x9a: {  	s0 =	sadd.s32 s0, s1  }
0x9b: {  	s26 =	sshrl.u32 s0, $0x3;
	[tilespmem:s11+$0x30] =	vst v0;
	s11 =	rddreg [dreg:$0x2]  }
0x9c: {  	s12 =	simm.s32 $0x10400;
	[tilespmem:s9+$0x30] =	vst v3;
	s0 =	sadd.s32 s11, s26  }
0x9d: {  	[hbm4b:s0+s13] =	stream.linear.scatter [tilespmem:s12], [sflag:$0x9], $0x1400, $0x38;
	[tilespmem:$0x1A400] =	vst v63  }
0x9e: {  	s13 =	simm.s32 $0x5  }
0x9f: {  	_ =	swait.ge [sflag:s13], $0x1400  }
0xa0: {  	[sflag:s13] =	ssyncset.done $0x0  }
0xa1: {  	s0 =	simm.s32 @!p0 $0xD;
	[sflag:s13] =	ssyncadd.s32 $0xFFFFEC00  }
0xa2: {  	_ =	swait.ge @!p0 [sflag:s0], $0x1400  }
0xa3: {  	[sflag:s0] =	ssyncset.done @!p0 $0x0  }
0xa4: {  	s14 =	simm.s32 $0xB440;
	[sflag:s0] =	ssyncadd.s32 @!p0 $0xFFFFEC00  }
0xa5: {  	v0 =	vld [tilespmem:s14+$0xFFFFFFC0];
	_ =	sdelay $0x4  }
0xa6: {  	v0 =	vmul.f32 $1.442695020e+00, v0  }
0xa7: {  	s24 =	simm.s32 $0xB4C0  }
0xa8: {  	(erf) = vpow2.f32 v0;
	v0 =	vld [tilespmem:s24+$0xFFFFFFC0];
	_ =	sdelay $0x4  }
0xa9: {  	v0 =	vmul.f32 $1.442695020e+00, v0;
	_ =	sdelay $0x1  }
0xaa: {  	(erf) = vpow2.f32 v0;
	_ =	sdelay $0x1  }
0xab: {  	s29 =	simm.s32 $0x15440;
	v0 =	vpop (erf)  }
0xac: {  	[tilespmem:s29+$0xFFFFFFC0] =	vst v0  }
0xad: {  	s2 =	simm.s32 $0xB540;
	v0 =	vld [tilespmem:s14+$0xFFFFFFD0]  }
0xae: {  	v1 =	vld [tilespmem:s2+$0xFFFFFFC0];
	_ =	sdelay $0x3  }
0xaf: {  	s1 =	simm.s32 $0x154C0;
	v0 =	vmul.f32 $1.442695020e+00, v0;
	v2 =	vpop (erf)  }
0xb0: {  	v1 =	vmul.f32 $1.442695020e+00, v1;
	[tilespmem:s1+$0xFFFFFFC0] =	vst v2  }
0xb1: {  	(erf) = vpow2.f32 v0;
	v0 =	vld [tilespmem:s24+$0xFFFFFFD0]  }
0xb2: {  	(erf) = vpow2.f32 v1;
	_ =	sdelay $0x2  }
0xb3: {  	s22 =	simm.s32 $0xB5C0  }
0xb4: {  	v1 =	vld [tilespmem:s22+$0xFFFFFFC0];
	v0 =	vmul.f32 $1.442695020e+00, v0;
	_ =	sdelay $0x2  }
0xb5: {  	(erf) = vpow2.f32 v0  }
0xb6: {  	v0 =	vpop (erf)  }
0xb7: {  	s19 =	simm.s32 $0x15540;
	v1 =	vmul.f32 $1.442695020e+00, v1;
	[tilespmem:s29+$0xFFFFFFD0] =	vst v0;
	v0 =	vpop (erf)  }
0xb8: {  	v2 =	vld [tilespmem:s14+$0xFFFFFFE0];
	[tilespmem:s19+$0xFFFFFFC0] =	vst v0  }
0xb9: {  	(erf) = vpow2.f32 v1;
	v0 =	vld [tilespmem:s2+$0xFFFFFFD0]  }
0xba: {  	s17 =	simm.s32 $0xB640  }
0xbb: {  	v1 =	vld [tilespmem:s17+$0xFFFFFFC0];
	_ =	sdelay $0x2  }
0xbc: {  	v2 =	vmul.f32 $1.442695020e+00, v2;
	v3 =	vpop (erf);
	v0 =	vmul.f32 $1.442695020e+00, v0  }
0xbd: {  	[tilespmem:s1+$0xFFFFFFD0] =	vst v3  }
0xbe: {  	v1 =	vmul.f32 $1.442695020e+00, v1;
	(erf) = vpow2.f32 v2;
	v2 =	vld [tilespmem:s24+$0xFFFFFFE0]  }
0xbf: {  	(erf) = vpow2.f32 v0  }
0xc0: {  	s12 =	simm.s32 $0x155C0;
	(erf) = vpow2.f32 v1;
	v0 =	vpop (erf)  }
0xc1: {  	[tilespmem:s12+$0xFFFFFFC0] =	vst v0  }
0xc2: {  	v0 =	vld [tilespmem:s22+$0xFFFFFFD0]  }
0xc3: {  	s25 =	simm.s32 $0xB6C0;
	v2 =	vmul.f32 $1.442695020e+00, v2  }
0xc4: {  	v1 =	vld [tilespmem:s25+$0xFFFFFFC0];
	_ =	sdelay $0x2  }
0xc5: {  	(erf) = vpow2.f32 v2;
	v2 =	vpop (erf);
	v0 =	vmul.f32 $1.442695020e+00, v0  }
0xc6: {  	[tilespmem:s29+$0xFFFFFFE0] =	vst v2;
	v2 =	vpop (erf)  }
0xc7: {  	s15 =	simm.s32 $0x15640;
	v1 =	vmul.f32 $1.442695020e+00, v1;
	[tilespmem:s19+$0xFFFFFFD0] =	vst v2;
	v2 =	vpop (erf);
	(erf) = vpow2.f32 v0;
	v0 =	vld [tilespmem:s14+$0xFFFFFFF0]  }
0xc8: {  	v3 =	vld [tilespmem:s2+$0xFFFFFFE0];
	[tilespmem:s15+$0xFFFFFFC0] =	vst v2  }
0xc9: {  	(erf) = vpow2.f32 v1;
	v1 =	vld [tilespmem:s17+$0xFFFFFFD0];
	_ =	sdelay $0x2  }
0xca: {  	s11 =	simm.s32 $0xB740  }
0xcb: {  	v2 =	vld [tilespmem:s11+$0xFFFFFFC0];
	v0 =	vmul.f32 $1.442695020e+00, v0;
	v3 =	vmul.f32 $1.442695020e+00, v3  }
0xcc: {  	v1 =	vmul.f32 $1.442695020e+00, v1  }
0xcd: {  	v4 =	vpop (erf);
	(erf) = vpow2.f32 v0  }
0xce: {  	[tilespmem:s1+$0xFFFFFFE0] =	vst v4;
	(erf) = vpow2.f32 v3  }
0xcf: {  	v0 =	vld [tilespmem:s24+$0xFFFFFFF0];
	v3 =	vpop (erf)  }
0xd0: {  	s18 =	simm.s32 $0x156C0;
	v2 =	vmul.f32 $1.442695020e+00, v2;
	(erf) = vpow2.f32 v1;
	[tilespmem:s12+$0xFFFFFFD0] =	vst v3;
	v1 =	vpop (erf)  }
0xd1: {  	v3 =	vld [tilespmem:s22+$0xFFFFFFE0];
	[tilespmem:s18+$0xFFFFFFC0] =	vst v1  }
0xd2: {  	(erf) = vpow2.f32 v2;
	v1 =	vld [tilespmem:s25+$0xFFFFFFD0];
	_ =	sdelay $0x1  }
0xd3: {  	v0 =	vmul.f32 $1.442695020e+00, v0  }
0xd4: {  	s31 =	simm.s32 $0xB7C0  }
0xd5: {  	(erf) = vpow2.f32 v0;
	v0 =	vld [tilespmem:s31+$0xFFFFFFC0];
	v2 =	vmul.f32 $1.442695020e+00, v3;
	v3 =	vpop (erf)  }
0xd6: {  	[tilespmem:s29+$0xFFFFFFF0] =	vst v3;
	v3 =	vpop (erf);
	v1 =	vmul.f32 $1.442695020e+00, v1  }
0xd7: {  	(erf) = vpow2.f32 v2;
	v2 =	vld [tilespmem:s14+$0x0];
	[tilespmem:s19+$0xFFFFFFE0] =	vst v3  }
0xd8: {  	v3 =	vpop (erf);
	(erf) = vpow2.f32 v1;
	v1 =	vld [tilespmem:s2+$0xFFFFFFF0]  }
0xd9: {  	[tilespmem:s15+$0xFFFFFFD0] =	vst v3  }
0xda: {  	s21 =	simm.s32 $0x15740;
	v0 =	vmul.f32 $1.442695020e+00, v0;
	v3 =	vpop (erf);
	v4 =	vld [tilespmem:s17+$0xFFFFFFE0]  }
0xdb: {  	[tilespmem:s21+$0xFFFFFFC0] =	vst v3  }
0xdc: {  	s5 =	simm.s32 $0xB840;
	(erf) = vpow2.f32 v0;
	v0 =	vld [tilespmem:s11+$0xFFFFFFD0];
	v2 =	vmul.f32 $1.442695020e+00, v2  }
0xdd: {  	v3 =	vld [tilespmem:s5+$0xFFFFFFC0];
	v1 =	vmul.f32 $1.442695020e+00, v1  }
0xde: {  	v5 =	vpop (erf);
	(erf) = vpow2.f32 v2  }
0xdf: {  	[tilespmem:s1+$0xFFFFFFF0] =	vst v5;
	v4 =	vmul.f32 $1.442695020e+00, v4;
	(erf) = vpow2.f32 v1  }
0xe0: {  	v2 =	vld [tilespmem:s24+$0x0];
	v5 =	vpop (erf)  }
0xe1: {  	v0 =	vmul.f32 $1.442695020e+00, v0;
	(erf) = vpow2.f32 v4;
	[tilespmem:s12+$0xFFFFFFE0] =	vst v5;
	v1 =	vpop (erf)  }
0xe2: {  	v3 =	vmul.f32 $1.442695020e+00, v3;
	v4 =	vld [tilespmem:s22+$0xFFFFFFF0];
	[tilespmem:s18+$0xFFFFFFD0] =	vst v1  }
0xe3: {  	(erf) = vpow2.f32 v0;
	v0 =	vld [tilespmem:s25+$0xFFFFFFE0]  }
0xe4: {  	(erf) = vpow2.f32 v3  }
0xe5: {  	s9 =	simm.s32 $0x157C0;
	v1 =	vmul.f32 $1.442695020e+00, v2;
	v2 =	vpop (erf)  }
0xe6: {  	[tilespmem:s9+$0xFFFFFFC0] =	vst v2  }
0xe7: {  	s30 =	simm.s32 $0xB8C0;
	(erf) = vpow2.f32 v1;
	v1 =	vld [tilespmem:s31+$0xFFFFFFD0];
	v2 =	vpop (erf);
	v3 =	vmul.f32 $1.442695020e+00, v4  }
0xe8: {  	v4 =	vld [tilespmem:s30+$0xFFFFFFC0];
	[tilespmem:s29+$0x0] =	vst v2;
	v0 =	vmul.f32 $1.442695020e+00, v0;
	v2 =	vpop (erf)  }
0xe9: {  	v5 =	vld [tilespmem:s14+$0x10];
	(erf) = vpow2.f32 v3;
	[tilespmem:s19+$0xFFFFFFF0] =	vst v2  }
0xea: {  	v2 =	vpop (erf);
	(erf) = vpow2.f32 v0;
	v0 =	vld [tilespmem:s2+$0x0];
	_ =	sdelay $0x1  }
0xeb: {  	v1 =	vmul.f32 $1.442695020e+00, v1;
	[tilespmem:s15+$0xFFFFFFE0] =	vst v2;
	v2 =	vpop (erf)  }
0xec: {  	s10 =	simm.s32 $0x15840;
	[tilespmem:s21+$0xFFFFFFD0] =	vst v2;
	v2 =	vld [tilespmem:s17+$0xFFFFFFF0];
	v3 =	vmul.f32 $1.442695020e+00, v4;
	v4 =	vpop (erf)  }
0xed: {  	(erf) = vpow2.f32 v1;
	v1 =	vld [tilespmem:s11+$0xFFFFFFE0];
	[tilespmem:s10+$0xFFFFFFC0] =	vst v4;
	v5 =	vmul.f32 $1.442695020e+00, v5  }
0xee: {  	s28 =	simm.s32 $0xB940;
	(erf) = vpow2.f32 v3;
	v3 =	vld [tilespmem:s5+$0xFFFFFFD0];
	v0 =	vmul.f32 $1.442695020e+00, v0  }
0xef: {  	(erf) = vpow2.f32 v5;
	v5 =	vld [tilespmem:s28+$0xFFFFFFC0]  }
0xf0: {  	v4 =	vpop (erf)  }
0xf1: {  	[tilespmem:s1+$0x0] =	vst v4;
	v2 =	vmul.f32 $1.442695020e+00, v2  }
0xf2: {  	v4 =	vld [tilespmem:s24+$0x10];
	(erf) = vpow2.f32 v0;
	v0 =	vpop (erf)  }
0xf3: {  	v1 =	vmul.f32 $1.442695020e+00, v1;
	[tilespmem:s12+$0xFFFFFFF0] =	vst v0;
	v0 =	vpop (erf);
	(erf) = vpow2.f32 v2  }
0xf4: {  	v2 =	vmul.f32 $1.442695020e+00, v3;
	[tilespmem:s18+$0xFFFFFFE0] =	vst v0;
	v0 =	vmul.f32 $1.442695020e+00, v5  }
0xf5: {  	(erf) = vpow2.f32 v1  }
0xf6: {  	v3 =	vld [tilespmem:s22+$0x0];
	(erf) = vpow2.f32 v2  }
0xf7: {  	v1 =	vld [tilespmem:s25+$0xFFFFFFF0];
	v2 =	vmul.f32 $1.442695020e+00, v4;
	v4 =	vpop (erf);
	(erf) = vpow2.f32 v0  }
0xf8: {  	s8 =	simm.s32 $0x158C0;
	[tilespmem:s9+$0xFFFFFFD0] =	vst v4;
	v0 =	vpop (erf)  }
0xf9: {  	(erf) = vpow2.f32 v2;
	v2 =	vld [tilespmem:s31+$0xFFFFFFE0];
	[tilespmem:s8+$0xFFFFFFC0] =	vst v0;
	v0 =	vpop (erf)  }
0xfa: {  	v4 =	vld [tilespmem:s30+$0xFFFFFFD0];
	[tilespmem:s29+$0x10] =	vst v0  }
0xfb: {  	v3 =	vmul.f32 $1.442695020e+00, v3;
	v5 =	vld [tilespmem:s14+$0x20]  }
0xfc: {  	s13 =	simm.s32 $0xB9C0;
	v0 =	vpop (erf);
	v1 =	vmul.f32 $1.442695020e+00, v1  }
0xfd: {  	(erf) = vpow2.f32 v3;
	v3 =	vld [tilespmem:s13+$0xFFFFFFC0];
	[tilespmem:s19+$0x0] =	vst v0;
	v0 =	vpop (erf)  }
0xfe: {  	v6 =	vld [tilespmem:s2+$0x10];
	(erf) = vpow2.f32 v1;
	v1 =	vmul.f32 $1.442695020e+00, v2;
	v2 =	vpop (erf);
	[tilespmem:s15+$0xFFFFFFF0] =	vst v0  }
0xff: {  	[tilespmem:s21+$0xFFFFFFE0] =	vst v2;
	v2 =	vld [tilespmem:s17+$0x0];
	v0 =	vmul.f32 $1.442695020e+00, v4;
	v4 =	vpop (erf)  }
0x100: {  	s0 =	simm.s32 $0x15940;
	(erf) = vpow2.f32 v1;
	v1 =	vmul.f32 $1.442695020e+00, v5;
	[tilespmem:s10+$0xFFFFFFD0] =	vst v4;
	v5 =	vpop (erf)  }
0x101: {  	v4 =	vld [tilespmem:s11+$0xFFFFFFF0];
	(erf) = vpow2.f32 v0;
	[tilespmem:s0+$0xFFFFFFC0] =	vst v5  }
0x102: {  	v3 =	vmul.f32 $1.442695020e+00, v3;
	v5 =	vpop (erf);
	(erf) = vpow2.f32 v1;
	v1 =	vld [tilespmem:s28+$0xFFFFFFD0]  }
0x103: {  	v0 =	vld [tilespmem:s5+$0xFFFFFFE0];
	v6 =	vmul.f32 $1.442695020e+00, v6;
	[tilespmem:s1+$0x10] =	vst v5  }
0x104: {  	(erf) = vpow2.f32 v3;
	v3 =	vld [tilespmem:s24+$0x20];
	v2 =	vmul.f32 $1.442695020e+00, v2;
	_ =	sdelay $0x1  }
0x105: {  	(erf) = vpow2.f32 v6;
	v4 =	vmul.f32 $1.442695020e+00, v4  }
0x106: {  	s16 =	simm.s32 $0xBA40;
	v5 =	vpop (erf);
	(erf) = vpow2.f32 v2;
	v1 =	vmul.f32 $1.442695020e+00, v1  }
0x107: {  	v6 =	vld [tilespmem:s16+$0xFFFFFFC0];
	[tilespmem:s12+$0x0] =	vst v5;
	v0 =	vmul.f32 $1.442695020e+00, v0;
	v2 =	vpop (erf)  }
0x108: {  	v5 =	vld [tilespmem:s22+$0x10];
	(erf) = vpow2.f32 v4;
	[tilespmem:s18+$0xFFFFFFF0] =	vst v2;
	v2 =	vmul.f32 $1.442695020e+00, v3  }
0x109: {  	(erf) = vpow2.f32 v0;
	v3 =	vpop (erf);
	v0 =	vld [tilespmem:s25+$0x0]  }
0x10a: {  	(erf) = vpow2.f32 v1;
	[tilespmem:s9+$0xFFFFFFE0] =	vst v3;
	v1 =	vpop (erf)  }
0x10b: {  	[tilespmem:s8+$0xFFFFFFD0] =	vst v1;
	v1 =	vld [tilespmem:s31+$0xFFFFFFF0]  }
0x10c: {  	v3 =	vmul.f32 $1.442695020e+00, v6;
	(erf) = vpow2.f32 v2;
	v2 =	vpop (erf);
	v6 =	vld [tilespmem:s30+$0xFFFFFFE0]  }
0x10d: {  	s20 =	simm.s32 $0x159C0;
	v4 =	vmul.f32 $1.442695020e+00, v5;
	v5 =	vpop (erf);
	[tilespmem:s29+$0x20] =	vst v2  }
0x10e: {  	(erf) = vpow2.f32 v3;
	[tilespmem:s20+$0xFFFFFFC0] =	vst v5;
	v2 =	vpop (erf);
	v3 =	vld [tilespmem:s14+$0x30];
	v0 =	vmul.f32 $1.442695020e+00, v0  }
0x10f: {  	(erf) = vpow2.f32 v4;
	v4 =	vld [tilespmem:s13+$0xFFFFFFD0];
	[tilespmem:s19+$0x10] =	vst v2;
	v2 =	vpop (erf)  }
0x110: {  	v5 =	vld [tilespmem:s2+$0x20];
	(erf) = vpow2.f32 v0;
	[tilespmem:s15+$0x0] =	vst v2  }
0x111: {  	s3 =	simm.s32 $0xBAC0;
	v0 =	vmul.f32 $1.442695020e+00, v1;
	v2 =	vmul.f32 $1.442695020e+00, v6;
	v6 =	vld [tilespmem:s17+$0x10]  }
0x112: {  	v7 =	vld [tilespmem:s3+$0xFFFFFFC0]  }
0x113: {  	v1 =	vpop (erf);
	(erf) = vpow2.f32 v0  }
0x114: {  	v8 =	vpop (erf);
	[tilespmem:s21+$0xFFFFFFF0] =	vst v1;
	v0 =	vmul.f32 $1.442695020e+00, v3;
	v4 =	vmul.f32 $1.442695020e+00, v4  }
0x115: {  	v3 =	vld [tilespmem:s11+$0x0];
	v1 =	vpop (erf);
	[tilespmem:s10+$0xFFFFFFE0] =	vst v8;
	(erf) = vpow2.f32 v2;
	v5 =	vmul.f32 $1.442695020e+00, v5  }
0x116: {  	[tilespmem:s0+$0xFFFFFFD0] =	vst v1;
	(erf) = vpow2.f32 v0;
	v0 =	vld [tilespmem:s5+$0xFFFFFFF0];
	v2 =	vpop (erf);
	v6 =	vmul.f32 $1.442695020e+00, v6  }
0x117: {  	s7 =	simm.s32 $0x15A40;
	(erf) = vpow2.f32 v4;
	v4 =	vld [tilespmem:s28+$0xFFFFFFE0];
	[tilespmem:s1+$0x20] =	vst v2;
	v2 =	vmul.f32 $1.442695020e+00, v7;
	v7 =	vpop (erf)  }
0x118: {  	(erf) = vpow2.f32 v5;
	v1 =	vld [tilespmem:s24+$0x30];
	[tilespmem:s7+$0xFFFFFFC0] =	vst v7;
	v7 =	vpop (erf)  }
0x119: {  	s4 =	simm.s32 $0xBB40;
	(erf) = vpow2.f32 v2;
	v2 =	vld [tilespmem:s16+$0xFFFFFFD0];
	[tilespmem:s12+$0x10] =	vst v7  }
0x11a: {  	s6 =	simm.s32 $0x15A40;
	s14 =	simm.s32 $0x34;
	v5 =	vmul.f32 $1.442695020e+00, v3;
	(erf) = vpow2.f32 v6;
	v3 =	vld [tilespmem:s22+$0x20];
	v6 =	vpop (erf)  }
.LBB2_5:
0x11b: {  	s24 =	smov.u32 s17;
	s17 =	smov.u32 s25;
	s25 =	smov.u32 s11  }
0x11c: {  	v7 =	vld [tilespmem:s4+$0xFFFFFFC0];
	v0 =	vmul.f32 $1.442695020e+00, v0;
	(erf) = vpow2.f32 v5;
	[tilespmem:s18+$0x0] =	vst v6;
	s11 =	smov.u32 s31;
	s31 =	smov.u32 s5;
	s5 =	smov.u32 s30  }
0x11d: {  	s14 =	sadd.s32 $0x4, s14;
	s30 =	smov.u32 s28;
	s28 =	smov.u32 s13;
	v9 =	vmul.f32 $1.442695020e+00, v4;
	v5 =	vpop (erf);
	v6 =	vld [tilespmem:s17+$0x10]  }
0x11e: {  	s13 =	smov.u32 s16;
	s16 =	smov.u32 s3;
	p1 =	slt.u32 s14, $0x9C;
	v8 =	vpop (erf);
	(erf) = vpow2.f32 v0;
	[tilespmem:s9+$0xFFFFFFF0] =	vst v5;
	v0 =	vmul.f32 $1.442695020e+00, v1  }
0x11f: {  	s3 =	smov.u32 s4;
	v10 =	vmul.f32 $1.442695020e+00, v2;
	(erf) = vpow2.f32 v9;
	[tilespmem:s8+$0xFFFFFFE0] =	vst v8;
	v5 =	vld [tilespmem:s11+$0x0];
	v2 =	vpop (erf)  }
0x120: {  	v4 =	vpop (erf);
	v8 =	vmul.f32 $1.442695020e+00, v3;
	(erf) = vpow2.f32 v0;
	[tilespmem:s29+$0x30] =	vst v2;
	s29 =	smov.u32 s1;
	s1 =	smov.u32 s19;
	s19 =	smov.u32 s12  }
.Ltmp3:
0x121: {  	s12 =	smov.u32 s15;
	s15 =	smov.u32 s18;
	v2 =	vmul.f32 $1.442695020e+00, v7;
	(erf) = vpow2.f32 v10;
	[tilespmem:s20+$0xFFFFFFD0] =	vst v4;
	v0 =	vld [tilespmem:s5+$0xFFFFFFF0];
	v1 =	vpop (erf);
	(pc) =	sbr.rel @p1 .LBB2_5-.Ltmp3, $4  }
0x122: {  	s7 =	sadd.s32 $0x80, s7;
	s18 =	smov.u32 s21;
	s21 =	smov.u32 s9;
	v7 =	vpop (erf);
	v4 =	vld [tilespmem:s28+$0xFFFFFFE0];
	v9 =	vmul.f32 $1.442695020e+00, v6;
	(erf) = vpow2.f32 v8;
	[tilespmem:s1+$0x20] =	vst v1  }
0x123: {  	s9 =	smov.u32 s10;
	s10 =	smov.u32 s8;
	s8 =	smov.u32 s0;
	(erf) = vpow2.f32 v2;
	[tilespmem:s7+$0xFFFFFFC0] =	vst v7;
	v3 =	vpop (erf);
	v1 =	vld [tilespmem:s2+$0x30]  }
0x124: {  	s0 =	smov.u32 s20;
	s20 =	smov.u32 s6;
	s6 =	smov.u32 s7;
	v2 =	vld [tilespmem:s16+$0xFFFFFFD0];
	v5 =	vmul.f32 $1.442695020e+00, v5;
	(erf) = vpow2.f32 v9;
	[tilespmem:s12+$0x10] =	vst v3  }
0x125: {  	s4 =	sadd.s32 $0x80, s4;
	s2 =	smov.u32 s22;
	s22 =	smov.u32 s24;
	v6 =	vpop (erf);
	v3 =	vld [tilespmem:s24+$0x20]  }
0x126: {  	_ = 	snop  }
0x127: {  	v7 =	vpop (erf)  }
0x128: {  	[tilespmem:s18+$0x0] =	vst v6;
	v46 =	vpop (erf)  }
0x129: {  	v8 =	vmul.f32 $1.442695020e+00, v0;
	v9 =	vld [tilespmem:s25+$0x10];
	[tilespmem:s9+$0xFFFFFFF0] =	vst v7;
	v0 =	vpop (erf)  }
0x12a: {  	(erf) = vpow2.f32 v5;
	v4 =	vmul.f32 $1.442695020e+00, v4;
	[tilespmem:s8+$0xFFFFFFE0] =	vst v46;
	v47 =	vld [tilespmem:s31+$0x0];
	v48 =	vpop (erf)  }
0x12b: {  	v1 =	vmul.f32 $1.442695020e+00, v1;
	(erf) = vpow2.f32 v8;
	v49 =	vld [tilespmem:s30+$0xFFFFFFF0];
	[tilespmem:s20+$0xFFFFFFD0] =	vst v48;
	v50 =	vpop (erf)  }
0x12c: {  	s7 =	sadd.s32 $0x80, s7;
	v2 =	vmul.f32 $1.442695020e+00, v2;
	(erf) = vpow2.f32 v4;
	v51 =	vpop (erf);
	v52 =	vld [tilespmem:s13+$0xFFFFFFE0];
	[tilespmem:s19+$0x20] =	vst v50  }
0x12d: {  	v3 =	vmul.f32 $1.442695020e+00, v3;
	(erf) = vpow2.f32 v1;
	v7 =	vld [tilespmem:s2+$0x30];
	[tilespmem:s7+$0xFFFFFFC0] =	vst v51  }
0x12e: {  	(erf) = vpow2.f32 v2;
	v53 =	vmul.f32 $1.442695020e+00, v9;
	v54 =	vld [tilespmem:s3+$0xFFFFFFD0]  }
0x12f: {  	(erf) = vpow2.f32 v3;
	v55 =	vmul.f32 $1.442695020e+00, v47  }
0x130: {  	(erf) = vpow2.f32 v53;
	v56 =	vmul.f32 $1.442695020e+00, v49  }
0x131: {  	(erf) = vpow2.f32 v55;
	v57 =	vmul.f32 $1.442695020e+00, v52  }
0x132: {  	v58 =	vpop (erf);
	(erf) = vpow2.f32 v56;
	v59 =	vmul.f32 $1.442695020e+00, v7  }
0x133: {  	[tilespmem:s15+$0x10] =	vst v58;
	v60 =	vpop (erf);
	v2 =	vmul.f32 $1.442695020e+00, v54;
	(erf) = vpow2.f32 v57  }
0x134: {  	v63 =	vld [tilespmem:s17+$0x20];
	v61 =	vpop (erf);
	(erf) = vpow2.f32 v59  }
0x135: {  	v62 =	vpop (erf);
	(erf) = vpow2.f32 v2  }
0x136: {  	[tilespmem:s21+$0x0] =	vst v60;
	v1 =	vpop (erf)  }
0x137: {  	v5 =	vld [tilespmem:s11+$0x10];
	[tilespmem:s10+$0xFFFFFFF0] =	vst v61;
	v11 =	vpop (erf)  }
0x138: {  	[tilespmem:s0+$0xFFFFFFE0] =	vst v62;
	v12 =	vld [tilespmem:s5+$0x0];
	v13 =	vpop (erf)  }
0x139: {  	v14 =	vld [tilespmem:s28+$0xFFFFFFF0];
	v2 =	vmul.f32 $1.442695020e+00, v63;
	[tilespmem:s6+$0xFFFFFFD0] =	vst v11;
	v15 =	vpop (erf)  }
0x13a: {  	v16 =	vld [tilespmem:s16+$0xFFFFFFE0];
	[tilespmem:s12+$0x20] =	vst v13;
	v17 =	vpop (erf)  }
0x13b: {  	v18 =	vld [tilespmem:s22+$0x30];
	[tilespmem:s18+$0x10] =	vst v15;
	v19 =	vpop (erf)  }
0x13c: {  	v5 =	vmul.f32 $1.442695020e+00, v5;
	v10 =	vld [tilespmem:s25+$0x20];
	[tilespmem:s9+$0x0] =	vst v17;
	v20 =	vpop (erf)  }
0x13d: {  	v4 =	vmul.f32 $1.442695020e+00, v12;
	(erf) = vpow2.f32 v2;
	v11 =	vld [tilespmem:s31+$0x10];
	[tilespmem:s8+$0xFFFFFFF0] =	vst v19;
	v2 =	vpop (erf)  }
0x13e: {  	v3 =	vmul.f32 $1.442695020e+00, v14;
	(erf) = vpow2.f32 v5;
	v21 =	vld [tilespmem:s30+$0x0];
	[tilespmem:s20+$0xFFFFFFE0] =	vst v20;
	v22 =	vpop (erf)  }
0x13f: {  	v23 =	vmul.f32 $1.442695020e+00, v16;
	(erf) = vpow2.f32 v4;
	v24 =	vld [tilespmem:s13+$0xFFFFFFF0];
	[tilespmem:s7+$0xFFFFFFD0] =	vst v22  }
0x140: {  	v25 =	vmul.f32 $1.442695020e+00, v18;
	(erf) = vpow2.f32 v3;
	v26 =	vld [tilespmem:s3+$0xFFFFFFE0]  }
0x141: {  	v27 =	vmul.f32 $1.442695020e+00, v10;
	(erf) = vpow2.f32 v23  }
0x142: {  	(erf) = vpow2.f32 v25;
	v28 =	vmul.f32 $1.442695020e+00, v11  }
0x143: {  	(erf) = vpow2.f32 v27;
	v29 =	vmul.f32 $1.442695020e+00, v21  }
0x144: {  	(erf) = vpow2.f32 v28;
	v30 =	vmul.f32 $1.442695020e+00, v24  }
0x145: {  	(erf) = vpow2.f32 v29;
	v31 =	vmul.f32 $1.442695020e+00, v26  }
0x146: {  	v32 =	vpop (erf);
	(erf) = vpow2.f32 v30  }
0x147: {  	v33 =	vpop (erf);
	(erf) = vpow2.f32 v31  }
0x148: {  	[tilespmem:s15+$0x20] =	vst v32;
	v34 =	vpop (erf)  }
0x149: {  	v5 =	vld [tilespmem:s17+$0x30];
	[tilespmem:s21+$0x10] =	vst v33;
	v35 =	vpop (erf)  }
0x14a: {  	v36 =	vld [tilespmem:s11+$0x20];
	[tilespmem:s10+$0x0] =	vst v34;
	v37 =	vpop (erf)  }
0x14b: {  	v38 =	vld [tilespmem:s5+$0x10];
	[tilespmem:s0+$0xFFFFFFF0] =	vst v35;
	v3 =	vpop (erf)  }
0x14c: {  	[tilespmem:s6+$0xFFFFFFE0] =	vst v37;
	v39 =	vld [tilespmem:s28+$0x0];
	v40 =	vpop (erf)  }
0x14d: {  	v41 =	vld [tilespmem:s16+$0xFFFFFFF0];
	[tilespmem:s18+$0x20] =	vst v40;
	v42 =	vpop (erf)  }
0x14e: {  	v5 =	vmul.f32 $1.442695020e+00, v5;
	v43 =	vld [tilespmem:s25+$0x30];
	[tilespmem:s9+$0x10] =	vst v42;
	v44 =	vpop (erf)  }
0x14f: {  	v6 =	vmul.f32 $1.442695020e+00, v36;
	v45 =	vld [tilespmem:s31+$0x20];
	[tilespmem:s8+$0x0] =	vst v44;
	v46 =	vpop (erf)  }
0x150: {  	v47 =	vmul.f32 $1.442695020e+00, v38;
	(erf) = vpow2.f32 v5;
	v48 =	vld [tilespmem:s30+$0x10];
	[tilespmem:s20+$0xFFFFFFF0] =	vst v46;
	v12 =	vpop (erf)  }
0x151: {  	v4 =	vmul.f32 $1.442695020e+00, v39;
	(erf) = vpow2.f32 v6;
	v49 =	vld [tilespmem:s13+$0x0];
	[tilespmem:s7+$0xFFFFFFE0] =	vst v12  }
0x152: {  	v50 =	vmul.f32 $1.442695020e+00, v41;
	(erf) = vpow2.f32 v47;
	v51 =	vld [tilespmem:s3+$0xFFFFFFF0]  }
0x153: {  	v52 =	vmul.f32 $1.442695020e+00, v43;
	(erf) = vpow2.f32 v4  }
0x154: {  	v53 =	vmul.f32 $1.442695020e+00, v45;
	(erf) = vpow2.f32 v50  }
0x155: {  	v54 =	vmul.f32 $1.442695020e+00, v48;
	(erf) = vpow2.f32 v52  }
0x156: {  	(erf) = vpow2.f32 v53;
	v55 =	vmul.f32 $1.442695020e+00, v49  }
0x157: {  	(erf) = vpow2.f32 v54;
	v56 =	vmul.f32 $1.442695020e+00, v51  }
0x158: {  	(erf) = vpow2.f32 v55  }
0x159: {  	v5 =	vpop (erf);
	(erf) = vpow2.f32 v56  }
0x15a: {  	v57 =	vpop (erf)  }
0x15b: {  	v58 =	vpop (erf)  }
0x15c: {  	[tilespmem:s21+$0x20] =	vst v57;
	v59 =	vpop (erf)  }
0x15d: {  	v60 =	vld [tilespmem:s11+$0x30];
	[tilespmem:s10+$0x10] =	vst v58;
	v61 =	vpop (erf)  }
0x15e: {  	v62 =	vld [tilespmem:s5+$0x20];
	[tilespmem:s0+$0x0] =	vst v59;
	v4 =	vpop (erf)  }
0x15f: {  	v63 =	vld [tilespmem:s28+$0x10];
	[tilespmem:s6+$0xFFFFFFF0] =	vst v61;
	v15 =	vpop (erf)  }
0x160: {  	v16 =	vld [tilespmem:s16+$0x0];
	[tilespmem:s9+$0x20] =	vst v15;
	v17 =	vpop (erf)  }
0x161: {  	v18 =	vld [tilespmem:s31+$0x30];
	[tilespmem:s8+$0x10] =	vst v17;
	v19 =	vpop (erf)  }
0x162: {  	v7 =	vmul.f32 $1.442695020e+00, v60;
	v20 =	vld [tilespmem:s30+$0x20];
	[tilespmem:s20+$0x0] =	vst v19;
	v21 =	vpop (erf)  }
0x163: {  	v8 =	vmul.f32 $1.442695020e+00, v62;
	v13 =	vld [tilespmem:s13+$0x10];
	[tilespmem:s7+$0xFFFFFFF0] =	vst v21  }
0x164: {  	(erf) = vpow2.f32 v7;
	v22 =	vmul.f32 $1.442695020e+00, v63;
	v23 =	vld [tilespmem:s3+$0x0]  }
0x165: {  	(erf) = vpow2.f32 v8;
	v24 =	vmul.f32 $1.442695020e+00, v16  }
0x166: {  	(erf) = vpow2.f32 v22;
	v25 =	vmul.f32 $1.442695020e+00, v18  }
0x167: {  	(erf) = vpow2.f32 v24;
	v26 =	vmul.f32 $1.442695020e+00, v20  }
0x168: {  	(erf) = vpow2.f32 v25;
	v27 =	vmul.f32 $1.442695020e+00, v13  }
0x169: {  	(erf) = vpow2.f32 v26;
	v7 =	vmul.f32 $1.442695020e+00, v23  }
0x16a: {  	(erf) = vpow2.f32 v27  }
0x16b: {  	(erf) = vpow2.f32 v7;
	_ =	sdelay $0x1  }
0x16c: {  	v28 =	vpop (erf)  }
0x16d: {  	v29 =	vpop (erf)  }
0x16e: {  	v30 =	vpop (erf)  }
0x16f: {  	[tilespmem:s10+$0x20] =	vst v29;
	v31 =	vpop (erf)  }
0x170: {  	v32 =	vld [tilespmem:s5+$0x30];
	[tilespmem:s0+$0x10] =	vst v30;
	v33 =	vpop (erf)  }
0x171: {  	v34 =	vld [tilespmem:s28+$0x20];
	[tilespmem:s6+$0x0] =	vst v31;
	v35 =	vpop (erf)  }
0x172: {  	v36 =	vld [tilespmem:s16+$0x10];
	[tilespmem:s8+$0x20] =	vst v35;
	v37 =	vpop (erf)  }
0x173: {  	v38 =	vld [tilespmem:s30+$0x30];
	[tilespmem:s20+$0x10] =	vst v37;
	v39 =	vpop (erf)  }
0x174: {  	v40 =	vld [tilespmem:s13+$0x20];
	[tilespmem:s7+$0x0] =	vst v39  }
0x175: {  	v41 =	vmul.f32 $1.442695020e+00, v32;
	v42 =	vld [tilespmem:s3+$0x10]  }
0x176: {  	v10 =	vmul.f32 $1.442695020e+00, v34  }
0x177: {  	(erf) = vpow2.f32 v41;
	v43 =	vmul.f32 $1.442695020e+00, v36  }
0x178: {  	(erf) = vpow2.f32 v10;
	v44 =	vmul.f32 $1.442695020e+00, v38  }
0x179: {  	(erf) = vpow2.f32 v43;
	v45 =	vmul.f32 $1.442695020e+00, v40  }
0x17a: {  	(erf) = vpow2.f32 v44;
	v9 =	vmul.f32 $1.442695020e+00, v42  }
0x17b: {  	(erf) = vpow2.f32 v45  }
0x17c: {  	(erf) = vpow2.f32 v9;
	_ =	sdelay $0x3  }
0x17d: {  	v46 =	vpop (erf)  }
0x17e: {  	v47 =	vpop (erf)  }
0x17f: {  	v48 =	vpop (erf)  }
0x180: {  	[tilespmem:s0+$0x20] =	vst v47;
	v49 =	vpop (erf)  }
0x181: {  	v50 =	vld [tilespmem:s28+$0x30];
	[tilespmem:s6+$0x10] =	vst v48;
	v51 =	vpop (erf)  }
0x182: {  	v52 =	vld [tilespmem:s16+$0x20];
	[tilespmem:s20+$0x20] =	vst v51;
	v53 =	vpop (erf)  }
0x183: {  	v54 =	vld [tilespmem:s13+$0x30];
	[tilespmem:s7+$0x10] =	vst v53  }
0x184: {  	v10 =	vld [tilespmem:s3+$0x20];
	_ =	sdelay $0x1  }
0x185: {  	v11 =	vmul.f32 $1.442695020e+00, v50  }
0x186: {  	v12 =	vmul.f32 $1.442695020e+00, v52  }
0x187: {  	(erf) = vpow2.f32 v11;
	v55 =	vmul.f32 $1.442695020e+00, v54  }
0x188: {  	(erf) = vpow2.f32 v12;
	v10 =	vmul.f32 $1.442695020e+00, v10  }
0x189: {  	(erf) = vpow2.f32 v55  }
0x18a: {  	(erf) = vpow2.f32 v10;
	_ =	sdelay $0x5  }
0x18b: {  	v56 =	vpop (erf)  }
0x18c: {  	v57 =	vpop (erf)  }
0x18d: {  	v58 =	vpop (erf)  }
0x18e: {  	[tilespmem:s6+$0x20] =	vst v57;
	v59 =	vpop (erf)  }
0x18f: {  	v60 =	vld [tilespmem:s16+$0x30];
	[tilespmem:s7+$0x20] =	vst v59  }
0x190: {  	v11 =	vld [tilespmem:s3+$0x30];
	_ =	sdelay $0x3  }
0x191: {  	[tilespmem:s29+$0x30] =	vst v0;
	v61 =	vmul.f32 $1.442695020e+00, v60  }
0x192: {  	[tilespmem:s1+$0x30] =	vst v1;
	v62 =	vmul.f32 $1.442695020e+00, v11  }
0x193: {  	[tilespmem:s19+$0x30] =	vst v2;
	(erf) = vpow2.f32 v61  }
0x194: {  	[tilespmem:s12+$0x30] =	vst v3;
	(erf) = vpow2.f32 v62  }
0x195: {  	[tilespmem:s15+$0x30] =	vst v5  }
0x196: {  	[tilespmem:s18+$0x30] =	vst v4  }
0x197: {  	[tilespmem:s21+$0x30] =	vst v28  }
0x198: {  	[tilespmem:s9+$0x30] =	vst v33  }
0x199: {  	[tilespmem:s10+$0x30] =	vst v46  }
0x19a: {  	p1 =	sne.s32 s23, $0x27;
	[tilespmem:s8+$0x30] =	vst v49  }
.Ltmp4:
0x19b: {  	[tilespmem:s0+$0x30] =	vst v56;
	(pc) =	sbr.rel @p1 .LBB2_8-.Ltmp4, $4  }
0x19c: {  	[tilespmem:s20+$0x30] =	vst v58;
	v0 =	vpop (erf)  }
0x19d: {  	s30 =	rddreg [dreg:$0x3];
	[tilespmem:s6+$0x30] =	vst v0;
	v63 =	vpop (erf)  }
0x19e: {  	s31 =	simm.s32 $0x15400;
	s13 =	simm.s32 $0x0;
	s0 =	sadd.s32 s30, s26;
	[tilespmem:s7+$0x30] =	vst v63  }
0x19f: {  	[hbm4b:s0+s13] =	stream.linear.scatter [tilespmem:s31], [sflag:$0xD], $0x1400, $0x38;
	[tilespmem:$0x1A400] =	vst v63  }
.Ltmp5:
0x1a0: {  	(pc) =	sbr.rel .LBB2_9-.Ltmp5, $4  }
0x1a1: {  	s0 =	simm.s32 $0x2  }
0x1a2: {  	_ =	swait.ge [sflag:s0], $0x1400  }
0x1a3: {  	[sflag:s0] =	ssyncset.done $0x0  }
0x1a4: {  	[sflag:s0] =	ssyncadd.s32 $0xFFFFEC00  }
.LBB2_8:
0x1a5: {  	s0 =	smul.u32 $0xA00, s23;
	_ =	sdelay $0x1  }
0x1a6: {  	s1 =	rddreg [dreg:$0x6];
	s2 =	simm.s32 $0xA0;
	s0 =	sshra.s32 s0, $0x2  }
0x1a7: {  	s3 =	simm.s32 $0x6400;
	s29 =	rddreg [dreg:$0x7];
	s0 =	sadd.s32 $0x280, s0  }
0x1a8: {  	[tilespmem:s3], [sflag:$0x1] =	stream.indirect.gather [hbm4b:s1+s2], $0x20, s0, s2, $0xb8;
	[tilespmem:$0x1A400] =	vst v63  }
.Ltmp6:
0x1a9: {  	s30 =	simm.s32 $0xB400;
	s31 =	simm.s32 $0x2;
	(pc) =	sbr.rel @p0 .LBB2_10-.Ltmp6, $4  }
0x1aa: {  	[tilespmem:s30], [sflag:$0x5] =	stream.indirect.gather [hbm4b:s29+s2], $0x20, s0, s2, $0xb8;
	[tilespmem:$0x1A400] =	vst v63  }
0x1ab: {  	_ =	swait.ge [sflag:s31], $0x1400  }
0x1ac: {  	[sflag:s31] =	ssyncset.done $0x0  }
0x1ad: {  	[sflag:s31] =	ssyncadd.s32 $0xFFFFEC00  }
.LBB2_9:
0x1ae: {  	s0 =	simm.s32 $0xA  }
0x1af: {  	_ =	swait.ge [sflag:s0], $0x1400  }
0x1b0: {  	[sflag:s0] =	ssyncset.done $0x0  }
0x1b1: {  	[sflag:s0] =	ssyncadd.s32 $0xFFFFEC00  }
.LBB2_10:
0x1b2: {  	s4 =	simm.s32 $0x7840  }
0x1b3: {  	v0 =	vld [tilespmem:s4+$0xFFFFFFC0];
	_ =	sdelay $0x3  }
0x1b4: {  	s0 =	simm.s32 $0x11840  }
0x1b5: {  	[tilespmem:s0+$0xFFFFFFC0] =	vst v0  }
0x1b6: {  	v0 =	vld [tilespmem:s4+$0xFFFFFFD0]  }
0x1b7: {  	s2 =	simm.s32 $0x78C0  }
0x1b8: {  	v1 =	vld [tilespmem:s2+$0xFFFFFFC0];
	_ =	sdelay $0x2  }
0x1b9: {  	[tilespmem:s0+$0xFFFFFFD0] =	vst v0  }
0x1ba: {  	s1 =	simm.s32 $0x118C0;
	v0 =	vld [tilespmem:s4+$0xFFFFFFE0]  }
0x1bb: {  	[tilespmem:s1+$0xFFFFFFC0] =	vst v1  }
0x1bc: {  	v1 =	vld [tilespmem:s2+$0xFFFFFFD0]  }
0x1bd: {  	s5 =	simm.s32 $0x7940  }
0x1be: {  	v2 =	vld [tilespmem:s5+$0xFFFFFFC0]  }
0x1bf: {  	[tilespmem:s0+$0xFFFFFFE0] =	vst v0  }
0x1c0: {  	v0 =	vld [tilespmem:s4+$0xFFFFFFF0]  }
0x1c1: {  	[tilespmem:s1+$0xFFFFFFD0] =	vst v1  }
0x1c2: {  	s3 =	simm.s32 $0x11940;
	v1 =	vld [tilespmem:s2+$0xFFFFFFE0]  }
0x1c3: {  	[tilespmem:s3+$0xFFFFFFC0] =	vst v2  }
0x1c4: {  	s7 =	simm.s32 $0x79C0;
	v2 =	vld [tilespmem:s5+$0xFFFFFFD0]  }
0x1c5: {  	[tilespmem:s0+$0xFFFFFFF0] =	vst v0;
	v0 =	vld [tilespmem:s7+$0xFFFFFFC0]  }
0x1c6: {  	v3 =	vld [tilespmem:s4+$0x0]  }
0x1c7: {  	[tilespmem:s1+$0xFFFFFFE0] =	vst v1  }
0x1c8: {  	v1 =	vld [tilespmem:s2+$0xFFFFFFF0]  }
0x1c9: {  	s6 =	simm.s32 $0x119C0;
	[tilespmem:s3+$0xFFFFFFD0] =	vst v2  }
0x1ca: {  	v2 =	vld [tilespmem:s5+$0xFFFFFFE0];
	[tilespmem:s6+$0xFFFFFFC0] =	vst v0  }
0x1cb: {  	v0 =	vld [tilespmem:s7+$0xFFFFFFD0];
	[tilespmem:s0+$0x0] =	vst v3  }
0x1cc: {  	s8 =	simm.s32 $0x7A40;
	v3 =	vld [tilespmem:s4+$0x10]  }
0x1cd: {  	[tilespmem:s1+$0xFFFFFFF0] =	vst v1;
	v1 =	vld [tilespmem:s8+$0xFFFFFFC0]  }
0x1ce: {  	v4 =	vld [tilespmem:s2+$0x0]  }
0x1cf: {  	[tilespmem:s3+$0xFFFFFFE0] =	vst v2  }
0x1d0: {  	v2 =	vld [tilespmem:s5+$0xFFFFFFF0];
	[tilespmem:s6+$0xFFFFFFD0] =	vst v0  }
0x1d1: {  	s9 =	simm.s32 $0x11A40;
	v0 =	vld [tilespmem:s7+$0xFFFFFFE0];
	[tilespmem:s0+$0x10] =	vst v3  }
0x1d2: {  	[tilespmem:s9+$0xFFFFFFC0] =	vst v1;
	v1 =	vld [tilespmem:s4+$0x20]  }
0x1d3: {  	[tilespmem:s1+$0x0] =	vst v4;
	v3 =	vld [tilespmem:s8+$0xFFFFFFD0]  }
0x1d4: {  	s10 =	simm.s32 $0x7AC0;
	v4 =	vld [tilespmem:s2+$0x10]  }
0x1d5: {  	[tilespmem:s3+$0xFFFFFFF0] =	vst v2;
	v2 =	vld [tilespmem:s10+$0xFFFFFFC0]  }
0x1d6: {  	v5 =	vld [tilespmem:s5+$0x0];
	[tilespmem:s6+$0xFFFFFFE0] =	vst v0  }
0x1d7: {  	v6 =	vld [tilespmem:s7+$0xFFFFFFF0];
	[tilespmem:s0+$0x20] =	vst v1  }
0x1d8: {  	[tilespmem:s9+$0xFFFFFFD0] =	vst v3;
	v0 =	vld [tilespmem:s4+$0x30]  }
0x1d9: {  	s11 =	simm.s32 $0x11AC0;
	[tilespmem:s1+$0x10] =	vst v4;
	v3 =	vld [tilespmem:s8+$0xFFFFFFE0]  }
0x1da: {  	[tilespmem:s11+$0xFFFFFFC0] =	vst v2;
	v1 =	vld [tilespmem:s2+$0x20]  }
0x1db: {  	[tilespmem:s3+$0x0] =	vst v5;
	v4 =	vld [tilespmem:s10+$0xFFFFFFD0]  }
0x1dc: {  	s12 =	simm.s32 $0x7B40;
	v2 =	vld [tilespmem:s5+$0x10];
	s4 =	simm.s32 $0x14;
	[tilespmem:s6+$0xFFFFFFF0] =	vst v6  }
.LBB2_11:
0x1dd: {  	v5 =	vld [tilespmem:s12+$0xFFFFFFC0];
	[tilespmem:s0+$0x30] =	vst v0;
	s0 =	smov.u32 s1;
	s1 =	smov.u32 s3;
	s3 =	smov.u32 s6  }
0x1de: {  	s4 =	sadd.s32 $0x4, s4;
	s6 =	smov.u32 s9;
	[tilespmem:s9+$0xFFFFFFE0] =	vst v3;
	v6 =	vld [tilespmem:s7+$0x0];
	s9 =	smov.u32 s11  }
0x1df: {  	p2 =	slt.u32 s4, $0x9C;
	v7 =	vld [tilespmem:s8+$0xFFFFFFF0];
	[tilespmem:s0+$0x20] =	vst v1  }
.Ltmp7:
0x1e0: {  	[tilespmem:s11+$0xFFFFFFD0] =	vst v4;
	v0 =	vld [tilespmem:s2+$0x30];
	s2 =	smov.u32 s5;
	s5 =	smov.u32 s7;
	(pc) =	sbr.rel @p2 .LBB2_11-.Ltmp7, $4  }
0x1e1: {  	s11 =	sadd.s32 $0x80, s11;
	s7 =	smov.u32 s8;
	s8 =	smov.u32 s10;
	v3 =	vld [tilespmem:s10+$0xFFFFFFE0];
	[tilespmem:s1+$0x10] =	vst v2  }
0x1e2: {  	s10 =	smov.u32 s12;
	[tilespmem:s11+$0xFFFFFFC0] =	vst v5;
	v1 =	vld [tilespmem:s2+$0x20]  }
0x1e3: {  	v4 =	vld [tilespmem:s12+$0xFFFFFFD0];
	[tilespmem:s3+$0x0] =	vst v6  }
0x1e4: {  	s12 =	sadd.s32 $0x80, s12;
	[tilespmem:s6+$0xFFFFFFF0] =	vst v7;
	v2 =	vld [tilespmem:s5+$0x10]  }
0x1e5: {  	_ =	sdelay $0x2  }
0x1e6: {  	[tilespmem:s11+$0xFFFFFFD0] =	vst v4  }
0x1e7: {  	v4 =	vld [tilespmem:s10+$0xFFFFFFE0];
	_ =	sdelay $0x4  }
0x1e8: {  	[tilespmem:s11+$0xFFFFFFE0] =	vst v4  }
0x1e9: {  	[tilespmem:s9+$0xFFFFFFE0] =	vst v3;
	v4 =	vld [tilespmem:s10+$0xFFFFFFF0]  }
0x1ea: {  	v3 =	vld [tilespmem:s8+$0xFFFFFFF0]  }
0x1eb: {  	v5 =	vld [tilespmem:s7+$0x0];
	_ =	sdelay $0x2  }
0x1ec: {  	[tilespmem:s11+$0xFFFFFFF0] =	vst v4  }
0x1ed: {  	[tilespmem:s9+$0xFFFFFFF0] =	vst v3;
	v4 =	vld [tilespmem:s10+$0x0]  }
0x1ee: {  	[tilespmem:s6+$0x0] =	vst v5;
	v3 =	vld [tilespmem:s8+$0x0]  }
0x1ef: {  	v5 =	vld [tilespmem:s7+$0x10];
	_ =	sdelay $0x1  }
0x1f0: {  	[tilespmem:s3+$0x10] =	vst v2  }
0x1f1: {  	v2 =	vld [tilespmem:s5+$0x20];
	[tilespmem:s11+$0x0] =	vst v4  }
0x1f2: {  	[tilespmem:s9+$0x0] =	vst v3;
	v4 =	vld [tilespmem:s10+$0x10]  }
0x1f3: {  	[tilespmem:s6+$0x10] =	vst v5;
	v3 =	vld [tilespmem:s8+$0x10]  }
0x1f4: {  	v5 =	vld [tilespmem:s7+$0x20]  }
0x1f5: {  	[tilespmem:s1+$0x20] =	vst v1  }
0x1f6: {  	v1 =	vld [tilespmem:s2+$0x30];
	[tilespmem:s3+$0x20] =	vst v2  }
0x1f7: {  	v2 =	vld [tilespmem:s5+$0x30];
	[tilespmem:s11+$0x10] =	vst v4  }
0x1f8: {  	[tilespmem:s9+$0x10] =	vst v3;
	v4 =	vld [tilespmem:s10+$0x20]  }
0x1f9: {  	[tilespmem:s6+$0x20] =	vst v5;
	v3 =	vld [tilespmem:s8+$0x20]  }
0x1fa: {  	[tilespmem:s0+$0x30] =	vst v0;
	v5 =	vld [tilespmem:s7+$0x30]  }
0x1fb: {  	[tilespmem:s1+$0x30] =	vst v1  }
0x1fc: {  	[tilespmem:s3+$0x30] =	vst v2  }
0x1fd: {  	[tilespmem:s11+$0x20] =	vst v4  }
0x1fe: {  	[tilespmem:s9+$0x20] =	vst v3;
	v0 =	vld [tilespmem:s10+$0x30]  }
0x1ff: {  	[tilespmem:s6+$0x30] =	vst v5;
	v3 =	vld [tilespmem:s8+$0x30]  }
0x200: {  	s0 =	rddreg [dreg:$0x9]  }
0x201: {  	s1 =	rddreg [dreg:$0xe]  }
0x202: {  	s0 =	sadd.s32 s1, s0  }
0x203: {  	s26 =	sshrl.u32 s0, $0x3;
	[tilespmem:s11+$0x30] =	vst v0;
	s11 =	rddreg [dreg:$0x2]  }
0x204: {  	s12 =	simm.s32 $0x11800;
	[tilespmem:s9+$0x30] =	vst v3;
	s0 =	sadd.s32 s11, s26  }
0x205: {  	[hbm4b:s0+s13] =	stream.linear.scatter [tilespmem:s12], [sflag:$0xA], $0x1400, $0x38;
	[tilespmem:$0x1A400] =	vst v63  }
0x206: {  	s13 =	simm.s32 $0x6  }
0x207: {  	_ =	swait.ge [sflag:s13], $0x1400  }
0x208: {  	[sflag:s13] =	ssyncset.done $0x0  }
0x209: {  	s0 =	simm.s32 @!p0 $0xE;
	[sflag:s13] =	ssyncadd.s32 $0xFFFFEC00  }
0x20a: {  	_ =	swait.ge @!p0 [sflag:s0], $0x1400  }
0x20b: {  	[sflag:s0] =	ssyncset.done @!p0 $0x0  }
0x20c: {  	s14 =	simm.s32 $0xC840;
	[sflag:s0] =	ssyncadd.s32 @!p0 $0xFFFFEC00  }
0x20d: {  	v0 =	vld [tilespmem:s14+$0xFFFFFFC0];
	_ =	sdelay $0x4  }
0x20e: {  	v0 =	vmul.f32 $1.442695020e+00, v0  }
0x20f: {  	s24 =	simm.s32 $0xC8C0  }
0x210: {  	(erf) = vpow2.f32 v0;
	v0 =	vld [tilespmem:s24+$0xFFFFFFC0];
	_ =	sdelay $0x4  }
0x211: {  	v0 =	vmul.f32 $1.442695020e+00, v0;
	_ =	sdelay $0x1  }
0x212: {  	(erf) = vpow2.f32 v0;
	_ =	sdelay $0x1  }
0x213: {  	s29 =	simm.s32 $0x16840;
	v0 =	vpop (erf)  }
0x214: {  	[tilespmem:s29+$0xFFFFFFC0] =	vst v0  }
0x215: {  	s2 =	simm.s32 $0xC940;
	v0 =	vld [tilespmem:s14+$0xFFFFFFD0]  }
0x216: {  	v1 =	vld [tilespmem:s2+$0xFFFFFFC0];
	_ =	sdelay $0x3  }
0x217: {  	s1 =	simm.s32 $0x168C0;
	v0 =	vmul.f32 $1.442695020e+00, v0;
	v2 =	vpop (erf)  }
0x218: {  	v1 =	vmul.f32 $1.442695020e+00, v1;
	[tilespmem:s1+$0xFFFFFFC0] =	vst v2  }
0x219: {  	(erf) = vpow2.f32 v0;
	v0 =	vld [tilespmem:s24+$0xFFFFFFD0]  }
0x21a: {  	(erf) = vpow2.f32 v1;
	_ =	sdelay $0x2  }
0x21b: {  	s22 =	simm.s32 $0xC9C0  }
0x21c: {  	v1 =	vld [tilespmem:s22+$0xFFFFFFC0];
	v0 =	vmul.f32 $1.442695020e+00, v0;
	_ =	sdelay $0x2  }
0x21d: {  	(erf) = vpow2.f32 v0  }
0x21e: {  	v0 =	vpop (erf)  }
0x21f: {  	s19 =	simm.s32 $0x16940;
	v1 =	vmul.f32 $1.442695020e+00, v1;
	[tilespmem:s29+$0xFFFFFFD0] =	vst v0;
	v0 =	vpop (erf)  }
0x220: {  	v2 =	vld [tilespmem:s14+$0xFFFFFFE0];
	[tilespmem:s19+$0xFFFFFFC0] =	vst v0  }
0x221: {  	(erf) = vpow2.f32 v1;
	v0 =	vld [tilespmem:s2+$0xFFFFFFD0]  }
0x222: {  	s17 =	simm.s32 $0xCA40  }
0x223: {  	v1 =	vld [tilespmem:s17+$0xFFFFFFC0];
	_ =	sdelay $0x2  }
0x224: {  	v2 =	vmul.f32 $1.442695020e+00, v2;
	v3 =	vpop (erf);
	v0 =	vmul.f32 $1.442695020e+00, v0  }
0x225: {  	[tilespmem:s1+$0xFFFFFFD0] =	vst v3  }
0x226: {  	v1 =	vmul.f32 $1.442695020e+00, v1;
	(erf) = vpow2.f32 v2;
	v2 =	vld [tilespmem:s24+$0xFFFFFFE0]  }
0x227: {  	(erf) = vpow2.f32 v0  }
0x228: {  	s12 =	simm.s32 $0x169C0;
	(erf) = vpow2.f32 v1;
	v0 =	vpop (erf)  }
0x229: {  	[tilespmem:s12+$0xFFFFFFC0] =	vst v0  }
0x22a: {  	v0 =	vld [tilespmem:s22+$0xFFFFFFD0]  }
0x22b: {  	s25 =	simm.s32 $0xCAC0;
	v2 =	vmul.f32 $1.442695020e+00, v2  }
0x22c: {  	v1 =	vld [tilespmem:s25+$0xFFFFFFC0];
	_ =	sdelay $0x2  }
0x22d: {  	(erf) = vpow2.f32 v2;
	v2 =	vpop (erf);
	v0 =	vmul.f32 $1.442695020e+00, v0  }
0x22e: {  	[tilespmem:s29+$0xFFFFFFE0] =	vst v2;
	v2 =	vpop (erf)  }
0x22f: {  	s15 =	simm.s32 $0x16A40;
	v1 =	vmul.f32 $1.442695020e+00, v1;
	[tilespmem:s19+$0xFFFFFFD0] =	vst v2;
	v2 =	vpop (erf);
	(erf) = vpow2.f32 v0;
	v0 =	vld [tilespmem:s14+$0xFFFFFFF0]  }
0x230: {  	v3 =	vld [tilespmem:s2+$0xFFFFFFE0];
	[tilespmem:s15+$0xFFFFFFC0] =	vst v2  }
0x231: {  	(erf) = vpow2.f32 v1;
	v1 =	vld [tilespmem:s17+$0xFFFFFFD0];
	_ =	sdelay $0x2  }
0x232: {  	s11 =	simm.s32 $0xCB40  }
0x233: {  	v2 =	vld [tilespmem:s11+$0xFFFFFFC0];
	v0 =	vmul.f32 $1.442695020e+00, v0;
	v3 =	vmul.f32 $1.442695020e+00, v3  }
0x234: {  	v1 =	vmul.f32 $1.442695020e+00, v1  }
0x235: {  	v4 =	vpop (erf);
	(erf) = vpow2.f32 v0  }
0x236: {  	[tilespmem:s1+$0xFFFFFFE0] =	vst v4;
	(erf) = vpow2.f32 v3  }
0x237: {  	v0 =	vld [tilespmem:s24+$0xFFFFFFF0];
	v3 =	vpop (erf)  }
0x238: {  	s18 =	simm.s32 $0x16AC0;
	v2 =	vmul.f32 $1.442695020e+00, v2;
	(erf) = vpow2.f32 v1;
	[tilespmem:s12+$0xFFFFFFD0] =	vst v3;
	v1 =	vpop (erf)  }
0x239: {  	v3 =	vld [tilespmem:s22+$0xFFFFFFE0];
	[tilespmem:s18+$0xFFFFFFC0] =	vst v1  }
0x23a: {  	(erf) = vpow2.f32 v2;
	v1 =	vld [tilespmem:s25+$0xFFFFFFD0];
	_ =	sdelay $0x1  }
0x23b: {  	v0 =	vmul.f32 $1.442695020e+00, v0  }
0x23c: {  	s31 =	simm.s32 $0xCBC0  }
0x23d: {  	(erf) = vpow2.f32 v0;
	v0 =	vld [tilespmem:s31+$0xFFFFFFC0];
	v2 =	vmul.f32 $1.442695020e+00, v3;
	v3 =	vpop (erf)  }
0x23e: {  	[tilespmem:s29+$0xFFFFFFF0] =	vst v3;
	v3 =	vpop (erf);
	v1 =	vmul.f32 $1.442695020e+00, v1  }
0x23f: {  	(erf) = vpow2.f32 v2;
	v2 =	vld [tilespmem:s14+$0x0];
	[tilespmem:s19+$0xFFFFFFE0] =	vst v3  }
0x240: {  	v3 =	vpop (erf);
	(erf) = vpow2.f32 v1;
	v1 =	vld [tilespmem:s2+$0xFFFFFFF0]  }
0x241: {  	[tilespmem:s15+$0xFFFFFFD0] =	vst v3  }
0x242: {  	s21 =	simm.s32 $0x16B40;
	v0 =	vmul.f32 $1.442695020e+00, v0;
	v3 =	vpop (erf);
	v4 =	vld [tilespmem:s17+$0xFFFFFFE0]  }
0x243: {  	[tilespmem:s21+$0xFFFFFFC0] =	vst v3  }
0x244: {  	s5 =	simm.s32 $0xCC40;
	(erf) = vpow2.f32 v0;
	v0 =	vld [tilespmem:s11+$0xFFFFFFD0];
	v2 =	vmul.f32 $1.442695020e+00, v2  }
0x245: {  	v3 =	vld [tilespmem:s5+$0xFFFFFFC0];
	v1 =	vmul.f32 $1.442695020e+00, v1  }
0x246: {  	v5 =	vpop (erf);
	(erf) = vpow2.f32 v2  }
0x247: {  	[tilespmem:s1+$0xFFFFFFF0] =	vst v5;
	v4 =	vmul.f32 $1.442695020e+00, v4;
	(erf) = vpow2.f32 v1  }
0x248: {  	v2 =	vld [tilespmem:s24+$0x0];
	v5 =	vpop (erf)  }
0x249: {  	v0 =	vmul.f32 $1.442695020e+00, v0;
	(erf) = vpow2.f32 v4;
	[tilespmem:s12+$0xFFFFFFE0] =	vst v5;
	v1 =	vpop (erf)  }
0x24a: {  	v3 =	vmul.f32 $1.442695020e+00, v3;
	v4 =	vld [tilespmem:s22+$0xFFFFFFF0];
	[tilespmem:s18+$0xFFFFFFD0] =	vst v1  }
0x24b: {  	(erf) = vpow2.f32 v0;
	v0 =	vld [tilespmem:s25+$0xFFFFFFE0]  }
0x24c: {  	(erf) = vpow2.f32 v3  }
0x24d: {  	s9 =	simm.s32 $0x16BC0;
	v1 =	vmul.f32 $1.442695020e+00, v2;
	v2 =	vpop (erf)  }
0x24e: {  	[tilespmem:s9+$0xFFFFFFC0] =	vst v2  }
0x24f: {  	s30 =	simm.s32 $0xCCC0;
	(erf) = vpow2.f32 v1;
	v1 =	vld [tilespmem:s31+$0xFFFFFFD0];
	v2 =	vpop (erf);
	v3 =	vmul.f32 $1.442695020e+00, v4  }
0x250: {  	v4 =	vld [tilespmem:s30+$0xFFFFFFC0];
	[tilespmem:s29+$0x0] =	vst v2;
	v0 =	vmul.f32 $1.442695020e+00, v0;
	v2 =	vpop (erf)  }
0x251: {  	v5 =	vld [tilespmem:s14+$0x10];
	(erf) = vpow2.f32 v3;
	[tilespmem:s19+$0xFFFFFFF0] =	vst v2  }
0x252: {  	v2 =	vpop (erf);
	(erf) = vpow2.f32 v0;
	v0 =	vld [tilespmem:s2+$0x0];
	_ =	sdelay $0x1  }
0x253: {  	v1 =	vmul.f32 $1.442695020e+00, v1;
	[tilespmem:s15+$0xFFFFFFE0] =	vst v2;
	v2 =	vpop (erf)  }
0x254: {  	s10 =	simm.s32 $0x16C40;
	[tilespmem:s21+$0xFFFFFFD0] =	vst v2;
	v2 =	vld [tilespmem:s17+$0xFFFFFFF0];
	v3 =	vmul.f32 $1.442695020e+00, v4;
	v4 =	vpop (erf)  }
0x255: {  	(erf) = vpow2.f32 v1;
	v1 =	vld [tilespmem:s11+$0xFFFFFFE0];
	[tilespmem:s10+$0xFFFFFFC0] =	vst v4;
	v5 =	vmul.f32 $1.442695020e+00, v5  }
0x256: {  	s28 =	simm.s32 $0xCD40;
	(erf) = vpow2.f32 v3;
	v3 =	vld [tilespmem:s5+$0xFFFFFFD0];
	v0 =	vmul.f32 $1.442695020e+00, v0  }
0x257: {  	(erf) = vpow2.f32 v5;
	v5 =	vld [tilespmem:s28+$0xFFFFFFC0]  }
0x258: {  	v4 =	vpop (erf)  }
0x259: {  	[tilespmem:s1+$0x0] =	vst v4;
	v2 =	vmul.f32 $1.442695020e+00, v2  }
0x25a: {  	v4 =	vld [tilespmem:s24+$0x10];
	(erf) = vpow2.f32 v0;
	v0 =	vpop (erf)  }
0x25b: {  	v1 =	vmul.f32 $1.442695020e+00, v1;
	[tilespmem:s12+$0xFFFFFFF0] =	vst v0;
	v0 =	vpop (erf);
	(erf) = vpow2.f32 v2  }
0x25c: {  	v2 =	vmul.f32 $1.442695020e+00, v3;
	[tilespmem:s18+$0xFFFFFFE0] =	vst v0;
	v0 =	vmul.f32 $1.442695020e+00, v5  }
0x25d: {  	(erf) = vpow2.f32 v1  }
0x25e: {  	v3 =	vld [tilespmem:s22+$0x0];
	(erf) = vpow2.f32 v2  }
0x25f: {  	v1 =	vld [tilespmem:s25+$0xFFFFFFF0];
	v2 =	vmul.f32 $1.442695020e+00, v4;
	v4 =	vpop (erf);
	(erf) = vpow2.f32 v0  }
0x260: {  	s8 =	simm.s32 $0x16CC0;
	[tilespmem:s9+$0xFFFFFFD0] =	vst v4;
	v0 =	vpop (erf)  }
0x261: {  	(erf) = vpow2.f32 v2;
	v2 =	vld [tilespmem:s31+$0xFFFFFFE0];
	[tilespmem:s8+$0xFFFFFFC0] =	vst v0;
	v0 =	vpop (erf)  }
0x262: {  	v4 =	vld [tilespmem:s30+$0xFFFFFFD0];
	[tilespmem:s29+$0x10] =	vst v0  }
0x263: {  	v3 =	vmul.f32 $1.442695020e+00, v3;
	v5 =	vld [tilespmem:s14+$0x20]  }
0x264: {  	s13 =	simm.s32 $0xCDC0;
	v0 =	vpop (erf);
	v1 =	vmul.f32 $1.442695020e+00, v1  }
0x265: {  	(erf) = vpow2.f32 v3;
	v3 =	vld [tilespmem:s13+$0xFFFFFFC0];
	[tilespmem:s19+$0x0] =	vst v0;
	v0 =	vpop (erf)  }
0x266: {  	v6 =	vld [tilespmem:s2+$0x10];
	(erf) = vpow2.f32 v1;
	v1 =	vmul.f32 $1.442695020e+00, v2;
	v2 =	vpop (erf);
	[tilespmem:s15+$0xFFFFFFF0] =	vst v0  }
0x267: {  	[tilespmem:s21+$0xFFFFFFE0] =	vst v2;
	v2 =	vld [tilespmem:s17+$0x0];
	v0 =	vmul.f32 $1.442695020e+00, v4;
	v4 =	vpop (erf)  }
0x268: {  	s0 =	simm.s32 $0x16D40;
	(erf) = vpow2.f32 v1;
	v1 =	vmul.f32 $1.442695020e+00, v5;
	[tilespmem:s10+$0xFFFFFFD0] =	vst v4;
	v5 =	vpop (erf)  }
0x269: {  	v4 =	vld [tilespmem:s11+$0xFFFFFFF0];
	(erf) = vpow2.f32 v0;
	[tilespmem:s0+$0xFFFFFFC0] =	vst v5  }
0x26a: {  	v3 =	vmul.f32 $1.442695020e+00, v3;
	v5 =	vpop (erf);
	(erf) = vpow2.f32 v1;
	v1 =	vld [tilespmem:s28+$0xFFFFFFD0]  }
0x26b: {  	v0 =	vld [tilespmem:s5+$0xFFFFFFE0];
	v6 =	vmul.f32 $1.442695020e+00, v6;
	[tilespmem:s1+$0x10] =	vst v5  }
0x26c: {  	(erf) = vpow2.f32 v3;
	v3 =	vld [tilespmem:s24+$0x20];
	v2 =	vmul.f32 $1.442695020e+00, v2;
	_ =	sdelay $0x1  }
0x26d: {  	(erf) = vpow2.f32 v6;
	v4 =	vmul.f32 $1.442695020e+00, v4  }
0x26e: {  	s16 =	simm.s32 $0xCE40;
	v5 =	vpop (erf);
	(erf) = vpow2.f32 v2;
	v1 =	vmul.f32 $1.442695020e+00, v1  }
0x26f: {  	v6 =	vld [tilespmem:s16+$0xFFFFFFC0];
	[tilespmem:s12+$0x0] =	vst v5;
	v0 =	vmul.f32 $1.442695020e+00, v0;
	v2 =	vpop (erf)  }
0x270: {  	v5 =	vld [tilespmem:s22+$0x10];
	(erf) = vpow2.f32 v4;
	[tilespmem:s18+$0xFFFFFFF0] =	vst v2;
	v2 =	vmul.f32 $1.442695020e+00, v3  }
0x271: {  	(erf) = vpow2.f32 v0;
	v3 =	vpop (erf);
	v0 =	vld [tilespmem:s25+$0x0]  }
0x272: {  	(erf) = vpow2.f32 v1;
	[tilespmem:s9+$0xFFFFFFE0] =	vst v3;
	v1 =	vpop (erf)  }
0x273: {  	[tilespmem:s8+$0xFFFFFFD0] =	vst v1;
	v1 =	vld [tilespmem:s31+$0xFFFFFFF0]  }
0x274: {  	v3 =	vmul.f32 $1.442695020e+00, v6;
	(erf) = vpow2.f32 v2;
	v2 =	vpop (erf);
	v6 =	vld [tilespmem:s30+$0xFFFFFFE0]  }
0x275: {  	s20 =	simm.s32 $0x16DC0;
	v4 =	vmul.f32 $1.442695020e+00, v5;
	v5 =	vpop (erf);
	[tilespmem:s29+$0x20] =	vst v2  }
0x276: {  	(erf) = vpow2.f32 v3;
	[tilespmem:s20+$0xFFFFFFC0] =	vst v5;
	v2 =	vpop (erf);
	v3 =	vld [tilespmem:s14+$0x30];
	v0 =	vmul.f32 $1.442695020e+00, v0  }
0x277: {  	(erf) = vpow2.f32 v4;
	v4 =	vld [tilespmem:s13+$0xFFFFFFD0];
	[tilespmem:s19+$0x10] =	vst v2;
	v2 =	vpop (erf)  }
0x278: {  	v5 =	vld [tilespmem:s2+$0x20];
	(erf) = vpow2.f32 v0;
	[tilespmem:s15+$0x0] =	vst v2  }
0x279: {  	s3 =	simm.s32 $0xCEC0;
	v0 =	vmul.f32 $1.442695020e+00, v1;
	v2 =	vmul.f32 $1.442695020e+00, v6;
	v6 =	vld [tilespmem:s17+$0x10]  }
0x27a: {  	v7 =	vld [tilespmem:s3+$0xFFFFFFC0]  }
0x27b: {  	v1 =	vpop (erf);
	(erf) = vpow2.f32 v0  }
0x27c: {  	v8 =	vpop (erf);
	[tilespmem:s21+$0xFFFFFFF0] =	vst v1;
	v0 =	vmul.f32 $1.442695020e+00, v3;
	v4 =	vmul.f32 $1.442695020e+00, v4  }
0x27d: {  	v3 =	vld [tilespmem:s11+$0x0];
	v1 =	vpop (erf);
	[tilespmem:s10+$0xFFFFFFE0] =	vst v8;
	(erf) = vpow2.f32 v2;
	v5 =	vmul.f32 $1.442695020e+00, v5  }
0x27e: {  	[tilespmem:s0+$0xFFFFFFD0] =	vst v1;
	(erf) = vpow2.f32 v0;
	v0 =	vld [tilespmem:s5+$0xFFFFFFF0];
	v2 =	vpop (erf);
	v6 =	vmul.f32 $1.442695020e+00, v6  }
0x27f: {  	s7 =	simm.s32 $0x16E40;
	(erf) = vpow2.f32 v4;
	v4 =	vld [tilespmem:s28+$0xFFFFFFE0];
	[tilespmem:s1+$0x20] =	vst v2;
	v2 =	vmul.f32 $1.442695020e+00, v7;
	v7 =	vpop (erf)  }
0x280: {  	(erf) = vpow2.f32 v5;
	v1 =	vld [tilespmem:s24+$0x30];
	[tilespmem:s7+$0xFFFFFFC0] =	vst v7;
	v7 =	vpop (erf)  }
0x281: {  	s4 =	simm.s32 $0xCF40;
	(erf) = vpow2.f32 v2;
	v2 =	vld [tilespmem:s16+$0xFFFFFFD0];
	[tilespmem:s12+$0x10] =	vst v7  }
0x282: {  	s6 =	simm.s32 $0x16E40;
	s14 =	simm.s32 $0x34;
	v5 =	vmul.f32 $1.442695020e+00, v3;
	(erf) = vpow2.f32 v6;
	v3 =	vld [tilespmem:s22+$0x20];
	v6 =	vpop (erf)  }
.LBB2_13:
0x283: {  	s24 =	smov.u32 s17;
	s17 =	smov.u32 s25;
	s25 =	smov.u32 s11  }
0x284: {  	v7 =	vld [tilespmem:s4+$0xFFFFFFC0];
	v0 =	vmul.f32 $1.442695020e+00, v0;
	(erf) = vpow2.f32 v5;
	[tilespmem:s18+$0x0] =	vst v6;
	s11 =	smov.u32 s31;
	s31 =	smov.u32 s5;
	s5 =	smov.u32 s30  }
0x285: {  	s14 =	sadd.s32 $0x4, s14;
	s30 =	smov.u32 s28;
	s28 =	smov.u32 s13;
	v9 =	vmul.f32 $1.442695020e+00, v4;
	v5 =	vpop (erf);
	v6 =	vld [tilespmem:s17+$0x10]  }
0x286: {  	s13 =	smov.u32 s16;
	s16 =	smov.u32 s3;
	p2 =	slt.u32 s14, $0x9C;
	v8 =	vpop (erf);
	(erf) = vpow2.f32 v0;
	[tilespmem:s9+$0xFFFFFFF0] =	vst v5;
	v0 =	vmul.f32 $1.442695020e+00, v1  }
0x287: {  	s3 =	smov.u32 s4;
	v10 =	vmul.f32 $1.442695020e+00, v2;
	(erf) = vpow2.f32 v9;
	[tilespmem:s8+$0xFFFFFFE0] =	vst v8;
	v5 =	vld [tilespmem:s11+$0x0];
	v2 =	vpop (erf)  }
0x288: {  	v4 =	vpop (erf);
	v8 =	vmul.f32 $1.442695020e+00, v3;
	(erf) = vpow2.f32 v0;
	[tilespmem:s29+$0x30] =	vst v2;
	s29 =	smov.u32 s1;
	s1 =	smov.u32 s19;
	s19 =	smov.u32 s12  }
.Ltmp8:
0x289: {  	s12 =	smov.u32 s15;
	s15 =	smov.u32 s18;
	v2 =	vmul.f32 $1.442695020e+00, v7;
	(erf) = vpow2.f32 v10;
	[tilespmem:s20+$0xFFFFFFD0] =	vst v4;
	v0 =	vld [tilespmem:s5+$0xFFFFFFF0];
	v1 =	vpop (erf);
	(pc) =	sbr.rel @p2 .LBB2_13-.Ltmp8, $4  }
0x28a: {  	s7 =	sadd.s32 $0x80, s7;
	s18 =	smov.u32 s21;
	s21 =	smov.u32 s9;
	v7 =	vpop (erf);
	v4 =	vld [tilespmem:s28+$0xFFFFFFE0];
	v9 =	vmul.f32 $1.442695020e+00, v6;
	(erf) = vpow2.f32 v8;
	[tilespmem:s1+$0x20] =	vst v1  }
0x28b: {  	s9 =	smov.u32 s10;
	s10 =	smov.u32 s8;
	s8 =	smov.u32 s0;
	(erf) = vpow2.f32 v2;
	[tilespmem:s7+$0xFFFFFFC0] =	vst v7;
	v3 =	vpop (erf);
	v1 =	vld [tilespmem:s2+$0x30]  }
0x28c: {  	s0 =	smov.u32 s20;
	s20 =	smov.u32 s6;
	s6 =	smov.u32 s7;
	v2 =	vld [tilespmem:s16+$0xFFFFFFD0];
	v5 =	vmul.f32 $1.442695020e+00, v5;
	(erf) = vpow2.f32 v9;
	[tilespmem:s12+$0x10] =	vst v3  }
0x28d: {  	s4 =	sadd.s32 $0x80, s4;
	s2 =	smov.u32 s22;
	s22 =	smov.u32 s24;
	v6 =	vpop (erf);
	v3 =	vld [tilespmem:s24+$0x20]  }
0x28e: {  	_ = 	snop  }
0x28f: {  	v7 =	vpop (erf)  }
0x290: {  	[tilespmem:s18+$0x0] =	vst v6;
	v46 =	vpop (erf)  }
0x291: {  	v8 =	vmul.f32 $1.442695020e+00, v0;
	v9 =	vld [tilespmem:s25+$0x10];
	[tilespmem:s9+$0xFFFFFFF0] =	vst v7;
	v0 =	vpop (erf)  }
0x292: {  	(erf) = vpow2.f32 v5;
	v4 =	vmul.f32 $1.442695020e+00, v4;
	[tilespmem:s8+$0xFFFFFFE0] =	vst v46;
	v47 =	vld [tilespmem:s31+$0x0];
	v48 =	vpop (erf)  }
0x293: {  	v1 =	vmul.f32 $1.442695020e+00, v1;
	(erf) = vpow2.f32 v8;
	v49 =	vld [tilespmem:s30+$0xFFFFFFF0];
	[tilespmem:s20+$0xFFFFFFD0] =	vst v48;
	v50 =	vpop (erf)  }
0x294: {  	s7 =	sadd.s32 $0x80, s7;
	v2 =	vmul.f32 $1.442695020e+00, v2;
	(erf) = vpow2.f32 v4;
	v51 =	vpop (erf);
	v52 =	vld [tilespmem:s13+$0xFFFFFFE0];
	[tilespmem:s19+$0x20] =	vst v50  }
0x295: {  	v3 =	vmul.f32 $1.442695020e+00, v3;
	(erf) = vpow2.f32 v1;
	v7 =	vld [tilespmem:s2+$0x30];
	[tilespmem:s7+$0xFFFFFFC0] =	vst v51  }
0x296: {  	(erf) = vpow2.f32 v2;
	v53 =	vmul.f32 $1.442695020e+00, v9;
	v54 =	vld [tilespmem:s3+$0xFFFFFFD0]  }
0x297: {  	(erf) = vpow2.f32 v3;
	v55 =	vmul.f32 $1.442695020e+00, v47  }
0x298: {  	(erf) = vpow2.f32 v53;
	v56 =	vmul.f32 $1.442695020e+00, v49  }
0x299: {  	(erf) = vpow2.f32 v55;
	v57 =	vmul.f32 $1.442695020e+00, v52  }
0x29a: {  	v58 =	vpop (erf);
	(erf) = vpow2.f32 v56;
	v59 =	vmul.f32 $1.442695020e+00, v7  }
0x29b: {  	[tilespmem:s15+$0x10] =	vst v58;
	v60 =	vpop (erf);
	v2 =	vmul.f32 $1.442695020e+00, v54;
	(erf) = vpow2.f32 v57  }
0x29c: {  	v63 =	vld [tilespmem:s17+$0x20];
	v61 =	vpop (erf);
	(erf) = vpow2.f32 v59  }
0x29d: {  	v62 =	vpop (erf);
	(erf) = vpow2.f32 v2  }
0x29e: {  	[tilespmem:s21+$0x0] =	vst v60;
	v1 =	vpop (erf)  }
0x29f: {  	v5 =	vld [tilespmem:s11+$0x10];
	[tilespmem:s10+$0xFFFFFFF0] =	vst v61;
	v11 =	vpop (erf)  }
0x2a0: {  	[tilespmem:s0+$0xFFFFFFE0] =	vst v62;
	v12 =	vld [tilespmem:s5+$0x0];
	v13 =	vpop (erf)  }
0x2a1: {  	v14 =	vld [tilespmem:s28+$0xFFFFFFF0];
	v2 =	vmul.f32 $1.442695020e+00, v63;
	[tilespmem:s6+$0xFFFFFFD0] =	vst v11;
	v15 =	vpop (erf)  }
0x2a2: {  	v16 =	vld [tilespmem:s16+$0xFFFFFFE0];
	[tilespmem:s12+$0x20] =	vst v13;
	v17 =	vpop (erf)  }
0x2a3: {  	v18 =	vld [tilespmem:s22+$0x30];
	[tilespmem:s18+$0x10] =	vst v15;
	v19 =	vpop (erf)  }
0x2a4: {  	v5 =	vmul.f32 $1.442695020e+00, v5;
	v10 =	vld [tilespmem:s25+$0x20];
	[tilespmem:s9+$0x0] =	vst v17;
	v20 =	vpop (erf)  }
0x2a5: {  	v4 =	vmul.f32 $1.442695020e+00, v12;
	(erf) = vpow2.f32 v2;
	v11 =	vld [tilespmem:s31+$0x10];
	[tilespmem:s8+$0xFFFFFFF0] =	vst v19;
	v2 =	vpop (erf)  }
0x2a6: {  	v3 =	vmul.f32 $1.442695020e+00, v14;
	(erf) = vpow2.f32 v5;
	v21 =	vld [tilespmem:s30+$0x0];
	[tilespmem:s20+$0xFFFFFFE0] =	vst v20;
	v22 =	vpop (erf)  }
0x2a7: {  	v23 =	vmul.f32 $1.442695020e+00, v16;
	(erf) = vpow2.f32 v4;
	v24 =	vld [tilespmem:s13+$0xFFFFFFF0];
	[tilespmem:s7+$0xFFFFFFD0] =	vst v22  }
0x2a8: {  	v25 =	vmul.f32 $1.442695020e+00, v18;
	(erf) = vpow2.f32 v3;
	v26 =	vld [tilespmem:s3+$0xFFFFFFE0]  }
0x2a9: {  	v27 =	vmul.f32 $1.442695020e+00, v10;
	(erf) = vpow2.f32 v23  }
0x2aa: {  	(erf) = vpow2.f32 v25;
	v28 =	vmul.f32 $1.442695020e+00, v11  }
0x2ab: {  	(erf) = vpow2.f32 v27;
	v29 =	vmul.f32 $1.442695020e+00, v21  }
0x2ac: {  	(erf) = vpow2.f32 v28;
	v30 =	vmul.f32 $1.442695020e+00, v24  }
0x2ad: {  	(erf) = vpow2.f32 v29;
	v31 =	vmul.f32 $1.442695020e+00, v26  }
0x2ae: {  	v32 =	vpop (erf);
	(erf) = vpow2.f32 v30  }
0x2af: {  	v33 =	vpop (erf);
	(erf) = vpow2.f32 v31  }
0x2b0: {  	[tilespmem:s15+$0x20] =	vst v32;
	v34 =	vpop (erf)  }
0x2b1: {  	v5 =	vld [tilespmem:s17+$0x30];
	[tilespmem:s21+$0x10] =	vst v33;
	v35 =	vpop (erf)  }
0x2b2: {  	v36 =	vld [tilespmem:s11+$0x20];
	[tilespmem:s10+$0x0] =	vst v34;
	v37 =	vpop (erf)  }
0x2b3: {  	v38 =	vld [tilespmem:s5+$0x10];
	[tilespmem:s0+$0xFFFFFFF0] =	vst v35;
	v3 =	vpop (erf)  }
0x2b4: {  	[tilespmem:s6+$0xFFFFFFE0] =	vst v37;
	v39 =	vld [tilespmem:s28+$0x0];
	v40 =	vpop (erf)  }
0x2b5: {  	v41 =	vld [tilespmem:s16+$0xFFFFFFF0];
	[tilespmem:s18+$0x20] =	vst v40;
	v42 =	vpop (erf)  }
0x2b6: {  	v5 =	vmul.f32 $1.442695020e+00, v5;
	v43 =	vld [tilespmem:s25+$0x30];
	[tilespmem:s9+$0x10] =	vst v42;
	v44 =	vpop (erf)  }
0x2b7: {  	v6 =	vmul.f32 $1.442695020e+00, v36;
	v45 =	vld [tilespmem:s31+$0x20];
	[tilespmem:s8+$0x0] =	vst v44;
	v46 =	vpop (erf)  }
0x2b8: {  	v47 =	vmul.f32 $1.442695020e+00, v38;
	(erf) = vpow2.f32 v5;
	v48 =	vld [tilespmem:s30+$0x10];
	[tilespmem:s20+$0xFFFFFFF0] =	vst v46;
	v12 =	vpop (erf)  }
0x2b9: {  	v4 =	vmul.f32 $1.442695020e+00, v39;
	(erf) = vpow2.f32 v6;
	v49 =	vld [tilespmem:s13+$0x0];
	[tilespmem:s7+$0xFFFFFFE0] =	vst v12  }
0x2ba: {  	v50 =	vmul.f32 $1.442695020e+00, v41;
	(erf) = vpow2.f32 v47;
	v51 =	vld [tilespmem:s3+$0xFFFFFFF0]  }
0x2bb: {  	v52 =	vmul.f32 $1.442695020e+00, v43;
	(erf) = vpow2.f32 v4  }
0x2bc: {  	v53 =	vmul.f32 $1.442695020e+00, v45;
	(erf) = vpow2.f32 v50  }
0x2bd: {  	v54 =	vmul.f32 $1.442695020e+00, v48;
	(erf) = vpow2.f32 v52  }
0x2be: {  	(erf) = vpow2.f32 v53;
	v55 =	vmul.f32 $1.442695020e+00, v49  }
0x2bf: {  	(erf) = vpow2.f32 v54;
	v56 =	vmul.f32 $1.442695020e+00, v51  }
0x2c0: {  	(erf) = vpow2.f32 v55  }
0x2c1: {  	v5 =	vpop (erf);
	(erf) = vpow2.f32 v56  }
0x2c2: {  	v57 =	vpop (erf)  }
0x2c3: {  	v58 =	vpop (erf)  }
0x2c4: {  	[tilespmem:s21+$0x20] =	vst v57;
	v59 =	vpop (erf)  }
0x2c5: {  	v60 =	vld [tilespmem:s11+$0x30];
	[tilespmem:s10+$0x10] =	vst v58;
	v61 =	vpop (erf)  }
0x2c6: {  	v62 =	vld [tilespmem:s5+$0x20];
	[tilespmem:s0+$0x0] =	vst v59;
	v4 =	vpop (erf)  }
0x2c7: {  	v63 =	vld [tilespmem:s28+$0x10];
	[tilespmem:s6+$0xFFFFFFF0] =	vst v61;
	v15 =	vpop (erf)  }
0x2c8: {  	v16 =	vld [tilespmem:s16+$0x0];
	[tilespmem:s9+$0x20] =	vst v15;
	v17 =	vpop (erf)  }
0x2c9: {  	v18 =	vld [tilespmem:s31+$0x30];
	[tilespmem:s8+$0x10] =	vst v17;
	v19 =	vpop (erf)  }
0x2ca: {  	v7 =	vmul.f32 $1.442695020e+00, v60;
	v20 =	vld [tilespmem:s30+$0x20];
	[tilespmem:s20+$0x0] =	vst v19;
	v21 =	vpop (erf)  }
0x2cb: {  	v8 =	vmul.f32 $1.442695020e+00, v62;
	v13 =	vld [tilespmem:s13+$0x10];
	[tilespmem:s7+$0xFFFFFFF0] =	vst v21  }
0x2cc: {  	(erf) = vpow2.f32 v7;
	v22 =	vmul.f32 $1.442695020e+00, v63;
	v23 =	vld [tilespmem:s3+$0x0]  }
0x2cd: {  	(erf) = vpow2.f32 v8;
	v24 =	vmul.f32 $1.442695020e+00, v16  }
0x2ce: {  	(erf) = vpow2.f32 v22;
	v25 =	vmul.f32 $1.442695020e+00, v18  }
0x2cf: {  	(erf) = vpow2.f32 v24;
	v26 =	vmul.f32 $1.442695020e+00, v20  }
0x2d0: {  	(erf) = vpow2.f32 v25;
	v27 =	vmul.f32 $1.442695020e+00, v13  }
0x2d1: {  	(erf) = vpow2.f32 v26;
	v7 =	vmul.f32 $1.442695020e+00, v23  }
0x2d2: {  	(erf) = vpow2.f32 v27  }
0x2d3: {  	(erf) = vpow2.f32 v7;
	_ =	sdelay $0x1  }
0x2d4: {  	v28 =	vpop (erf)  }
0x2d5: {  	v29 =	vpop (erf)  }
0x2d6: {  	v30 =	vpop (erf)  }
0x2d7: {  	[tilespmem:s10+$0x20] =	vst v29;
	v31 =	vpop (erf)  }
0x2d8: {  	v32 =	vld [tilespmem:s5+$0x30];
	[tilespmem:s0+$0x10] =	vst v30;
	v33 =	vpop (erf)  }
0x2d9: {  	v34 =	vld [tilespmem:s28+$0x20];
	[tilespmem:s6+$0x0] =	vst v31;
	v35 =	vpop (erf)  }
0x2da: {  	v36 =	vld [tilespmem:s16+$0x10];
	[tilespmem:s8+$0x20] =	vst v35;
	v37 =	vpop (erf)  }
0x2db: {  	v38 =	vld [tilespmem:s30+$0x30];
	[tilespmem:s20+$0x10] =	vst v37;
	v39 =	vpop (erf)  }
0x2dc: {  	v40 =	vld [tilespmem:s13+$0x20];
	[tilespmem:s7+$0x0] =	vst v39  }
0x2dd: {  	v41 =	vmul.f32 $1.442695020e+00, v32;
	v42 =	vld [tilespmem:s3+$0x10]  }
0x2de: {  	v10 =	vmul.f32 $1.442695020e+00, v34  }
0x2df: {  	(erf) = vpow2.f32 v41;
	v43 =	vmul.f32 $1.442695020e+00, v36  }
0x2e0: {  	(erf) = vpow2.f32 v10;
	v44 =	vmul.f32 $1.442695020e+00, v38  }
0x2e1: {  	(erf) = vpow2.f32 v43;
	v45 =	vmul.f32 $1.442695020e+00, v40  }
0x2e2: {  	(erf) = vpow2.f32 v44;
	v9 =	vmul.f32 $1.442695020e+00, v42  }
0x2e3: {  	(erf) = vpow2.f32 v45  }
0x2e4: {  	(erf) = vpow2.f32 v9;
	_ =	sdelay $0x3  }
0x2e5: {  	v46 =	vpop (erf)  }
0x2e6: {  	v47 =	vpop (erf)  }
0x2e7: {  	v48 =	vpop (erf)  }
0x2e8: {  	[tilespmem:s0+$0x20] =	vst v47;
	v49 =	vpop (erf)  }
0x2e9: {  	v50 =	vld [tilespmem:s28+$0x30];
	[tilespmem:s6+$0x10] =	vst v48;
	v51 =	vpop (erf)  }
0x2ea: {  	v52 =	vld [tilespmem:s16+$0x20];
	[tilespmem:s20+$0x20] =	vst v51;
	v53 =	vpop (erf)  }
0x2eb: {  	v54 =	vld [tilespmem:s13+$0x30];
	[tilespmem:s7+$0x10] =	vst v53  }
0x2ec: {  	v10 =	vld [tilespmem:s3+$0x20];
	_ =	sdelay $0x1  }
0x2ed: {  	v11 =	vmul.f32 $1.442695020e+00, v50  }
0x2ee: {  	v12 =	vmul.f32 $1.442695020e+00, v52  }
0x2ef: {  	(erf) = vpow2.f32 v11;
	v55 =	vmul.f32 $1.442695020e+00, v54  }
0x2f0: {  	(erf) = vpow2.f32 v12;
	v10 =	vmul.f32 $1.442695020e+00, v10  }
0x2f1: {  	(erf) = vpow2.f32 v55  }
0x2f2: {  	(erf) = vpow2.f32 v10;
	_ =	sdelay $0x5  }
0x2f3: {  	v56 =	vpop (erf)  }
0x2f4: {  	v57 =	vpop (erf)  }
0x2f5: {  	v58 =	vpop (erf)  }
0x2f6: {  	[tilespmem:s6+$0x20] =	vst v57;
	v59 =	vpop (erf)  }
0x2f7: {  	v60 =	vld [tilespmem:s16+$0x30];
	[tilespmem:s7+$0x20] =	vst v59  }
0x2f8: {  	v11 =	vld [tilespmem:s3+$0x30];
	_ =	sdelay $0x3  }
0x2f9: {  	[tilespmem:s29+$0x30] =	vst v0;
	v61 =	vmul.f32 $1.442695020e+00, v60  }
0x2fa: {  	[tilespmem:s1+$0x30] =	vst v1;
	v62 =	vmul.f32 $1.442695020e+00, v11  }
0x2fb: {  	[tilespmem:s19+$0x30] =	vst v2;
	(erf) = vpow2.f32 v61  }
0x2fc: {  	[tilespmem:s12+$0x30] =	vst v3;
	(erf) = vpow2.f32 v62  }
0x2fd: {  	[tilespmem:s15+$0x30] =	vst v5  }
0x2fe: {  	[tilespmem:s18+$0x30] =	vst v4  }
0x2ff: {  	[tilespmem:s21+$0x30] =	vst v28  }
0x300: {  	[tilespmem:s9+$0x30] =	vst v33  }
0x301: {  	[tilespmem:s10+$0x30] =	vst v46  }
0x302: {  	[tilespmem:s8+$0x30] =	vst v49  }
.Ltmp9:
0x303: {  	[tilespmem:s0+$0x30] =	vst v56;
	(pc) =	sbr.rel @p1 .LBB2_16-.Ltmp9, $4  }
0x304: {  	[tilespmem:s20+$0x30] =	vst v58;
	v0 =	vpop (erf)  }
0x305: {  	s30 =	rddreg [dreg:$0x3];
	[tilespmem:s6+$0x30] =	vst v0;
	v63 =	vpop (erf)  }
0x306: {  	s31 =	simm.s32 $0x16800;
	s13 =	simm.s32 $0x0;
	s0 =	sadd.s32 s30, s26;
	[tilespmem:s7+$0x30] =	vst v63  }
0x307: {  	[hbm4b:s0+s13] =	stream.linear.scatter [tilespmem:s31], [sflag:$0xE], $0x1400, $0x38;
	[tilespmem:$0x1A400] =	vst v63  }
.Ltmp10:
0x308: {  	(pc) =	sbr.rel .LBB2_17-.Ltmp10, $4  }
0x309: {  	s0 =	simm.s32 $0x3  }
0x30a: {  	_ =	swait.ge [sflag:s0], $0x1400  }
0x30b: {  	[sflag:s0] =	ssyncset.done $0x0  }
0x30c: {  	[sflag:s0] =	ssyncadd.s32 $0xFFFFEC00  }
.LBB2_16:
0x30d: {  	s0 =	smul.u32 $0xA00, s23;
	_ =	sdelay $0x1  }
0x30e: {  	s1 =	rddreg [dreg:$0x6];
	s2 =	simm.s32 $0xA0;
	s0 =	sshra.s32 s0, $0x2  }
0x30f: {  	s3 =	simm.s32 $0x7800;
	s29 =	rddreg [dreg:$0x7];
	s0 =	sadd.s32 $0x320, s0  }
0x310: {  	[tilespmem:s3], [sflag:$0x2] =	stream.indirect.gather [hbm4b:s1+s2], $0x20, s0, s2, $0xb8;
	[tilespmem:$0x1A400] =	vst v63  }
.Ltmp11:
0x311: {  	s30 =	simm.s32 $0xC800;
	s31 =	simm.s32 $0x3;
	(pc) =	sbr.rel @p0 .LBB2_18-.Ltmp11, $4  }
0x312: {  	[tilespmem:s30], [sflag:$0x6] =	stream.indirect.gather [hbm4b:s29+s2], $0x20, s0, s2, $0xb8;
	[tilespmem:$0x1A400] =	vst v63  }
0x313: {  	_ =	swait.ge [sflag:s31], $0x1400  }
0x314: {  	[sflag:s31] =	ssyncset.done $0x0  }
0x315: {  	[sflag:s31] =	ssyncadd.s32 $0xFFFFEC00  }
.LBB2_17:
0x316: {  	s0 =	simm.s32 $0xB  }
0x317: {  	_ =	swait.ge [sflag:s0], $0x1400  }
0x318: {  	[sflag:s0] =	ssyncset.done $0x0  }
0x319: {  	[sflag:s0] =	ssyncadd.s32 $0xFFFFEC00  }
.LBB2_18:
0x31a: {  	s4 =	simm.s32 $0x8C40  }
0x31b: {  	v0 =	vld [tilespmem:s4+$0xFFFFFFC0];
	_ =	sdelay $0x3  }
0x31c: {  	s0 =	simm.s32 $0x12C40  }
0x31d: {  	[tilespmem:s0+$0xFFFFFFC0] =	vst v0  }
0x31e: {  	v0 =	vld [tilespmem:s4+$0xFFFFFFD0]  }
0x31f: {  	s2 =	simm.s32 $0x8CC0  }
0x320: {  	v1 =	vld [tilespmem:s2+$0xFFFFFFC0];
	_ =	sdelay $0x2  }
0x321: {  	[tilespmem:s0+$0xFFFFFFD0] =	vst v0  }
0x322: {  	s1 =	simm.s32 $0x12CC0;
	v0 =	vld [tilespmem:s4+$0xFFFFFFE0]  }
0x323: {  	[tilespmem:s1+$0xFFFFFFC0] =	vst v1  }
0x324: {  	v1 =	vld [tilespmem:s2+$0xFFFFFFD0]  }
0x325: {  	s5 =	simm.s32 $0x8D40  }
0x326: {  	v2 =	vld [tilespmem:s5+$0xFFFFFFC0]  }
0x327: {  	[tilespmem:s0+$0xFFFFFFE0] =	vst v0  }
0x328: {  	v0 =	vld [tilespmem:s4+$0xFFFFFFF0]  }
0x329: {  	[tilespmem:s1+$0xFFFFFFD0] =	vst v1  }
0x32a: {  	s3 =	simm.s32 $0x12D40;
	v1 =	vld [tilespmem:s2+$0xFFFFFFE0]  }
0x32b: {  	[tilespmem:s3+$0xFFFFFFC0] =	vst v2  }
0x32c: {  	s7 =	simm.s32 $0x8DC0;
	v2 =	vld [tilespmem:s5+$0xFFFFFFD0]  }
0x32d: {  	[tilespmem:s0+$0xFFFFFFF0] =	vst v0;
	v0 =	vld [tilespmem:s7+$0xFFFFFFC0]  }
0x32e: {  	v3 =	vld [tilespmem:s4+$0x0]  }
0x32f: {  	[tilespmem:s1+$0xFFFFFFE0] =	vst v1  }
0x330: {  	v1 =	vld [tilespmem:s2+$0xFFFFFFF0]  }
0x331: {  	s6 =	simm.s32 $0x12DC0;
	[tilespmem:s3+$0xFFFFFFD0] =	vst v2  }
0x332: {  	v2 =	vld [tilespmem:s5+$0xFFFFFFE0];
	[tilespmem:s6+$0xFFFFFFC0] =	vst v0  }
0x333: {  	v0 =	vld [tilespmem:s7+$0xFFFFFFD0];
	[tilespmem:s0+$0x0] =	vst v3  }
0x334: {  	s8 =	simm.s32 $0x8E40;
	v3 =	vld [tilespmem:s4+$0x10]  }
0x335: {  	[tilespmem:s1+$0xFFFFFFF0] =	vst v1;
	v1 =	vld [tilespmem:s8+$0xFFFFFFC0]  }
0x336: {  	v4 =	vld [tilespmem:s2+$0x0]  }
0x337: {  	[tilespmem:s3+$0xFFFFFFE0] =	vst v2  }
0x338: {  	v2 =	vld [tilespmem:s5+$0xFFFFFFF0];
	[tilespmem:s6+$0xFFFFFFD0] =	vst v0  }
0x339: {  	s9 =	simm.s32 $0x12E40;
	v0 =	vld [tilespmem:s7+$0xFFFFFFE0];
	[tilespmem:s0+$0x10] =	vst v3  }
0x33a: {  	[tilespmem:s9+$0xFFFFFFC0] =	vst v1;
	v1 =	vld [tilespmem:s4+$0x20]  }
0x33b: {  	[tilespmem:s1+$0x0] =	vst v4;
	v3 =	vld [tilespmem:s8+$0xFFFFFFD0]  }
0x33c: {  	s10 =	simm.s32 $0x8EC0;
	v4 =	vld [tilespmem:s2+$0x10]  }
0x33d: {  	[tilespmem:s3+$0xFFFFFFF0] =	vst v2;
	v2 =	vld [tilespmem:s10+$0xFFFFFFC0]  }
0x33e: {  	v5 =	vld [tilespmem:s5+$0x0];
	[tilespmem:s6+$0xFFFFFFE0] =	vst v0  }
0x33f: {  	v6 =	vld [tilespmem:s7+$0xFFFFFFF0];
	[tilespmem:s0+$0x20] =	vst v1  }
0x340: {  	[tilespmem:s9+$0xFFFFFFD0] =	vst v3;
	v0 =	vld [tilespmem:s4+$0x30]  }
0x341: {  	s11 =	simm.s32 $0x12EC0;
	[tilespmem:s1+$0x10] =	vst v4;
	v3 =	vld [tilespmem:s8+$0xFFFFFFE0]  }
0x342: {  	[tilespmem:s11+$0xFFFFFFC0] =	vst v2;
	v1 =	vld [tilespmem:s2+$0x20]  }
0x343: {  	[tilespmem:s3+$0x0] =	vst v5;
	v4 =	vld [tilespmem:s10+$0xFFFFFFD0]  }
0x344: {  	s12 =	simm.s32 $0x8F40;
	v2 =	vld [tilespmem:s5+$0x10];
	s4 =	simm.s32 $0x14;
	[tilespmem:s6+$0xFFFFFFF0] =	vst v6  }
.LBB2_19:
0x345: {  	v5 =	vld [tilespmem:s12+$0xFFFFFFC0];
	[tilespmem:s0+$0x30] =	vst v0;
	s0 =	smov.u32 s1;
	s1 =	smov.u32 s3;
	s3 =	smov.u32 s6  }
0x346: {  	s4 =	sadd.s32 $0x4, s4;
	s6 =	smov.u32 s9;
	[tilespmem:s9+$0xFFFFFFE0] =	vst v3;
	v6 =	vld [tilespmem:s7+$0x0];
	s9 =	smov.u32 s11  }
0x347: {  	p2 =	slt.u32 s4, $0x9C;
	v7 =	vld [tilespmem:s8+$0xFFFFFFF0];
	[tilespmem:s0+$0x20] =	vst v1  }
.Ltmp12:
0x348: {  	[tilespmem:s11+$0xFFFFFFD0] =	vst v4;
	v0 =	vld [tilespmem:s2+$0x30];
	s2 =	smov.u32 s5;
	s5 =	smov.u32 s7;
	(pc) =	sbr.rel @p2 .LBB2_19-.Ltmp12, $4  }
0x349: {  	s11 =	sadd.s32 $0x80, s11;
	s7 =	smov.u32 s8;
	s8 =	smov.u32 s10;
	v3 =	vld [tilespmem:s10+$0xFFFFFFE0];
	[tilespmem:s1+$0x10] =	vst v2  }
0x34a: {  	s10 =	smov.u32 s12;
	[tilespmem:s11+$0xFFFFFFC0] =	vst v5;
	v1 =	vld [tilespmem:s2+$0x20]  }
0x34b: {  	v4 =	vld [tilespmem:s12+$0xFFFFFFD0];
	[tilespmem:s3+$0x0] =	vst v6  }
0x34c: {  	s12 =	sadd.s32 $0x80, s12;
	[tilespmem:s6+$0xFFFFFFF0] =	vst v7;
	v2 =	vld [tilespmem:s5+$0x10]  }
0x34d: {  	_ =	sdelay $0x2  }
0x34e: {  	[tilespmem:s11+$0xFFFFFFD0] =	vst v4  }
0x34f: {  	v4 =	vld [tilespmem:s10+$0xFFFFFFE0];
	_ =	sdelay $0x4  }
0x350: {  	[tilespmem:s11+$0xFFFFFFE0] =	vst v4  }
0x351: {  	[tilespmem:s9+$0xFFFFFFE0] =	vst v3;
	v4 =	vld [tilespmem:s10+$0xFFFFFFF0]  }
0x352: {  	v3 =	vld [tilespmem:s8+$0xFFFFFFF0]  }
0x353: {  	v5 =	vld [tilespmem:s7+$0x0];
	_ =	sdelay $0x2  }
0x354: {  	[tilespmem:s11+$0xFFFFFFF0] =	vst v4  }
0x355: {  	[tilespmem:s9+$0xFFFFFFF0] =	vst v3;
	v4 =	vld [tilespmem:s10+$0x0]  }
0x356: {  	[tilespmem:s6+$0x0] =	vst v5;
	v3 =	vld [tilespmem:s8+$0x0]  }
0x357: {  	v5 =	vld [tilespmem:s7+$0x10];
	_ =	sdelay $0x1  }
0x358: {  	[tilespmem:s3+$0x10] =	vst v2  }
0x359: {  	v2 =	vld [tilespmem:s5+$0x20];
	[tilespmem:s11+$0x0] =	vst v4  }
0x35a: {  	[tilespmem:s9+$0x0] =	vst v3;
	v4 =	vld [tilespmem:s10+$0x10]  }
0x35b: {  	[tilespmem:s6+$0x10] =	vst v5;
	v3 =	vld [tilespmem:s8+$0x10]  }
0x35c: {  	v5 =	vld [tilespmem:s7+$0x20]  }
0x35d: {  	[tilespmem:s1+$0x20] =	vst v1  }
0x35e: {  	v1 =	vld [tilespmem:s2+$0x30];
	[tilespmem:s3+$0x20] =	vst v2  }
0x35f: {  	v2 =	vld [tilespmem:s5+$0x30];
	[tilespmem:s11+$0x10] =	vst v4  }
0x360: {  	[tilespmem:s9+$0x10] =	vst v3;
	v4 =	vld [tilespmem:s10+$0x20]  }
0x361: {  	[tilespmem:s6+$0x20] =	vst v5;
	v3 =	vld [tilespmem:s8+$0x20]  }
0x362: {  	[tilespmem:s0+$0x30] =	vst v0;
	v5 =	vld [tilespmem:s7+$0x30]  }
0x363: {  	[tilespmem:s1+$0x30] =	vst v1  }
0x364: {  	[tilespmem:s3+$0x30] =	vst v2  }
0x365: {  	[tilespmem:s11+$0x20] =	vst v4  }
0x366: {  	[tilespmem:s9+$0x20] =	vst v3;
	v0 =	vld [tilespmem:s10+$0x30]  }
0x367: {  	[tilespmem:s6+$0x30] =	vst v5;
	v3 =	vld [tilespmem:s8+$0x30]  }
0x368: {  	s0 =	rddreg [dreg:$0xa]  }
0x369: {  	s1 =	rddreg [dreg:$0xe]  }
0x36a: {  	s0 =	sadd.s32 s1, s0  }
0x36b: {  	s26 =	sshrl.u32 s0, $0x3;
	[tilespmem:s11+$0x30] =	vst v0;
	s11 =	rddreg [dreg:$0x2]  }
0x36c: {  	s12 =	simm.s32 $0x12C00;
	[tilespmem:s9+$0x30] =	vst v3;
	s0 =	sadd.s32 s11, s26  }
0x36d: {  	[hbm4b:s0+s13] =	stream.linear.scatter [tilespmem:s12], [sflag:$0xB], $0x1400, $0x38;
	[tilespmem:$0x1A400] =	vst v63  }
0x36e: {  	s13 =	simm.s32 $0x7  }
0x36f: {  	_ =	swait.ge [sflag:s13], $0x1400  }
0x370: {  	[sflag:s13] =	ssyncset.done $0x0  }
0x371: {  	s0 =	simm.s32 @!p0 $0xF;
	[sflag:s13] =	ssyncadd.s32 $0xFFFFEC00  }
0x372: {  	_ =	swait.ge @!p0 [sflag:s0], $0x1400  }
0x373: {  	[sflag:s0] =	ssyncset.done @!p0 $0x0  }
0x374: {  	s14 =	simm.s32 $0xDC40;
	[sflag:s0] =	ssyncadd.s32 @!p0 $0xFFFFEC00  }
0x375: {  	v0 =	vld [tilespmem:s14+$0xFFFFFFC0];
	_ =	sdelay $0x4  }
0x376: {  	v0 =	vmul.f32 $1.442695020e+00, v0  }
0x377: {  	s24 =	simm.s32 $0xDCC0  }
0x378: {  	(erf) = vpow2.f32 v0;
	v0 =	vld [tilespmem:s24+$0xFFFFFFC0];
	_ =	sdelay $0x4  }
0x379: {  	v0 =	vmul.f32 $1.442695020e+00, v0;
	_ =	sdelay $0x1  }
0x37a: {  	(erf) = vpow2.f32 v0;
	_ =	sdelay $0x1  }
0x37b: {  	s29 =	simm.s32 $0x17C40;
	v0 =	vpop (erf)  }
0x37c: {  	[tilespmem:s29+$0xFFFFFFC0] =	vst v0  }
0x37d: {  	s2 =	simm.s32 $0xDD40;
	v0 =	vld [tilespmem:s14+$0xFFFFFFD0]  }
0x37e: {  	v1 =	vld [tilespmem:s2+$0xFFFFFFC0];
	_ =	sdelay $0x3  }
0x37f: {  	s1 =	simm.s32 $0x17CC0;
	v0 =	vmul.f32 $1.442695020e+00, v0;
	v2 =	vpop (erf)  }
0x380: {  	v1 =	vmul.f32 $1.442695020e+00, v1;
	[tilespmem:s1+$0xFFFFFFC0] =	vst v2  }
0x381: {  	(erf) = vpow2.f32 v0;
	v0 =	vld [tilespmem:s24+$0xFFFFFFD0]  }
0x382: {  	(erf) = vpow2.f32 v1;
	_ =	sdelay $0x2  }
0x383: {  	s22 =	simm.s32 $0xDDC0  }
0x384: {  	v1 =	vld [tilespmem:s22+$0xFFFFFFC0];
	v0 =	vmul.f32 $1.442695020e+00, v0;
	_ =	sdelay $0x2  }
0x385: {  	(erf) = vpow2.f32 v0  }
0x386: {  	v0 =	vpop (erf)  }
0x387: {  	s19 =	simm.s32 $0x17D40;
	v1 =	vmul.f32 $1.442695020e+00, v1;
	[tilespmem:s29+$0xFFFFFFD0] =	vst v0;
	v0 =	vpop (erf)  }
0x388: {  	v2 =	vld [tilespmem:s14+$0xFFFFFFE0];
	[tilespmem:s19+$0xFFFFFFC0] =	vst v0  }
0x389: {  	(erf) = vpow2.f32 v1;
	v0 =	vld [tilespmem:s2+$0xFFFFFFD0]  }
0x38a: {  	s17 =	simm.s32 $0xDE40  }
0x38b: {  	v1 =	vld [tilespmem:s17+$0xFFFFFFC0];
	_ =	sdelay $0x2  }
0x38c: {  	v2 =	vmul.f32 $1.442695020e+00, v2;
	v3 =	vpop (erf);
	v0 =	vmul.f32 $1.442695020e+00, v0  }
0x38d: {  	[tilespmem:s1+$0xFFFFFFD0] =	vst v3  }
0x38e: {  	v1 =	vmul.f32 $1.442695020e+00, v1;
	(erf) = vpow2.f32 v2;
	v2 =	vld [tilespmem:s24+$0xFFFFFFE0]  }
0x38f: {  	(erf) = vpow2.f32 v0  }
0x390: {  	s12 =	simm.s32 $0x17DC0;
	(erf) = vpow2.f32 v1;
	v0 =	vpop (erf)  }
0x391: {  	[tilespmem:s12+$0xFFFFFFC0] =	vst v0  }
0x392: {  	v0 =	vld [tilespmem:s22+$0xFFFFFFD0]  }
0x393: {  	s25 =	simm.s32 $0xDEC0;
	v2 =	vmul.f32 $1.442695020e+00, v2  }
0x394: {  	v1 =	vld [tilespmem:s25+$0xFFFFFFC0];
	_ =	sdelay $0x2  }
0x395: {  	(erf) = vpow2.f32 v2;
	v2 =	vpop (erf);
	v0 =	vmul.f32 $1.442695020e+00, v0  }
0x396: {  	[tilespmem:s29+$0xFFFFFFE0] =	vst v2;
	v2 =	vpop (erf)  }
0x397: {  	s15 =	simm.s32 $0x17E40;
	v1 =	vmul.f32 $1.442695020e+00, v1;
	[tilespmem:s19+$0xFFFFFFD0] =	vst v2;
	v2 =	vpop (erf);
	(erf) = vpow2.f32 v0;
	v0 =	vld [tilespmem:s14+$0xFFFFFFF0]  }
0x398: {  	v3 =	vld [tilespmem:s2+$0xFFFFFFE0];
	[tilespmem:s15+$0xFFFFFFC0] =	vst v2  }
0x399: {  	(erf) = vpow2.f32 v1;
	v1 =	vld [tilespmem:s17+$0xFFFFFFD0];
	_ =	sdelay $0x2  }
0x39a: {  	s11 =	simm.s32 $0xDF40  }
0x39b: {  	v2 =	vld [tilespmem:s11+$0xFFFFFFC0];
	v0 =	vmul.f32 $1.442695020e+00, v0;
	v3 =	vmul.f32 $1.442695020e+00, v3  }
0x39c: {  	v1 =	vmul.f32 $1.442695020e+00, v1  }
0x39d: {  	v4 =	vpop (erf);
	(erf) = vpow2.f32 v0  }
0x39e: {  	[tilespmem:s1+$0xFFFFFFE0] =	vst v4;
	(erf) = vpow2.f32 v3  }
0x39f: {  	v0 =	vld [tilespmem:s24+$0xFFFFFFF0];
	v3 =	vpop (erf)  }
0x3a0: {  	s18 =	simm.s32 $0x17EC0;
	v2 =	vmul.f32 $1.442695020e+00, v2;
	(erf) = vpow2.f32 v1;
	[tilespmem:s12+$0xFFFFFFD0] =	vst v3;
	v1 =	vpop (erf)  }
0x3a1: {  	v3 =	vld [tilespmem:s22+$0xFFFFFFE0];
	[tilespmem:s18+$0xFFFFFFC0] =	vst v1  }
0x3a2: {  	(erf) = vpow2.f32 v2;
	v1 =	vld [tilespmem:s25+$0xFFFFFFD0];
	_ =	sdelay $0x1  }
0x3a3: {  	v0 =	vmul.f32 $1.442695020e+00, v0  }
0x3a4: {  	s31 =	simm.s32 $0xDFC0  }
0x3a5: {  	(erf) = vpow2.f32 v0;
	v0 =	vld [tilespmem:s31+$0xFFFFFFC0];
	v2 =	vmul.f32 $1.442695020e+00, v3;
	v3 =	vpop (erf)  }
0x3a6: {  	[tilespmem:s29+$0xFFFFFFF0] =	vst v3;
	v3 =	vpop (erf);
	v1 =	vmul.f32 $1.442695020e+00, v1  }
0x3a7: {  	(erf) = vpow2.f32 v2;
	v2 =	vld [tilespmem:s14+$0x0];
	[tilespmem:s19+$0xFFFFFFE0] =	vst v3  }
0x3a8: {  	v3 =	vpop (erf);
	(erf) = vpow2.f32 v1;
	v1 =	vld [tilespmem:s2+$0xFFFFFFF0]  }
0x3a9: {  	[tilespmem:s15+$0xFFFFFFD0] =	vst v3  }
0x3aa: {  	s21 =	simm.s32 $0x17F40;
	v0 =	vmul.f32 $1.442695020e+00, v0;
	v3 =	vpop (erf);
	v4 =	vld [tilespmem:s17+$0xFFFFFFE0]  }
0x3ab: {  	[tilespmem:s21+$0xFFFFFFC0] =	vst v3  }
0x3ac: {  	s5 =	simm.s32 $0xE040;
	(erf) = vpow2.f32 v0;
	v0 =	vld [tilespmem:s11+$0xFFFFFFD0];
	v2 =	vmul.f32 $1.442695020e+00, v2  }
0x3ad: {  	v3 =	vld [tilespmem:s5+$0xFFFFFFC0];
	v1 =	vmul.f32 $1.442695020e+00, v1  }
0x3ae: {  	v5 =	vpop (erf);
	(erf) = vpow2.f32 v2  }
0x3af: {  	[tilespmem:s1+$0xFFFFFFF0] =	vst v5;
	v4 =	vmul.f32 $1.442695020e+00, v4;
	(erf) = vpow2.f32 v1  }
0x3b0: {  	v2 =	vld [tilespmem:s24+$0x0];
	v5 =	vpop (erf)  }
0x3b1: {  	v0 =	vmul.f32 $1.442695020e+00, v0;
	(erf) = vpow2.f32 v4;
	[tilespmem:s12+$0xFFFFFFE0] =	vst v5;
	v1 =	vpop (erf)  }
0x3b2: {  	v3 =	vmul.f32 $1.442695020e+00, v3;
	v4 =	vld [tilespmem:s22+$0xFFFFFFF0];
	[tilespmem:s18+$0xFFFFFFD0] =	vst v1  }
0x3b3: {  	(erf) = vpow2.f32 v0;
	v0 =	vld [tilespmem:s25+$0xFFFFFFE0]  }
0x3b4: {  	(erf) = vpow2.f32 v3  }
0x3b5: {  	s9 =	simm.s32 $0x17FC0;
	v1 =	vmul.f32 $1.442695020e+00, v2;
	v2 =	vpop (erf)  }
0x3b6: {  	[tilespmem:s9+$0xFFFFFFC0] =	vst v2  }
0x3b7: {  	s30 =	simm.s32 $0xE0C0;
	(erf) = vpow2.f32 v1;
	v1 =	vld [tilespmem:s31+$0xFFFFFFD0];
	v2 =	vpop (erf);
	v3 =	vmul.f32 $1.442695020e+00, v4  }
0x3b8: {  	v4 =	vld [tilespmem:s30+$0xFFFFFFC0];
	[tilespmem:s29+$0x0] =	vst v2;
	v0 =	vmul.f32 $1.442695020e+00, v0;
	v2 =	vpop (erf)  }
0x3b9: {  	v5 =	vld [tilespmem:s14+$0x10];
	(erf) = vpow2.f32 v3;
	[tilespmem:s19+$0xFFFFFFF0] =	vst v2  }
0x3ba: {  	v2 =	vpop (erf);
	(erf) = vpow2.f32 v0;
	v0 =	vld [tilespmem:s2+$0x0];
	_ =	sdelay $0x1  }
0x3bb: {  	v1 =	vmul.f32 $1.442695020e+00, v1;
	[tilespmem:s15+$0xFFFFFFE0] =	vst v2;
	v2 =	vpop (erf)  }
0x3bc: {  	s10 =	simm.s32 $0x18040;
	[tilespmem:s21+$0xFFFFFFD0] =	vst v2;
	v2 =	vld [tilespmem:s17+$0xFFFFFFF0];
	v3 =	vmul.f32 $1.442695020e+00, v4;
	v4 =	vpop (erf)  }
0x3bd: {  	(erf) = vpow2.f32 v1;
	v1 =	vld [tilespmem:s11+$0xFFFFFFE0];
	[tilespmem:s10+$0xFFFFFFC0] =	vst v4;
	v5 =	vmul.f32 $1.442695020e+00, v5  }
0x3be: {  	s28 =	simm.s32 $0xE140;
	(erf) = vpow2.f32 v3;
	v3 =	vld [tilespmem:s5+$0xFFFFFFD0];
	v0 =	vmul.f32 $1.442695020e+00, v0  }
0x3bf: {  	(erf) = vpow2.f32 v5;
	v5 =	vld [tilespmem:s28+$0xFFFFFFC0]  }
0x3c0: {  	v4 =	vpop (erf)  }
0x3c1: {  	[tilespmem:s1+$0x0] =	vst v4;
	v2 =	vmul.f32 $1.442695020e+00, v2  }
0x3c2: {  	v4 =	vld [tilespmem:s24+$0x10];
	(erf) = vpow2.f32 v0;
	v0 =	vpop (erf)  }
0x3c3: {  	v1 =	vmul.f32 $1.442695020e+00, v1;
	[tilespmem:s12+$0xFFFFFFF0] =	vst v0;
	v0 =	vpop (erf);
	(erf) = vpow2.f32 v2  }
0x3c4: {  	v2 =	vmul.f32 $1.442695020e+00, v3;
	[tilespmem:s18+$0xFFFFFFE0] =	vst v0;
	v0 =	vmul.f32 $1.442695020e+00, v5  }
0x3c5: {  	(erf) = vpow2.f32 v1  }
0x3c6: {  	v3 =	vld [tilespmem:s22+$0x0];
	(erf) = vpow2.f32 v2  }
0x3c7: {  	v1 =	vld [tilespmem:s25+$0xFFFFFFF0];
	v2 =	vmul.f32 $1.442695020e+00, v4;
	v4 =	vpop (erf);
	(erf) = vpow2.f32 v0  }
0x3c8: {  	s8 =	simm.s32 $0x180C0;
	[tilespmem:s9+$0xFFFFFFD0] =	vst v4;
	v0 =	vpop (erf)  }
0x3c9: {  	(erf) = vpow2.f32 v2;
	v2 =	vld [tilespmem:s31+$0xFFFFFFE0];
	[tilespmem:s8+$0xFFFFFFC0] =	vst v0;
	v0 =	vpop (erf)  }
0x3ca: {  	v4 =	vld [tilespmem:s30+$0xFFFFFFD0];
	[tilespmem:s29+$0x10] =	vst v0  }
0x3cb: {  	v3 =	vmul.f32 $1.442695020e+00, v3;
	v5 =	vld [tilespmem:s14+$0x20]  }
0x3cc: {  	s13 =	simm.s32 $0xE1C0;
	v0 =	vpop (erf);
	v1 =	vmul.f32 $1.442695020e+00, v1  }
0x3cd: {  	(erf) = vpow2.f32 v3;
	v3 =	vld [tilespmem:s13+$0xFFFFFFC0];
	[tilespmem:s19+$0x0] =	vst v0;
	v0 =	vpop (erf)  }
0x3ce: {  	v6 =	vld [tilespmem:s2+$0x10];
	(erf) = vpow2.f32 v1;
	v1 =	vmul.f32 $1.442695020e+00, v2;
	v2 =	vpop (erf);
	[tilespmem:s15+$0xFFFFFFF0] =	vst v0  }
0x3cf: {  	[tilespmem:s21+$0xFFFFFFE0] =	vst v2;
	v2 =	vld [tilespmem:s17+$0x0];
	v0 =	vmul.f32 $1.442695020e+00, v4;
	v4 =	vpop (erf)  }
0x3d0: {  	s0 =	simm.s32 $0x18140;
	(erf) = vpow2.f32 v1;
	v1 =	vmul.f32 $1.442695020e+00, v5;
	[tilespmem:s10+$0xFFFFFFD0] =	vst v4;
	v5 =	vpop (erf)  }
0x3d1: {  	v4 =	vld [tilespmem:s11+$0xFFFFFFF0];
	(erf) = vpow2.f32 v0;
	[tilespmem:s0+$0xFFFFFFC0] =	vst v5  }
0x3d2: {  	v3 =	vmul.f32 $1.442695020e+00, v3;
	v5 =	vpop (erf);
	(erf) = vpow2.f32 v1;
	v1 =	vld [tilespmem:s28+$0xFFFFFFD0]  }
0x3d3: {  	v0 =	vld [tilespmem:s5+$0xFFFFFFE0];
	v6 =	vmul.f32 $1.442695020e+00, v6;
	[tilespmem:s1+$0x10] =	vst v5  }
0x3d4: {  	(erf) = vpow2.f32 v3;
	v3 =	vld [tilespmem:s24+$0x20];
	v2 =	vmul.f32 $1.442695020e+00, v2;
	_ =	sdelay $0x1  }
0x3d5: {  	(erf) = vpow2.f32 v6;
	v4 =	vmul.f32 $1.442695020e+00, v4  }
0x3d6: {  	s16 =	simm.s32 $0xE240;
	v5 =	vpop (erf);
	(erf) = vpow2.f32 v2;
	v1 =	vmul.f32 $1.442695020e+00, v1  }
0x3d7: {  	v6 =	vld [tilespmem:s16+$0xFFFFFFC0];
	[tilespmem:s12+$0x0] =	vst v5;
	v0 =	vmul.f32 $1.442695020e+00, v0;
	v2 =	vpop (erf)  }
0x3d8: {  	v5 =	vld [tilespmem:s22+$0x10];
	(erf) = vpow2.f32 v4;
	[tilespmem:s18+$0xFFFFFFF0] =	vst v2;
	v2 =	vmul.f32 $1.442695020e+00, v3  }
0x3d9: {  	(erf) = vpow2.f32 v0;
	v3 =	vpop (erf);
	v0 =	vld [tilespmem:s25+$0x0]  }
0x3da: {  	(erf) = vpow2.f32 v1;
	[tilespmem:s9+$0xFFFFFFE0] =	vst v3;
	v1 =	vpop (erf)  }
0x3db: {  	[tilespmem:s8+$0xFFFFFFD0] =	vst v1;
	v1 =	vld [tilespmem:s31+$0xFFFFFFF0]  }
0x3dc: {  	v3 =	vmul.f32 $1.442695020e+00, v6;
	(erf) = vpow2.f32 v2;
	v2 =	vpop (erf);
	v6 =	vld [tilespmem:s30+$0xFFFFFFE0]  }
0x3dd: {  	s20 =	simm.s32 $0x181C0;
	v4 =	vmul.f32 $1.442695020e+00, v5;
	v5 =	vpop (erf);
	[tilespmem:s29+$0x20] =	vst v2  }
0x3de: {  	(erf) = vpow2.f32 v3;
	[tilespmem:s20+$0xFFFFFFC0] =	vst v5;
	v2 =	vpop (erf);
	v3 =	vld [tilespmem:s14+$0x30];
	v0 =	vmul.f32 $1.442695020e+00, v0  }
0x3df: {  	(erf) = vpow2.f32 v4;
	v4 =	vld [tilespmem:s13+$0xFFFFFFD0];
	[tilespmem:s19+$0x10] =	vst v2;
	v2 =	vpop (erf)  }
0x3e0: {  	v5 =	vld [tilespmem:s2+$0x20];
	(erf) = vpow2.f32 v0;
	[tilespmem:s15+$0x0] =	vst v2  }
0x3e1: {  	s3 =	simm.s32 $0xE2C0;
	v0 =	vmul.f32 $1.442695020e+00, v1;
	v2 =	vmul.f32 $1.442695020e+00, v6;
	v6 =	vld [tilespmem:s17+$0x10]  }
0x3e2: {  	v7 =	vld [tilespmem:s3+$0xFFFFFFC0]  }
0x3e3: {  	v1 =	vpop (erf);
	(erf) = vpow2.f32 v0  }
0x3e4: {  	v8 =	vpop (erf);
	[tilespmem:s21+$0xFFFFFFF0] =	vst v1;
	v0 =	vmul.f32 $1.442695020e+00, v3;
	v4 =	vmul.f32 $1.442695020e+00, v4  }
0x3e5: {  	v3 =	vld [tilespmem:s11+$0x0];
	v1 =	vpop (erf);
	[tilespmem:s10+$0xFFFFFFE0] =	vst v8;
	(erf) = vpow2.f32 v2;
	v5 =	vmul.f32 $1.442695020e+00, v5  }
0x3e6: {  	[tilespmem:s0+$0xFFFFFFD0] =	vst v1;
	(erf) = vpow2.f32 v0;
	v0 =	vld [tilespmem:s5+$0xFFFFFFF0];
	v2 =	vpop (erf);
	v6 =	vmul.f32 $1.442695020e+00, v6  }
0x3e7: {  	s7 =	simm.s32 $0x18240;
	(erf) = vpow2.f32 v4;
	v4 =	vld [tilespmem:s28+$0xFFFFFFE0];
	[tilespmem:s1+$0x20] =	vst v2;
	v2 =	vmul.f32 $1.442695020e+00, v7;
	v7 =	vpop (erf)  }
0x3e8: {  	(erf) = vpow2.f32 v5;
	v1 =	vld [tilespmem:s24+$0x30];
	[tilespmem:s7+$0xFFFFFFC0] =	vst v7;
	v7 =	vpop (erf)  }
0x3e9: {  	s4 =	simm.s32 $0xE340;
	(erf) = vpow2.f32 v2;
	v2 =	vld [tilespmem:s16+$0xFFFFFFD0];
	[tilespmem:s12+$0x10] =	vst v7  }
0x3ea: {  	s6 =	simm.s32 $0x18240;
	s14 =	simm.s32 $0x34;
	v5 =	vmul.f32 $1.442695020e+00, v3;
	(erf) = vpow2.f32 v6;
	v3 =	vld [tilespmem:s22+$0x20];
	v6 =	vpop (erf)  }
.LBB2_21:
0x3eb: {  	s24 =	smov.u32 s17;
	s17 =	smov.u32 s25;
	s25 =	smov.u32 s11  }
0x3ec: {  	v7 =	vld [tilespmem:s4+$0xFFFFFFC0];
	v0 =	vmul.f32 $1.442695020e+00, v0;
	(erf) = vpow2.f32 v5;
	[tilespmem:s18+$0x0] =	vst v6;
	s11 =	smov.u32 s31;
	s31 =	smov.u32 s5;
	s5 =	smov.u32 s30  }
0x3ed: {  	s14 =	sadd.s32 $0x4, s14;
	s30 =	smov.u32 s28;
	s28 =	smov.u32 s13;
	v9 =	vmul.f32 $1.442695020e+00, v4;
	v5 =	vpop (erf);
	v6 =	vld [tilespmem:s17+$0x10]  }
0x3ee: {  	s13 =	smov.u32 s16;
	s16 =	smov.u32 s3;
	p2 =	slt.u32 s14, $0x9C;
	v8 =	vpop (erf);
	(erf) = vpow2.f32 v0;
	[tilespmem:s9+$0xFFFFFFF0] =	vst v5;
	v0 =	vmul.f32 $1.442695020e+00, v1  }
0x3ef: {  	s3 =	smov.u32 s4;
	v10 =	vmul.f32 $1.442695020e+00, v2;
	(erf) = vpow2.f32 v9;
	[tilespmem:s8+$0xFFFFFFE0] =	vst v8;
	v5 =	vld [tilespmem:s11+$0x0];
	v2 =	vpop (erf)  }
0x3f0: {  	v4 =	vpop (erf);
	v8 =	vmul.f32 $1.442695020e+00, v3;
	(erf) = vpow2.f32 v0;
	[tilespmem:s29+$0x30] =	vst v2;
	s29 =	smov.u32 s1;
	s1 =	smov.u32 s19;
	s19 =	smov.u32 s12  }
.Ltmp13:
0x3f1: {  	s12 =	smov.u32 s15;
	s15 =	smov.u32 s18;
	v2 =	vmul.f32 $1.442695020e+00, v7;
	(erf) = vpow2.f32 v10;
	[tilespmem:s20+$0xFFFFFFD0] =	vst v4;
	v0 =	vld [tilespmem:s5+$0xFFFFFFF0];
	v1 =	vpop (erf);
	(pc) =	sbr.rel @p2 .LBB2_21-.Ltmp13, $4  }
0x3f2: {  	s7 =	sadd.s32 $0x80, s7;
	s18 =	smov.u32 s21;
	s21 =	smov.u32 s9;
	v7 =	vpop (erf);
	v4 =	vld [tilespmem:s28+$0xFFFFFFE0];
	v9 =	vmul.f32 $1.442695020e+00, v6;
	(erf) = vpow2.f32 v8;
	[tilespmem:s1+$0x20] =	vst v1  }
0x3f3: {  	s9 =	smov.u32 s10;
	s10 =	smov.u32 s8;
	s8 =	smov.u32 s0;
	(erf) = vpow2.f32 v2;
	[tilespmem:s7+$0xFFFFFFC0] =	vst v7;
	v3 =	vpop (erf);
	v1 =	vld [tilespmem:s2+$0x30]  }
0x3f4: {  	s0 =	smov.u32 s20;
	s20 =	smov.u32 s6;
	s6 =	smov.u32 s7;
	v2 =	vld [tilespmem:s16+$0xFFFFFFD0];
	v5 =	vmul.f32 $1.442695020e+00, v5;
	(erf) = vpow2.f32 v9;
	[tilespmem:s12+$0x10] =	vst v3  }
0x3f5: {  	s4 =	sadd.s32 $0x80, s4;
	s2 =	smov.u32 s22;
	s22 =	smov.u32 s24;
	v6 =	vpop (erf);
	v3 =	vld [tilespmem:s24+$0x20]  }
0x3f6: {  	_ = 	snop  }
0x3f7: {  	v7 =	vpop (erf)  }
0x3f8: {  	[tilespmem:s18+$0x0] =	vst v6;
	v46 =	vpop (erf)  }
0x3f9: {  	v8 =	vmul.f32 $1.442695020e+00, v0;
	v9 =	vld [tilespmem:s25+$0x10];
	[tilespmem:s9+$0xFFFFFFF0] =	vst v7;
	v0 =	vpop (erf)  }
0x3fa: {  	(erf) = vpow2.f32 v5;
	v4 =	vmul.f32 $1.442695020e+00, v4;
	[tilespmem:s8+$0xFFFFFFE0] =	vst v46;
	v47 =	vld [tilespmem:s31+$0x0];
	v48 =	vpop (erf)  }
0x3fb: {  	v1 =	vmul.f32 $1.442695020e+00, v1;
	(erf) = vpow2.f32 v8;
	v49 =	vld [tilespmem:s30+$0xFFFFFFF0];
	[tilespmem:s20+$0xFFFFFFD0] =	vst v48;
	v50 =	vpop (erf)  }
0x3fc: {  	s7 =	sadd.s32 $0x80, s7;
	v2 =	vmul.f32 $1.442695020e+00, v2;
	(erf) = vpow2.f32 v4;
	v51 =	vpop (erf);
	v52 =	vld [tilespmem:s13+$0xFFFFFFE0];
	[tilespmem:s19+$0x20] =	vst v50  }
0x3fd: {  	v3 =	vmul.f32 $1.442695020e+00, v3;
	(erf) = vpow2.f32 v1;
	v7 =	vld [tilespmem:s2+$0x30];
	[tilespmem:s7+$0xFFFFFFC0] =	vst v51  }
0x3fe: {  	(erf) = vpow2.f32 v2;
	v53 =	vmul.f32 $1.442695020e+00, v9;
	v54 =	vld [tilespmem:s3+$0xFFFFFFD0]  }
0x3ff: {  	(erf) = vpow2.f32 v3;
	v55 =	vmul.f32 $1.442695020e+00, v47  }
0x400: {  	(erf) = vpow2.f32 v53;
	v56 =	vmul.f32 $1.442695020e+00, v49  }
0x401: {  	(erf) = vpow2.f32 v55;
	v57 =	vmul.f32 $1.442695020e+00, v52  }
0x402: {  	v58 =	vpop (erf);
	(erf) = vpow2.f32 v56;
	v59 =	vmul.f32 $1.442695020e+00, v7  }
0x403: {  	[tilespmem:s15+$0x10] =	vst v58;
	v60 =	vpop (erf);
	v2 =	vmul.f32 $1.442695020e+00, v54;
	(erf) = vpow2.f32 v57  }
0x404: {  	v63 =	vld [tilespmem:s17+$0x20];
	v61 =	vpop (erf);
	(erf) = vpow2.f32 v59  }
0x405: {  	v62 =	vpop (erf);
	(erf) = vpow2.f32 v2  }
0x406: {  	[tilespmem:s21+$0x0] =	vst v60;
	v1 =	vpop (erf)  }
0x407: {  	v5 =	vld [tilespmem:s11+$0x10];
	[tilespmem:s10+$0xFFFFFFF0] =	vst v61;
	v11 =	vpop (erf)  }
0x408: {  	[tilespmem:s0+$0xFFFFFFE0] =	vst v62;
	v12 =	vld [tilespmem:s5+$0x0];
	v13 =	vpop (erf)  }
0x409: {  	v14 =	vld [tilespmem:s28+$0xFFFFFFF0];
	v2 =	vmul.f32 $1.442695020e+00, v63;
	[tilespmem:s6+$0xFFFFFFD0] =	vst v11;
	v15 =	vpop (erf)  }
0x40a: {  	v16 =	vld [tilespmem:s16+$0xFFFFFFE0];
	[tilespmem:s12+$0x20] =	vst v13;
	v17 =	vpop (erf)  }
0x40b: {  	v18 =	vld [tilespmem:s22+$0x30];
	[tilespmem:s18+$0x10] =	vst v15;
	v19 =	vpop (erf)  }
0x40c: {  	v5 =	vmul.f32 $1.442695020e+00, v5;
	v10 =	vld [tilespmem:s25+$0x20];
	[tilespmem:s9+$0x0] =	vst v17;
	v20 =	vpop (erf)  }
0x40d: {  	v4 =	vmul.f32 $1.442695020e+00, v12;
	(erf) = vpow2.f32 v2;
	v11 =	vld [tilespmem:s31+$0x10];
	[tilespmem:s8+$0xFFFFFFF0] =	vst v19;
	v2 =	vpop (erf)  }
0x40e: {  	v3 =	vmul.f32 $1.442695020e+00, v14;
	(erf) = vpow2.f32 v5;
	v21 =	vld [tilespmem:s30+$0x0];
	[tilespmem:s20+$0xFFFFFFE0] =	vst v20;
	v22 =	vpop (erf)  }
0x40f: {  	v23 =	vmul.f32 $1.442695020e+00, v16;
	(erf) = vpow2.f32 v4;
	v24 =	vld [tilespmem:s13+$0xFFFFFFF0];
	[tilespmem:s7+$0xFFFFFFD0] =	vst v22  }
0x410: {  	v25 =	vmul.f32 $1.442695020e+00, v18;
	(erf) = vpow2.f32 v3;
	v26 =	vld [tilespmem:s3+$0xFFFFFFE0]  }
0x411: {  	v27 =	vmul.f32 $1.442695020e+00, v10;
	(erf) = vpow2.f32 v23  }
0x412: {  	(erf) = vpow2.f32 v25;
	v28 =	vmul.f32 $1.442695020e+00, v11  }
0x413: {  	(erf) = vpow2.f32 v27;
	v29 =	vmul.f32 $1.442695020e+00, v21  }
0x414: {  	(erf) = vpow2.f32 v28;
	v30 =	vmul.f32 $1.442695020e+00, v24  }
0x415: {  	(erf) = vpow2.f32 v29;
	v31 =	vmul.f32 $1.442695020e+00, v26  }
0x416: {  	v32 =	vpop (erf);
	(erf) = vpow2.f32 v30  }
0x417: {  	v33 =	vpop (erf);
	(erf) = vpow2.f32 v31  }
0x418: {  	[tilespmem:s15+$0x20] =	vst v32;
	v34 =	vpop (erf)  }
0x419: {  	v5 =	vld [tilespmem:s17+$0x30];
	[tilespmem:s21+$0x10] =	vst v33;
	v35 =	vpop (erf)  }
0x41a: {  	v36 =	vld [tilespmem:s11+$0x20];
	[tilespmem:s10+$0x0] =	vst v34;
	v37 =	vpop (erf)  }
0x41b: {  	v38 =	vld [tilespmem:s5+$0x10];
	[tilespmem:s0+$0xFFFFFFF0] =	vst v35;
	v3 =	vpop (erf)  }
0x41c: {  	[tilespmem:s6+$0xFFFFFFE0] =	vst v37;
	v39 =	vld [tilespmem:s28+$0x0];
	v40 =	vpop (erf)  }
0x41d: {  	v41 =	vld [tilespmem:s16+$0xFFFFFFF0];
	[tilespmem:s18+$0x20] =	vst v40;
	v42 =	vpop (erf)  }
0x41e: {  	v5 =	vmul.f32 $1.442695020e+00, v5;
	v43 =	vld [tilespmem:s25+$0x30];
	[tilespmem:s9+$0x10] =	vst v42;
	v44 =	vpop (erf)  }
0x41f: {  	v6 =	vmul.f32 $1.442695020e+00, v36;
	v45 =	vld [tilespmem:s31+$0x20];
	[tilespmem:s8+$0x0] =	vst v44;
	v46 =	vpop (erf)  }
0x420: {  	v47 =	vmul.f32 $1.442695020e+00, v38;
	(erf) = vpow2.f32 v5;
	v48 =	vld [tilespmem:s30+$0x10];
	[tilespmem:s20+$0xFFFFFFF0] =	vst v46;
	v12 =	vpop (erf)  }
0x421: {  	v4 =	vmul.f32 $1.442695020e+00, v39;
	(erf) = vpow2.f32 v6;
	v49 =	vld [tilespmem:s13+$0x0];
	[tilespmem:s7+$0xFFFFFFE0] =	vst v12  }
0x422: {  	v50 =	vmul.f32 $1.442695020e+00, v41;
	(erf) = vpow2.f32 v47;
	v51 =	vld [tilespmem:s3+$0xFFFFFFF0]  }
0x423: {  	v52 =	vmul.f32 $1.442695020e+00, v43;
	(erf) = vpow2.f32 v4  }
0x424: {  	v53 =	vmul.f32 $1.442695020e+00, v45;
	(erf) = vpow2.f32 v50  }
0x425: {  	v54 =	vmul.f32 $1.442695020e+00, v48;
	(erf) = vpow2.f32 v52  }
0x426: {  	(erf) = vpow2.f32 v53;
	v55 =	vmul.f32 $1.442695020e+00, v49  }
0x427: {  	(erf) = vpow2.f32 v54;
	v56 =	vmul.f32 $1.442695020e+00, v51  }
0x428: {  	(erf) = vpow2.f32 v55  }
0x429: {  	v5 =	vpop (erf);
	(erf) = vpow2.f32 v56  }
0x42a: {  	v57 =	vpop (erf)  }
0x42b: {  	v58 =	vpop (erf)  }
0x42c: {  	[tilespmem:s21+$0x20] =	vst v57;
	v59 =	vpop (erf)  }
0x42d: {  	v60 =	vld [tilespmem:s11+$0x30];
	[tilespmem:s10+$0x10] =	vst v58;
	v61 =	vpop (erf)  }
0x42e: {  	v62 =	vld [tilespmem:s5+$0x20];
	[tilespmem:s0+$0x0] =	vst v59;
	v4 =	vpop (erf)  }
0x42f: {  	v63 =	vld [tilespmem:s28+$0x10];
	[tilespmem:s6+$0xFFFFFFF0] =	vst v61;
	v15 =	vpop (erf)  }
0x430: {  	v16 =	vld [tilespmem:s16+$0x0];
	[tilespmem:s9+$0x20] =	vst v15;
	v17 =	vpop (erf)  }
0x431: {  	v18 =	vld [tilespmem:s31+$0x30];
	[tilespmem:s8+$0x10] =	vst v17;
	v19 =	vpop (erf)  }
0x432: {  	v7 =	vmul.f32 $1.442695020e+00, v60;
	v20 =	vld [tilespmem:s30+$0x20];
	[tilespmem:s20+$0x0] =	vst v19;
	v21 =	vpop (erf)  }
0x433: {  	v8 =	vmul.f32 $1.442695020e+00, v62;
	v13 =	vld [tilespmem:s13+$0x10];
	[tilespmem:s7+$0xFFFFFFF0] =	vst v21  }
0x434: {  	(erf) = vpow2.f32 v7;
	v22 =	vmul.f32 $1.442695020e+00, v63;
	v23 =	vld [tilespmem:s3+$0x0]  }
0x435: {  	(erf) = vpow2.f32 v8;
	v24 =	vmul.f32 $1.442695020e+00, v16  }
0x436: {  	(erf) = vpow2.f32 v22;
	v25 =	vmul.f32 $1.442695020e+00, v18  }
0x437: {  	(erf) = vpow2.f32 v24;
	v26 =	vmul.f32 $1.442695020e+00, v20  }
0x438: {  	(erf) = vpow2.f32 v25;
	v27 =	vmul.f32 $1.442695020e+00, v13  }
0x439: {  	(erf) = vpow2.f32 v26;
	v7 =	vmul.f32 $1.442695020e+00, v23  }
0x43a: {  	(erf) = vpow2.f32 v27  }
0x43b: {  	(erf) = vpow2.f32 v7;
	_ =	sdelay $0x1  }
0x43c: {  	v28 =	vpop (erf)  }
0x43d: {  	v29 =	vpop (erf)  }
0x43e: {  	v30 =	vpop (erf)  }
0x43f: {  	[tilespmem:s10+$0x20] =	vst v29;
	v31 =	vpop (erf)  }
0x440: {  	v32 =	vld [tilespmem:s5+$0x30];
	[tilespmem:s0+$0x10] =	vst v30;
	v33 =	vpop (erf)  }
0x441: {  	v34 =	vld [tilespmem:s28+$0x20];
	[tilespmem:s6+$0x0] =	vst v31;
	v35 =	vpop (erf)  }
0x442: {  	v36 =	vld [tilespmem:s16+$0x10];
	[tilespmem:s8+$0x20] =	vst v35;
	v37 =	vpop (erf)  }
0x443: {  	v38 =	vld [tilespmem:s30+$0x30];
	[tilespmem:s20+$0x10] =	vst v37;
	v39 =	vpop (erf)  }
0x444: {  	v40 =	vld [tilespmem:s13+$0x20];
	[tilespmem:s7+$0x0] =	vst v39  }
0x445: {  	v41 =	vmul.f32 $1.442695020e+00, v32;
	v42 =	vld [tilespmem:s3+$0x10]  }
0x446: {  	v10 =	vmul.f32 $1.442695020e+00, v34  }
0x447: {  	(erf) = vpow2.f32 v41;
	v43 =	vmul.f32 $1.442695020e+00, v36  }
0x448: {  	(erf) = vpow2.f32 v10;
	v44 =	vmul.f32 $1.442695020e+00, v38  }
0x449: {  	(erf) = vpow2.f32 v43;
	v45 =	vmul.f32 $1.442695020e+00, v40  }
0x44a: {  	(erf) = vpow2.f32 v44;
	v9 =	vmul.f32 $1.442695020e+00, v42  }
0x44b: {  	(erf) = vpow2.f32 v45  }
0x44c: {  	(erf) = vpow2.f32 v9;
	_ =	sdelay $0x3  }
0x44d: {  	v46 =	vpop (erf)  }
0x44e: {  	v47 =	vpop (erf)  }
0x44f: {  	v48 =	vpop (erf)  }
0x450: {  	[tilespmem:s0+$0x20] =	vst v47;
	v49 =	vpop (erf)  }
0x451: {  	v50 =	vld [tilespmem:s28+$0x30];
	[tilespmem:s6+$0x10] =	vst v48;
	v51 =	vpop (erf)  }
0x452: {  	v52 =	vld [tilespmem:s16+$0x20];
	[tilespmem:s20+$0x20] =	vst v51;
	v53 =	vpop (erf)  }
0x453: {  	v54 =	vld [tilespmem:s13+$0x30];
	[tilespmem:s7+$0x10] =	vst v53  }
0x454: {  	v10 =	vld [tilespmem:s3+$0x20];
	_ =	sdelay $0x1  }
0x455: {  	v11 =	vmul.f32 $1.442695020e+00, v50  }
0x456: {  	v12 =	vmul.f32 $1.442695020e+00, v52  }
0x457: {  	(erf) = vpow2.f32 v11;
	v55 =	vmul.f32 $1.442695020e+00, v54  }
0x458: {  	(erf) = vpow2.f32 v12;
	v10 =	vmul.f32 $1.442695020e+00, v10  }
0x459: {  	(erf) = vpow2.f32 v55  }
0x45a: {  	(erf) = vpow2.f32 v10;
	_ =	sdelay $0x5  }
0x45b: {  	v56 =	vpop (erf)  }
0x45c: {  	v57 =	vpop (erf)  }
0x45d: {  	v58 =	vpop (erf)  }
0x45e: {  	[tilespmem:s6+$0x20] =	vst v57;
	v59 =	vpop (erf)  }
0x45f: {  	v60 =	vld [tilespmem:s16+$0x30];
	[tilespmem:s7+$0x20] =	vst v59  }
0x460: {  	v11 =	vld [tilespmem:s3+$0x30];
	_ =	sdelay $0x3  }
0x461: {  	[tilespmem:s29+$0x30] =	vst v0;
	v61 =	vmul.f32 $1.442695020e+00, v60  }
0x462: {  	[tilespmem:s1+$0x30] =	vst v1;
	v62 =	vmul.f32 $1.442695020e+00, v11  }
0x463: {  	[tilespmem:s19+$0x30] =	vst v2;
	(erf) = vpow2.f32 v61  }
0x464: {  	[tilespmem:s12+$0x30] =	vst v3;
	(erf) = vpow2.f32 v62  }
0x465: {  	[tilespmem:s15+$0x30] =	vst v5  }
0x466: {  	[tilespmem:s18+$0x30] =	vst v4  }
0x467: {  	[tilespmem:s21+$0x30] =	vst v28  }
0x468: {  	[tilespmem:s9+$0x30] =	vst v33  }
0x469: {  	[tilespmem:s10+$0x30] =	vst v46  }
0x46a: {  	[tilespmem:s8+$0x30] =	vst v49  }
.Ltmp14:
0x46b: {  	[tilespmem:s0+$0x30] =	vst v56;
	(pc) =	sbr.rel @p1 .LBB2_24-.Ltmp14, $4  }
0x46c: {  	[tilespmem:s20+$0x30] =	vst v58;
	v0 =	vpop (erf)  }
0x46d: {  	s30 =	rddreg [dreg:$0x3];
	[tilespmem:s6+$0x30] =	vst v0;
	v63 =	vpop (erf)  }
0x46e: {  	s31 =	simm.s32 $0x17C00;
	s13 =	simm.s32 $0x0;
	s0 =	sadd.s32 s30, s26;
	[tilespmem:s7+$0x30] =	vst v63  }
0x46f: {  	[hbm4b:s0+s13] =	stream.linear.scatter [tilespmem:s31], [sflag:$0xF], $0x1400, $0x38;
	[tilespmem:$0x1A400] =	vst v63  }
.Ltmp15:
0x470: {  	(pc) =	sbr.rel .LBB2_25-.Ltmp15, $4  }
0x471: {  	s0 =	simm.s32 $0x4  }
0x472: {  	_ =	swait.ge [sflag:s0], $0x1400  }
0x473: {  	[sflag:s0] =	ssyncset.done $0x0  }
0x474: {  	[sflag:s0] =	ssyncadd.s32 $0xFFFFEC00  }
.LBB2_24:
0x475: {  	s0 =	smul.u32 $0xA00, s23;
	_ =	sdelay $0x1  }
0x476: {  	s1 =	rddreg [dreg:$0x6];
	s2 =	simm.s32 $0xA0;
	s0 =	sshra.s32 s0, $0x2  }
0x477: {  	s3 =	simm.s32 $0x8C00;
	s29 =	rddreg [dreg:$0x7];
	s0 =	sadd.s32 $0x3C0, s0  }
0x478: {  	[tilespmem:s3], [sflag:$0x3] =	stream.indirect.gather [hbm4b:s1+s2], $0x20, s0, s2, $0xb8;
	[tilespmem:$0x1A400] =	vst v63  }
.Ltmp16:
0x479: {  	s30 =	simm.s32 $0xDC00;
	s31 =	simm.s32 $0x4;
	(pc) =	sbr.rel @p0 .LBB2_26-.Ltmp16, $4  }
0x47a: {  	[tilespmem:s30], [sflag:$0x7] =	stream.indirect.gather [hbm4b:s29+s2], $0x20, s0, s2, $0xb8;
	[tilespmem:$0x1A400] =	vst v63  }
0x47b: {  	_ =	swait.ge [sflag:s31], $0x1400  }
0x47c: {  	[sflag:s31] =	ssyncset.done $0x0  }
0x47d: {  	[sflag:s31] =	ssyncadd.s32 $0xFFFFEC00  }
.LBB2_25:
0x47e: {  	s0 =	simm.s32 $0xC  }
0x47f: {  	_ =	swait.ge [sflag:s0], $0x1400  }
0x480: {  	[sflag:s0] =	ssyncset.done $0x0  }
0x481: {  	[sflag:s0] =	ssyncadd.s32 $0xFFFFEC00  }
.LBB2_26:
0x482: {  	s4 =	simm.s32 $0xA040  }
0x483: {  	v0 =	vld [tilespmem:s4+$0xFFFFFFC0];
	_ =	sdelay $0x3  }
0x484: {  	s0 =	simm.s32 $0x14040  }
0x485: {  	[tilespmem:s0+$0xFFFFFFC0] =	vst v0  }
0x486: {  	v0 =	vld [tilespmem:s4+$0xFFFFFFD0]  }
0x487: {  	s2 =	simm.s32 $0xA0C0  }
0x488: {  	v1 =	vld [tilespmem:s2+$0xFFFFFFC0];
	_ =	sdelay $0x2  }
0x489: {  	[tilespmem:s0+$0xFFFFFFD0] =	vst v0  }
0x48a: {  	s1 =	simm.s32 $0x140C0;
	v0 =	vld [tilespmem:s4+$0xFFFFFFE0]  }
0x48b: {  	[tilespmem:s1+$0xFFFFFFC0] =	vst v1  }
0x48c: {  	v1 =	vld [tilespmem:s2+$0xFFFFFFD0]  }
0x48d: {  	s5 =	simm.s32 $0xA140  }
0x48e: {  	v2 =	vld [tilespmem:s5+$0xFFFFFFC0]  }
0x48f: {  	[tilespmem:s0+$0xFFFFFFE0] =	vst v0  }
0x490: {  	v0 =	vld [tilespmem:s4+$0xFFFFFFF0]  }
0x491: {  	[tilespmem:s1+$0xFFFFFFD0] =	vst v1  }
0x492: {  	s3 =	simm.s32 $0x14140;
	v1 =	vld [tilespmem:s2+$0xFFFFFFE0]  }
0x493: {  	[tilespmem:s3+$0xFFFFFFC0] =	vst v2  }
0x494: {  	s7 =	simm.s32 $0xA1C0;
	v2 =	vld [tilespmem:s5+$0xFFFFFFD0]  }
0x495: {  	[tilespmem:s0+$0xFFFFFFF0] =	vst v0;
	v0 =	vld [tilespmem:s7+$0xFFFFFFC0]  }
0x496: {  	v3 =	vld [tilespmem:s4+$0x0]  }
0x497: {  	[tilespmem:s1+$0xFFFFFFE0] =	vst v1  }
0x498: {  	v1 =	vld [tilespmem:s2+$0xFFFFFFF0]  }
0x499: {  	s6 =	simm.s32 $0x141C0;
	[tilespmem:s3+$0xFFFFFFD0] =	vst v2  }
0x49a: {  	v2 =	vld [tilespmem:s5+$0xFFFFFFE0];
	[tilespmem:s6+$0xFFFFFFC0] =	vst v0  }
0x49b: {  	v0 =	vld [tilespmem:s7+$0xFFFFFFD0];
	[tilespmem:s0+$0x0] =	vst v3  }
0x49c: {  	s8 =	simm.s32 $0xA240;
	v3 =	vld [tilespmem:s4+$0x10]  }
0x49d: {  	[tilespmem:s1+$0xFFFFFFF0] =	vst v1;
	v1 =	vld [tilespmem:s8+$0xFFFFFFC0]  }
0x49e: {  	v4 =	vld [tilespmem:s2+$0x0]  }
0x49f: {  	[tilespmem:s3+$0xFFFFFFE0] =	vst v2  }
0x4a0: {  	v2 =	vld [tilespmem:s5+$0xFFFFFFF0];
	[tilespmem:s6+$0xFFFFFFD0] =	vst v0  }
0x4a1: {  	s9 =	simm.s32 $0x14240;
	v0 =	vld [tilespmem:s7+$0xFFFFFFE0];
	[tilespmem:s0+$0x10] =	vst v3  }
0x4a2: {  	[tilespmem:s9+$0xFFFFFFC0] =	vst v1;
	v1 =	vld [tilespmem:s4+$0x20]  }
0x4a3: {  	[tilespmem:s1+$0x0] =	vst v4;
	v3 =	vld [tilespmem:s8+$0xFFFFFFD0]  }
0x4a4: {  	s10 =	simm.s32 $0xA2C0;
	v4 =	vld [tilespmem:s2+$0x10]  }
0x4a5: {  	[tilespmem:s3+$0xFFFFFFF0] =	vst v2;
	v2 =	vld [tilespmem:s10+$0xFFFFFFC0]  }
0x4a6: {  	v5 =	vld [tilespmem:s5+$0x0];
	[tilespmem:s6+$0xFFFFFFE0] =	vst v0  }
0x4a7: {  	v6 =	vld [tilespmem:s7+$0xFFFFFFF0];
	[tilespmem:s0+$0x20] =	vst v1  }
0x4a8: {  	[tilespmem:s9+$0xFFFFFFD0] =	vst v3;
	v0 =	vld [tilespmem:s4+$0x30]  }
0x4a9: {  	s11 =	simm.s32 $0x142C0;
	[tilespmem:s1+$0x10] =	vst v4;
	v3 =	vld [tilespmem:s8+$0xFFFFFFE0]  }
0x4aa: {  	[tilespmem:s11+$0xFFFFFFC0] =	vst v2;
	v1 =	vld [tilespmem:s2+$0x20]  }
0x4ab: {  	[tilespmem:s3+$0x0] =	vst v5;
	v4 =	vld [tilespmem:s10+$0xFFFFFFD0]  }
0x4ac: {  	s12 =	simm.s32 $0xA340;
	v2 =	vld [tilespmem:s5+$0x10];
	s4 =	simm.s32 $0x14;
	[tilespmem:s6+$0xFFFFFFF0] =	vst v6  }
.LBB2_27:
0x4ad: {  	v5 =	vld [tilespmem:s12+$0xFFFFFFC0];
	[tilespmem:s0+$0x30] =	vst v0;
	s0 =	smov.u32 s1;
	s1 =	smov.u32 s3;
	s3 =	smov.u32 s6  }
0x4ae: {  	s4 =	sadd.s32 $0x4, s4;
	s6 =	smov.u32 s9;
	[tilespmem:s9+$0xFFFFFFE0] =	vst v3;
	v6 =	vld [tilespmem:s7+$0x0];
	s9 =	smov.u32 s11  }
0x4af: {  	p1 =	slt.u32 s4, $0x9C;
	v7 =	vld [tilespmem:s8+$0xFFFFFFF0];
	[tilespmem:s0+$0x20] =	vst v1  }
.Ltmp17:
0x4b0: {  	[tilespmem:s11+$0xFFFFFFD0] =	vst v4;
	v0 =	vld [tilespmem:s2+$0x30];
	s2 =	smov.u32 s5;
	s5 =	smov.u32 s7;
	(pc) =	sbr.rel @p1 .LBB2_27-.Ltmp17, $4  }
0x4b1: {  	s11 =	sadd.s32 $0x80, s11;
	s7 =	smov.u32 s8;
	s8 =	smov.u32 s10;
	v3 =	vld [tilespmem:s10+$0xFFFFFFE0];
	[tilespmem:s1+$0x10] =	vst v2  }
0x4b2: {  	s10 =	smov.u32 s12;
	[tilespmem:s11+$0xFFFFFFC0] =	vst v5;
	v1 =	vld [tilespmem:s2+$0x20]  }
0x4b3: {  	v4 =	vld [tilespmem:s12+$0xFFFFFFD0];
	[tilespmem:s3+$0x0] =	vst v6  }
0x4b4: {  	s12 =	sadd.s32 $0x80, s12;
	[tilespmem:s6+$0xFFFFFFF0] =	vst v7;
	v2 =	vld [tilespmem:s5+$0x10]  }
0x4b5: {  	_ =	sdelay $0x2  }
0x4b6: {  	[tilespmem:s11+$0xFFFFFFD0] =	vst v4  }
0x4b7: {  	v4 =	vld [tilespmem:s10+$0xFFFFFFE0];
	_ =	sdelay $0x4  }
0x4b8: {  	[tilespmem:s11+$0xFFFFFFE0] =	vst v4  }
0x4b9: {  	[tilespmem:s9+$0xFFFFFFE0] =	vst v3;
	v4 =	vld [tilespmem:s10+$0xFFFFFFF0]  }
0x4ba: {  	v3 =	vld [tilespmem:s8+$0xFFFFFFF0]  }
0x4bb: {  	v5 =	vld [tilespmem:s7+$0x0];
	_ =	sdelay $0x2  }
0x4bc: {  	[tilespmem:s11+$0xFFFFFFF0] =	vst v4  }
0x4bd: {  	[tilespmem:s9+$0xFFFFFFF0] =	vst v3;
	v4 =	vld [tilespmem:s10+$0x0]  }
0x4be: {  	[tilespmem:s6+$0x0] =	vst v5;
	v3 =	vld [tilespmem:s8+$0x0]  }
0x4bf: {  	v5 =	vld [tilespmem:s7+$0x10];
	_ =	sdelay $0x1  }
0x4c0: {  	[tilespmem:s3+$0x10] =	vst v2  }
0x4c1: {  	v2 =	vld [tilespmem:s5+$0x20];
	[tilespmem:s11+$0x0] =	vst v4  }
0x4c2: {  	[tilespmem:s9+$0x0] =	vst v3;
	v4 =	vld [tilespmem:s10+$0x10]  }
0x4c3: {  	[tilespmem:s6+$0x10] =	vst v5;
	v3 =	vld [tilespmem:s8+$0x10]  }
0x4c4: {  	v5 =	vld [tilespmem:s7+$0x20]  }
0x4c5: {  	[tilespmem:s1+$0x20] =	vst v1  }
0x4c6: {  	v1 =	vld [tilespmem:s2+$0x30];
	[tilespmem:s3+$0x20] =	vst v2  }
0x4c7: {  	v2 =	vld [tilespmem:s5+$0x30];
	[tilespmem:s11+$0x10] =	vst v4  }
0x4c8: {  	[tilespmem:s9+$0x10] =	vst v3;
	v4 =	vld [tilespmem:s10+$0x20]  }
0x4c9: {  	[tilespmem:s6+$0x20] =	vst v5;
	v3 =	vld [tilespmem:s8+$0x20]  }
0x4ca: {  	[tilespmem:s0+$0x30] =	vst v0;
	v5 =	vld [tilespmem:s7+$0x30]  }
0x4cb: {  	[tilespmem:s1+$0x30] =	vst v1  }
0x4cc: {  	[tilespmem:s3+$0x30] =	vst v2  }
0x4cd: {  	[tilespmem:s11+$0x20] =	vst v4  }
0x4ce: {  	[tilespmem:s9+$0x20] =	vst v3;
	v0 =	vld [tilespmem:s10+$0x30]  }
0x4cf: {  	[tilespmem:s6+$0x30] =	vst v5;
	v3 =	vld [tilespmem:s8+$0x30]  }
0x4d0: {  	s0 =	rddreg [dreg:$0xb]  }
0x4d1: {  	s1 =	rddreg [dreg:$0xe]  }
0x4d2: {  	s0 =	sadd.s32 s1, s0  }
0x4d3: {  	s24 =	sshrl.u32 s0, $0x3;
	[tilespmem:s11+$0x30] =	vst v0;
	s11 =	rddreg [dreg:$0x2]  }
0x4d4: {  	s12 =	simm.s32 $0x14000;
	[tilespmem:s9+$0x30] =	vst v3;
	s0 =	sadd.s32 s11, s24  }
0x4d5: {  	[hbm4b:s0+s13] =	stream.linear.scatter [tilespmem:s12], [sflag:$0xC], $0x1400, $0x38;
	[tilespmem:$0x1A400] =	vst v63  }
0x4d6: {  	s13 =	simm.s32 $0x8  }
0x4d7: {  	_ =	swait.ge [sflag:s13], $0x1400  }
0x4d8: {  	[sflag:s13] =	ssyncset.done $0x0  }
0x4d9: {  	s0 =	simm.s32 @!p0 $0x10;
	[sflag:s13] =	ssyncadd.s32 $0xFFFFEC00  }
0x4da: {  	_ =	swait.ge @!p0 [sflag:s0], $0x1400  }
0x4db: {  	[sflag:s0] =	ssyncset.done @!p0 $0x0  }
0x4dc: {  	s14 =	simm.s32 $0xF040;
	[sflag:s0] =	ssyncadd.s32 @!p0 $0xFFFFEC00  }
0x4dd: {  	v0 =	vld [tilespmem:s14+$0xFFFFFFC0];
	_ =	sdelay $0x4  }
0x4de: {  	v0 =	vmul.f32 $1.442695020e+00, v0  }
0x4df: {  	s31 =	simm.s32 $0xF0C0  }
0x4e0: {  	(erf) = vpow2.f32 v0;
	v0 =	vld [tilespmem:s31+$0xFFFFFFC0];
	_ =	sdelay $0x4  }
0x4e1: {  	v0 =	vmul.f32 $1.442695020e+00, v0;
	_ =	sdelay $0x1  }
0x4e2: {  	(erf) = vpow2.f32 v0;
	_ =	sdelay $0x1  }
0x4e3: {  	s26 =	simm.s32 $0x19040;
	v0 =	vpop (erf)  }
0x4e4: {  	[tilespmem:s26+$0xFFFFFFC0] =	vst v0  }
0x4e5: {  	s2 =	simm.s32 $0xF140;
	v0 =	vld [tilespmem:s14+$0xFFFFFFD0]  }
0x4e6: {  	v1 =	vld [tilespmem:s2+$0xFFFFFFC0];
	_ =	sdelay $0x3  }
0x4e7: {  	s1 =	simm.s32 $0x190C0;
	v0 =	vmul.f32 $1.442695020e+00, v0;
	v2 =	vpop (erf)  }
0x4e8: {  	v1 =	vmul.f32 $1.442695020e+00, v1;
	[tilespmem:s1+$0xFFFFFFC0] =	vst v2  }
0x4e9: {  	(erf) = vpow2.f32 v0;
	v0 =	vld [tilespmem:s31+$0xFFFFFFD0]  }
0x4ea: {  	(erf) = vpow2.f32 v1;
	_ =	sdelay $0x2  }
0x4eb: {  	s22 =	simm.s32 $0xF1C0  }
0x4ec: {  	v1 =	vld [tilespmem:s22+$0xFFFFFFC0];
	v0 =	vmul.f32 $1.442695020e+00, v0;
	_ =	sdelay $0x2  }
0x4ed: {  	(erf) = vpow2.f32 v0  }
0x4ee: {  	v0 =	vpop (erf)  }
0x4ef: {  	s19 =	simm.s32 $0x19140;
	v1 =	vmul.f32 $1.442695020e+00, v1;
	[tilespmem:s26+$0xFFFFFFD0] =	vst v0;
	v0 =	vpop (erf)  }
0x4f0: {  	v2 =	vld [tilespmem:s14+$0xFFFFFFE0];
	[tilespmem:s19+$0xFFFFFFC0] =	vst v0  }
0x4f1: {  	(erf) = vpow2.f32 v1;
	v0 =	vld [tilespmem:s2+$0xFFFFFFD0]  }
0x4f2: {  	s17 =	simm.s32 $0xF240  }
0x4f3: {  	v1 =	vld [tilespmem:s17+$0xFFFFFFC0];
	_ =	sdelay $0x2  }
0x4f4: {  	v2 =	vmul.f32 $1.442695020e+00, v2;
	v3 =	vpop (erf);
	v0 =	vmul.f32 $1.442695020e+00, v0  }
0x4f5: {  	[tilespmem:s1+$0xFFFFFFD0] =	vst v3  }
0x4f6: {  	v1 =	vmul.f32 $1.442695020e+00, v1;
	(erf) = vpow2.f32 v2;
	v2 =	vld [tilespmem:s31+$0xFFFFFFE0]  }
0x4f7: {  	(erf) = vpow2.f32 v0  }
0x4f8: {  	s12 =	simm.s32 $0x191C0;
	(erf) = vpow2.f32 v1;
	v0 =	vpop (erf)  }
0x4f9: {  	[tilespmem:s12+$0xFFFFFFC0] =	vst v0  }
0x4fa: {  	v0 =	vld [tilespmem:s22+$0xFFFFFFD0]  }
0x4fb: {  	s25 =	simm.s32 $0xF2C0;
	v2 =	vmul.f32 $1.442695020e+00, v2  }
0x4fc: {  	v1 =	vld [tilespmem:s25+$0xFFFFFFC0];
	_ =	sdelay $0x2  }
0x4fd: {  	(erf) = vpow2.f32 v2;
	v2 =	vpop (erf);
	v0 =	vmul.f32 $1.442695020e+00, v0  }
0x4fe: {  	[tilespmem:s26+$0xFFFFFFE0] =	vst v2;
	v2 =	vpop (erf)  }
0x4ff: {  	s15 =	simm.s32 $0x19240;
	v1 =	vmul.f32 $1.442695020e+00, v1;
	[tilespmem:s19+$0xFFFFFFD0] =	vst v2;
	v2 =	vpop (erf);
	(erf) = vpow2.f32 v0;
	v0 =	vld [tilespmem:s14+$0xFFFFFFF0]  }
0x500: {  	v3 =	vld [tilespmem:s2+$0xFFFFFFE0];
	[tilespmem:s15+$0xFFFFFFC0] =	vst v2  }
0x501: {  	(erf) = vpow2.f32 v1;
	v1 =	vld [tilespmem:s17+$0xFFFFFFD0];
	_ =	sdelay $0x2  }
0x502: {  	s11 =	simm.s32 $0xF340  }
0x503: {  	v2 =	vld [tilespmem:s11+$0xFFFFFFC0];
	v0 =	vmul.f32 $1.442695020e+00, v0;
	v3 =	vmul.f32 $1.442695020e+00, v3  }
0x504: {  	v1 =	vmul.f32 $1.442695020e+00, v1  }
0x505: {  	v4 =	vpop (erf);
	(erf) = vpow2.f32 v0  }
0x506: {  	[tilespmem:s1+$0xFFFFFFE0] =	vst v4;
	(erf) = vpow2.f32 v3  }
0x507: {  	v0 =	vld [tilespmem:s31+$0xFFFFFFF0];
	v3 =	vpop (erf)  }
0x508: {  	s18 =	simm.s32 $0x192C0;
	v2 =	vmul.f32 $1.442695020e+00, v2;
	(erf) = vpow2.f32 v1;
	[tilespmem:s12+$0xFFFFFFD0] =	vst v3;
	v1 =	vpop (erf)  }
0x509: {  	v3 =	vld [tilespmem:s22+$0xFFFFFFE0];
	[tilespmem:s18+$0xFFFFFFC0] =	vst v1  }
0x50a: {  	(erf) = vpow2.f32 v2;
	v1 =	vld [tilespmem:s25+$0xFFFFFFD0];
	_ =	sdelay $0x1  }
0x50b: {  	v0 =	vmul.f32 $1.442695020e+00, v0  }
0x50c: {  	s29 =	simm.s32 $0xF3C0  }
0x50d: {  	(erf) = vpow2.f32 v0;
	v0 =	vld [tilespmem:s29+$0xFFFFFFC0];
	v2 =	vmul.f32 $1.442695020e+00, v3;
	v3 =	vpop (erf)  }
0x50e: {  	[tilespmem:s26+$0xFFFFFFF0] =	vst v3;
	v3 =	vpop (erf);
	v1 =	vmul.f32 $1.442695020e+00, v1  }
0x50f: {  	(erf) = vpow2.f32 v2;
	v2 =	vld [tilespmem:s14+$0x0];
	[tilespmem:s19+$0xFFFFFFE0] =	vst v3  }
0x510: {  	v3 =	vpop (erf);
	(erf) = vpow2.f32 v1;
	v1 =	vld [tilespmem:s2+$0xFFFFFFF0]  }
0x511: {  	[tilespmem:s15+$0xFFFFFFD0] =	vst v3  }
0x512: {  	s21 =	simm.s32 $0x19340;
	v0 =	vmul.f32 $1.442695020e+00, v0;
	v3 =	vpop (erf);
	v4 =	vld [tilespmem:s17+$0xFFFFFFE0]  }
0x513: {  	[tilespmem:s21+$0xFFFFFFC0] =	vst v3  }
0x514: {  	s5 =	simm.s32 $0xF440;
	(erf) = vpow2.f32 v0;
	v0 =	vld [tilespmem:s11+$0xFFFFFFD0];
	v2 =	vmul.f32 $1.442695020e+00, v2  }
0x515: {  	v3 =	vld [tilespmem:s5+$0xFFFFFFC0];
	v1 =	vmul.f32 $1.442695020e+00, v1  }
0x516: {  	v5 =	vpop (erf);
	(erf) = vpow2.f32 v2  }
0x517: {  	[tilespmem:s1+$0xFFFFFFF0] =	vst v5;
	v4 =	vmul.f32 $1.442695020e+00, v4;
	(erf) = vpow2.f32 v1  }
0x518: {  	v2 =	vld [tilespmem:s31+$0x0];
	v5 =	vpop (erf)  }
0x519: {  	v0 =	vmul.f32 $1.442695020e+00, v0;
	(erf) = vpow2.f32 v4;
	[tilespmem:s12+$0xFFFFFFE0] =	vst v5;
	v1 =	vpop (erf)  }
0x51a: {  	v3 =	vmul.f32 $1.442695020e+00, v3;
	v4 =	vld [tilespmem:s22+$0xFFFFFFF0];
	[tilespmem:s18+$0xFFFFFFD0] =	vst v1  }
0x51b: {  	(erf) = vpow2.f32 v0;
	v0 =	vld [tilespmem:s25+$0xFFFFFFE0]  }
0x51c: {  	(erf) = vpow2.f32 v3  }
0x51d: {  	s9 =	simm.s32 $0x193C0;
	v1 =	vmul.f32 $1.442695020e+00, v2;
	v2 =	vpop (erf)  }
0x51e: {  	[tilespmem:s9+$0xFFFFFFC0] =	vst v2  }
0x51f: {  	s30 =	simm.s32 $0xF4C0;
	(erf) = vpow2.f32 v1;
	v1 =	vld [tilespmem:s29+$0xFFFFFFD0];
	v2 =	vpop (erf);
	v3 =	vmul.f32 $1.442695020e+00, v4  }
0x520: {  	v4 =	vld [tilespmem:s30+$0xFFFFFFC0];
	[tilespmem:s26+$0x0] =	vst v2;
	v0 =	vmul.f32 $1.442695020e+00, v0;
	v2 =	vpop (erf)  }
0x521: {  	v5 =	vld [tilespmem:s14+$0x10];
	(erf) = vpow2.f32 v3;
	[tilespmem:s19+$0xFFFFFFF0] =	vst v2  }
0x522: {  	v2 =	vpop (erf);
	(erf) = vpow2.f32 v0;
	v0 =	vld [tilespmem:s2+$0x0];
	_ =	sdelay $0x1  }
0x523: {  	v1 =	vmul.f32 $1.442695020e+00, v1;
	[tilespmem:s15+$0xFFFFFFE0] =	vst v2;
	v2 =	vpop (erf)  }
0x524: {  	s10 =	simm.s32 $0x19440;
	[tilespmem:s21+$0xFFFFFFD0] =	vst v2;
	v2 =	vld [tilespmem:s17+$0xFFFFFFF0];
	v3 =	vmul.f32 $1.442695020e+00, v4;
	v4 =	vpop (erf)  }
0x525: {  	(erf) = vpow2.f32 v1;
	v1 =	vld [tilespmem:s11+$0xFFFFFFE0];
	[tilespmem:s10+$0xFFFFFFC0] =	vst v4;
	v5 =	vmul.f32 $1.442695020e+00, v5  }
0x526: {  	s28 =	simm.s32 $0xF540;
	(erf) = vpow2.f32 v3;
	v3 =	vld [tilespmem:s5+$0xFFFFFFD0];
	v0 =	vmul.f32 $1.442695020e+00, v0  }
0x527: {  	(erf) = vpow2.f32 v5;
	v5 =	vld [tilespmem:s28+$0xFFFFFFC0]  }
0x528: {  	v4 =	vpop (erf)  }
0x529: {  	[tilespmem:s1+$0x0] =	vst v4;
	v2 =	vmul.f32 $1.442695020e+00, v2  }
0x52a: {  	v4 =	vld [tilespmem:s31+$0x10];
	(erf) = vpow2.f32 v0;
	v0 =	vpop (erf)  }
0x52b: {  	v1 =	vmul.f32 $1.442695020e+00, v1;
	[tilespmem:s12+$0xFFFFFFF0] =	vst v0;
	v0 =	vpop (erf);
	(erf) = vpow2.f32 v2  }
0x52c: {  	v2 =	vmul.f32 $1.442695020e+00, v3;
	[tilespmem:s18+$0xFFFFFFE0] =	vst v0;
	v0 =	vmul.f32 $1.442695020e+00, v5  }
0x52d: {  	(erf) = vpow2.f32 v1  }
0x52e: {  	v3 =	vld [tilespmem:s22+$0x0];
	(erf) = vpow2.f32 v2  }
0x52f: {  	v1 =	vld [tilespmem:s25+$0xFFFFFFF0];
	v2 =	vmul.f32 $1.442695020e+00, v4;
	v4 =	vpop (erf);
	(erf) = vpow2.f32 v0  }
0x530: {  	s8 =	simm.s32 $0x194C0;
	[tilespmem:s9+$0xFFFFFFD0] =	vst v4;
	v0 =	vpop (erf)  }
0x531: {  	(erf) = vpow2.f32 v2;
	v2 =	vld [tilespmem:s29+$0xFFFFFFE0];
	[tilespmem:s8+$0xFFFFFFC0] =	vst v0;
	v0 =	vpop (erf)  }
0x532: {  	v4 =	vld [tilespmem:s30+$0xFFFFFFD0];
	[tilespmem:s26+$0x10] =	vst v0  }
0x533: {  	v3 =	vmul.f32 $1.442695020e+00, v3;
	v5 =	vld [tilespmem:s14+$0x20]  }
0x534: {  	s13 =	simm.s32 $0xF5C0;
	v0 =	vpop (erf);
	v1 =	vmul.f32 $1.442695020e+00, v1  }
0x535: {  	(erf) = vpow2.f32 v3;
	v3 =	vld [tilespmem:s13+$0xFFFFFFC0];
	[tilespmem:s19+$0x0] =	vst v0;
	v0 =	vpop (erf)  }
0x536: {  	v6 =	vld [tilespmem:s2+$0x10];
	(erf) = vpow2.f32 v1;
	v1 =	vmul.f32 $1.442695020e+00, v2;
	v2 =	vpop (erf);
	[tilespmem:s15+$0xFFFFFFF0] =	vst v0  }
0x537: {  	[tilespmem:s21+$0xFFFFFFE0] =	vst v2;
	v2 =	vld [tilespmem:s17+$0x0];
	v0 =	vmul.f32 $1.442695020e+00, v4;
	v4 =	vpop (erf)  }
0x538: {  	s0 =	simm.s32 $0x19540;
	(erf) = vpow2.f32 v1;
	v1 =	vmul.f32 $1.442695020e+00, v5;
	[tilespmem:s10+$0xFFFFFFD0] =	vst v4;
	v5 =	vpop (erf)  }
0x539: {  	v4 =	vld [tilespmem:s11+$0xFFFFFFF0];
	(erf) = vpow2.f32 v0;
	[tilespmem:s0+$0xFFFFFFC0] =	vst v5  }
0x53a: {  	v3 =	vmul.f32 $1.442695020e+00, v3;
	v5 =	vpop (erf);
	(erf) = vpow2.f32 v1;
	v1 =	vld [tilespmem:s28+$0xFFFFFFD0]  }
0x53b: {  	v0 =	vld [tilespmem:s5+$0xFFFFFFE0];
	v6 =	vmul.f32 $1.442695020e+00, v6;
	[tilespmem:s1+$0x10] =	vst v5  }
0x53c: {  	(erf) = vpow2.f32 v3;
	v3 =	vld [tilespmem:s31+$0x20];
	v2 =	vmul.f32 $1.442695020e+00, v2;
	_ =	sdelay $0x1  }
0x53d: {  	(erf) = vpow2.f32 v6;
	v4 =	vmul.f32 $1.442695020e+00, v4  }
0x53e: {  	s16 =	simm.s32 $0xF640;
	v5 =	vpop (erf);
	(erf) = vpow2.f32 v2;
	v1 =	vmul.f32 $1.442695020e+00, v1  }
0x53f: {  	v6 =	vld [tilespmem:s16+$0xFFFFFFC0];
	[tilespmem:s12+$0x0] =	vst v5;
	v0 =	vmul.f32 $1.442695020e+00, v0;
	v2 =	vpop (erf)  }
0x540: {  	v5 =	vld [tilespmem:s22+$0x10];
	(erf) = vpow2.f32 v4;
	[tilespmem:s18+$0xFFFFFFF0] =	vst v2;
	v2 =	vmul.f32 $1.442695020e+00, v3  }
0x541: {  	(erf) = vpow2.f32 v0;
	v3 =	vpop (erf);
	v0 =	vld [tilespmem:s25+$0x0]  }
0x542: {  	(erf) = vpow2.f32 v1;
	[tilespmem:s9+$0xFFFFFFE0] =	vst v3;
	v1 =	vpop (erf)  }
0x543: {  	[tilespmem:s8+$0xFFFFFFD0] =	vst v1;
	v1 =	vld [tilespmem:s29+$0xFFFFFFF0]  }
0x544: {  	v3 =	vmul.f32 $1.442695020e+00, v6;
	(erf) = vpow2.f32 v2;
	v2 =	vpop (erf);
	v6 =	vld [tilespmem:s30+$0xFFFFFFE0]  }
0x545: {  	s20 =	simm.s32 $0x195C0;
	v4 =	vmul.f32 $1.442695020e+00, v5;
	v5 =	vpop (erf);
	[tilespmem:s26+$0x20] =	vst v2  }
0x546: {  	(erf) = vpow2.f32 v3;
	[tilespmem:s20+$0xFFFFFFC0] =	vst v5;
	v2 =	vpop (erf);
	v3 =	vld [tilespmem:s14+$0x30];
	v0 =	vmul.f32 $1.442695020e+00, v0  }
0x547: {  	(erf) = vpow2.f32 v4;
	v4 =	vld [tilespmem:s13+$0xFFFFFFD0];
	[tilespmem:s19+$0x10] =	vst v2;
	v2 =	vpop (erf)  }
0x548: {  	v5 =	vld [tilespmem:s2+$0x20];
	(erf) = vpow2.f32 v0;
	[tilespmem:s15+$0x0] =	vst v2  }
0x549: {  	s3 =	simm.s32 $0xF6C0;
	v0 =	vmul.f32 $1.442695020e+00, v1;
	v2 =	vmul.f32 $1.442695020e+00, v6;
	v6 =	vld [tilespmem:s17+$0x10]  }
0x54a: {  	v7 =	vld [tilespmem:s3+$0xFFFFFFC0]  }
0x54b: {  	v1 =	vpop (erf);
	(erf) = vpow2.f32 v0  }
0x54c: {  	v8 =	vpop (erf);
	[tilespmem:s21+$0xFFFFFFF0] =	vst v1;
	v0 =	vmul.f32 $1.442695020e+00, v3;
	v4 =	vmul.f32 $1.442695020e+00, v4  }
0x54d: {  	v3 =	vld [tilespmem:s11+$0x0];
	v1 =	vpop (erf);
	[tilespmem:s10+$0xFFFFFFE0] =	vst v8;
	(erf) = vpow2.f32 v2;
	v5 =	vmul.f32 $1.442695020e+00, v5  }
0x54e: {  	[tilespmem:s0+$0xFFFFFFD0] =	vst v1;
	(erf) = vpow2.f32 v0;
	v0 =	vld [tilespmem:s5+$0xFFFFFFF0];
	v2 =	vpop (erf);
	v6 =	vmul.f32 $1.442695020e+00, v6  }
0x54f: {  	s7 =	simm.s32 $0x19640;
	(erf) = vpow2.f32 v4;
	v4 =	vld [tilespmem:s28+$0xFFFFFFE0];
	[tilespmem:s1+$0x20] =	vst v2;
	v2 =	vmul.f32 $1.442695020e+00, v7;
	v7 =	vpop (erf)  }
0x550: {  	(erf) = vpow2.f32 v5;
	v1 =	vld [tilespmem:s31+$0x30];
	[tilespmem:s7+$0xFFFFFFC0] =	vst v7;
	v7 =	vpop (erf)  }
0x551: {  	s4 =	simm.s32 $0xF740;
	(erf) = vpow2.f32 v2;
	v2 =	vld [tilespmem:s16+$0xFFFFFFD0];
	[tilespmem:s12+$0x10] =	vst v7  }
0x552: {  	s6 =	simm.s32 $0x19640;
	s14 =	simm.s32 $0x34;
	v5 =	vmul.f32 $1.442695020e+00, v3;
	(erf) = vpow2.f32 v6;
	v3 =	vld [tilespmem:s22+$0x20];
	v6 =	vpop (erf)  }
.LBB2_29:
0x553: {  	s31 =	smov.u32 s17;
	s17 =	smov.u32 s25;
	s25 =	smov.u32 s11  }
0x554: {  	v7 =	vld [tilespmem:s4+$0xFFFFFFC0];
	v0 =	vmul.f32 $1.442695020e+00, v0;
	(erf) = vpow2.f32 v5;
	[tilespmem:s18+$0x0] =	vst v6;
	s11 =	smov.u32 s29;
	s29 =	smov.u32 s5;
	s5 =	smov.u32 s30  }
0x555: {  	s14 =	sadd.s32 $0x4, s14;
	s30 =	smov.u32 s28;
	s28 =	smov.u32 s13;
	v9 =	vmul.f32 $1.442695020e+00, v4;
	v5 =	vpop (erf);
	v6 =	vld [tilespmem:s17+$0x10]  }
0x556: {  	s13 =	smov.u32 s16;
	s16 =	smov.u32 s3;
	p0 =	slt.u32 s14, $0x9C;
	v8 =	vpop (erf);
	(erf) = vpow2.f32 v0;
	[tilespmem:s9+$0xFFFFFFF0] =	vst v5;
	v0 =	vmul.f32 $1.442695020e+00, v1  }
0x557: {  	s3 =	smov.u32 s4;
	v10 =	vmul.f32 $1.442695020e+00, v2;
	(erf) = vpow2.f32 v9;
	[tilespmem:s8+$0xFFFFFFE0] =	vst v8;
	v5 =	vld [tilespmem:s11+$0x0];
	v2 =	vpop (erf)  }
0x558: {  	v4 =	vpop (erf);
	v8 =	vmul.f32 $1.442695020e+00, v3;
	(erf) = vpow2.f32 v0;
	[tilespmem:s26+$0x30] =	vst v2;
	s26 =	smov.u32 s1;
	s1 =	smov.u32 s19;
	s19 =	smov.u32 s12  }
.Ltmp18:
0x559: {  	s12 =	smov.u32 s15;
	s15 =	smov.u32 s18;
	v2 =	vmul.f32 $1.442695020e+00, v7;
	(erf) = vpow2.f32 v10;
	[tilespmem:s20+$0xFFFFFFD0] =	vst v4;
	v0 =	vld [tilespmem:s5+$0xFFFFFFF0];
	v1 =	vpop (erf);
	(pc) =	sbr.rel @p0 .LBB2_29-.Ltmp18, $4  }
0x55a: {  	s7 =	sadd.s32 $0x80, s7;
	s18 =	smov.u32 s21;
	s21 =	smov.u32 s9;
	v7 =	vpop (erf);
	v4 =	vld [tilespmem:s28+$0xFFFFFFE0];
	v9 =	vmul.f32 $1.442695020e+00, v6;
	(erf) = vpow2.f32 v8;
	[tilespmem:s1+$0x20] =	vst v1  }
0x55b: {  	s9 =	smov.u32 s10;
	s10 =	smov.u32 s8;
	s8 =	smov.u32 s0;
	(erf) = vpow2.f32 v2;
	[tilespmem:s7+$0xFFFFFFC0] =	vst v7;
	v3 =	vpop (erf);
	v1 =	vld [tilespmem:s2+$0x30]  }
0x55c: {  	s0 =	smov.u32 s20;
	s20 =	smov.u32 s6;
	s6 =	smov.u32 s7;
	v2 =	vld [tilespmem:s16+$0xFFFFFFD0];
	v5 =	vmul.f32 $1.442695020e+00, v5;
	(erf) = vpow2.f32 v9;
	[tilespmem:s12+$0x10] =	vst v3  }
0x55d: {  	s4 =	sadd.s32 $0x80, s4;
	s2 =	smov.u32 s22;
	s22 =	smov.u32 s31;
	v6 =	vpop (erf);
	v3 =	vld [tilespmem:s31+$0x20]  }
0x55e: {  	_ = 	snop  }
0x55f: {  	v7 =	vpop (erf)  }
0x560: {  	[tilespmem:s18+$0x0] =	vst v6;
	v46 =	vpop (erf)  }
0x561: {  	v8 =	vmul.f32 $1.442695020e+00, v0;
	v9 =	vld [tilespmem:s25+$0x10];
	[tilespmem:s9+$0xFFFFFFF0] =	vst v7;
	v0 =	vpop (erf)  }
0x562: {  	(erf) = vpow2.f32 v5;
	v4 =	vmul.f32 $1.442695020e+00, v4;
	[tilespmem:s8+$0xFFFFFFE0] =	vst v46;
	v47 =	vld [tilespmem:s29+$0x0];
	v48 =	vpop (erf)  }
0x563: {  	v1 =	vmul.f32 $1.442695020e+00, v1;
	(erf) = vpow2.f32 v8;
	v49 =	vld [tilespmem:s30+$0xFFFFFFF0];
	[tilespmem:s20+$0xFFFFFFD0] =	vst v48;
	v50 =	vpop (erf)  }
0x564: {  	s7 =	sadd.s32 $0x80, s7;
	v2 =	vmul.f32 $1.442695020e+00, v2;
	(erf) = vpow2.f32 v4;
	v51 =	vpop (erf);
	v52 =	vld [tilespmem:s13+$0xFFFFFFE0];
	[tilespmem:s19+$0x20] =	vst v50  }
0x565: {  	v3 =	vmul.f32 $1.442695020e+00, v3;
	(erf) = vpow2.f32 v1;
	v7 =	vld [tilespmem:s2+$0x30];
	[tilespmem:s7+$0xFFFFFFC0] =	vst v51  }
0x566: {  	(erf) = vpow2.f32 v2;
	v53 =	vmul.f32 $1.442695020e+00, v9;
	v54 =	vld [tilespmem:s3+$0xFFFFFFD0]  }
0x567: {  	(erf) = vpow2.f32 v3;
	v55 =	vmul.f32 $1.442695020e+00, v47  }
0x568: {  	(erf) = vpow2.f32 v53;
	v56 =	vmul.f32 $1.442695020e+00, v49  }
0x569: {  	(erf) = vpow2.f32 v55;
	v57 =	vmul.f32 $1.442695020e+00, v52  }
0x56a: {  	v58 =	vpop (erf);
	(erf) = vpow2.f32 v56;
	v59 =	vmul.f32 $1.442695020e+00, v7  }
0x56b: {  	[tilespmem:s15+$0x10] =	vst v58;
	v60 =	vpop (erf);
	v2 =	vmul.f32 $1.442695020e+00, v54;
	(erf) = vpow2.f32 v57  }
0x56c: {  	v63 =	vld [tilespmem:s17+$0x20];
	v61 =	vpop (erf);
	(erf) = vpow2.f32 v59  }
0x56d: {  	v62 =	vpop (erf);
	(erf) = vpow2.f32 v2  }
0x56e: {  	[tilespmem:s21+$0x0] =	vst v60;
	v1 =	vpop (erf)  }
0x56f: {  	v5 =	vld [tilespmem:s11+$0x10];
	[tilespmem:s10+$0xFFFFFFF0] =	vst v61;
	v11 =	vpop (erf)  }
0x570: {  	[tilespmem:s0+$0xFFFFFFE0] =	vst v62;
	v12 =	vld [tilespmem:s5+$0x0];
	v13 =	vpop (erf)  }
0x571: {  	v14 =	vld [tilespmem:s28+$0xFFFFFFF0];
	v2 =	vmul.f32 $1.442695020e+00, v63;
	[tilespmem:s6+$0xFFFFFFD0] =	vst v11;
	v15 =	vpop (erf)  }
0x572: {  	v16 =	vld [tilespmem:s16+$0xFFFFFFE0];
	[tilespmem:s12+$0x20] =	vst v13;
	v17 =	vpop (erf)  }
0x573: {  	v18 =	vld [tilespmem:s22+$0x30];
	[tilespmem:s18+$0x10] =	vst v15;
	v19 =	vpop (erf)  }
0x574: {  	v5 =	vmul.f32 $1.442695020e+00, v5;
	v10 =	vld [tilespmem:s25+$0x20];
	[tilespmem:s9+$0x0] =	vst v17;
	v20 =	vpop (erf)  }
0x575: {  	v4 =	vmul.f32 $1.442695020e+00, v12;
	(erf) = vpow2.f32 v2;
	v11 =	vld [tilespmem:s29+$0x10];
	[tilespmem:s8+$0xFFFFFFF0] =	vst v19;
	v2 =	vpop (erf)  }
0x576: {  	v3 =	vmul.f32 $1.442695020e+00, v14;
	(erf) = vpow2.f32 v5;
	v21 =	vld [tilespmem:s30+$0x0];
	[tilespmem:s20+$0xFFFFFFE0] =	vst v20;
	v22 =	vpop (erf)  }
0x577: {  	v23 =	vmul.f32 $1.442695020e+00, v16;
	(erf) = vpow2.f32 v4;
	v24 =	vld [tilespmem:s13+$0xFFFFFFF0];
	[tilespmem:s7+$0xFFFFFFD0] =	vst v22  }
0x578: {  	v25 =	vmul.f32 $1.442695020e+00, v18;
	(erf) = vpow2.f32 v3;
	v26 =	vld [tilespmem:s3+$0xFFFFFFE0]  }
0x579: {  	v27 =	vmul.f32 $1.442695020e+00, v10;
	(erf) = vpow2.f32 v23  }
0x57a: {  	(erf) = vpow2.f32 v25;
	v28 =	vmul.f32 $1.442695020e+00, v11  }
0x57b: {  	(erf) = vpow2.f32 v27;
	v29 =	vmul.f32 $1.442695020e+00, v21  }
0x57c: {  	(erf) = vpow2.f32 v28;
	v30 =	vmul.f32 $1.442695020e+00, v24  }
0x57d: {  	(erf) = vpow2.f32 v29;
	v31 =	vmul.f32 $1.442695020e+00, v26  }
0x57e: {  	v32 =	vpop (erf);
	(erf) = vpow2.f32 v30  }
0x57f: {  	v33 =	vpop (erf);
	(erf) = vpow2.f32 v31  }
0x580: {  	[tilespmem:s15+$0x20] =	vst v32;
	v34 =	vpop (erf)  }
0x581: {  	v5 =	vld [tilespmem:s17+$0x30];
	[tilespmem:s21+$0x10] =	vst v33;
	v35 =	vpop (erf)  }
0x582: {  	v36 =	vld [tilespmem:s11+$0x20];
	[tilespmem:s10+$0x0] =	vst v34;
	v37 =	vpop (erf)  }
0x583: {  	v38 =	vld [tilespmem:s5+$0x10];
	[tilespmem:s0+$0xFFFFFFF0] =	vst v35;
	v3 =	vpop (erf)  }
0x584: {  	[tilespmem:s6+$0xFFFFFFE0] =	vst v37;
	v39 =	vld [tilespmem:s28+$0x0];
	v40 =	vpop (erf)  }
0x585: {  	v41 =	vld [tilespmem:s16+$0xFFFFFFF0];
	[tilespmem:s18+$0x20] =	vst v40;
	v42 =	vpop (erf)  }
0x586: {  	v5 =	vmul.f32 $1.442695020e+00, v5;
	v43 =	vld [tilespmem:s25+$0x30];
	[tilespmem:s9+$0x10] =	vst v42;
	v44 =	vpop (erf)  }
0x587: {  	v6 =	vmul.f32 $1.442695020e+00, v36;
	v45 =	vld [tilespmem:s29+$0x20];
	[tilespmem:s8+$0x0] =	vst v44;
	v46 =	vpop (erf)  }
0x588: {  	v47 =	vmul.f32 $1.442695020e+00, v38;
	(erf) = vpow2.f32 v5;
	v48 =	vld [tilespmem:s30+$0x10];
	[tilespmem:s20+$0xFFFFFFF0] =	vst v46;
	v12 =	vpop (erf)  }
0x589: {  	v4 =	vmul.f32 $1.442695020e+00, v39;
	(erf) = vpow2.f32 v6;
	v49 =	vld [tilespmem:s13+$0x0];
	[tilespmem:s7+$0xFFFFFFE0] =	vst v12  }
0x58a: {  	v50 =	vmul.f32 $1.442695020e+00, v41;
	(erf) = vpow2.f32 v47;
	v51 =	vld [tilespmem:s3+$0xFFFFFFF0]  }
0x58b: {  	v52 =	vmul.f32 $1.442695020e+00, v43;
	(erf) = vpow2.f32 v4  }
0x58c: {  	v53 =	vmul.f32 $1.442695020e+00, v45;
	(erf) = vpow2.f32 v50  }
0x58d: {  	v54 =	vmul.f32 $1.442695020e+00, v48;
	(erf) = vpow2.f32 v52  }
0x58e: {  	(erf) = vpow2.f32 v53;
	v55 =	vmul.f32 $1.442695020e+00, v49  }
0x58f: {  	(erf) = vpow2.f32 v54;
	v56 =	vmul.f32 $1.442695020e+00, v51  }
0x590: {  	(erf) = vpow2.f32 v55  }
0x591: {  	v5 =	vpop (erf);
	(erf) = vpow2.f32 v56  }
0x592: {  	v57 =	vpop (erf)  }
0x593: {  	v58 =	vpop (erf)  }
0x594: {  	[tilespmem:s21+$0x20] =	vst v57;
	v59 =	vpop (erf)  }
0x595: {  	v60 =	vld [tilespmem:s11+$0x30];
	[tilespmem:s10+$0x10] =	vst v58;
	v61 =	vpop (erf)  }
0x596: {  	v62 =	vld [tilespmem:s5+$0x20];
	[tilespmem:s0+$0x0] =	vst v59;
	v4 =	vpop (erf)  }
0x597: {  	v63 =	vld [tilespmem:s28+$0x10];
	[tilespmem:s6+$0xFFFFFFF0] =	vst v61;
	v15 =	vpop (erf)  }
0x598: {  	v16 =	vld [tilespmem:s16+$0x0];
	[tilespmem:s9+$0x20] =	vst v15;
	v17 =	vpop (erf)  }
0x599: {  	v18 =	vld [tilespmem:s29+$0x30];
	[tilespmem:s8+$0x10] =	vst v17;
	v19 =	vpop (erf)  }
0x59a: {  	v7 =	vmul.f32 $1.442695020e+00, v60;
	v20 =	vld [tilespmem:s30+$0x20];
	[tilespmem:s20+$0x0] =	vst v19;
	v21 =	vpop (erf)  }
0x59b: {  	v8 =	vmul.f32 $1.442695020e+00, v62;
	v13 =	vld [tilespmem:s13+$0x10];
	[tilespmem:s7+$0xFFFFFFF0] =	vst v21  }
0x59c: {  	(erf) = vpow2.f32 v7;
	v22 =	vmul.f32 $1.442695020e+00, v63;
	v23 =	vld [tilespmem:s3+$0x0]  }
0x59d: {  	(erf) = vpow2.f32 v8;
	v24 =	vmul.f32 $1.442695020e+00, v16  }
0x59e: {  	(erf) = vpow2.f32 v22;
	v25 =	vmul.f32 $1.442695020e+00, v18  }
0x59f: {  	(erf) = vpow2.f32 v24;
	v26 =	vmul.f32 $1.442695020e+00, v20  }
0x5a0: {  	(erf) = vpow2.f32 v25;
	v27 =	vmul.f32 $1.442695020e+00, v13  }
0x5a1: {  	(erf) = vpow2.f32 v26;
	v7 =	vmul.f32 $1.442695020e+00, v23  }
0x5a2: {  	(erf) = vpow2.f32 v27  }
0x5a3: {  	(erf) = vpow2.f32 v7;
	_ =	sdelay $0x1  }
0x5a4: {  	v28 =	vpop (erf)  }
0x5a5: {  	v29 =	vpop (erf)  }
0x5a6: {  	v30 =	vpop (erf)  }
0x5a7: {  	[tilespmem:s10+$0x20] =	vst v29;
	v31 =	vpop (erf)  }
0x5a8: {  	v32 =	vld [tilespmem:s5+$0x30];
	[tilespmem:s0+$0x10] =	vst v30;
	v33 =	vpop (erf)  }
0x5a9: {  	v34 =	vld [tilespmem:s28+$0x20];
	[tilespmem:s6+$0x0] =	vst v31;
	v35 =	vpop (erf)  }
0x5aa: {  	v36 =	vld [tilespmem:s16+$0x10];
	[tilespmem:s8+$0x20] =	vst v35;
	v37 =	vpop (erf)  }
0x5ab: {  	v38 =	vld [tilespmem:s30+$0x30];
	[tilespmem:s20+$0x10] =	vst v37;
	v39 =	vpop (erf)  }
0x5ac: {  	v40 =	vld [tilespmem:s13+$0x20];
	[tilespmem:s7+$0x0] =	vst v39  }
0x5ad: {  	v41 =	vmul.f32 $1.442695020e+00, v32;
	v42 =	vld [tilespmem:s3+$0x10]  }
0x5ae: {  	v10 =	vmul.f32 $1.442695020e+00, v34  }
0x5af: {  	(erf) = vpow2.f32 v41;
	v43 =	vmul.f32 $1.442695020e+00, v36  }
0x5b0: {  	(erf) = vpow2.f32 v10;
	v44 =	vmul.f32 $1.442695020e+00, v38  }
0x5b1: {  	(erf) = vpow2.f32 v43;
	v45 =	vmul.f32 $1.442695020e+00, v40  }
0x5b2: {  	(erf) = vpow2.f32 v44;
	v9 =	vmul.f32 $1.442695020e+00, v42  }
0x5b3: {  	(erf) = vpow2.f32 v45  }
0x5b4: {  	(erf) = vpow2.f32 v9;
	_ =	sdelay $0x3  }
0x5b5: {  	v46 =	vpop (erf)  }
0x5b6: {  	v47 =	vpop (erf)  }
0x5b7: {  	v48 =	vpop (erf)  }
0x5b8: {  	[tilespmem:s0+$0x20] =	vst v47;
	v49 =	vpop (erf)  }
0x5b9: {  	v50 =	vld [tilespmem:s28+$0x30];
	[tilespmem:s6+$0x10] =	vst v48;
	v51 =	vpop (erf)  }
0x5ba: {  	v52 =	vld [tilespmem:s16+$0x20];
	[tilespmem:s20+$0x20] =	vst v51;
	v53 =	vpop (erf)  }
0x5bb: {  	v54 =	vld [tilespmem:s13+$0x30];
	[tilespmem:s7+$0x10] =	vst v53  }
0x5bc: {  	v10 =	vld [tilespmem:s3+$0x20];
	_ =	sdelay $0x1  }
0x5bd: {  	v11 =	vmul.f32 $1.442695020e+00, v50  }
0x5be: {  	v12 =	vmul.f32 $1.442695020e+00, v52  }
0x5bf: {  	(erf) = vpow2.f32 v11;
	v55 =	vmul.f32 $1.442695020e+00, v54  }
0x5c0: {  	(erf) = vpow2.f32 v12;
	v10 =	vmul.f32 $1.442695020e+00, v10  }
0x5c1: {  	(erf) = vpow2.f32 v55  }
0x5c2: {  	(erf) = vpow2.f32 v10;
	_ =	sdelay $0x5  }
0x5c3: {  	v56 =	vpop (erf)  }
0x5c4: {  	v57 =	vpop (erf)  }
0x5c5: {  	v58 =	vpop (erf)  }
0x5c6: {  	[tilespmem:s6+$0x20] =	vst v57;
	v59 =	vpop (erf)  }
0x5c7: {  	v60 =	vld [tilespmem:s16+$0x30];
	[tilespmem:s7+$0x20] =	vst v59  }
0x5c8: {  	v11 =	vld [tilespmem:s3+$0x30];
	_ =	sdelay $0x3  }
0x5c9: {  	[tilespmem:s26+$0x30] =	vst v0;
	v61 =	vmul.f32 $1.442695020e+00, v60  }
0x5ca: {  	[tilespmem:s1+$0x30] =	vst v1;
	v62 =	vmul.f32 $1.442695020e+00, v11  }
0x5cb: {  	[tilespmem:s19+$0x30] =	vst v2;
	(erf) = vpow2.f32 v61  }
0x5cc: {  	[tilespmem:s12+$0x30] =	vst v3;
	(erf) = vpow2.f32 v62  }
0x5cd: {  	[tilespmem:s15+$0x30] =	vst v5  }
0x5ce: {  	[tilespmem:s18+$0x30] =	vst v4  }
0x5cf: {  	[tilespmem:s21+$0x30] =	vst v28  }
0x5d0: {  	[tilespmem:s9+$0x30] =	vst v33  }
0x5d1: {  	[tilespmem:s10+$0x30] =	vst v46  }
0x5d2: {  	p0 =	seq.s32 s23, $0x27;
	[tilespmem:s8+$0x30] =	vst v49  }
.Ltmp19:
0x5d3: {  	[tilespmem:s0+$0x30] =	vst v56;
	(pc) =	sbr.rel @p0 .LBB2_32-.Ltmp19, $4  }
0x5d4: {  	[tilespmem:s20+$0x30] =	vst v58;
	v0 =	vpop (erf)  }
0x5d5: {  	s30 =	rddreg [dreg:$0x3];
	[tilespmem:s6+$0x30] =	vst v0;
	v63 =	vpop (erf)  }
0x5d6: {  	s31 =	simm.s32 $0x19000;
	s13 =	simm.s32 $0x0;
	s0 =	sadd.s32 s30, s24;
	[tilespmem:s7+$0x30] =	vst v63  }
0x5d7: {  	[hbm4b:s0+s13] =	stream.linear.scatter [tilespmem:s31], [sflag:$0x10], $0x1400, $0x38;
	[tilespmem:$0x1A400] =	vst v63  }
0x5d8: {  	s0 =	smul.u32 $0xA00, s23;
	_ =	sdelay $0x1  }
.Ltmp20:
0x5d9: {  	s1 =	rddreg [dreg:$0x6];
	s0 =	sshra.s32 s0, $0x2;
	(pc) =	sbr.rel .LBB2_2-.Ltmp20, $4  }
0x5da: {  	s2 =	simm.s32 $0xA0;
	s3 =	simm.s32 $0xA000;
	s0 =	sadd.s32 $0x460, s0  }
0x5db: {  	[tilespmem:s3], [sflag:$0x4] =	stream.indirect.gather [hbm4b:s1+s2], $0x20, s0, s2, $0xb8;
	[tilespmem:$0x1A400] =	vst v63  }
0x5dc: {  	s30 =	rddreg [dreg:$0x7];
	s31 =	simm.s32 $0xF000;
	s23 =	sadd.s32 $0x1, s23  }
0x5dd: {  	[tilespmem:s31], [sflag:$0x8] =	stream.indirect.gather [hbm4b:s30+s2], $0x20, s0, s2, $0xb8;
	[tilespmem:$0x1A400] =	vst v63  }
.LBB2_33:
0x5de: {  	_ =	sfence.sel $0x180000  }
0x5df: {  	[bflag:$0x0] =	sbarrier.arrive $0xFFFF  }
0x5e0: {  	_ =	strace $0x90000047  }
0x5e1: {  	s0 =	stileid.u32;
	[bflag:$0x2] =	sbarrier.arrive $0xFFFF  }
0x5e2: {  	p0 =	sne.s32 s0, $0x0;
	s0 =	rddreg [dreg:$0x4]  }
0x5e3: {  	s0 =	sadd.s32 @!p0 $0x100000, s0  }
0x5e4: {  	[sflag:s0] =	ssyncadd.tile.s32 @!p0 $0x1;
	_ =	shalt  }
.Lfunc_end2:
_tile_overlayer_lowered:
.L_overlay_start_2:
0x5e5: {  	(tag) =	ssettag $0x2  }
0x5e6: {  	s0 =	rddreg [dreg:$0x0];
	s2 =	stileid.u32  }
0x5e7: {  	s1 =	rddreg [dreg:$0x1];
	p0 =	sne.s32 s2, $0x0  }
0x5e8: {  	s3 =	rddreg [dreg:$0x2];
	[bflag:$0x3] =	sbarrier.arrive $0xFFFF;
	s2 =	simm.s32 @!p0 $0x1C11  }
0x5e9: {  	[timem:s3], [sflag:s2] =	dma.local @!p0 [hbm:s0], s1  }
0x5ea: {  	s0 =	simm.s32 @!p0 $0x11  }
0x5eb: {  	_ =	swait.ge @!p0 [sflag:s0], s1  }
0x5ec: {  	s1 =	ssub.s32 @!p0 $0x0, s1;
	[sflag:s0] =	ssyncset.done @!p0 $0x0  }
0x5ed: {  	[sflag:s0] =	ssyncadd.s32 @!p0 s1  }
0x5ee: {  	[bflag:$0x3] =	sbarrier.arrive $0xFFFF  }
0x5ef: {  	_ =	shalt  }

</sc_bundles>
